<compile_context>
chip_gen: v7x
topology: tpu7x:2x2x1
jax: 0.10.2.dev20260603
libtpu: 0.0.44.dev20260713+nightly
codegen_flags: <defaults>
</compile_context>

<pallas_src>
import jax
import jax.numpy as jnp
import numpy as np
from jax import lax
from jax.experimental import pallas as pl
from jax.experimental.pallas import tpu as pltpu
from jax.experimental.pallas import tpu_sc as plsc

_N = 10000
_E = 160000
_D = 256
_H = 256
_BN_EPS = 1e-3
_INV_SQRT = float(1.0 / (1.0 + _BN_EPS) ** 0.5)

_NS = 16
_LANES = 16
_CHUNK = 80
_EPB = _E // _NS
_NCHUNKS = _EPB // _CHUNK
_G = 25
_NG = _NCHUNKS // _G
_RPS = _N // _NS
_HH = _H // 2

_BLK = 2000
_NB = _N // _BLK

_PERM = np.array(
    [32 * (p // 32) + 2 * (p % 16) + (1 if (p % 32) >= 16 else 0)
     for p in range(_HH)], dtype=np.int32)


def _gelu(x):
    return 0.5 * x * (1.0 + jax.lax.erf(x * jnp.float32(0.7071067811865476)))


def _prep_body(x_ref, w_ref, b_ref, s_ref, beta_ref, e_ref,
               z_ref, dst_ref, nbr_ref):
    xb = x_ref[...] * (s_ref[...] * jnp.float32(_INV_SQRT)) + beta_ref[...]
    h = jnp.dot(xb, w_ref[...], preferred_element_type=jnp.float32)
    z = _gelu(h + b_ref[...]).astype(jnp.bfloat16)
    z_ref[0] = z[:, :_HH]
    z_ref[1] = z[:, _HH:]
    @pl.when(pl.program_id(0) == 0)
    def _():
        dst_ref[...] = e_ref[0]
        nbr_ref[...] = e_ref[1]


def _lin_body(x_ref, w_ref, s_ref, beta_ref, p_ref):
    xb = x_ref[...] * (s_ref[...] * jnp.float32(_INV_SQRT)) + beta_ref[...]
    p_ref[...] = jnp.dot(xb, w_ref[...], preferred_element_type=jnp.float32)


def _upd_body(p_ref, s0_ref, s1_ref, c0_ref, c1_ref, w0_ref, w1_ref, s_ref,
              beta_ref, b_ref, o_ref):
    cnt = c0_ref[...][:, :1] + c1_ref[...][:, :1]
    inv = 1.0 / jnp.maximum(cnt, 1.0)
    sca = s_ref[...] * jnp.float32(_INV_SQRT)
    a0 = s0_ref[...] * inv * sca[:, :_HH] + beta_ref[...][:, :_HH]
    a1 = s1_ref[...] * inv * sca[:, _HH:] + beta_ref[...][:, _HH:]
    m = jnp.dot(a0, w0_ref[...], preferred_element_type=jnp.float32)
    m = m + jnp.dot(a1, w1_ref[...], preferred_element_type=jnp.float32)
    o_ref[...] = _gelu(p_ref[...] + m + b_ref[...])


def _sc_body(z2_hbm, dst_hbm, nbr_hbm, w_hbm,
             s0_hbm, s1_hbm, c0_hbm, c1_hbm,
             dstf_v, dst_v, nbrf_v, w_v, gb0, gb1, fb0, fb1, ones_v,
             acc_sh, cnt_sh, gsem0, gsem1, ssem0, ssem1, osem):
    c = lax.axis_index("c")
    s = lax.axis_index("s")
    f32 = jnp.float32
    r0 = s * _RPS

    @pl.loop(0, _CHUNK)
    def _(i):
        ones_v[i, :] = jnp.zeros((_LANES,), f32)

    for k in range(_RPS // _CHUNK):
        pltpu.sync_copy(ones_v, cnt_sh.at[pl.ds(r0 + k * _CHUNK, _CHUNK)])
    pltpu.sync_copy(
        ones_v.at[pl.ds(0, _RPS % _CHUNK)],
        cnt_sh.at[pl.ds(r0 + (_RPS // _CHUNK) * _CHUNK, _RPS % _CHUNK)])

    @pl.loop(0, _CHUNK)
    def _(i):
        ones_v[i, :] = jnp.ones((_LANES,), f32)

    @pl.loop(0, _CHUNK)
    def _(i):
        for l in range(_HH // _LANES):
            fb0[i, pl.ds(l * _LANES, _LANES)] = jnp.zeros((_LANES,), f32)

    for k in range(_RPS // _CHUNK):
        pltpu.sync_copy(fb0, acc_sh.at[pl.ds(r0 + k * _CHUNK, _CHUNK)])
    pltpu.sync_copy(
        fb0.at[pl.ds(0, _RPS % _CHUNK)],
        acc_sh.at[pl.ds(r0 + (_RPS // _CHUNK) * _CHUNK, _RPS % _CHUNK)])

    plsc.subcore_barrier()

    off = jnp.full((_LANES,), c * _N, jnp.int32)

    def g_desc(j, rows_b, gsem_b):
        idx = nbrf_v.at[pl.ds(j * _CHUNK, _CHUNK)]
        return pltpu.make_async_copy(z2_hbm.at[idx], rows_b, gsem_b)

    def issue_gather(j, rows_b, gsem_b):
        idx = nbrf_v.at[pl.ds(j * _CHUNK, _CHUNK)]
        pltpu.async_copy(z2_hbm.at[idx], rows_b, gsem_b)

    def sc_desc(j, rows_b, ssem_b):
        return pltpu.make_async_copy(rows_b, acc_sh.at[dst_v.at[j]], ssem_b)

    def issue_scatter(j, rows_b, ssem_b):
        pltpu.async_copy(rows_b, acc_sh.at[dst_v.at[j]], ssem_b, add=True)

    def ones_desc(j):
        return pltpu.make_async_copy(ones_v, cnt_sh.at[dst_v.at[j]], osem)

    def issue_ones(j):
        pltpu.async_copy(ones_v, cnt_sh.at[dst_v.at[j]], osem, add=True)

    def mult(j, gb, fb):
        base = j * _CHUNK

        @plsc.parallel_loop(0, _CHUNK, unroll=8)
        def _(i):
            iv = jnp.full((_LANES,), base + i, jnp.int32)
            wv = plsc.load_gather(w_v, [iv])
            for q in range(_HH // 32):
                x32 = gb[i, pl.ds(32 * q, 32)]
                xi = plsc.bitcast(x32, jnp.int32)
                ev = plsc.bitcast(xi << 16, f32)
                od = plsc.bitcast(xi & jnp.int32(-65536), f32)
                fb[i, pl.ds(32 * q, _LANES)] = ev * wv
                fb[i, pl.ds(32 * q + _LANES, _LANES)] = od * wv

    def do_chunk(j, gb, fb, gsem_b, ssem_b):
        mine = c == lax.rem(j, 2)
        g_desc(j, gb, gsem_b).wait()

        @pl.when(mine)
        def _():
            issue_ones(j)

        @pl.when(j >= 2)
        def _():
            sc_desc(j - 2, fb, ssem_b).wait()

        mult(j, gb, fb)
        issue_scatter(j, fb, ssem_b)

        @pl.when(mine)
        def _():
            ones_desc(j).wait()

    @pl.loop(0, _NG)
    def _(g):
        ebase = s * _EPB + g * _G * _CHUNK
        pltpu.sync_copy(dst_hbm.at[pl.ds(ebase, _G * _CHUNK)], dstf_v)
        pltpu.sync_copy(w_hbm.at[pl.ds(ebase, _G * _CHUNK)], w_v)
        pltpu.sync_copy(nbr_hbm.at[pl.ds(ebase, _G * _CHUNK)], nbrf_v)

        @pl.loop(0, _G * _CHUNK // _LANES)
        def _(m):
            sl = pl.ds(m * _LANES, _LANES)
            nbrf_v[sl] = nbrf_v[sl] + off

        @pl.loop(0, _G)
        def _(j):
            for l in range(_CHUNK // _LANES):
                dst_v[j, pl.ds(l * _LANES, _LANES)] = (
                    dstf_v[pl.ds(j * _CHUNK + l * _LANES, _LANES)])

        issue_gather(0, gb0, gsem0)
        issue_gather(1, gb1, gsem1)

        @pl.loop(0, (_G - 1) // 2 - 1)
        def _(r):
            j0 = 2 * r
            do_chunk(j0, gb0, fb0, gsem0, ssem0)
            issue_gather(j0 + 2, gb0, gsem0)
            do_chunk(j0 + 1, gb1, fb1, gsem1, ssem1)
            issue_gather(j0 + 3, gb1, gsem1)

        do_chunk(_G - 3, gb0, fb0, gsem0, ssem0)
        issue_gather(_G - 1, gb0, gsem0)
        do_chunk(_G - 2, gb1, fb1, gsem1, ssem1)

        g_desc(_G - 1, gb0, gsem0).wait()
        lmine = c == lax.rem(_G - 1, 2)

        @pl.when(lmine)
        def _():
            issue_ones(_G - 1)

        sc_desc(_G - 3, fb0, ssem0).wait()
        mult(_G - 1, gb0, fb0)
        pltpu.sync_copy(fb0, acc_sh.at[dst_v.at[_G - 1]], add=True)

        @pl.when(lmine)
        def _():
            ones_desc(_G - 1).wait()

        sc_desc(_G - 2, fb1, ssem1).wait()

    plsc.subcore_barrier()

    slab = pl.ds(r0, _RPS)

    @pl.when(c == 0)
    def _():
        pltpu.sync_copy(acc_sh.at[slab], s0_hbm.at[slab])
        pltpu.sync_copy(cnt_sh.at[slab], c0_hbm.at[slab])

    @pl.when(c == 1)
    def _():
        pltpu.sync_copy(acc_sh.at[slab], s1_hbm.at[slab])
        pltpu.sync_copy(cnt_sh.at[slab], c1_hbm.at[slab])


def _sc_segsum(z2, dst1, nbr1, w1):
    f32 = jnp.float32
    mesh = plsc.VectorSubcoreMesh(core_axis_name="c", subcore_axis_name="s")
    kern = pl.kernel(
        _sc_body,
        out_type=(
            jax.ShapeDtypeStruct((_N, _HH), f32),
            jax.ShapeDtypeStruct((_N, _HH), f32),
            jax.ShapeDtypeStruct((_N, _LANES), f32),
            jax.ShapeDtypeStruct((_N, _LANES), f32),
        ),
        mesh=mesh,
        scratch_types=[
            pltpu.VMEM((_G * _CHUNK,), jnp.int32),
            pltpu.VMEM((_G, _CHUNK), jnp.int32),
            pltpu.VMEM((_G * _CHUNK,), jnp.int32),
            pltpu.VMEM((_G * _CHUNK,), f32),
            pltpu.VMEM((_CHUNK, _HH), jnp.bfloat16),
            pltpu.VMEM((_CHUNK, _HH), jnp.bfloat16),
            pltpu.VMEM((_CHUNK, _HH), f32),
            pltpu.VMEM((_CHUNK, _HH), f32),
            pltpu.VMEM((_CHUNK, _LANES), f32),
            pltpu.VMEM_SHARED((_N, _HH), f32),
            pltpu.VMEM_SHARED((_N, _LANES), f32),
            pltpu.SemaphoreType.DMA,
            pltpu.SemaphoreType.DMA,
            pltpu.SemaphoreType.DMA,
            pltpu.SemaphoreType.DMA,
            pltpu.SemaphoreType.DMA,
        ],
        compiler_params=pltpu.CompilerParams(
            use_tc_tiling_on_sc=False, needs_layout_passes=False),
    )
    return kern(z2, dst1, nbr1, w1)


def _tc_prepare(x, w_prep, b_prep, g1, beta1, edges):
    _EB = _E // _NB
    z3, dst1, nbr1 = pl.pallas_call(
        _prep_body,
        grid=(_NB,),
        in_specs=[
            pl.BlockSpec((_BLK, _D), lambda i: (i, 0)),
            pl.BlockSpec((_D, _H), lambda i: (0, 0)),
            pl.BlockSpec((1, _H), lambda i: (0, 0)),
            pl.BlockSpec((1, _D), lambda i: (0, 0)),
            pl.BlockSpec((1, _D), lambda i: (0, 0)),
            pl.BlockSpec((2, _E), lambda i: (0, 0)),
        ],
        out_specs=[
            pl.BlockSpec((2, _BLK, _HH), lambda i: (0, i, 0)),
            pl.BlockSpec((_E,), lambda i: (0,)),
            pl.BlockSpec((_E,), lambda i: (0,)),
        ],
        out_shape=[
            jax.ShapeDtypeStruct((2, _N, _HH), jnp.bfloat16),
            jax.ShapeDtypeStruct((_E,), jnp.int32),
            jax.ShapeDtypeStruct((_E,), jnp.int32),
        ],
    )(x, w_prep, b_prep, g1, beta1, edges)
    return z3.reshape(2 * _N, _HH), dst1, nbr1


def _tc_linear(x, w_upd, g2, beta2):
    return pl.pallas_call(
        _lin_body,
        grid=(_NB,),
        in_specs=[
            pl.BlockSpec((_BLK, _D), lambda i: (i, 0)),
            pl.BlockSpec((_D, _H), lambda i: (0, 0)),
            pl.BlockSpec((1, _D), lambda i: (0, 0)),
            pl.BlockSpec((1, _D), lambda i: (0, 0)),
        ],
        out_specs=pl.BlockSpec((_BLK, _H), lambda i: (i, 0)),
        out_shape=jax.ShapeDtypeStruct((_N, _H), jnp.float32),
    )(x, w_upd, g2, beta2)


def _tc_update(p, s0, s1, c0, c1, wb0p, wb1p, g2p, beta2p, b_upd):
    return pl.pallas_call(
        _upd_body,
        grid=(_NB,),
        in_specs=[
            pl.BlockSpec((_BLK, _H), lambda i: (i, 0)),
            pl.BlockSpec((_BLK, _HH), lambda i: (i, 0)),
            pl.BlockSpec((_BLK, _HH), lambda i: (i, 0)),
            pl.BlockSpec((_BLK, _LANES), lambda i: (i, 0)),
            pl.BlockSpec((_BLK, _LANES), lambda i: (i, 0)),
            pl.BlockSpec((_HH, _H), lambda i: (0, 0)),
            pl.BlockSpec((_HH, _H), lambda i: (0, 0)),
            pl.BlockSpec((1, _D), lambda i: (0, 0)),
            pl.BlockSpec((1, _D), lambda i: (0, 0)),
            pl.BlockSpec((1, _H), lambda i: (0, 0)),
        ],
        out_specs=pl.BlockSpec((_BLK, _H), lambda i: (i, 0)),
        out_shape=jax.ShapeDtypeStruct((_N, _H), jnp.float32),
    )(p, s0, s1, c0, c1, wb0p, wb1p, g2p, beta2p, b_upd)


def kernel(node_representations, edges, edge_weights, bn1_gamma, bn1_beta,
           W_prep, b_prep, bn2_gamma, bn2_beta, W_upd, b_upd):
    x = node_representations

    g1 = bn1_gamma[None, :]
    beta1 = bn1_beta[None, :]
    g2 = bn2_gamma[None, :]
    beta2 = bn2_beta[None, :]
    b_prep2 = b_prep[None, :]
    b_upd2 = b_upd[None, :]

    perm = jnp.asarray(_PERM)
    wb0p = W_upd[_D:_D + _HH][perm]
    wb1p = W_upd[_D + _HH:][perm]
    g2p = jnp.concatenate(
        [bn2_gamma[_D:_D + _HH][perm], bn2_gamma[_D + _HH:][perm]])[None, :]
    beta2p = jnp.concatenate(
        [bn2_beta[_D:_D + _HH][perm], bn2_beta[_D + _HH:][perm]])[None, :]

    z2, dst1, nbr1 = _tc_prepare(x, W_prep, b_prep2, g1, beta1, edges)
    p = _tc_linear(x, W_upd, g2, beta2)

    s0, s1, c0, c1 = _sc_segsum(z2, dst1, nbr1, edge_weights)

    return _tc_update(p, s0, s1, c0, c1, wb0p, wb1p, g2p, beta2p, b_upd2)

# --- scband reference (transcript-rebuilt; emitter-appended) ---
"""Pipeline reference for scband-graph-conv-layer-29411936043529 (READ-ONLY COPY).

The authoritative reference and input builder live on the scoring server;
editing this copy changes nothing except your own understanding.
"""

import jax, jax.numpy as jnp
import numpy as np

N = 10000
E = 160000
D = 256
H = 256
BN_EPS = 1e-3  # keras BatchNormalization default epsilon


def setup_inputs(seed: int = 0) -> dict:
    key = jax.random.key(seed)
    ks = jax.random.split(key, 8)
    node_representations = jax.random.normal(ks[0], (N, D), dtype=jnp.float32)
    edges = jax.random.randint(ks[1], (2, E), 0, N, dtype=jnp.int32)
    edge_weights = jax.random.uniform(ks[2], (E,), dtype=jnp.float32)
    # FFN-prepare params: BatchNorm (inference: moving_mean=0, moving_var=1) + Dense(256)
    bn1_gamma = jnp.ones((D,), dtype=jnp.float32)
    bn1_beta = jnp.zeros((D,), dtype=jnp.float32)
    W_prep = jax.random.normal(ks[3], (D, H), dtype=jnp.float32) * 0.05
    b_prep = jnp.zeros((H,), dtype=jnp.float32)
    # FFN-update params: BatchNorm over concat dim (2D) + Dense(256)
    bn2_gamma = jnp.ones((2 * D,), dtype=jnp.float32)
    bn2_beta = jnp.zeros((2 * D,), dtype=jnp.float32)
    W_upd = jax.random.normal(ks[4], (2 * D, H), dtype=jnp.float32) * 0.05
    b_upd = jnp.zeros((H,), dtype=jnp.float32)
    return {
        "node_representations": node_representations,
        "edges": edges,
        "edge_weights": edge_weights,
        "bn1_gamma": bn1_gamma,
        "bn1_beta": bn1_beta,
        "W_prep": W_prep,
        "b_prep": b_prep,
        "bn2_gamma": bn2_gamma,
        "bn2_beta": bn2_beta,
        "W_upd": W_upd,
        "b_upd": b_upd,
    }


def _bn_inference(x, gamma, beta):
    # moving_mean = 0, moving_var = 1 at init; dropout is identity at inference
    return x / jnp.sqrt(1.0 + BN_EPS) * gamma + beta


def reference(node_representations, edges, edge_weights, bn1_gamma, bn1_beta,
              W_prep, b_prep, bn2_gamma, bn2_beta, W_upd, b_upd):
    node_indices = edges[0]
    neighbour_indices = edges[1]
    # gather neighbour representations
    neighbour_representations = jnp.take(node_representations, neighbour_indices, axis=0)
    # _prepare: ffn (BN -> Dropout(id) -> Dense+gelu), then scale by edge weights
    h = _bn_inference(neighbour_representations, bn1_gamma, bn1_beta)
    messages = jax.nn.gelu(h @ W_prep + b_prep, approximate=False)
    messages = messages * edge_weights[:, None]
    # _aggregate: unsorted_segment_mean over destination node indices
    seg_sum = jax.ops.segment_sum(messages, node_indices, num_segments=N)
    seg_cnt = jax.ops.segment_sum(jnp.ones((E,), dtype=jnp.float32), node_indices, num_segments=N)
    aggregated = seg_sum / jnp.maximum(seg_cnt, 1.0)[:, None]
    # _update: concat combination -> ffn (BN -> Dropout(id) -> Dense+gelu)
    hcat = jnp.concatenate([node_representations, aggregated], axis=1)
    h2 = _bn_inference(hcat, bn2_gamma, bn2_beta)
    node_embeddings = jax.nn.gelu(h2 @ W_upd + b_upd, approximate=False)
    return node_embeddings

if __name__ == "__main__":
    import jax
    _d = setup_inputs()
    print(jax.jit(kernel)(*tuple(_d.values())))

</pallas_src>

<mosaic_0001>
#map = affine_map<(d0, d1) -> (0, 0)>
#map1 = affine_map<(d0, d1) -> (0)>
module attributes {stable_mosaic.version = 14 : i64} {
  func.func @_sc_body(%arg0: i32, %arg1: i32, %arg2: memref<20000x128xbf16, #tpu.memory_space<hbm>>, %arg3: memref<160000xi32, #tpu.memory_space<hbm>>, %arg4: memref<160000xi32, #tpu.memory_space<hbm>>, %arg5: memref<160000xf32, #tpu.memory_space<hbm>>, %arg6: memref<10000x128xf32, #tpu.memory_space<hbm>>, %arg7: memref<10000x128xf32, #tpu.memory_space<hbm>>, %arg8: memref<10000x16xf32, #tpu.memory_space<hbm>>, %arg9: memref<10000x16xf32, #tpu.memory_space<hbm>>, %arg10: memref<2000xi32, #tpu.memory_space<vmem>>, %arg11: memref<25x80xi32, #tpu.memory_space<vmem>>, %arg12: memref<2000xi32, #tpu.memory_space<vmem>>, %arg13: memref<2000xf32, #tpu.memory_space<vmem>>, %arg14: memref<80x128xbf16, #tpu.memory_space<vmem>>, %arg15: memref<80x128xbf16, #tpu.memory_space<vmem>>, %arg16: memref<80x128xf32, #tpu.memory_space<vmem>>, %arg17: memref<80x128xf32, #tpu.memory_space<vmem>>, %arg18: memref<80x16xf32, #tpu.memory_space<vmem>>, %arg19: memref<10000x128xf32, #tpu.memory_space<vmem_shared>>, %arg20: memref<10000x16xf32, #tpu.memory_space<vmem_shared>>, %arg21: memref<!tpu.dma_semaphore, #tpu.memory_space<semaphore_mem>>, %arg22: memref<!tpu.dma_semaphore, #tpu.memory_space<semaphore_mem>>, %arg23: memref<!tpu.dma_semaphore, #tpu.memory_space<semaphore_mem>>, %arg24: memref<!tpu.dma_semaphore, #tpu.memory_space<semaphore_mem>>, %arg25: memref<!tpu.dma_semaphore, #tpu.memory_space<semaphore_mem>>) attributes {dimension_semantics = [#tpu.dimension_semantics<core_parallel>, #tpu.dimension_semantics<subcore_parallel>], iteration_bounds = array<i64: 2, 16>, scalar_prefetch = 0 : i64, scratch_operands = 16 : i64, tpu.core_type = #tpu.core_type<sc_vector_subcore>, window_params = [{transform_indices = #map}, {transform_indices = #map1}, {transform_indices = #map1}, {transform_indices = #map1}, {transform_indices = #map}, {transform_indices = #map}, {transform_indices = #map}, {transform_indices = #map}]} {
    %mul3A = arith.constant 625 : i32
    %mul3A_0 = arith.muli %arg1, %mul3A : i32
    %scan3A = arith.constant 0 : i32
    %scan3A_1 = arith.constant 80 : i32
    %scan3A_2 = arith.addi %scan3A, %scan3A_1 : i32
    %scan3A_3 = arith.constant 1 : i32
    scf.for %scan3A_61 = %scan3A to %scan3A_2 step %scan3A_3  : i32 {
      %mul3A_62 = arith.constant 1 : i32
      %mul3A_63 = arith.muli %scan3A_61, %mul3A_62 : i32
      %add3A_64 = arith.constant 0 : i32
      %add3A_65 = arith.addi %add3A_64, %mul3A_63 : i32
      %broadcast_in_dim3A_66 = arith.constant 0.000000e+00 : f32
      %broadcast_in_dim3A_67 = vector.broadcast %broadcast_in_dim3A_66 : f32 to vector<16xf32>
      %swap3A = arith.index_cast %add3A_65 : i32 to index
      %swap3A_68 = arith.constant 0 : index
      %swap3A_69 = tpu.vector_load %arg18[%swap3A, %swap3A_68] {strides = array<i32>} : memref<80x16xf32, #tpu.memory_space<vmem>>, vector<16xf32>,
      tpu.vector_store %arg18[%swap3A, %swap3A_68], %broadcast_in_dim3A_67 {strides = array<i32>} : memref<80x16xf32, #tpu.memory_space<vmem>>, vector<16xf32>,
    }
    %scan3A_4 = arith.constant 80 : i32
    %add3A = arith.constant 0 : i32
    %add3A_5 = arith.addi %mul3A_0, %add3A : i32
    "tpu.region"() ({
      %run_scoped3A = tpu.sem_alloc : memref<!tpu.dma_semaphore, #tpu.memory_space<semaphore_mem>>
      %dma_start3A = arith.constant 0 : i32
      %dma_start3A_61 = tpu.memref_slice %arg20[%add3A_5, %dma_start3A] : memref<10000x16xf32, #tpu.memory_space<vmem_shared>> -> memref<80x16xf32, #tpu.memory_space<vmem_shared>>
      %dma_start3A_62 = arith.constant 0 : i32
      %dma_start3A_63 = tpu.memref_slice %arg20[%add3A_5, %dma_start3A_62] : memref<10000x16xf32, #tpu.memory_space<vmem_shared>> -> memref<80x16xf32, #tpu.memory_space<vmem_shared>>
      tpu.enqueue_dma source(%arg18 : memref<80x16xf32, #tpu.memory_space<vmem>>) target(%dma_start3A_63 : memref<80x16xf32, #tpu.memory_space<vmem_shared>>) target_semaphore(%run_scoped3A : memref<!tpu.dma_semaphore, #tpu.memory_space<semaphore_mem>>)
      %dma_wait3A = arith.constant 0 : i32
      %dma_wait3A_64 = tpu.memref_slice %arg20[%add3A_5, %dma_wait3A] : memref<10000x16xf32, #tpu.memory_space<vmem_shared>> -> memref<80x16xf32, #tpu.memory_space<vmem_shared>>
      %dma_wait3A_65 = arith.constant 0 : i32
      %dma_wait3A_66 = tpu.memref_slice %arg20[%add3A_5, %dma_wait3A_65] : memref<10000x16xf32, #tpu.memory_space<vmem_shared>> -> memref<80x16xf32, #tpu.memory_space<vmem_shared>>
      tpu.wait_dma2 semaphore(%run_scoped3A : memref<!tpu.dma_semaphore, #tpu.memory_space<semaphore_mem>>) src(%arg18 : memref<80x16xf32, #tpu.memory_space<vmem>>) dst(%dma_wait3A_66 : memref<80x16xf32, #tpu.memory_space<vmem_shared>>)
      tpu.yield
    }) : () -> ()
    %add3A_6 = arith.constant 80 : i32
    %add3A_7 = arith.addi %mul3A_0, %add3A_6 : i32
    "tpu.region"() ({
      %run_scoped3A = tpu.sem_alloc : memref<!tpu.dma_semaphore, #tpu.memory_space<semaphore_mem>>
      %dma_start3A = arith.constant 0 : i32
      %dma_start3A_61 = tpu.memref_slice %arg20[%add3A_7, %dma_start3A] : memref<10000x16xf32, #tpu.memory_space<vmem_shared>> -> memref<80x16xf32, #tpu.memory_space<vmem_shared>>
      %dma_start3A_62 = arith.constant 0 : i32
      %dma_start3A_63 = tpu.memref_slice %arg20[%add3A_7, %dma_start3A_62] : memref<10000x16xf32, #tpu.memory_space<vmem_shared>> -> memref<80x16xf32, #tpu.memory_space<vmem_shared>>
      tpu.enqueue_dma source(%arg18 : memref<80x16xf32, #tpu.memory_space<vmem>>) target(%dma_start3A_63 : memref<80x16xf32, #tpu.memory_space<vmem_shared>>) target_semaphore(%run_scoped3A : memref<!tpu.dma_semaphore, #tpu.memory_space<semaphore_mem>>)
      %dma_wait3A = arith.constant 0 : i32
      %dma_wait3A_64 = tpu.memref_slice %arg20[%add3A_7, %dma_wait3A] : memref<10000x16xf32, #tpu.memory_space<vmem_shared>> -> memref<80x16xf32, #tpu.memory_space<vmem_shared>>
      %dma_wait3A_65 = arith.constant 0 : i32
      %dma_wait3A_66 = tpu.memref_slice %arg20[%add3A_7, %dma_wait3A_65] : memref<10000x16xf32, #tpu.memory_space<vmem_shared>> -> memref<80x16xf32, #tpu.memory_space<vmem_shared>>
      tpu.wait_dma2 semaphore(%run_scoped3A : memref<!tpu.dma_semaphore, #tpu.memory_space<semaphore_mem>>) src(%arg18 : memref<80x16xf32, #tpu.memory_space<vmem>>) dst(%dma_wait3A_66 : memref<80x16xf32, #tpu.memory_space<vmem_shared>>)
      tpu.yield
    }) : () -> ()
    %add3A_8 = arith.constant 160 : i32
    %add3A_9 = arith.addi %mul3A_0, %add3A_8 : i32
    "tpu.region"() ({
      %run_scoped3A = tpu.sem_alloc : memref<!tpu.dma_semaphore, #tpu.memory_space<semaphore_mem>>
      %dma_start3A = arith.constant 0 : i32
      %dma_start3A_61 = tpu.memref_slice %arg20[%add3A_9, %dma_start3A] : memref<10000x16xf32, #tpu.memory_space<vmem_shared>> -> memref<80x16xf32, #tpu.memory_space<vmem_shared>>
      %dma_start3A_62 = arith.constant 0 : i32
      %dma_start3A_63 = tpu.memref_slice %arg20[%add3A_9, %dma_start3A_62] : memref<10000x16xf32, #tpu.memory_space<vmem_shared>> -> memref<80x16xf32, #tpu.memory_space<vmem_shared>>
      tpu.enqueue_dma source(%arg18 : memref<80x16xf32, #tpu.memory_space<vmem>>) target(%dma_start3A_63 : memref<80x16xf32, #tpu.memory_space<vmem_shared>>) target_semaphore(%run_scoped3A : memref<!tpu.dma_semaphore, #tpu.memory_space<semaphore_mem>>)
      %dma_wait3A = arith.constant 0 : i32
      %dma_wait3A_64 = tpu.memref_slice %arg20[%add3A_9, %dma_wait3A] : memref<10000x16xf32, #tpu.memory_space<vmem_shared>> -> memref<80x16xf32, #tpu.memory_space<vmem_shared>>
      %dma_wait3A_65 = arith.constant 0 : i32
      %dma_wait3A_66 = tpu.memref_slice %arg20[%add3A_9, %dma_wait3A_65] : memref<10000x16xf32, #tpu.memory_space<vmem_shared>> -> memref<80x16xf32, #tpu.memory_space<vmem_shared>>
      tpu.wait_dma2 semaphore(%run_scoped3A : memref<!tpu.dma_semaphore, #tpu.memory_space<semaphore_mem>>) src(%arg18 : memref<80x16xf32, #tpu.memory_space<vmem>>) dst(%dma_wait3A_66 : memref<80x16xf32, #tpu.memory_space<vmem_shared>>)
      tpu.yield
    }) : () -> ()
    %add3A_10 = arith.constant 240 : i32
    %add3A_11 = arith.addi %mul3A_0, %add3A_10 : i32
    "tpu.region"() ({
      %run_scoped3A = tpu.sem_alloc : memref<!tpu.dma_semaphore, #tpu.memory_space<semaphore_mem>>
      %dma_start3A = arith.constant 0 : i32
      %dma_start3A_61 = tpu.memref_slice %arg20[%add3A_11, %dma_start3A] : memref<10000x16xf32, #tpu.memory_space<vmem_shared>> -> memref<80x16xf32, #tpu.memory_space<vmem_shared>>
      %dma_start3A_62 = arith.constant 0 : i32
      %dma_start3A_63 = tpu.memref_slice %arg20[%add3A_11, %dma_start3A_62] : memref<10000x16xf32, #tpu.memory_space<vmem_shared>> -> memref<80x16xf32, #tpu.memory_space<vmem_shared>>
      tpu.enqueue_dma source(%arg18 : memref<80x16xf32, #tpu.memory_space<vmem>>) target(%dma_start3A_63 : memref<80x16xf32, #tpu.memory_space<vmem_shared>>) target_semaphore(%run_scoped3A : memref<!tpu.dma_semaphore, #tpu.memory_space<semaphore_mem>>)
      %dma_wait3A = arith.constant 0 : i32
      %dma_wait3A_64 = tpu.memref_slice %arg20[%add3A_11, %dma_wait3A] : memref<10000x16xf32, #tpu.memory_space<vmem_shared>> -> memref<80x16xf32, #tpu.memory_space<vmem_shared>>
      %dma_wait3A_65 = arith.constant 0 : i32
      %dma_wait3A_66 = tpu.memref_slice %arg20[%add3A_11, %dma_wait3A_65] : memref<10000x16xf32, #tpu.memory_space<vmem_shared>> -> memref<80x16xf32, #tpu.memory_space<vmem_shared>>
      tpu.wait_dma2 semaphore(%run_scoped3A : memref<!tpu.dma_semaphore, #tpu.memory_space<semaphore_mem>>) src(%arg18 : memref<80x16xf32, #tpu.memory_space<vmem>>) dst(%dma_wait3A_66 : memref<80x16xf32, #tpu.memory_space<vmem_shared>>)
      tpu.yield
    }) : () -> ()
    %add3A_12 = arith.constant 320 : i32
    %add3A_13 = arith.addi %mul3A_0, %add3A_12 : i32
    "tpu.region"() ({
      %run_scoped3A = tpu.sem_alloc : memref<!tpu.dma_semaphore, #tpu.memory_space<semaphore_mem>>
      %dma_start3A = arith.constant 0 : i32
      %dma_start3A_61 = tpu.memref_slice %arg20[%add3A_13, %dma_start3A] : memref<10000x16xf32, #tpu.memory_space<vmem_shared>> -> memref<80x16xf32, #tpu.memory_space<vmem_shared>>
      %dma_start3A_62 = arith.constant 0 : i32
      %dma_start3A_63 = tpu.memref_slice %arg20[%add3A_13, %dma_start3A_62] : memref<10000x16xf32, #tpu.memory_space<vmem_shared>> -> memref<80x16xf32, #tpu.memory_space<vmem_shared>>
      tpu.enqueue_dma source(%arg18 : memref<80x16xf32, #tpu.memory_space<vmem>>) target(%dma_start3A_63 : memref<80x16xf32, #tpu.memory_space<vmem_shared>>) target_semaphore(%run_scoped3A : memref<!tpu.dma_semaphore, #tpu.memory_space<semaphore_mem>>)
      %dma_wait3A = arith.constant 0 : i32
      %dma_wait3A_64 = tpu.memref_slice %arg20[%add3A_13, %dma_wait3A] : memref<10000x16xf32, #tpu.memory_space<vmem_shared>> -> memref<80x16xf32, #tpu.memory_space<vmem_shared>>
      %dma_wait3A_65 = arith.constant 0 : i32
      %dma_wait3A_66 = tpu.memref_slice %arg20[%add3A_13, %dma_wait3A_65] : memref<10000x16xf32, #tpu.memory_space<vmem_shared>> -> memref<80x16xf32, #tpu.memory_space<vmem_shared>>
      tpu.wait_dma2 semaphore(%run_scoped3A : memref<!tpu.dma_semaphore, #tpu.memory_space<semaphore_mem>>) src(%arg18 : memref<80x16xf32, #tpu.memory_space<vmem>>) dst(%dma_wait3A_66 : memref<80x16xf32, #tpu.memory_space<vmem_shared>>)
      tpu.yield
    }) : () -> ()
    %add3A_14 = arith.constant 400 : i32
    %add3A_15 = arith.addi %mul3A_0, %add3A_14 : i32
    "tpu.region"() ({
      %run_scoped3A = tpu.sem_alloc : memref<!tpu.dma_semaphore, #tpu.memory_space<semaphore_mem>>
      %dma_start3A = arith.constant 0 : i32
      %dma_start3A_61 = tpu.memref_slice %arg20[%add3A_15, %dma_start3A] : memref<10000x16xf32, #tpu.memory_space<vmem_shared>> -> memref<80x16xf32, #tpu.memory_space<vmem_shared>>
      %dma_start3A_62 = arith.constant 0 : i32
      %dma_start3A_63 = tpu.memref_slice %arg20[%add3A_15, %dma_start3A_62] : memref<10000x16xf32, #tpu.memory_space<vmem_shared>> -> memref<80x16xf32, #tpu.memory_space<vmem_shared>>
      tpu.enqueue_dma source(%arg18 : memref<80x16xf32, #tpu.memory_space<vmem>>) target(%dma_start3A_63 : memref<80x16xf32, #tpu.memory_space<vmem_shared>>) target_semaphore(%run_scoped3A : memref<!tpu.dma_semaphore, #tpu.memory_space<semaphore_mem>>)
      %dma_wait3A = arith.constant 0 : i32
      %dma_wait3A_64 = tpu.memref_slice %arg20[%add3A_15, %dma_wait3A] : memref<10000x16xf32, #tpu.memory_space<vmem_shared>> -> memref<80x16xf32, #tpu.memory_space<vmem_shared>>
      %dma_wait3A_65 = arith.constant 0 : i32
      %dma_wait3A_66 = tpu.memref_slice %arg20[%add3A_15, %dma_wait3A_65] : memref<10000x16xf32, #tpu.memory_space<vmem_shared>> -> memref<80x16xf32, #tpu.memory_space<vmem_shared>>
      tpu.wait_dma2 semaphore(%run_scoped3A : memref<!tpu.dma_semaphore, #tpu.memory_space<semaphore_mem>>) src(%arg18 : memref<80x16xf32, #tpu.memory_space<vmem>>) dst(%dma_wait3A_66 : memref<80x16xf32, #tpu.memory_space<vmem_shared>>)
      tpu.yield
    }) : () -> ()
    %add3A_16 = arith.constant 480 : i32
    %add3A_17 = arith.addi %mul3A_0, %add3A_16 : i32
    "tpu.region"() ({
      %run_scoped3A = tpu.sem_alloc : memref<!tpu.dma_semaphore, #tpu.memory_space<semaphore_mem>>
      %dma_start3A = arith.constant 0 : i32
      %dma_start3A_61 = tpu.memref_slice %arg20[%add3A_17, %dma_start3A] : memref<10000x16xf32, #tpu.memory_space<vmem_shared>> -> memref<80x16xf32, #tpu.memory_space<vmem_shared>>
      %dma_start3A_62 = arith.constant 0 : i32
      %dma_start3A_63 = tpu.memref_slice %arg20[%add3A_17, %dma_start3A_62] : memref<10000x16xf32, #tpu.memory_space<vmem_shared>> -> memref<80x16xf32, #tpu.memory_space<vmem_shared>>
      tpu.enqueue_dma source(%arg18 : memref<80x16xf32, #tpu.memory_space<vmem>>) target(%dma_start3A_63 : memref<80x16xf32, #tpu.memory_space<vmem_shared>>) target_semaphore(%run_scoped3A : memref<!tpu.dma_semaphore, #tpu.memory_space<semaphore_mem>>)
      %dma_wait3A = arith.constant 0 : i32
      %dma_wait3A_64 = tpu.memref_slice %arg20[%add3A_17, %dma_wait3A] : memref<10000x16xf32, #tpu.memory_space<vmem_shared>> -> memref<80x16xf32, #tpu.memory_space<vmem_shared>>
      %dma_wait3A_65 = arith.constant 0 : i32
      %dma_wait3A_66 = tpu.memref_slice %arg20[%add3A_17, %dma_wait3A_65] : memref<10000x16xf32, #tpu.memory_space<vmem_shared>> -> memref<80x16xf32, #tpu.memory_space<vmem_shared>>
      tpu.wait_dma2 semaphore(%run_scoped3A : memref<!tpu.dma_semaphore, #tpu.memory_space<semaphore_mem>>) src(%arg18 : memref<80x16xf32, #tpu.memory_space<vmem>>) dst(%dma_wait3A_66 : memref<80x16xf32, #tpu.memory_space<vmem_shared>>)
      tpu.yield
    }) : () -> ()
    %add3A_18 = arith.constant 560 : i32
    %add3A_19 = arith.addi %mul3A_0, %add3A_18 : i32
    "tpu.region"() ({
      %run_scoped3A = tpu.sem_alloc : memref<!tpu.dma_semaphore, #tpu.memory_space<semaphore_mem>>
      %dma_start3A = arith.constant 0 : i32
      %dma_start3A_61 = arith.constant 0 : i32
      %dma_start3A_62 = tpu.memref_slice %arg18[%dma_start3A, %dma_start3A_61] : memref<80x16xf32, #tpu.memory_space<vmem>> -> memref<65x16xf32, #tpu.memory_space<vmem>>
      %dma_start3A_63 = arith.constant 0 : i32
      %dma_start3A_64 = tpu.memref_slice %arg20[%add3A_19, %dma_start3A_63] : memref<10000x16xf32, #tpu.memory_space<vmem_shared>> -> memref<65x16xf32, #tpu.memory_space<vmem_shared>>
      %dma_start3A_65 = arith.constant 0 : i32
      %dma_start3A_66 = tpu.memref_slice %arg20[%add3A_19, %dma_start3A_65] : memref<10000x16xf32, #tpu.memory_space<vmem_shared>> -> memref<65x16xf32, #tpu.memory_space<vmem_shared>>
      %dma_start3A_67 = arith.constant 0 : i32
      %dma_start3A_68 = arith.constant 0 : i32
      %dma_start3A_69 = tpu.memref_slice %arg18[%dma_start3A_67, %dma_start3A_68] : memref<80x16xf32, #tpu.memory_space<vmem>> -> memref<65x16xf32, #tpu.memory_space<vmem>>
      tpu.enqueue_dma source(%dma_start3A_69 : memref<65x16xf32, #tpu.memory_space<vmem>>) target(%dma_start3A_66 : memref<65x16xf32, #tpu.memory_space<vmem_shared>>) target_semaphore(%run_scoped3A : memref<!tpu.dma_semaphore, #tpu.memory_space<semaphore_mem>>)
      %dma_wait3A = arith.constant 0 : i32
      %dma_wait3A_70 = arith.constant 0 : i32
      %dma_wait3A_71 = tpu.memref_slice %arg18[%dma_wait3A, %dma_wait3A_70] : memref<80x16xf32, #tpu.memory_space<vmem>> -> memref<65x16xf32, #tpu.memory_space<vmem>>
      %dma_wait3A_72 = arith.constant 0 : i32
      %dma_wait3A_73 = tpu.memref_slice %arg20[%add3A_19, %dma_wait3A_72] : memref<10000x16xf32, #tpu.memory_space<vmem_shared>> -> memref<65x16xf32, #tpu.memory_space<vmem_shared>>
      %dma_wait3A_74 = arith.constant 0 : i32
      %dma_wait3A_75 = tpu.memref_slice %arg20[%add3A_19, %dma_wait3A_74] : memref<10000x16xf32, #tpu.memory_space<vmem_shared>> -> memref<65x16xf32, #tpu.memory_space<vmem_shared>>
      %dma_wait3A_76 = arith.constant 0 : i32
      %dma_wait3A_77 = arith.constant 0 : i32
      %dma_wait3A_78 = tpu.memref_slice %arg18[%dma_wait3A_76, %dma_wait3A_77] : memref<80x16xf32, #tpu.memory_space<vmem>> -> memref<65x16xf32, #tpu.memory_space<vmem>>
      tpu.wait_dma2 semaphore(%run_scoped3A : memref<!tpu.dma_semaphore, #tpu.memory_space<semaphore_mem>>) src(%dma_wait3A_78 : memref<65x16xf32, #tpu.memory_space<vmem>>) dst(%dma_wait3A_75 : memref<65x16xf32, #tpu.memory_space<vmem_shared>>)
      tpu.yield
    }) : () -> ()
    %scan3A_20 = arith.constant 0 : i32
    %scan3A_21 = arith.constant 80 : i32
    %scan3A_22 = arith.addi %scan3A_20, %scan3A_21 : i32
    %scan3A_23 = arith.constant 1 : i32
    scf.for %scan3A_61 = %scan3A_20 to %scan3A_22 step %scan3A_23  : i32 {
      %mul3A_62 = arith.constant 1 : i32
      %mul3A_63 = arith.muli %scan3A_61, %mul3A_62 : i32
      %add3A_64 = arith.constant 0 : i32
      %add3A_65 = arith.addi %add3A_64, %mul3A_63 : i32
      %broadcast_in_dim3A_66 = arith.constant 1.000000e+00 : f32
      %broadcast_in_dim3A_67 = vector.broadcast %broadcast_in_dim3A_66 : f32 to vector<16xf32>
      %swap3A = arith.index_cast %add3A_65 : i32 to index
      %swap3A_68 = arith.constant 0 : index
      %swap3A_69 = tpu.vector_load %arg18[%swap3A, %swap3A_68] {strides = array<i32>} : memref<80x16xf32, #tpu.memory_space<vmem>>, vector<16xf32>,
      tpu.vector_store %arg18[%swap3A, %swap3A_68], %broadcast_in_dim3A_67 {strides = array<i32>} : memref<80x16xf32, #tpu.memory_space<vmem>>, vector<16xf32>,
    }
    %scan3A_24 = arith.constant 80 : i32
    %scan3A_25 = arith.constant 0 : i32
    %scan3A_26 = arith.constant 80 : i32
    %scan3A_27 = arith.addi %scan3A_25, %scan3A_26 : i32
    %scan3A_28 = arith.constant 1 : i32
    scf.for %scan3A_61 = %scan3A_25 to %scan3A_27 step %scan3A_28  : i32 {
      %mul3A_62 = arith.constant 1 : i32
      %mul3A_63 = arith.muli %scan3A_61, %mul3A_62 : i32
      %add3A_64 = arith.constant 0 : i32
      %add3A_65 = arith.addi %add3A_64, %mul3A_63 : i32
      %broadcast_in_dim3A_66 = arith.constant 0.000000e+00 : f32
      %broadcast_in_dim3A_67 = vector.broadcast %broadcast_in_dim3A_66 : f32 to vector<16xf32>
      %swap3A = arith.index_cast %add3A_65 : i32 to index
      %swap3A_68 = arith.constant 0 : index
      %swap3A_69 = tpu.vector_load %arg16[%swap3A, %swap3A_68] {strides = array<i32>} : memref<80x128xf32, #tpu.memory_space<vmem>>, vector<16xf32>,
      tpu.vector_store %arg16[%swap3A, %swap3A_68], %broadcast_in_dim3A_67 {strides = array<i32>} : memref<80x128xf32, #tpu.memory_space<vmem>>, vector<16xf32>,
      %broadcast_in_dim3A_70 = arith.constant 0.000000e+00 : f32
      %broadcast_in_dim3A_71 = vector.broadcast %broadcast_in_dim3A_70 : f32 to vector<16xf32>
      %swap3A_72 = arith.index_cast %add3A_65 : i32 to index
      %swap3A_73 = arith.constant 16 : index
      %swap3A_74 = tpu.vector_load %arg16[%swap3A_72, %swap3A_73] {strides = array<i32>} : memref<80x128xf32, #tpu.memory_space<vmem>>, vector<16xf32>,
      tpu.vector_store %arg16[%swap3A_72, %swap3A_73], %broadcast_in_dim3A_71 {strides = array<i32>} : memref<80x128xf32, #tpu.memory_space<vmem>>, vector<16xf32>,
      %broadcast_in_dim3A_75 = arith.constant 0.000000e+00 : f32
      %broadcast_in_dim3A_76 = vector.broadcast %broadcast_in_dim3A_75 : f32 to vector<16xf32>
      %swap3A_77 = arith.index_cast %add3A_65 : i32 to index
      %swap3A_78 = arith.constant 32 : index
      %swap3A_79 = tpu.vector_load %arg16[%swap3A_77, %swap3A_78] {strides = array<i32>} : memref<80x128xf32, #tpu.memory_space<vmem>>, vector<16xf32>,
      tpu.vector_store %arg16[%swap3A_77, %swap3A_78], %broadcast_in_dim3A_76 {strides = array<i32>} : memref<80x128xf32, #tpu.memory_space<vmem>>, vector<16xf32>,
      %broadcast_in_dim3A_80 = arith.constant 0.000000e+00 : f32
      %broadcast_in_dim3A_81 = vector.broadcast %broadcast_in_dim3A_80 : f32 to vector<16xf32>
      %swap3A_82 = arith.index_cast %add3A_65 : i32 to index
      %swap3A_83 = arith.constant 48 : index
      %swap3A_84 = tpu.vector_load %arg16[%swap3A_82, %swap3A_83] {strides = array<i32>} : memref<80x128xf32, #tpu.memory_space<vmem>>, vector<16xf32>,
      tpu.vector_store %arg16[%swap3A_82, %swap3A_83], %broadcast_in_dim3A_81 {strides = array<i32>} : memref<80x128xf32, #tpu.memory_space<vmem>>, vector<16xf32>,
      %broadcast_in_dim3A_85 = arith.constant 0.000000e+00 : f32
      %broadcast_in_dim3A_86 = vector.broadcast %broadcast_in_dim3A_85 : f32 to vector<16xf32>
      %swap3A_87 = arith.index_cast %add3A_65 : i32 to index
      %swap3A_88 = arith.constant 64 : index
      %swap3A_89 = tpu.vector_load %arg16[%swap3A_87, %swap3A_88] {strides = array<i32>} : memref<80x128xf32, #tpu.memory_space<vmem>>, vector<16xf32>,
      tpu.vector_store %arg16[%swap3A_87, %swap3A_88], %broadcast_in_dim3A_86 {strides = array<i32>} : memref<80x128xf32, #tpu.memory_space<vmem>>, vector<16xf32>,
      %broadcast_in_dim3A_90 = arith.constant 0.000000e+00 : f32
      %broadcast_in_dim3A_91 = vector.broadcast %broadcast_in_dim3A_90 : f32 to vector<16xf32>
      %swap3A_92 = arith.index_cast %add3A_65 : i32 to index
      %swap3A_93 = arith.constant 80 : index
      %swap3A_94 = tpu.vector_load %arg16[%swap3A_92, %swap3A_93] {strides = array<i32>} : memref<80x128xf32, #tpu.memory_space<vmem>>, vector<16xf32>,
      tpu.vector_store %arg16[%swap3A_92, %swap3A_93], %broadcast_in_dim3A_91 {strides = array<i32>} : memref<80x128xf32, #tpu.memory_space<vmem>>, vector<16xf32>,
      %broadcast_in_dim3A_95 = arith.constant 0.000000e+00 : f32
      %broadcast_in_dim3A_96 = vector.broadcast %broadcast_in_dim3A_95 : f32 to vector<16xf32>
      %swap3A_97 = arith.index_cast %add3A_65 : i32 to index
      %swap3A_98 = arith.constant 96 : index
      %swap3A_99 = tpu.vector_load %arg16[%swap3A_97, %swap3A_98] {strides = array<i32>} : memref<80x128xf32, #tpu.memory_space<vmem>>, vector<16xf32>,
      tpu.vector_store %arg16[%swap3A_97, %swap3A_98], %broadcast_in_dim3A_96 {strides = array<i32>} : memref<80x128xf32, #tpu.memory_space<vmem>>, vector<16xf32>,
      %broadcast_in_dim3A_100 = arith.constant 0.000000e+00 : f32
      %broadcast_in_dim3A_101 = vector.broadcast %broadcast_in_dim3A_100 : f32 to vector<16xf32>
      %swap3A_102 = arith.index_cast %add3A_65 : i32 to index
      %swap3A_103 = arith.constant 112 : index
      %swap3A_104 = tpu.vector_load %arg16[%swap3A_102, %swap3A_103] {strides = array<i32>} : memref<80x128xf32, #tpu.memory_space<vmem>>, vector<16xf32>,
      tpu.vector_store %arg16[%swap3A_102, %swap3A_103], %broadcast_in_dim3A_101 {strides = array<i32>} : memref<80x128xf32, #tpu.memory_space<vmem>>, vector<16xf32>,
    }
    %scan3A_29 = arith.constant 80 : i32
    %add3A_30 = arith.constant 0 : i32
    %add3A_31 = arith.addi %mul3A_0, %add3A_30 : i32
    "tpu.region"() ({
      %run_scoped3A = tpu.sem_alloc : memref<!tpu.dma_semaphore, #tpu.memory_space<semaphore_mem>>
      %dma_start3A = arith.constant 0 : i32
      %dma_start3A_61 = tpu.memref_slice %arg19[%add3A_31, %dma_start3A] : memref<10000x128xf32, #tpu.memory_space<vmem_shared>> -> memref<80x128xf32, #tpu.memory_space<vmem_shared>>
      %dma_start3A_62 = arith.constant 0 : i32
      %dma_start3A_63 = tpu.memref_slice %arg19[%add3A_31, %dma_start3A_62] : memref<10000x128xf32, #tpu.memory_space<vmem_shared>> -> memref<80x128xf32, #tpu.memory_space<vmem_shared>>
      tpu.enqueue_dma source(%arg16 : memref<80x128xf32, #tpu.memory_space<vmem>>) target(%dma_start3A_63 : memref<80x128xf32, #tpu.memory_space<vmem_shared>>) target_semaphore(%run_scoped3A : memref<!tpu.dma_semaphore, #tpu.memory_space<semaphore_mem>>)
      %dma_wait3A = arith.constant 0 : i32
      %dma_wait3A_64 = tpu.memref_slice %arg19[%add3A_31, %dma_wait3A] : memref<10000x128xf32, #tpu.memory_space<vmem_shared>> -> memref<80x128xf32, #tpu.memory_space<vmem_shared>>
      %dma_wait3A_65 = arith.constant 0 : i32
      %dma_wait3A_66 = tpu.memref_slice %arg19[%add3A_31, %dma_wait3A_65] : memref<10000x128xf32, #tpu.memory_space<vmem_shared>> -> memref<80x128xf32, #tpu.memory_space<vmem_shared>>
      tpu.wait_dma2 semaphore(%run_scoped3A : memref<!tpu.dma_semaphore, #tpu.memory_space<semaphore_mem>>) src(%arg16 : memref<80x128xf32, #tpu.memory_space<vmem>>) dst(%dma_wait3A_66 : memref<80x128xf32, #tpu.memory_space<vmem_shared>>)
      tpu.yield
    }) : () -> ()
    %add3A_32 = arith.constant 80 : i32
    %add3A_33 = arith.addi %mul3A_0, %add3A_32 : i32
    "tpu.region"() ({
      %run_scoped3A = tpu.sem_alloc : memref<!tpu.dma_semaphore, #tpu.memory_space<semaphore_mem>>
      %dma_start3A = arith.constant 0 : i32
      %dma_start3A_61 = tpu.memref_slice %arg19[%add3A_33, %dma_start3A] : memref<10000x128xf32, #tpu.memory_space<vmem_shared>> -> memref<80x128xf32, #tpu.memory_space<vmem_shared>>
      %dma_start3A_62 = arith.constant 0 : i32
      %dma_start3A_63 = tpu.memref_slice %arg19[%add3A_33, %dma_start3A_62] : memref<10000x128xf32, #tpu.memory_space<vmem_shared>> -> memref<80x128xf32, #tpu.memory_space<vmem_shared>>
      tpu.enqueue_dma source(%arg16 : memref<80x128xf32, #tpu.memory_space<vmem>>) target(%dma_start3A_63 : memref<80x128xf32, #tpu.memory_space<vmem_shared>>) target_semaphore(%run_scoped3A : memref<!tpu.dma_semaphore, #tpu.memory_space<semaphore_mem>>)
      %dma_wait3A = arith.constant 0 : i32
      %dma_wait3A_64 = tpu.memref_slice %arg19[%add3A_33, %dma_wait3A] : memref<10000x128xf32, #tpu.memory_space<vmem_shared>> -> memref<80x128xf32, #tpu.memory_space<vmem_shared>>
      %dma_wait3A_65 = arith.constant 0 : i32
      %dma_wait3A_66 = tpu.memref_slice %arg19[%add3A_33, %dma_wait3A_65] : memref<10000x128xf32, #tpu.memory_space<vmem_shared>> -> memref<80x128xf32, #tpu.memory_space<vmem_shared>>
      tpu.wait_dma2 semaphore(%run_scoped3A : memref<!tpu.dma_semaphore, #tpu.memory_space<semaphore_mem>>) src(%arg16 : memref<80x128xf32, #tpu.memory_space<vmem>>) dst(%dma_wait3A_66 : memref<80x128xf32, #tpu.memory_space<vmem_shared>>)
      tpu.yield
    }) : () -> ()
    %add3A_34 = arith.constant 160 : i32
    %add3A_35 = arith.addi %mul3A_0, %add3A_34 : i32
    "tpu.region"() ({
      %run_scoped3A = tpu.sem_alloc : memref<!tpu.dma_semaphore, #tpu.memory_space<semaphore_mem>>
      %dma_start3A = arith.constant 0 : i32
      %dma_start3A_61 = tpu.memref_slice %arg19[%add3A_35, %dma_start3A] : memref<10000x128xf32, #tpu.memory_space<vmem_shared>> -> memref<80x128xf32, #tpu.memory_space<vmem_shared>>
      %dma_start3A_62 = arith.constant 0 : i32
      %dma_start3A_63 = tpu.memref_slice %arg19[%add3A_35, %dma_start3A_62] : memref<10000x128xf32, #tpu.memory_space<vmem_shared>> -> memref<80x128xf32, #tpu.memory_space<vmem_shared>>
      tpu.enqueue_dma source(%arg16 : memref<80x128xf32, #tpu.memory_space<vmem>>) target(%dma_start3A_63 : memref<80x128xf32, #tpu.memory_space<vmem_shared>>) target_semaphore(%run_scoped3A : memref<!tpu.dma_semaphore, #tpu.memory_space<semaphore_mem>>)
      %dma_wait3A = arith.constant 0 : i32
      %dma_wait3A_64 = tpu.memref_slice %arg19[%add3A_35, %dma_wait3A] : memref<10000x128xf32, #tpu.memory_space<vmem_shared>> -> memref<80x128xf32, #tpu.memory_space<vmem_shared>>
      %dma_wait3A_65 = arith.constant 0 : i32
      %dma_wait3A_66 = tpu.memref_slice %arg19[%add3A_35, %dma_wait3A_65] : memref<10000x128xf32, #tpu.memory_space<vmem_shared>> -> memref<80x128xf32, #tpu.memory_space<vmem_shared>>
      tpu.wait_dma2 semaphore(%run_scoped3A : memref<!tpu.dma_semaphore, #tpu.memory_space<semaphore_mem>>) src(%arg16 : memref<80x128xf32, #tpu.memory_space<vmem>>) dst(%dma_wait3A_66 : memref<80x128xf32, #tpu.memory_space<vmem_shared>>)
      tpu.yield
    }) : () -> ()
    %add3A_36 = arith.constant 240 : i32
    %add3A_37 = arith.addi %mul3A_0, %add3A_36 : i32
    "tpu.region"() ({
      %run_scoped3A = tpu.sem_alloc : memref<!tpu.dma_semaphore, #tpu.memory_space<semaphore_mem>>
      %dma_start3A = arith.constant 0 : i32
      %dma_start3A_61 = tpu.memref_slice %arg19[%add3A_37, %dma_start3A] : memref<10000x128xf32, #tpu.memory_space<vmem_shared>> -> memref<80x128xf32, #tpu.memory_space<vmem_shared>>
      %dma_start3A_62 = arith.constant 0 : i32
      %dma_start3A_63 = tpu.memref_slice %arg19[%add3A_37, %dma_start3A_62] : memref<10000x128xf32, #tpu.memory_space<vmem_shared>> -> memref<80x128xf32, #tpu.memory_space<vmem_shared>>
      tpu.enqueue_dma source(%arg16 : memref<80x128xf32, #tpu.memory_space<vmem>>) target(%dma_start3A_63 : memref<80x128xf32, #tpu.memory_space<vmem_shared>>) target_semaphore(%run_scoped3A : memref<!tpu.dma_semaphore, #tpu.memory_space<semaphore_mem>>)
      %dma_wait3A = arith.constant 0 : i32
      %dma_wait3A_64 = tpu.memref_slice %arg19[%add3A_37, %dma_wait3A] : memref<10000x128xf32, #tpu.memory_space<vmem_shared>> -> memref<80x128xf32, #tpu.memory_space<vmem_shared>>
      %dma_wait3A_65 = arith.constant 0 : i32
      %dma_wait3A_66 = tpu.memref_slice %arg19[%add3A_37, %dma_wait3A_65] : memref<10000x128xf32, #tpu.memory_space<vmem_shared>> -> memref<80x128xf32, #tpu.memory_space<vmem_shared>>
      tpu.wait_dma2 semaphore(%run_scoped3A : memref<!tpu.dma_semaphore, #tpu.memory_space<semaphore_mem>>) src(%arg16 : memref<80x128xf32, #tpu.memory_space<vmem>>) dst(%dma_wait3A_66 : memref<80x128xf32, #tpu.memory_space<vmem_shared>>)
      tpu.yield
    }) : () -> ()
    %add3A_38 = arith.constant 320 : i32
    %add3A_39 = arith.addi %mul3A_0, %add3A_38 : i32
    "tpu.region"() ({
      %run_scoped3A = tpu.sem_alloc : memref<!tpu.dma_semaphore, #tpu.memory_space<semaphore_mem>>
      %dma_start3A = arith.constant 0 : i32
      %dma_start3A_61 = tpu.memref_slice %arg19[%add3A_39, %dma_start3A] : memref<10000x128xf32, #tpu.memory_space<vmem_shared>> -> memref<80x128xf32, #tpu.memory_space<vmem_shared>>
      %dma_start3A_62 = arith.constant 0 : i32
      %dma_start3A_63 = tpu.memref_slice %arg19[%add3A_39, %dma_start3A_62] : memref<10000x128xf32, #tpu.memory_space<vmem_shared>> -> memref<80x128xf32, #tpu.memory_space<vmem_shared>>
      tpu.enqueue_dma source(%arg16 : memref<80x128xf32, #tpu.memory_space<vmem>>) target(%dma_start3A_63 : memref<80x128xf32, #tpu.memory_space<vmem_shared>>) target_semaphore(%run_scoped3A : memref<!tpu.dma_semaphore, #tpu.memory_space<semaphore_mem>>)
      %dma_wait3A = arith.constant 0 : i32
      %dma_wait3A_64 = tpu.memref_slice %arg19[%add3A_39, %dma_wait3A] : memref<10000x128xf32, #tpu.memory_space<vmem_shared>> -> memref<80x128xf32, #tpu.memory_space<vmem_shared>>
      %dma_wait3A_65 = arith.constant 0 : i32
      %dma_wait3A_66 = tpu.memref_slice %arg19[%add3A_39, %dma_wait3A_65] : memref<10000x128xf32, #tpu.memory_space<vmem_shared>> -> memref<80x128xf32, #tpu.memory_space<vmem_shared>>
      tpu.wait_dma2 semaphore(%run_scoped3A : memref<!tpu.dma_semaphore, #tpu.memory_space<semaphore_mem>>) src(%arg16 : memref<80x128xf32, #tpu.memory_space<vmem>>) dst(%dma_wait3A_66 : memref<80x128xf32, #tpu.memory_space<vmem_shared>>)
      tpu.yield
    }) : () -> ()
    %add3A_40 = arith.constant 400 : i32
    %add3A_41 = arith.addi %mul3A_0, %add3A_40 : i32
    "tpu.region"() ({
      %run_scoped3A = tpu.sem_alloc : memref<!tpu.dma_semaphore, #tpu.memory_space<semaphore_mem>>
      %dma_start3A = arith.constant 0 : i32
      %dma_start3A_61 = tpu.memref_slice %arg19[%add3A_41, %dma_start3A] : memref<10000x128xf32, #tpu.memory_space<vmem_shared>> -> memref<80x128xf32, #tpu.memory_space<vmem_shared>>
      %dma_start3A_62 = arith.constant 0 : i32
      %dma_start3A_63 = tpu.memref_slice %arg19[%add3A_41, %dma_start3A_62] : memref<10000x128xf32, #tpu.memory_space<vmem_shared>> -> memref<80x128xf32, #tpu.memory_space<vmem_shared>>
      tpu.enqueue_dma source(%arg16 : memref<80x128xf32, #tpu.memory_space<vmem>>) target(%dma_start3A_63 : memref<80x128xf32, #tpu.memory_space<vmem_shared>>) target_semaphore(%run_scoped3A : memref<!tpu.dma_semaphore, #tpu.memory_space<semaphore_mem>>)
      %dma_wait3A = arith.constant 0 : i32
      %dma_wait3A_64 = tpu.memref_slice %arg19[%add3A_41, %dma_wait3A] : memref<10000x128xf32, #tpu.memory_space<vmem_shared>> -> memref<80x128xf32, #tpu.memory_space<vmem_shared>>
      %dma_wait3A_65 = arith.constant 0 : i32
      %dma_wait3A_66 = tpu.memref_slice %arg19[%add3A_41, %dma_wait3A_65] : memref<10000x128xf32, #tpu.memory_space<vmem_shared>> -> memref<80x128xf32, #tpu.memory_space<vmem_shared>>
      tpu.wait_dma2 semaphore(%run_scoped3A : memref<!tpu.dma_semaphore, #tpu.memory_space<semaphore_mem>>) src(%arg16 : memref<80x128xf32, #tpu.memory_space<vmem>>) dst(%dma_wait3A_66 : memref<80x128xf32, #tpu.memory_space<vmem_shared>>)
      tpu.yield
    }) : () -> ()
    %add3A_42 = arith.constant 480 : i32
    %add3A_43 = arith.addi %mul3A_0, %add3A_42 : i32
    "tpu.region"() ({
      %run_scoped3A = tpu.sem_alloc : memref<!tpu.dma_semaphore, #tpu.memory_space<semaphore_mem>>
      %dma_start3A = arith.constant 0 : i32
      %dma_start3A_61 = tpu.memref_slice %arg19[%add3A_43, %dma_start3A] : memref<10000x128xf32, #tpu.memory_space<vmem_shared>> -> memref<80x128xf32, #tpu.memory_space<vmem_shared>>
      %dma_start3A_62 = arith.constant 0 : i32
      %dma_start3A_63 = tpu.memref_slice %arg19[%add3A_43, %dma_start3A_62] : memref<10000x128xf32, #tpu.memory_space<vmem_shared>> -> memref<80x128xf32, #tpu.memory_space<vmem_shared>>
      tpu.enqueue_dma source(%arg16 : memref<80x128xf32, #tpu.memory_space<vmem>>) target(%dma_start3A_63 : memref<80x128xf32, #tpu.memory_space<vmem_shared>>) target_semaphore(%run_scoped3A : memref<!tpu.dma_semaphore, #tpu.memory_space<semaphore_mem>>)
      %dma_wait3A = arith.constant 0 : i32
      %dma_wait3A_64 = tpu.memref_slice %arg19[%add3A_43, %dma_wait3A] : memref<10000x128xf32, #tpu.memory_space<vmem_shared>> -> memref<80x128xf32, #tpu.memory_space<vmem_shared>>
      %dma_wait3A_65 = arith.constant 0 : i32
      %dma_wait3A_66 = tpu.memref_slice %arg19[%add3A_43, %dma_wait3A_65] : memref<10000x128xf32, #tpu.memory_space<vmem_shared>> -> memref<80x128xf32, #tpu.memory_space<vmem_shared>>
      tpu.wait_dma2 semaphore(%run_scoped3A : memref<!tpu.dma_semaphore, #tpu.memory_space<semaphore_mem>>) src(%arg16 : memref<80x128xf32, #tpu.memory_space<vmem>>) dst(%dma_wait3A_66 : memref<80x128xf32, #tpu.memory_space<vmem_shared>>)
      tpu.yield
    }) : () -> ()
    %add3A_44 = arith.constant 560 : i32
    %add3A_45 = arith.addi %mul3A_0, %add3A_44 : i32
    "tpu.region"() ({
      %run_scoped3A = tpu.sem_alloc : memref<!tpu.dma_semaphore, #tpu.memory_space<semaphore_mem>>
      %dma_start3A = arith.constant 0 : i32
      %dma_start3A_61 = arith.constant 0 : i32
      %dma_start3A_62 = tpu.memref_slice %arg16[%dma_start3A, %dma_start3A_61] : memref<80x128xf32, #tpu.memory_space<vmem>> -> memref<65x128xf32, #tpu.memory_space<vmem>>
      %dma_start3A_63 = arith.constant 0 : i32
      %dma_start3A_64 = tpu.memref_slice %arg19[%add3A_45, %dma_start3A_63] : memref<10000x128xf32, #tpu.memory_space<vmem_shared>> -> memref<65x128xf32, #tpu.memory_space<vmem_shared>>
      %dma_start3A_65 = arith.constant 0 : i32
      %dma_start3A_66 = tpu.memref_slice %arg19[%add3A_45, %dma_start3A_65] : memref<10000x128xf32, #tpu.memory_space<vmem_shared>> -> memref<65x128xf32, #tpu.memory_space<vmem_shared>>
      %dma_start3A_67 = arith.constant 0 : i32
      %dma_start3A_68 = arith.constant 0 : i32
      %dma_start3A_69 = tpu.memref_slice %arg16[%dma_start3A_67, %dma_start3A_68] : memref<80x128xf32, #tpu.memory_space<vmem>> -> memref<65x128xf32, #tpu.memory_space<vmem>>
      tpu.enqueue_dma source(%dma_start3A_69 : memref<65x128xf32, #tpu.memory_space<vmem>>) target(%dma_start3A_66 : memref<65x128xf32, #tpu.memory_space<vmem_shared>>) target_semaphore(%run_scoped3A : memref<!tpu.dma_semaphore, #tpu.memory_space<semaphore_mem>>)
      %dma_wait3A = arith.constant 0 : i32
      %dma_wait3A_70 = arith.constant 0 : i32
      %dma_wait3A_71 = tpu.memref_slice %arg16[%dma_wait3A, %dma_wait3A_70] : memref<80x128xf32, #tpu.memory_space<vmem>> -> memref<65x128xf32, #tpu.memory_space<vmem>>
      %dma_wait3A_72 = arith.constant 0 : i32
      %dma_wait3A_73 = tpu.memref_slice %arg19[%add3A_45, %dma_wait3A_72] : memref<10000x128xf32, #tpu.memory_space<vmem_shared>> -> memref<65x128xf32, #tpu.memory_space<vmem_shared>>
      %dma_wait3A_74 = arith.constant 0 : i32
      %dma_wait3A_75 = tpu.memref_slice %arg19[%add3A_45, %dma_wait3A_74] : memref<10000x128xf32, #tpu.memory_space<vmem_shared>> -> memref<65x128xf32, #tpu.memory_space<vmem_shared>>
      %dma_wait3A_76 = arith.constant 0 : i32
      %dma_wait3A_77 = arith.constant 0 : i32
      %dma_wait3A_78 = tpu.memref_slice %arg16[%dma_wait3A_76, %dma_wait3A_77] : memref<80x128xf32, #tpu.memory_space<vmem>> -> memref<65x128xf32, #tpu.memory_space<vmem>>
      tpu.wait_dma2 semaphore(%run_scoped3A : memref<!tpu.dma_semaphore, #tpu.memory_space<semaphore_mem>>) src(%dma_wait3A_78 : memref<65x128xf32, #tpu.memory_space<vmem>>) dst(%dma_wait3A_75 : memref<65x128xf32, #tpu.memory_space<vmem_shared>>)
      tpu.yield
    }) : () -> ()
    %barrier3A = arith.constant 0 : index
    tpu.barrier barrier_id(%barrier3A)
    %mul3A_46 = arith.constant 10000 : i32
    %mul3A_47 = arith.muli %arg0, %mul3A_46 : i32
    %broadcast_in_dim3A = vector.broadcast %mul3A_47 : i32 to vector<16xi32>
    %scan3A_48 = arith.constant 0 : i32
    %scan3A_49 = arith.constant 5 : i32
    %scan3A_50 = arith.addi %scan3A_48, %scan3A_49 : i32
    %scan3A_51 = arith.constant 1 : i32
    scf.for %scan3A_61 = %scan3A_48 to %scan3A_50 step %scan3A_51  : i32 {
      %mul3A_62 = arith.constant 1 : i32
      %mul3A_63 = arith.muli %scan3A_61, %mul3A_62 : i32
      %add3A_64 = arith.constant 0 : i32
      %add3A_65 = arith.addi %add3A_64, %mul3A_63 : i32
      %mul3A_66 = arith.constant 10000 : i32
      %mul3A_67 = arith.muli %arg1, %mul3A_66 : i32
      %mul3A_68 = arith.constant 25 : i32
      %mul3A_69 = arith.muli %add3A_65, %mul3A_68 : i32
      %mul3A_70 = arith.constant 80 : i32
      %mul3A_71 = arith.muli %mul3A_69, %mul3A_70 : i32
      %add3A_72 = arith.addi %mul3A_67, %mul3A_71 : i32
      "tpu.region"() ({
        %run_scoped3A_195 = tpu.sem_alloc : memref<!tpu.dma_semaphore, #tpu.memory_space<semaphore_mem>>
        %dma_start3A_196 = tpu.memref_slice %arg3[%add3A_72] : memref<160000xi32, #tpu.memory_space<hbm>> -> memref<2000xi32, #tpu.memory_space<hbm>>
        %dma_start3A_197 = tpu.memref_slice %arg3[%add3A_72] : memref<160000xi32, #tpu.memory_space<hbm>> -> memref<2000xi32, #tpu.memory_space<hbm>>
        tpu.enqueue_dma source(%dma_start3A_197 : memref<2000xi32, #tpu.memory_space<hbm>>) target(%arg10 : memref<2000xi32, #tpu.memory_space<vmem>>) target_semaphore(%run_scoped3A_195 : memref<!tpu.dma_semaphore, #tpu.memory_space<semaphore_mem>>)
        %dma_wait3A_198 = tpu.memref_slice %arg3[%add3A_72] : memref<160000xi32, #tpu.memory_space<hbm>> -> memref<2000xi32, #tpu.memory_space<hbm>>
        %dma_wait3A_199 = tpu.memref_slice %arg3[%add3A_72] : memref<160000xi32, #tpu.memory_space<hbm>> -> memref<2000xi32, #tpu.memory_space<hbm>>
        tpu.wait_dma2 semaphore(%run_scoped3A_195 : memref<!tpu.dma_semaphore, #tpu.memory_space<semaphore_mem>>) src(%dma_wait3A_199 : memref<2000xi32, #tpu.memory_space<hbm>>) dst(%arg10 : memref<2000xi32, #tpu.memory_space<vmem>>)
        tpu.yield
      }) : () -> ()
      "tpu.region"() ({
        %run_scoped3A_195 = tpu.sem_alloc : memref<!tpu.dma_semaphore, #tpu.memory_space<semaphore_mem>>
        %dma_start3A_196 = tpu.memref_slice %arg5[%add3A_72] : memref<160000xf32, #tpu.memory_space<hbm>> -> memref<2000xf32, #tpu.memory_space<hbm>>
        %dma_start3A_197 = tpu.memref_slice %arg5[%add3A_72] : memref<160000xf32, #tpu.memory_space<hbm>> -> memref<2000xf32, #tpu.memory_space<hbm>>
        tpu.enqueue_dma source(%dma_start3A_197 : memref<2000xf32, #tpu.memory_space<hbm>>) target(%arg13 : memref<2000xf32, #tpu.memory_space<vmem>>) target_semaphore(%run_scoped3A_195 : memref<!tpu.dma_semaphore, #tpu.memory_space<semaphore_mem>>)
        %dma_wait3A_198 = tpu.memref_slice %arg5[%add3A_72] : memref<160000xf32, #tpu.memory_space<hbm>> -> memref<2000xf32, #tpu.memory_space<hbm>>
        %dma_wait3A_199 = tpu.memref_slice %arg5[%add3A_72] : memref<160000xf32, #tpu.memory_space<hbm>> -> memref<2000xf32, #tpu.memory_space<hbm>>
        tpu.wait_dma2 semaphore(%run_scoped3A_195 : memref<!tpu.dma_semaphore, #tpu.memory_space<semaphore_mem>>) src(%dma_wait3A_199 : memref<2000xf32, #tpu.memory_space<hbm>>) dst(%arg13 : memref<2000xf32, #tpu.memory_space<vmem>>)
        tpu.yield
      }) : () -> ()
      "tpu.region"() ({
        %run_scoped3A_195 = tpu.sem_alloc : memref<!tpu.dma_semaphore, #tpu.memory_space<semaphore_mem>>
        %dma_start3A_196 = tpu.memref_slice %arg4[%add3A_72] : memref<160000xi32, #tpu.memory_space<hbm>> -> memref<2000xi32, #tpu.memory_space<hbm>>
        %dma_start3A_197 = tpu.memref_slice %arg4[%add3A_72] : memref<160000xi32, #tpu.memory_space<hbm>> -> memref<2000xi32, #tpu.memory_space<hbm>>
        tpu.enqueue_dma source(%dma_start3A_197 : memref<2000xi32, #tpu.memory_space<hbm>>) target(%arg12 : memref<2000xi32, #tpu.memory_space<vmem>>) target_semaphore(%run_scoped3A_195 : memref<!tpu.dma_semaphore, #tpu.memory_space<semaphore_mem>>)
        %dma_wait3A_198 = tpu.memref_slice %arg4[%add3A_72] : memref<160000xi32, #tpu.memory_space<hbm>> -> memref<2000xi32, #tpu.memory_space<hbm>>
        %dma_wait3A_199 = tpu.memref_slice %arg4[%add3A_72] : memref<160000xi32, #tpu.memory_space<hbm>> -> memref<2000xi32, #tpu.memory_space<hbm>>
        tpu.wait_dma2 semaphore(%run_scoped3A_195 : memref<!tpu.dma_semaphore, #tpu.memory_space<semaphore_mem>>) src(%dma_wait3A_199 : memref<2000xi32, #tpu.memory_space<hbm>>) dst(%arg12 : memref<2000xi32, #tpu.memory_space<vmem>>)
        tpu.yield
      }) : () -> ()
      %scan3A_73 = arith.constant 0 : i32
      %scan3A_74 = arith.constant 125 : i32
      %scan3A_75 = arith.addi %scan3A_73, %scan3A_74 : i32
      %scan3A_76 = arith.constant 1 : i32
      scf.for %scan3A_195 = %scan3A_73 to %scan3A_75 step %scan3A_76  : i32 {
        %mul3A_196 = arith.constant 1 : i32
        %mul3A_197 = arith.muli %scan3A_195, %mul3A_196 : i32
        %add3A_198 = arith.constant 0 : i32
        %add3A_199 = arith.addi %add3A_198, %mul3A_197 : i32
        %mul3A_200 = arith.constant 16 : i32
        %mul3A_201 = arith.muli %add3A_199, %mul3A_200 : i32
        %get3A = arith.index_cast %mul3A_201 : i32 to index
        %get3A_202 = tpu.vector_load %arg12[%get3A] {strides = array<i32>} : memref<2000xi32, #tpu.memory_space<vmem>>, vector<16xi32>,
        %add3A_203 = arith.addi %get3A_202, %broadcast_in_dim3A : vector<16xi32>
        %swap3A = arith.index_cast %mul3A_201 : i32 to index
        %swap3A_204 = tpu.vector_load %arg12[%swap3A] {strides = array<i32>} : memref<2000xi32, #tpu.memory_space<vmem>>, vector<16xi32>,
        tpu.vector_store %arg12[%swap3A], %add3A_203 {strides = array<i32>} : memref<2000xi32, #tpu.memory_space<vmem>>, vector<16xi32>,
      }
      %scan3A_77 = arith.constant 125 : i32
      %scan3A_78 = arith.constant 0 : i32
      %scan3A_79 = arith.constant 25 : i32
      %scan3A_80 = arith.addi %scan3A_78, %scan3A_79 : i32
      %scan3A_81 = arith.constant 1 : i32
      scf.for %scan3A_195 = %scan3A_78 to %scan3A_80 step %scan3A_81  : i32 {
        %mul3A_196 = arith.constant 1 : i32
        %mul3A_197 = arith.muli %scan3A_195, %mul3A_196 : i32
        %add3A_198 = arith.constant 0 : i32
        %add3A_199 = arith.addi %add3A_198, %mul3A_197 : i32
        %mul3A_200 = arith.constant 80 : i32
        %mul3A_201 = arith.muli %add3A_199, %mul3A_200 : i32
        %add3A_202 = arith.constant 0 : i32
        %add3A_203 = arith.addi %mul3A_201, %add3A_202 : i32
        %get3A = arith.index_cast %add3A_203 : i32 to index
        %get3A_204 = tpu.vector_load %arg10[%get3A] {strides = array<i32>} : memref<2000xi32, #tpu.memory_space<vmem>>, vector<16xi32>,
        %swap3A = arith.index_cast %add3A_199 : i32 to index
        %swap3A_205 = arith.constant 0 : index
        %swap3A_206 = tpu.vector_load %arg11[%swap3A, %swap3A_205] {strides = array<i32>} : memref<25x80xi32, #tpu.memory_space<vmem>>, vector<16xi32>,
        tpu.vector_store %arg11[%swap3A, %swap3A_205], %get3A_204 {strides = array<i32>} : memref<25x80xi32, #tpu.memory_space<vmem>>, vector<16xi32>,
        %mul3A_207 = arith.constant 80 : i32
        %mul3A_208 = arith.muli %add3A_199, %mul3A_207 : i32
        %add3A_209 = arith.constant 16 : i32
        %add3A_210 = arith.addi %mul3A_208, %add3A_209 : i32
        %get3A_211 = arith.index_cast %add3A_210 : i32 to index
        %get3A_212 = tpu.vector_load %arg10[%get3A_211] {strides = array<i32>} : memref<2000xi32, #tpu.memory_space<vmem>>, vector<16xi32>,
        %swap3A_213 = arith.index_cast %add3A_199 : i32 to index
        %swap3A_214 = arith.constant 16 : index
        %swap3A_215 = tpu.vector_load %arg11[%swap3A_213, %swap3A_214] {strides = array<i32>} : memref<25x80xi32, #tpu.memory_space<vmem>>, vector<16xi32>,
        tpu.vector_store %arg11[%swap3A_213, %swap3A_214], %get3A_212 {strides = array<i32>} : memref<25x80xi32, #tpu.memory_space<vmem>>, vector<16xi32>,
        %mul3A_216 = arith.constant 80 : i32
        %mul3A_217 = arith.muli %add3A_199, %mul3A_216 : i32
        %add3A_218 = arith.constant 32 : i32
        %add3A_219 = arith.addi %mul3A_217, %add3A_218 : i32
        %get3A_220 = arith.index_cast %add3A_219 : i32 to index
        %get3A_221 = tpu.vector_load %arg10[%get3A_220] {strides = array<i32>} : memref<2000xi32, #tpu.memory_space<vmem>>, vector<16xi32>,
        %swap3A_222 = arith.index_cast %add3A_199 : i32 to index
        %swap3A_223 = arith.constant 32 : index
        %swap3A_224 = tpu.vector_load %arg11[%swap3A_222, %swap3A_223] {strides = array<i32>} : memref<25x80xi32, #tpu.memory_space<vmem>>, vector<16xi32>,
        tpu.vector_store %arg11[%swap3A_222, %swap3A_223], %get3A_221 {strides = array<i32>} : memref<25x80xi32, #tpu.memory_space<vmem>>, vector<16xi32>,
        %mul3A_225 = arith.constant 80 : i32
        %mul3A_226 = arith.muli %add3A_199, %mul3A_225 : i32
        %add3A_227 = arith.constant 48 : i32
        %add3A_228 = arith.addi %mul3A_226, %add3A_227 : i32
        %get3A_229 = arith.index_cast %add3A_228 : i32 to index
        %get3A_230 = tpu.vector_load %arg10[%get3A_229] {strides = array<i32>} : memref<2000xi32, #tpu.memory_space<vmem>>, vector<16xi32>,
        %swap3A_231 = arith.index_cast %add3A_199 : i32 to index
        %swap3A_232 = arith.constant 48 : index
        %swap3A_233 = tpu.vector_load %arg11[%swap3A_231, %swap3A_232] {strides = array<i32>} : memref<25x80xi32, #tpu.memory_space<vmem>>, vector<16xi32>,
        tpu.vector_store %arg11[%swap3A_231, %swap3A_232], %get3A_230 {strides = array<i32>} : memref<25x80xi32, #tpu.memory_space<vmem>>, vector<16xi32>,
        %mul3A_234 = arith.constant 80 : i32
        %mul3A_235 = arith.muli %add3A_199, %mul3A_234 : i32
        %add3A_236 = arith.constant 64 : i32
        %add3A_237 = arith.addi %mul3A_235, %add3A_236 : i32
        %get3A_238 = arith.index_cast %add3A_237 : i32 to index
        %get3A_239 = tpu.vector_load %arg10[%get3A_238] {strides = array<i32>} : memref<2000xi32, #tpu.memory_space<vmem>>, vector<16xi32>,
        %swap3A_240 = arith.index_cast %add3A_199 : i32 to index
        %swap3A_241 = arith.constant 64 : index
        %swap3A_242 = tpu.vector_load %arg11[%swap3A_240, %swap3A_241] {strides = array<i32>} : memref<25x80xi32, #tpu.memory_space<vmem>>, vector<16xi32>,
        tpu.vector_store %arg11[%swap3A_240, %swap3A_241], %get3A_239 {strides = array<i32>} : memref<25x80xi32, #tpu.memory_space<vmem>>, vector<16xi32>,
      }
      %scan3A_82 = arith.constant 25 : i32
      %dma_start3A = arith.constant 0 : i32
      %dma_start3A_83 = tpu.memref_slice %arg12[%dma_start3A] : memref<2000xi32, #tpu.memory_space<vmem>> -> memref<80xi32, #tpu.memory_space<vmem>>
      %dma_start3A_84 = arith.constant 0 : i32
      %dma_start3A_85 = arith.constant 0 : i32
      %dma_start3A_86 = tpu.memref_slice %arg2[%dma_start3A_84, %dma_start3A_85] : memref<20000x128xbf16, #tpu.memory_space<hbm>> -> memref<20000x128xbf16, #tpu.memory_space<hbm>>
      tpu.enqueue_indirect_dma source(%dma_start3A_86 : memref<20000x128xbf16, #tpu.memory_space<hbm>>) target(%arg14 : memref<80x128xbf16, #tpu.memory_space<vmem>>) offsets(%dma_start3A_83 : memref<80xi32, #tpu.memory_space<vmem>>) semaphore(%arg21 : memref<!tpu.dma_semaphore, #tpu.memory_space<semaphore_mem>>)
      %dma_start3A_87 = arith.constant 80 : i32
      %dma_start3A_88 = tpu.memref_slice %arg12[%dma_start3A_87] : memref<2000xi32, #tpu.memory_space<vmem>> -> memref<80xi32, #tpu.memory_space<vmem>>
      %dma_start3A_89 = arith.constant 0 : i32
      %dma_start3A_90 = arith.constant 0 : i32
      %dma_start3A_91 = tpu.memref_slice %arg2[%dma_start3A_89, %dma_start3A_90] : memref<20000x128xbf16, #tpu.memory_space<hbm>> -> memref<20000x128xbf16, #tpu.memory_space<hbm>>
      tpu.enqueue_indirect_dma source(%dma_start3A_91 : memref<20000x128xbf16, #tpu.memory_space<hbm>>) target(%arg15 : memref<80x128xbf16, #tpu.memory_space<vmem>>) offsets(%dma_start3A_88 : memref<80xi32, #tpu.memory_space<vmem>>) semaphore(%arg22 : memref<!tpu.dma_semaphore, #tpu.memory_space<semaphore_mem>>)
      %scan3A_92 = arith.constant 0 : i32
      %scan3A_93 = arith.constant 11 : i32
      %scan3A_94 = arith.addi %scan3A_92, %scan3A_93 : i32
      %scan3A_95 = arith.constant 1 : i32
      scf.for %scan3A_195 = %scan3A_92 to %scan3A_94 step %scan3A_95  : i32 {
        %mul3A_196 = arith.constant 1 : i32
        %mul3A_197 = arith.muli %scan3A_195, %mul3A_196 : i32
        %add3A_198 = arith.constant 0 : i32
        %add3A_199 = arith.addi %add3A_198, %mul3A_197 : i32
        %mul3A_200 = arith.constant 2 : i32
        %mul3A_201 = arith.muli %mul3A_200, %add3A_199 : i32
        %rem3A_202 = arith.constant 2 : i32
        %rem3A_203 = arith.remsi %mul3A_201, %rem3A_202 : i32
        %eq3A_204 = arith.cmpi eq, %arg0, %rem3A_203 : i32
        %mul3A_205 = arith.constant 80 : i32
        %mul3A_206 = arith.muli %mul3A_201, %mul3A_205 : i32
        %dma_wait3A_207 = tpu.memref_slice %arg12[%mul3A_206] : memref<2000xi32, #tpu.memory_space<vmem>> -> memref<80xi32, #tpu.memory_space<vmem>>
        %dma_wait3A_208 = arith.constant 0 : i32
        %dma_wait3A_209 = arith.constant 0 : i32
        %dma_wait3A_210 = tpu.memref_slice %arg2[%dma_wait3A_208, %dma_wait3A_209] : memref<20000x128xbf16, #tpu.memory_space<hbm>> -> memref<20000x128xbf16, #tpu.memory_space<hbm>>
        tpu.wait_indirect_dma semaphore(%arg21 : memref<!tpu.dma_semaphore, #tpu.memory_space<semaphore_mem>>) src(%dma_wait3A_210 : memref<20000x128xbf16, #tpu.memory_space<hbm>>) dst(%arg14 : memref<80x128xbf16, #tpu.memory_space<vmem>>)
        %convert_element_type3A_211 = arith.extui %eq3A_204 : i1 to i32
        %cond3A_212 = arith.constant 0 : i32
        %cond3A_213 = arith.cmpi ne, %convert_element_type3A_211, %cond3A_212 : i32
        scf.if %cond3A_213 {
          %dma_start3A_281 = arith.constant 0 : i32
          %dma_start3A_282 = tpu.memref_slice %arg11[%mul3A_201, %dma_start3A_281] : memref<25x80xi32, #tpu.memory_space<vmem>> -> memref<1x80xi32, #tpu.memory_space<vmem>>
          %dma_start3A_283 = tpu.memref_squeeze %dma_start3A_282 : memref<1x80xi32, #tpu.memory_space<vmem>> -> memref<80xi32, #tpu.memory_space<vmem>>
          %dma_start3A_284 = arith.constant 0 : i32
          %dma_start3A_285 = arith.constant 0 : i32
          %dma_start3A_286 = tpu.memref_slice %arg20[%dma_start3A_284, %dma_start3A_285] : memref<10000x16xf32, #tpu.memory_space<vmem_shared>> -> memref<10000x16xf32, #tpu.memory_space<vmem_shared>>
          tpu.enqueue_indirect_dma source(%arg18 : memref<80x16xf32, #tpu.memory_space<vmem>>) target(%dma_start3A_286 : memref<10000x16xf32, #tpu.memory_space<vmem_shared>>) offsets(%dma_start3A_283 : memref<80xi32, #tpu.memory_space<vmem>>) semaphore(%arg25 : memref<!tpu.dma_semaphore, #tpu.memory_space<semaphore_mem>>) {add = true}
        } else {
        }
        %ge3A = arith.constant 2 : i32
        %ge3A_214 = arith.cmpi sge, %mul3A_201, %ge3A : i32
        %convert_element_type3A_215 = arith.extui %ge3A_214 : i1 to i32
        %cond3A_216 = arith.constant 0 : i32
        %cond3A_217 = arith.cmpi ne, %convert_element_type3A_215, %cond3A_216 : i32
        scf.if %cond3A_217 {
          %sub3A = arith.constant 2 : i32
          %sub3A_281 = arith.subi %mul3A_201, %sub3A : i32
          %dma_wait3A_282 = arith.constant 0 : i32
          %dma_wait3A_283 = tpu.memref_slice %arg11[%sub3A_281, %dma_wait3A_282] : memref<25x80xi32, #tpu.memory_space<vmem>> -> memref<1x80xi32, #tpu.memory_space<vmem>>
          %dma_wait3A_284 = tpu.memref_squeeze %dma_wait3A_283 : memref<1x80xi32, #tpu.memory_space<vmem>> -> memref<80xi32, #tpu.memory_space<vmem>>
          %dma_wait3A_285 = arith.constant 0 : i32
          %dma_wait3A_286 = arith.constant 0 : i32
          %dma_wait3A_287 = tpu.memref_slice %arg19[%dma_wait3A_285, %dma_wait3A_286] : memref<10000x128xf32, #tpu.memory_space<vmem_shared>> -> memref<10000x128xf32, #tpu.memory_space<vmem_shared>>
          tpu.wait_indirect_dma semaphore(%arg23 : memref<!tpu.dma_semaphore, #tpu.memory_space<semaphore_mem>>) src(%arg16 : memref<80x128xf32, #tpu.memory_space<vmem>>) dst(%dma_wait3A_287 : memref<10000x128xf32, #tpu.memory_space<vmem_shared>>)
        } else {
        }
        %mul3A_218 = arith.constant 80 : i32
        %mul3A_219 = arith.muli %mul3A_201, %mul3A_218 : i32
        %parallel_loop3A_220 = arith.constant 0 : i32
        %parallel_loop3A_221 = arith.constant 80 : i32
        %parallel_loop3A_222 = arith.constant 1 : i32
        scf.for %parallel_loop3A_281 = %parallel_loop3A_220 to %parallel_loop3A_221 step %parallel_loop3A_222  : i32 {
          %parallel_loop3A_282 = arith.addi %mul3A_219, %parallel_loop3A_281 : i32
          %parallel_loop3A_283 = vector.broadcast %parallel_loop3A_282 : i32 to vector<16xi32>
          %parallel_loop3A_284 = tpu.vector_load_idx %arg13[%parallel_loop3A_283] : memref<2000xf32, #tpu.memory_space<vmem>>[vector<16xi32>], vector<16xf32>,
          %parallel_loop3A_285 = arith.index_cast %parallel_loop3A_281 : i32 to index
          %parallel_loop3A_286 = arith.constant 0 : index
          %parallel_loop3A_287 = tpu.vector_load %arg14[%parallel_loop3A_285, %parallel_loop3A_286] {strides = array<i32>} : memref<80x128xbf16, #tpu.memory_space<vmem>>, vector<32xbf16>,
          %parallel_loop3A_288 = vector.bitcast %parallel_loop3A_287 : vector<32xbf16> to vector<16xi32>
          %parallel_loop3A_289 = arith.constant 16 : i32
          %parallel_loop3A_290 = vector.broadcast %parallel_loop3A_289 : i32 to vector<16xi32>
          %parallel_loop3A_291 = arith.shli %parallel_loop3A_288, %parallel_loop3A_290 : vector<16xi32>
          %parallel_loop3A_292 = vector.bitcast %parallel_loop3A_291 : vector<16xi32> to vector<16xf32>
          %parallel_loop3A_293 = arith.constant -65536 : i32
          %parallel_loop3A_294 = vector.broadcast %parallel_loop3A_293 : i32 to vector<16xi32>
          %parallel_loop3A_295 = arith.andi %parallel_loop3A_288, %parallel_loop3A_294 : vector<16xi32>
          %parallel_loop3A_296 = vector.bitcast %parallel_loop3A_295 : vector<16xi32> to vector<16xf32>
          %parallel_loop3A_297 = arith.mulf %parallel_loop3A_292, %parallel_loop3A_284 : vector<16xf32>
          %parallel_loop3A_298 = arith.index_cast %parallel_loop3A_281 : i32 to index
          %parallel_loop3A_299 = arith.constant 0 : index
          %parallel_loop3A_300 = tpu.vector_load %arg16[%parallel_loop3A_298, %parallel_loop3A_299] {strides = array<i32>} : memref<80x128xf32, #tpu.memory_space<vmem>>, vector<16xf32>,
          tpu.vector_store %arg16[%parallel_loop3A_298, %parallel_loop3A_299], %parallel_loop3A_297 {strides = array<i32>} : memref<80x128xf32, #tpu.memory_space<vmem>>, vector<16xf32>,
          %parallel_loop3A_301 = arith.mulf %parallel_loop3A_296, %parallel_loop3A_284 : vector<16xf32>
          %parallel_loop3A_302 = arith.index_cast %parallel_loop3A_281 : i32 to index
          %parallel_loop3A_303 = arith.constant 16 : index
          %parallel_loop3A_304 = tpu.vector_load %arg16[%parallel_loop3A_302, %parallel_loop3A_303] {strides = array<i32>} : memref<80x128xf32, #tpu.memory_space<vmem>>, vector<16xf32>,
          tpu.vector_store %arg16[%parallel_loop3A_302, %parallel_loop3A_303], %parallel_loop3A_301 {strides = array<i32>} : memref<80x128xf32, #tpu.memory_space<vmem>>, vector<16xf32>,
          %parallel_loop3A_305 = arith.index_cast %parallel_loop3A_281 : i32 to index
          %parallel_loop3A_306 = arith.constant 32 : index
          %parallel_loop3A_307 = tpu.vector_load %arg14[%parallel_loop3A_305, %parallel_loop3A_306] {strides = array<i32>} : memref<80x128xbf16, #tpu.memory_space<vmem>>, vector<32xbf16>,
          %parallel_loop3A_308 = vector.bitcast %parallel_loop3A_307 : vector<32xbf16> to vector<16xi32>
          %parallel_loop3A_309 = arith.constant 16 : i32
          %parallel_loop3A_310 = vector.broadcast %parallel_loop3A_309 : i32 to vector<16xi32>
          %parallel_loop3A_311 = arith.shli %parallel_loop3A_308, %parallel_loop3A_310 : vector<16xi32>
          %parallel_loop3A_312 = vector.bitcast %parallel_loop3A_311 : vector<16xi32> to vector<16xf32>
          %parallel_loop3A_313 = arith.constant -65536 : i32
          %parallel_loop3A_314 = vector.broadcast %parallel_loop3A_313 : i32 to vector<16xi32>
          %parallel_loop3A_315 = arith.andi %parallel_loop3A_308, %parallel_loop3A_314 : vector<16xi32>
          %parallel_loop3A_316 = vector.bitcast %parallel_loop3A_315 : vector<16xi32> to vector<16xf32>
          %parallel_loop3A_317 = arith.mulf %parallel_loop3A_312, %parallel_loop3A_284 : vector<16xf32>
          %parallel_loop3A_318 = arith.index_cast %parallel_loop3A_281 : i32 to index
          %parallel_loop3A_319 = arith.constant 32 : index
          %parallel_loop3A_320 = tpu.vector_load %arg16[%parallel_loop3A_318, %parallel_loop3A_319] {strides = array<i32>} : memref<80x128xf32, #tpu.memory_space<vmem>>, vector<16xf32>,
          tpu.vector_store %arg16[%parallel_loop3A_318, %parallel_loop3A_319], %parallel_loop3A_317 {strides = array<i32>} : memref<80x128xf32, #tpu.memory_space<vmem>>, vector<16xf32>,
          %parallel_loop3A_321 = arith.mulf %parallel_loop3A_316, %parallel_loop3A_284 : vector<16xf32>
          %parallel_loop3A_322 = arith.index_cast %parallel_loop3A_281 : i32 to index
          %parallel_loop3A_323 = arith.constant 48 : index
          %parallel_loop3A_324 = tpu.vector_load %arg16[%parallel_loop3A_322, %parallel_loop3A_323] {strides = array<i32>} : memref<80x128xf32, #tpu.memory_space<vmem>>, vector<16xf32>,
          tpu.vector_store %arg16[%parallel_loop3A_322, %parallel_loop3A_323], %parallel_loop3A_321 {strides = array<i32>} : memref<80x128xf32, #tpu.memory_space<vmem>>, vector<16xf32>,
          %parallel_loop3A_325 = arith.index_cast %parallel_loop3A_281 : i32 to index
          %parallel_loop3A_326 = arith.constant 64 : index
          %parallel_loop3A_327 = tpu.vector_load %arg14[%parallel_loop3A_325, %parallel_loop3A_326] {strides = array<i32>} : memref<80x128xbf16, #tpu.memory_space<vmem>>, vector<32xbf16>,
          %parallel_loop3A_328 = vector.bitcast %parallel_loop3A_327 : vector<32xbf16> to vector<16xi32>
          %parallel_loop3A_329 = arith.constant 16 : i32
          %parallel_loop3A_330 = vector.broadcast %parallel_loop3A_329 : i32 to vector<16xi32>
          %parallel_loop3A_331 = arith.shli %parallel_loop3A_328, %parallel_loop3A_330 : vector<16xi32>
          %parallel_loop3A_332 = vector.bitcast %parallel_loop3A_331 : vector<16xi32> to vector<16xf32>
          %parallel_loop3A_333 = arith.constant -65536 : i32
          %parallel_loop3A_334 = vector.broadcast %parallel_loop3A_333 : i32 to vector<16xi32>
          %parallel_loop3A_335 = arith.andi %parallel_loop3A_328, %parallel_loop3A_334 : vector<16xi32>
          %parallel_loop3A_336 = vector.bitcast %parallel_loop3A_335 : vector<16xi32> to vector<16xf32>
          %parallel_loop3A_337 = arith.mulf %parallel_loop3A_332, %parallel_loop3A_284 : vector<16xf32>
          %parallel_loop3A_338 = arith.index_cast %parallel_loop3A_281 : i32 to index
          %parallel_loop3A_339 = arith.constant 64 : index
          %parallel_loop3A_340 = tpu.vector_load %arg16[%parallel_loop3A_338, %parallel_loop3A_339] {strides = array<i32>} : memref<80x128xf32, #tpu.memory_space<vmem>>, vector<16xf32>,
          tpu.vector_store %arg16[%parallel_loop3A_338, %parallel_loop3A_339], %parallel_loop3A_337 {strides = array<i32>} : memref<80x128xf32, #tpu.memory_space<vmem>>, vector<16xf32>,
          %parallel_loop3A_341 = arith.mulf %parallel_loop3A_336, %parallel_loop3A_284 : vector<16xf32>
          %parallel_loop3A_342 = arith.index_cast %parallel_loop3A_281 : i32 to index
          %parallel_loop3A_343 = arith.constant 80 : index
          %parallel_loop3A_344 = tpu.vector_load %arg16[%parallel_loop3A_342, %parallel_loop3A_343] {strides = array<i32>} : memref<80x128xf32, #tpu.memory_space<vmem>>, vector<16xf32>,
          tpu.vector_store %arg16[%parallel_loop3A_342, %parallel_loop3A_343], %parallel_loop3A_341 {strides = array<i32>} : memref<80x128xf32, #tpu.memory_space<vmem>>, vector<16xf32>,
          %parallel_loop3A_345 = arith.index_cast %parallel_loop3A_281 : i32 to index
          %parallel_loop3A_346 = arith.constant 96 : index
          %parallel_loop3A_347 = tpu.vector_load %arg14[%parallel_loop3A_345, %parallel_loop3A_346] {strides = array<i32>} : memref<80x128xbf16, #tpu.memory_space<vmem>>, vector<32xbf16>,
          %parallel_loop3A_348 = vector.bitcast %parallel_loop3A_347 : vector<32xbf16> to vector<16xi32>
          %parallel_loop3A_349 = arith.constant 16 : i32
          %parallel_loop3A_350 = vector.broadcast %parallel_loop3A_349 : i32 to vector<16xi32>
          %parallel_loop3A_351 = arith.shli %parallel_loop3A_348, %parallel_loop3A_350 : vector<16xi32>
          %parallel_loop3A_352 = vector.bitcast %parallel_loop3A_351 : vector<16xi32> to vector<16xf32>
          %parallel_loop3A_353 = arith.constant -65536 : i32
          %parallel_loop3A_354 = vector.broadcast %parallel_loop3A_353 : i32 to vector<16xi32>
          %parallel_loop3A_355 = arith.andi %parallel_loop3A_348, %parallel_loop3A_354 : vector<16xi32>
          %parallel_loop3A_356 = vector.bitcast %parallel_loop3A_355 : vector<16xi32> to vector<16xf32>
          %parallel_loop3A_357 = arith.mulf %parallel_loop3A_352, %parallel_loop3A_284 : vector<16xf32>
          %parallel_loop3A_358 = arith.index_cast %parallel_loop3A_281 : i32 to index
          %parallel_loop3A_359 = arith.constant 96 : index
          %parallel_loop3A_360 = tpu.vector_load %arg16[%parallel_loop3A_358, %parallel_loop3A_359] {strides = array<i32>} : memref<80x128xf32, #tpu.memory_space<vmem>>, vector<16xf32>,
          tpu.vector_store %arg16[%parallel_loop3A_358, %parallel_loop3A_359], %parallel_loop3A_357 {strides = array<i32>} : memref<80x128xf32, #tpu.memory_space<vmem>>, vector<16xf32>,
          %parallel_loop3A_361 = arith.mulf %parallel_loop3A_356, %parallel_loop3A_284 : vector<16xf32>
          %parallel_loop3A_362 = arith.index_cast %parallel_loop3A_281 : i32 to index
          %parallel_loop3A_363 = arith.constant 112 : index
          %parallel_loop3A_364 = tpu.vector_load %arg16[%parallel_loop3A_362, %parallel_loop3A_363] {strides = array<i32>} : memref<80x128xf32, #tpu.memory_space<vmem>>, vector<16xf32>,
          tpu.vector_store %arg16[%parallel_loop3A_362, %parallel_loop3A_363], %parallel_loop3A_361 {strides = array<i32>} : memref<80x128xf32, #tpu.memory_space<vmem>>, vector<16xf32>,
        } {sc.loop_unroll_factor = 8 : i64, sc.parallel_access}
        %dma_start3A_223 = arith.constant 0 : i32
        %dma_start3A_224 = tpu.memref_slice %arg11[%mul3A_201, %dma_start3A_223] : memref<25x80xi32, #tpu.memory_space<vmem>> -> memref<1x80xi32, #tpu.memory_space<vmem>>
        %dma_start3A_225 = tpu.memref_squeeze %dma_start3A_224 : memref<1x80xi32, #tpu.memory_space<vmem>> -> memref<80xi32, #tpu.memory_space<vmem>>
        %dma_start3A_226 = arith.constant 0 : i32
        %dma_start3A_227 = arith.constant 0 : i32
        %dma_start3A_228 = tpu.memref_slice %arg19[%dma_start3A_226, %dma_start3A_227] : memref<10000x128xf32, #tpu.memory_space<vmem_shared>> -> memref<10000x128xf32, #tpu.memory_space<vmem_shared>>
        tpu.enqueue_indirect_dma source(%arg16 : memref<80x128xf32, #tpu.memory_space<vmem>>) target(%dma_start3A_228 : memref<10000x128xf32, #tpu.memory_space<vmem_shared>>) offsets(%dma_start3A_225 : memref<80xi32, #tpu.memory_space<vmem>>) semaphore(%arg23 : memref<!tpu.dma_semaphore, #tpu.memory_space<semaphore_mem>>) {add = true}
        %convert_element_type3A_229 = arith.extui %eq3A_204 : i1 to i32
        %cond3A_230 = arith.constant 0 : i32
        %cond3A_231 = arith.cmpi ne, %convert_element_type3A_229, %cond3A_230 : i32
        scf.if %cond3A_231 {
          %dma_wait3A_281 = arith.constant 0 : i32
          %dma_wait3A_282 = tpu.memref_slice %arg11[%mul3A_201, %dma_wait3A_281] : memref<25x80xi32, #tpu.memory_space<vmem>> -> memref<1x80xi32, #tpu.memory_space<vmem>>
          %dma_wait3A_283 = tpu.memref_squeeze %dma_wait3A_282 : memref<1x80xi32, #tpu.memory_space<vmem>> -> memref<80xi32, #tpu.memory_space<vmem>>
          %dma_wait3A_284 = arith.constant 0 : i32
          %dma_wait3A_285 = arith.constant 0 : i32
          %dma_wait3A_286 = tpu.memref_slice %arg20[%dma_wait3A_284, %dma_wait3A_285] : memref<10000x16xf32, #tpu.memory_space<vmem_shared>> -> memref<10000x16xf32, #tpu.memory_space<vmem_shared>>
          tpu.wait_indirect_dma semaphore(%arg25 : memref<!tpu.dma_semaphore, #tpu.memory_space<semaphore_mem>>) src(%arg18 : memref<80x16xf32, #tpu.memory_space<vmem>>) dst(%dma_wait3A_286 : memref<10000x16xf32, #tpu.memory_space<vmem_shared>>)
        } else {
        }
        %add3A_232 = arith.constant 2 : i32
        %add3A_233 = arith.addi %mul3A_201, %add3A_232 : i32
        %mul3A_234 = arith.constant 80 : i32
        %mul3A_235 = arith.muli %add3A_233, %mul3A_234 : i32
        %dma_start3A_236 = tpu.memref_slice %arg12[%mul3A_235] : memref<2000xi32, #tpu.memory_space<vmem>> -> memref<80xi32, #tpu.memory_space<vmem>>
        %dma_start3A_237 = arith.constant 0 : i32
        %dma_start3A_238 = arith.constant 0 : i32
        %dma_start3A_239 = tpu.memref_slice %arg2[%dma_start3A_237, %dma_start3A_238] : memref<20000x128xbf16, #tpu.memory_space<hbm>> -> memref<20000x128xbf16, #tpu.memory_space<hbm>>
        tpu.enqueue_indirect_dma source(%dma_start3A_239 : memref<20000x128xbf16, #tpu.memory_space<hbm>>) target(%arg14 : memref<80x128xbf16, #tpu.memory_space<vmem>>) offsets(%dma_start3A_236 : memref<80xi32, #tpu.memory_space<vmem>>) semaphore(%arg21 : memref<!tpu.dma_semaphore, #tpu.memory_space<semaphore_mem>>)
        %add3A_240 = arith.constant 1 : i32
        %add3A_241 = arith.addi %mul3A_201, %add3A_240 : i32
        %rem3A_242 = arith.constant 2 : i32
        %rem3A_243 = arith.remsi %add3A_241, %rem3A_242 : i32
        %eq3A_244 = arith.cmpi eq, %arg0, %rem3A_243 : i32
        %mul3A_245 = arith.constant 80 : i32
        %mul3A_246 = arith.muli %add3A_241, %mul3A_245 : i32
        %dma_wait3A_247 = tpu.memref_slice %arg12[%mul3A_246] : memref<2000xi32, #tpu.memory_space<vmem>> -> memref<80xi32, #tpu.memory_space<vmem>>
        %dma_wait3A_248 = arith.constant 0 : i32
        %dma_wait3A_249 = arith.constant 0 : i32
        %dma_wait3A_250 = tpu.memref_slice %arg2[%dma_wait3A_248, %dma_wait3A_249] : memref<20000x128xbf16, #tpu.memory_space<hbm>> -> memref<20000x128xbf16, #tpu.memory_space<hbm>>
        tpu.wait_indirect_dma semaphore(%arg22 : memref<!tpu.dma_semaphore, #tpu.memory_space<semaphore_mem>>) src(%dma_wait3A_250 : memref<20000x128xbf16, #tpu.memory_space<hbm>>) dst(%arg15 : memref<80x128xbf16, #tpu.memory_space<vmem>>)
        %convert_element_type3A_251 = arith.extui %eq3A_244 : i1 to i32
        %cond3A_252 = arith.constant 0 : i32
        %cond3A_253 = arith.cmpi ne, %convert_element_type3A_251, %cond3A_252 : i32
        scf.if %cond3A_253 {
          %dma_start3A_281 = arith.constant 0 : i32
          %dma_start3A_282 = tpu.memref_slice %arg11[%add3A_241, %dma_start3A_281] : memref<25x80xi32, #tpu.memory_space<vmem>> -> memref<1x80xi32, #tpu.memory_space<vmem>>
          %dma_start3A_283 = tpu.memref_squeeze %dma_start3A_282 : memref<1x80xi32, #tpu.memory_space<vmem>> -> memref<80xi32, #tpu.memory_space<vmem>>
          %dma_start3A_284 = arith.constant 0 : i32
          %dma_start3A_285 = arith.constant 0 : i32
          %dma_start3A_286 = tpu.memref_slice %arg20[%dma_start3A_284, %dma_start3A_285] : memref<10000x16xf32, #tpu.memory_space<vmem_shared>> -> memref<10000x16xf32, #tpu.memory_space<vmem_shared>>
          tpu.enqueue_indirect_dma source(%arg18 : memref<80x16xf32, #tpu.memory_space<vmem>>) target(%dma_start3A_286 : memref<10000x16xf32, #tpu.memory_space<vmem_shared>>) offsets(%dma_start3A_283 : memref<80xi32, #tpu.memory_space<vmem>>) semaphore(%arg25 : memref<!tpu.dma_semaphore, #tpu.memory_space<semaphore_mem>>) {add = true}
        } else {
        }
        %ge3A_254 = arith.constant 2 : i32
        %ge3A_255 = arith.cmpi sge, %add3A_241, %ge3A_254 : i32
        %convert_element_type3A_256 = arith.extui %ge3A_255 : i1 to i32
        %cond3A_257 = arith.constant 0 : i32
        %cond3A_258 = arith.cmpi ne, %convert_element_type3A_256, %cond3A_257 : i32
        scf.if %cond3A_258 {
          %sub3A = arith.constant 2 : i32
          %sub3A_281 = arith.subi %add3A_241, %sub3A : i32
          %dma_wait3A_282 = arith.constant 0 : i32
          %dma_wait3A_283 = tpu.memref_slice %arg11[%sub3A_281, %dma_wait3A_282] : memref<25x80xi32, #tpu.memory_space<vmem>> -> memref<1x80xi32, #tpu.memory_space<vmem>>
          %dma_wait3A_284 = tpu.memref_squeeze %dma_wait3A_283 : memref<1x80xi32, #tpu.memory_space<vmem>> -> memref<80xi32, #tpu.memory_space<vmem>>
          %dma_wait3A_285 = arith.constant 0 : i32
          %dma_wait3A_286 = arith.constant 0 : i32
          %dma_wait3A_287 = tpu.memref_slice %arg19[%dma_wait3A_285, %dma_wait3A_286] : memref<10000x128xf32, #tpu.memory_space<vmem_shared>> -> memref<10000x128xf32, #tpu.memory_space<vmem_shared>>
          tpu.wait_indirect_dma semaphore(%arg24 : memref<!tpu.dma_semaphore, #tpu.memory_space<semaphore_mem>>) src(%arg17 : memref<80x128xf32, #tpu.memory_space<vmem>>) dst(%dma_wait3A_287 : memref<10000x128xf32, #tpu.memory_space<vmem_shared>>)
        } else {
        }
        %mul3A_259 = arith.constant 80 : i32
        %mul3A_260 = arith.muli %add3A_241, %mul3A_259 : i32
        %parallel_loop3A_261 = arith.constant 0 : i32
        %parallel_loop3A_262 = arith.constant 80 : i32
        %parallel_loop3A_263 = arith.constant 1 : i32
        scf.for %parallel_loop3A_281 = %parallel_loop3A_261 to %parallel_loop3A_262 step %parallel_loop3A_263  : i32 {
          %parallel_loop3A_282 = arith.addi %mul3A_260, %parallel_loop3A_281 : i32
          %parallel_loop3A_283 = vector.broadcast %parallel_loop3A_282 : i32 to vector<16xi32>
          %parallel_loop3A_284 = tpu.vector_load_idx %arg13[%parallel_loop3A_283] : memref<2000xf32, #tpu.memory_space<vmem>>[vector<16xi32>], vector<16xf32>,
          %parallel_loop3A_285 = arith.index_cast %parallel_loop3A_281 : i32 to index
          %parallel_loop3A_286 = arith.constant 0 : index
          %parallel_loop3A_287 = tpu.vector_load %arg15[%parallel_loop3A_285, %parallel_loop3A_286] {strides = array<i32>} : memref<80x128xbf16, #tpu.memory_space<vmem>>, vector<32xbf16>,
          %parallel_loop3A_288 = vector.bitcast %parallel_loop3A_287 : vector<32xbf16> to vector<16xi32>
          %parallel_loop3A_289 = arith.constant 16 : i32
          %parallel_loop3A_290 = vector.broadcast %parallel_loop3A_289 : i32 to vector<16xi32>
          %parallel_loop3A_291 = arith.shli %parallel_loop3A_288, %parallel_loop3A_290 : vector<16xi32>
          %parallel_loop3A_292 = vector.bitcast %parallel_loop3A_291 : vector<16xi32> to vector<16xf32>
          %parallel_loop3A_293 = arith.constant -65536 : i32
          %parallel_loop3A_294 = vector.broadcast %parallel_loop3A_293 : i32 to vector<16xi32>
          %parallel_loop3A_295 = arith.andi %parallel_loop3A_288, %parallel_loop3A_294 : vector<16xi32>
          %parallel_loop3A_296 = vector.bitcast %parallel_loop3A_295 : vector<16xi32> to vector<16xf32>
          %parallel_loop3A_297 = arith.mulf %parallel_loop3A_292, %parallel_loop3A_284 : vector<16xf32>
          %parallel_loop3A_298 = arith.index_cast %parallel_loop3A_281 : i32 to index
          %parallel_loop3A_299 = arith.constant 0 : index
          %parallel_loop3A_300 = tpu.vector_load %arg17[%parallel_loop3A_298, %parallel_loop3A_299] {strides = array<i32>} : memref<80x128xf32, #tpu.memory_space<vmem>>, vector<16xf32>,
          tpu.vector_store %arg17[%parallel_loop3A_298, %parallel_loop3A_299], %parallel_loop3A_297 {strides = array<i32>} : memref<80x128xf32, #tpu.memory_space<vmem>>, vector<16xf32>,
          %parallel_loop3A_301 = arith.mulf %parallel_loop3A_296, %parallel_loop3A_284 : vector<16xf32>
          %parallel_loop3A_302 = arith.index_cast %parallel_loop3A_281 : i32 to index
          %parallel_loop3A_303 = arith.constant 16 : index
          %parallel_loop3A_304 = tpu.vector_load %arg17[%parallel_loop3A_302, %parallel_loop3A_303] {strides = array<i32>} : memref<80x128xf32, #tpu.memory_space<vmem>>, vector<16xf32>,
          tpu.vector_store %arg17[%parallel_loop3A_302, %parallel_loop3A_303], %parallel_loop3A_301 {strides = array<i32>} : memref<80x128xf32, #tpu.memory_space<vmem>>, vector<16xf32>,
          %parallel_loop3A_305 = arith.index_cast %parallel_loop3A_281 : i32 to index
          %parallel_loop3A_306 = arith.constant 32 : index
          %parallel_loop3A_307 = tpu.vector_load %arg15[%parallel_loop3A_305, %parallel_loop3A_306] {strides = array<i32>} : memref<80x128xbf16, #tpu.memory_space<vmem>>, vector<32xbf16>,
          %parallel_loop3A_308 = vector.bitcast %parallel_loop3A_307 : vector<32xbf16> to vector<16xi32>
          %parallel_loop3A_309 = arith.constant 16 : i32
          %parallel_loop3A_310 = vector.broadcast %parallel_loop3A_309 : i32 to vector<16xi32>
          %parallel_loop3A_311 = arith.shli %parallel_loop3A_308, %parallel_loop3A_310 : vector<16xi32>
          %parallel_loop3A_312 = vector.bitcast %parallel_loop3A_311 : vector<16xi32> to vector<16xf32>
          %parallel_loop3A_313 = arith.constant -65536 : i32
          %parallel_loop3A_314 = vector.broadcast %parallel_loop3A_313 : i32 to vector<16xi32>
          %parallel_loop3A_315 = arith.andi %parallel_loop3A_308, %parallel_loop3A_314 : vector<16xi32>
          %parallel_loop3A_316 = vector.bitcast %parallel_loop3A_315 : vector<16xi32> to vector<16xf32>
          %parallel_loop3A_317 = arith.mulf %parallel_loop3A_312, %parallel_loop3A_284 : vector<16xf32>
          %parallel_loop3A_318 = arith.index_cast %parallel_loop3A_281 : i32 to index
          %parallel_loop3A_319 = arith.constant 32 : index
          %parallel_loop3A_320 = tpu.vector_load %arg17[%parallel_loop3A_318, %parallel_loop3A_319] {strides = array<i32>} : memref<80x128xf32, #tpu.memory_space<vmem>>, vector<16xf32>,
          tpu.vector_store %arg17[%parallel_loop3A_318, %parallel_loop3A_319], %parallel_loop3A_317 {strides = array<i32>} : memref<80x128xf32, #tpu.memory_space<vmem>>, vector<16xf32>,
          %parallel_loop3A_321 = arith.mulf %parallel_loop3A_316, %parallel_loop3A_284 : vector<16xf32>
          %parallel_loop3A_322 = arith.index_cast %parallel_loop3A_281 : i32 to index
          %parallel_loop3A_323 = arith.constant 48 : index
          %parallel_loop3A_324 = tpu.vector_load %arg17[%parallel_loop3A_322, %parallel_loop3A_323] {strides = array<i32>} : memref<80x128xf32, #tpu.memory_space<vmem>>, vector<16xf32>,
          tpu.vector_store %arg17[%parallel_loop3A_322, %parallel_loop3A_323], %parallel_loop3A_321 {strides = array<i32>} : memref<80x128xf32, #tpu.memory_space<vmem>>, vector<16xf32>,
          %parallel_loop3A_325 = arith.index_cast %parallel_loop3A_281 : i32 to index
          %parallel_loop3A_326 = arith.constant 64 : index
          %parallel_loop3A_327 = tpu.vector_load %arg15[%parallel_loop3A_325, %parallel_loop3A_326] {strides = array<i32>} : memref<80x128xbf16, #tpu.memory_space<vmem>>, vector<32xbf16>,
          %parallel_loop3A_328 = vector.bitcast %parallel_loop3A_327 : vector<32xbf16> to vector<16xi32>
          %parallel_loop3A_329 = arith.constant 16 : i32
          %parallel_loop3A_330 = vector.broadcast %parallel_loop3A_329 : i32 to vector<16xi32>
          %parallel_loop3A_331 = arith.shli %parallel_loop3A_328, %parallel_loop3A_330 : vector<16xi32>
          %parallel_loop3A_332 = vector.bitcast %parallel_loop3A_331 : vector<16xi32> to vector<16xf32>
          %parallel_loop3A_333 = arith.constant -65536 : i32
          %parallel_loop3A_334 = vector.broadcast %parallel_loop3A_333 : i32 to vector<16xi32>
          %parallel_loop3A_335 = arith.andi %parallel_loop3A_328, %parallel_loop3A_334 : vector<16xi32>
          %parallel_loop3A_336 = vector.bitcast %parallel_loop3A_335 : vector<16xi32> to vector<16xf32>
          %parallel_loop3A_337 = arith.mulf %parallel_loop3A_332, %parallel_loop3A_284 : vector<16xf32>
          %parallel_loop3A_338 = arith.index_cast %parallel_loop3A_281 : i32 to index
          %parallel_loop3A_339 = arith.constant 64 : index
          %parallel_loop3A_340 = tpu.vector_load %arg17[%parallel_loop3A_338, %parallel_loop3A_339] {strides = array<i32>} : memref<80x128xf32, #tpu.memory_space<vmem>>, vector<16xf32>,
          tpu.vector_store %arg17[%parallel_loop3A_338, %parallel_loop3A_339], %parallel_loop3A_337 {strides = array<i32>} : memref<80x128xf32, #tpu.memory_space<vmem>>, vector<16xf32>,
          %parallel_loop3A_341 = arith.mulf %parallel_loop3A_336, %parallel_loop3A_284 : vector<16xf32>
          %parallel_loop3A_342 = arith.index_cast %parallel_loop3A_281 : i32 to index
          %parallel_loop3A_343 = arith.constant 80 : index
          %parallel_loop3A_344 = tpu.vector_load %arg17[%parallel_loop3A_342, %parallel_loop3A_343] {strides = array<i32>} : memref<80x128xf32, #tpu.memory_space<vmem>>, vector<16xf32>,
          tpu.vector_store %arg17[%parallel_loop3A_342, %parallel_loop3A_343], %parallel_loop3A_341 {strides = array<i32>} : memref<80x128xf32, #tpu.memory_space<vmem>>, vector<16xf32>,
          %parallel_loop3A_345 = arith.index_cast %parallel_loop3A_281 : i32 to index
          %parallel_loop3A_346 = arith.constant 96 : index
          %parallel_loop3A_347 = tpu.vector_load %arg15[%parallel_loop3A_345, %parallel_loop3A_346] {strides = array<i32>} : memref<80x128xbf16, #tpu.memory_space<vmem>>, vector<32xbf16>,
          %parallel_loop3A_348 = vector.bitcast %parallel_loop3A_347 : vector<32xbf16> to vector<16xi32>
          %parallel_loop3A_349 = arith.constant 16 : i32
          %parallel_loop3A_350 = vector.broadcast %parallel_loop3A_349 : i32 to vector<16xi32>
          %parallel_loop3A_351 = arith.shli %parallel_loop3A_348, %parallel_loop3A_350 : vector<16xi32>
          %parallel_loop3A_352 = vector.bitcast %parallel_loop3A_351 : vector<16xi32> to vector<16xf32>
          %parallel_loop3A_353 = arith.constant -65536 : i32
          %parallel_loop3A_354 = vector.broadcast %parallel_loop3A_353 : i32 to vector<16xi32>
          %parallel_loop3A_355 = arith.andi %parallel_loop3A_348, %parallel_loop3A_354 : vector<16xi32>
          %parallel_loop3A_356 = vector.bitcast %parallel_loop3A_355 : vector<16xi32> to vector<16xf32>
          %parallel_loop3A_357 = arith.mulf %parallel_loop3A_352, %parallel_loop3A_284 : vector<16xf32>
          %parallel_loop3A_358 = arith.index_cast %parallel_loop3A_281 : i32 to index
          %parallel_loop3A_359 = arith.constant 96 : index
          %parallel_loop3A_360 = tpu.vector_load %arg17[%parallel_loop3A_358, %parallel_loop3A_359] {strides = array<i32>} : memref<80x128xf32, #tpu.memory_space<vmem>>, vector<16xf32>,
          tpu.vector_store %arg17[%parallel_loop3A_358, %parallel_loop3A_359], %parallel_loop3A_357 {strides = array<i32>} : memref<80x128xf32, #tpu.memory_space<vmem>>, vector<16xf32>,
          %parallel_loop3A_361 = arith.mulf %parallel_loop3A_356, %parallel_loop3A_284 : vector<16xf32>
          %parallel_loop3A_362 = arith.index_cast %parallel_loop3A_281 : i32 to index
          %parallel_loop3A_363 = arith.constant 112 : index
          %parallel_loop3A_364 = tpu.vector_load %arg17[%parallel_loop3A_362, %parallel_loop3A_363] {strides = array<i32>} : memref<80x128xf32, #tpu.memory_space<vmem>>, vector<16xf32>,
          tpu.vector_store %arg17[%parallel_loop3A_362, %parallel_loop3A_363], %parallel_loop3A_361 {strides = array<i32>} : memref<80x128xf32, #tpu.memory_space<vmem>>, vector<16xf32>,
        } {sc.loop_unroll_factor = 8 : i64, sc.parallel_access}
        %dma_start3A_264 = arith.constant 0 : i32
        %dma_start3A_265 = tpu.memref_slice %arg11[%add3A_241, %dma_start3A_264] : memref<25x80xi32, #tpu.memory_space<vmem>> -> memref<1x80xi32, #tpu.memory_space<vmem>>
        %dma_start3A_266 = tpu.memref_squeeze %dma_start3A_265 : memref<1x80xi32, #tpu.memory_space<vmem>> -> memref<80xi32, #tpu.memory_space<vmem>>
        %dma_start3A_267 = arith.constant 0 : i32
        %dma_start3A_268 = arith.constant 0 : i32
        %dma_start3A_269 = tpu.memref_slice %arg19[%dma_start3A_267, %dma_start3A_268] : memref<10000x128xf32, #tpu.memory_space<vmem_shared>> -> memref<10000x128xf32, #tpu.memory_space<vmem_shared>>
        tpu.enqueue_indirect_dma source(%arg17 : memref<80x128xf32, #tpu.memory_space<vmem>>) target(%dma_start3A_269 : memref<10000x128xf32, #tpu.memory_space<vmem_shared>>) offsets(%dma_start3A_266 : memref<80xi32, #tpu.memory_space<vmem>>) semaphore(%arg24 : memref<!tpu.dma_semaphore, #tpu.memory_space<semaphore_mem>>) {add = true}
        %convert_element_type3A_270 = arith.extui %eq3A_244 : i1 to i32
        %cond3A_271 = arith.constant 0 : i32
        %cond3A_272 = arith.cmpi ne, %convert_element_type3A_270, %cond3A_271 : i32
        scf.if %cond3A_272 {
          %dma_wait3A_281 = arith.constant 0 : i32
          %dma_wait3A_282 = tpu.memref_slice %arg11[%add3A_241, %dma_wait3A_281] : memref<25x80xi32, #tpu.memory_space<vmem>> -> memref<1x80xi32, #tpu.memory_space<vmem>>
          %dma_wait3A_283 = tpu.memref_squeeze %dma_wait3A_282 : memref<1x80xi32, #tpu.memory_space<vmem>> -> memref<80xi32, #tpu.memory_space<vmem>>
          %dma_wait3A_284 = arith.constant 0 : i32
          %dma_wait3A_285 = arith.constant 0 : i32
          %dma_wait3A_286 = tpu.memref_slice %arg20[%dma_wait3A_284, %dma_wait3A_285] : memref<10000x16xf32, #tpu.memory_space<vmem_shared>> -> memref<10000x16xf32, #tpu.memory_space<vmem_shared>>
          tpu.wait_indirect_dma semaphore(%arg25 : memref<!tpu.dma_semaphore, #tpu.memory_space<semaphore_mem>>) src(%arg18 : memref<80x16xf32, #tpu.memory_space<vmem>>) dst(%dma_wait3A_286 : memref<10000x16xf32, #tpu.memory_space<vmem_shared>>)
        } else {
        }
        %add3A_273 = arith.constant 3 : i32
        %add3A_274 = arith.addi %mul3A_201, %add3A_273 : i32
        %mul3A_275 = arith.constant 80 : i32
        %mul3A_276 = arith.muli %add3A_274, %mul3A_275 : i32
        %dma_start3A_277 = tpu.memref_slice %arg12[%mul3A_276] : memref<2000xi32, #tpu.memory_space<vmem>> -> memref<80xi32, #tpu.memory_space<vmem>>
        %dma_start3A_278 = arith.constant 0 : i32
        %dma_start3A_279 = arith.constant 0 : i32
        %dma_start3A_280 = tpu.memref_slice %arg2[%dma_start3A_278, %dma_start3A_279] : memref<20000x128xbf16, #tpu.memory_space<hbm>> -> memref<20000x128xbf16, #tpu.memory_space<hbm>>
        tpu.enqueue_indirect_dma source(%dma_start3A_280 : memref<20000x128xbf16, #tpu.memory_space<hbm>>) target(%arg15 : memref<80x128xbf16, #tpu.memory_space<vmem>>) offsets(%dma_start3A_277 : memref<80xi32, #tpu.memory_space<vmem>>) semaphore(%arg22 : memref<!tpu.dma_semaphore, #tpu.memory_space<semaphore_mem>>)
      }
      %scan3A_96 = arith.constant 11 : i32
      %rem3A = arith.constant 22 : i32
      %rem3A_97 = arith.constant 2 : i32
      %rem3A_98 = arith.remsi %rem3A, %rem3A_97 : i32
      %eq3A_99 = arith.cmpi eq, %arg0, %rem3A_98 : i32
      %dma_wait3A = arith.constant 1760 : i32
      %dma_wait3A_100 = tpu.memref_slice %arg12[%dma_wait3A] : memref<2000xi32, #tpu.memory_space<vmem>> -> memref<80xi32, #tpu.memory_space<vmem>>
      %dma_wait3A_101 = arith.constant 0 : i32
      %dma_wait3A_102 = arith.constant 0 : i32
      %dma_wait3A_103 = tpu.memref_slice %arg2[%dma_wait3A_101, %dma_wait3A_102] : memref<20000x128xbf16, #tpu.memory_space<hbm>> -> memref<20000x128xbf16, #tpu.memory_space<hbm>>
      tpu.wait_indirect_dma semaphore(%arg21 : memref<!tpu.dma_semaphore, #tpu.memory_space<semaphore_mem>>) src(%dma_wait3A_103 : memref<20000x128xbf16, #tpu.memory_space<hbm>>) dst(%arg14 : memref<80x128xbf16, #tpu.memory_space<vmem>>)
      %convert_element_type3A_104 = arith.extui %eq3A_99 : i1 to i32
      %cond3A_105 = arith.constant 0 : i32
      %cond3A_106 = arith.cmpi ne, %convert_element_type3A_104, %cond3A_105 : i32
      scf.if %cond3A_106 {
        %dma_start3A_195 = arith.constant 22 : i32
        %dma_start3A_196 = arith.constant 0 : i32
        %dma_start3A_197 = tpu.memref_slice %arg11[%dma_start3A_195, %dma_start3A_196] : memref<25x80xi32, #tpu.memory_space<vmem>> -> memref<1x80xi32, #tpu.memory_space<vmem>>
        %dma_start3A_198 = tpu.memref_squeeze %dma_start3A_197 : memref<1x80xi32, #tpu.memory_space<vmem>> -> memref<80xi32, #tpu.memory_space<vmem>>
        %dma_start3A_199 = arith.constant 0 : i32
        %dma_start3A_200 = arith.constant 0 : i32
        %dma_start3A_201 = tpu.memref_slice %arg20[%dma_start3A_199, %dma_start3A_200] : memref<10000x16xf32, #tpu.memory_space<vmem_shared>> -> memref<10000x16xf32, #tpu.memory_space<vmem_shared>>
        tpu.enqueue_indirect_dma source(%arg18 : memref<80x16xf32, #tpu.memory_space<vmem>>) target(%dma_start3A_201 : memref<10000x16xf32, #tpu.memory_space<vmem_shared>>) offsets(%dma_start3A_198 : memref<80xi32, #tpu.memory_space<vmem>>) semaphore(%arg25 : memref<!tpu.dma_semaphore, #tpu.memory_space<semaphore_mem>>) {add = true}
      } else {
      }
      %dma_wait3A_107 = arith.constant 20 : i32
      %dma_wait3A_108 = arith.constant 0 : i32
      %dma_wait3A_109 = tpu.memref_slice %arg11[%dma_wait3A_107, %dma_wait3A_108] : memref<25x80xi32, #tpu.memory_space<vmem>> -> memref<1x80xi32, #tpu.memory_space<vmem>>
      %dma_wait3A_110 = tpu.memref_squeeze %dma_wait3A_109 : memref<1x80xi32, #tpu.memory_space<vmem>> -> memref<80xi32, #tpu.memory_space<vmem>>
      %dma_wait3A_111 = arith.constant 0 : i32
      %dma_wait3A_112 = arith.constant 0 : i32
      %dma_wait3A_113 = tpu.memref_slice %arg19[%dma_wait3A_111, %dma_wait3A_112] : memref<10000x128xf32, #tpu.memory_space<vmem_shared>> -> memref<10000x128xf32, #tpu.memory_space<vmem_shared>>
      tpu.wait_indirect_dma semaphore(%arg23 : memref<!tpu.dma_semaphore, #tpu.memory_space<semaphore_mem>>) src(%arg16 : memref<80x128xf32, #tpu.memory_space<vmem>>) dst(%dma_wait3A_113 : memref<10000x128xf32, #tpu.memory_space<vmem_shared>>)
      %parallel_loop3A = arith.constant 0 : i32
      %parallel_loop3A_114 = arith.constant 80 : i32
      %parallel_loop3A_115 = arith.constant 1 : i32
      scf.for %parallel_loop3A_195 = %parallel_loop3A to %parallel_loop3A_114 step %parallel_loop3A_115  : i32 {
        %parallel_loop3A_196 = arith.constant 1760 : i32
        %parallel_loop3A_197 = arith.addi %parallel_loop3A_196, %parallel_loop3A_195 : i32
        %parallel_loop3A_198 = vector.broadcast %parallel_loop3A_197 : i32 to vector<16xi32>
        %parallel_loop3A_199 = tpu.vector_load_idx %arg13[%parallel_loop3A_198] : memref<2000xf32, #tpu.memory_space<vmem>>[vector<16xi32>], vector<16xf32>,
        %parallel_loop3A_200 = arith.index_cast %parallel_loop3A_195 : i32 to index
        %parallel_loop3A_201 = arith.constant 0 : index
        %parallel_loop3A_202 = tpu.vector_load %arg14[%parallel_loop3A_200, %parallel_loop3A_201] {strides = array<i32>} : memref<80x128xbf16, #tpu.memory_space<vmem>>, vector<32xbf16>,
        %parallel_loop3A_203 = vector.bitcast %parallel_loop3A_202 : vector<32xbf16> to vector<16xi32>
        %parallel_loop3A_204 = arith.constant 16 : i32
        %parallel_loop3A_205 = vector.broadcast %parallel_loop3A_204 : i32 to vector<16xi32>
        %parallel_loop3A_206 = arith.shli %parallel_loop3A_203, %parallel_loop3A_205 : vector<16xi32>
        %parallel_loop3A_207 = vector.bitcast %parallel_loop3A_206 : vector<16xi32> to vector<16xf32>
        %parallel_loop3A_208 = arith.constant -65536 : i32
        %parallel_loop3A_209 = vector.broadcast %parallel_loop3A_208 : i32 to vector<16xi32>
        %parallel_loop3A_210 = arith.andi %parallel_loop3A_203, %parallel_loop3A_209 : vector<16xi32>
        %parallel_loop3A_211 = vector.bitcast %parallel_loop3A_210 : vector<16xi32> to vector<16xf32>
        %parallel_loop3A_212 = arith.mulf %parallel_loop3A_207, %parallel_loop3A_199 : vector<16xf32>
        %parallel_loop3A_213 = arith.index_cast %parallel_loop3A_195 : i32 to index
        %parallel_loop3A_214 = arith.constant 0 : index
        %parallel_loop3A_215 = tpu.vector_load %arg16[%parallel_loop3A_213, %parallel_loop3A_214] {strides = array<i32>} : memref<80x128xf32, #tpu.memory_space<vmem>>, vector<16xf32>,
        tpu.vector_store %arg16[%parallel_loop3A_213, %parallel_loop3A_214], %parallel_loop3A_212 {strides = array<i32>} : memref<80x128xf32, #tpu.memory_space<vmem>>, vector<16xf32>,
        %parallel_loop3A_216 = arith.mulf %parallel_loop3A_211, %parallel_loop3A_199 : vector<16xf32>
        %parallel_loop3A_217 = arith.index_cast %parallel_loop3A_195 : i32 to index
        %parallel_loop3A_218 = arith.constant 16 : index
        %parallel_loop3A_219 = tpu.vector_load %arg16[%parallel_loop3A_217, %parallel_loop3A_218] {strides = array<i32>} : memref<80x128xf32, #tpu.memory_space<vmem>>, vector<16xf32>,
        tpu.vector_store %arg16[%parallel_loop3A_217, %parallel_loop3A_218], %parallel_loop3A_216 {strides = array<i32>} : memref<80x128xf32, #tpu.memory_space<vmem>>, vector<16xf32>,
        %parallel_loop3A_220 = arith.index_cast %parallel_loop3A_195 : i32 to index
        %parallel_loop3A_221 = arith.constant 32 : index
        %parallel_loop3A_222 = tpu.vector_load %arg14[%parallel_loop3A_220, %parallel_loop3A_221] {strides = array<i32>} : memref<80x128xbf16, #tpu.memory_space<vmem>>, vector<32xbf16>,
        %parallel_loop3A_223 = vector.bitcast %parallel_loop3A_222 : vector<32xbf16> to vector<16xi32>
        %parallel_loop3A_224 = arith.constant 16 : i32
        %parallel_loop3A_225 = vector.broadcast %parallel_loop3A_224 : i32 to vector<16xi32>
        %parallel_loop3A_226 = arith.shli %parallel_loop3A_223, %parallel_loop3A_225 : vector<16xi32>
        %parallel_loop3A_227 = vector.bitcast %parallel_loop3A_226 : vector<16xi32> to vector<16xf32>
        %parallel_loop3A_228 = arith.constant -65536 : i32
        %parallel_loop3A_229 = vector.broadcast %parallel_loop3A_228 : i32 to vector<16xi32>
        %parallel_loop3A_230 = arith.andi %parallel_loop3A_223, %parallel_loop3A_229 : vector<16xi32>
        %parallel_loop3A_231 = vector.bitcast %parallel_loop3A_230 : vector<16xi32> to vector<16xf32>
        %parallel_loop3A_232 = arith.mulf %parallel_loop3A_227, %parallel_loop3A_199 : vector<16xf32>
        %parallel_loop3A_233 = arith.index_cast %parallel_loop3A_195 : i32 to index
        %parallel_loop3A_234 = arith.constant 32 : index
        %parallel_loop3A_235 = tpu.vector_load %arg16[%parallel_loop3A_233, %parallel_loop3A_234] {strides = array<i32>} : memref<80x128xf32, #tpu.memory_space<vmem>>, vector<16xf32>,
        tpu.vector_store %arg16[%parallel_loop3A_233, %parallel_loop3A_234], %parallel_loop3A_232 {strides = array<i32>} : memref<80x128xf32, #tpu.memory_space<vmem>>, vector<16xf32>,
        %parallel_loop3A_236 = arith.mulf %parallel_loop3A_231, %parallel_loop3A_199 : vector<16xf32>
        %parallel_loop3A_237 = arith.index_cast %parallel_loop3A_195 : i32 to index
        %parallel_loop3A_238 = arith.constant 48 : index
        %parallel_loop3A_239 = tpu.vector_load %arg16[%parallel_loop3A_237, %parallel_loop3A_238] {strides = array<i32>} : memref<80x128xf32, #tpu.memory_space<vmem>>, vector<16xf32>,
        tpu.vector_store %arg16[%parallel_loop3A_237, %parallel_loop3A_238], %parallel_loop3A_236 {strides = array<i32>} : memref<80x128xf32, #tpu.memory_space<vmem>>, vector<16xf32>,
        %parallel_loop3A_240 = arith.index_cast %parallel_loop3A_195 : i32 to index
        %parallel_loop3A_241 = arith.constant 64 : index
        %parallel_loop3A_242 = tpu.vector_load %arg14[%parallel_loop3A_240, %parallel_loop3A_241] {strides = array<i32>} : memref<80x128xbf16, #tpu.memory_space<vmem>>, vector<32xbf16>,
        %parallel_loop3A_243 = vector.bitcast %parallel_loop3A_242 : vector<32xbf16> to vector<16xi32>
        %parallel_loop3A_244 = arith.constant 16 : i32
        %parallel_loop3A_245 = vector.broadcast %parallel_loop3A_244 : i32 to vector<16xi32>
        %parallel_loop3A_246 = arith.shli %parallel_loop3A_243, %parallel_loop3A_245 : vector<16xi32>
        %parallel_loop3A_247 = vector.bitcast %parallel_loop3A_246 : vector<16xi32> to vector<16xf32>
        %parallel_loop3A_248 = arith.constant -65536 : i32
        %parallel_loop3A_249 = vector.broadcast %parallel_loop3A_248 : i32 to vector<16xi32>
        %parallel_loop3A_250 = arith.andi %parallel_loop3A_243, %parallel_loop3A_249 : vector<16xi32>
        %parallel_loop3A_251 = vector.bitcast %parallel_loop3A_250 : vector<16xi32> to vector<16xf32>
        %parallel_loop3A_252 = arith.mulf %parallel_loop3A_247, %parallel_loop3A_199 : vector<16xf32>
        %parallel_loop3A_253 = arith.index_cast %parallel_loop3A_195 : i32 to index
        %parallel_loop3A_254 = arith.constant 64 : index
        %parallel_loop3A_255 = tpu.vector_load %arg16[%parallel_loop3A_253, %parallel_loop3A_254] {strides = array<i32>} : memref<80x128xf32, #tpu.memory_space<vmem>>, vector<16xf32>,
        tpu.vector_store %arg16[%parallel_loop3A_253, %parallel_loop3A_254], %parallel_loop3A_252 {strides = array<i32>} : memref<80x128xf32, #tpu.memory_space<vmem>>, vector<16xf32>,
        %parallel_loop3A_256 = arith.mulf %parallel_loop3A_251, %parallel_loop3A_199 : vector<16xf32>
        %parallel_loop3A_257 = arith.index_cast %parallel_loop3A_195 : i32 to index
        %parallel_loop3A_258 = arith.constant 80 : index
        %parallel_loop3A_259 = tpu.vector_load %arg16[%parallel_loop3A_257, %parallel_loop3A_258] {strides = array<i32>} : memref<80x128xf32, #tpu.memory_space<vmem>>, vector<16xf32>,
        tpu.vector_store %arg16[%parallel_loop3A_257, %parallel_loop3A_258], %parallel_loop3A_256 {strides = array<i32>} : memref<80x128xf32, #tpu.memory_space<vmem>>, vector<16xf32>,
        %parallel_loop3A_260 = arith.index_cast %parallel_loop3A_195 : i32 to index
        %parallel_loop3A_261 = arith.constant 96 : index
        %parallel_loop3A_262 = tpu.vector_load %arg14[%parallel_loop3A_260, %parallel_loop3A_261] {strides = array<i32>} : memref<80x128xbf16, #tpu.memory_space<vmem>>, vector<32xbf16>,
        %parallel_loop3A_263 = vector.bitcast %parallel_loop3A_262 : vector<32xbf16> to vector<16xi32>
        %parallel_loop3A_264 = arith.constant 16 : i32
        %parallel_loop3A_265 = vector.broadcast %parallel_loop3A_264 : i32 to vector<16xi32>
        %parallel_loop3A_266 = arith.shli %parallel_loop3A_263, %parallel_loop3A_265 : vector<16xi32>
        %parallel_loop3A_267 = vector.bitcast %parallel_loop3A_266 : vector<16xi32> to vector<16xf32>
        %parallel_loop3A_268 = arith.constant -65536 : i32
        %parallel_loop3A_269 = vector.broadcast %parallel_loop3A_268 : i32 to vector<16xi32>
        %parallel_loop3A_270 = arith.andi %parallel_loop3A_263, %parallel_loop3A_269 : vector<16xi32>
        %parallel_loop3A_271 = vector.bitcast %parallel_loop3A_270 : vector<16xi32> to vector<16xf32>
        %parallel_loop3A_272 = arith.mulf %parallel_loop3A_267, %parallel_loop3A_199 : vector<16xf32>
        %parallel_loop3A_273 = arith.index_cast %parallel_loop3A_195 : i32 to index
        %parallel_loop3A_274 = arith.constant 96 : index
        %parallel_loop3A_275 = tpu.vector_load %arg16[%parallel_loop3A_273, %parallel_loop3A_274] {strides = array<i32>} : memref<80x128xf32, #tpu.memory_space<vmem>>, vector<16xf32>,
        tpu.vector_store %arg16[%parallel_loop3A_273, %parallel_loop3A_274], %parallel_loop3A_272 {strides = array<i32>} : memref<80x128xf32, #tpu.memory_space<vmem>>, vector<16xf32>,
        %parallel_loop3A_276 = arith.mulf %parallel_loop3A_271, %parallel_loop3A_199 : vector<16xf32>
        %parallel_loop3A_277 = arith.index_cast %parallel_loop3A_195 : i32 to index
        %parallel_loop3A_278 = arith.constant 112 : index
        %parallel_loop3A_279 = tpu.vector_load %arg16[%parallel_loop3A_277, %parallel_loop3A_278] {strides = array<i32>} : memref<80x128xf32, #tpu.memory_space<vmem>>, vector<16xf32>,
        tpu.vector_store %arg16[%parallel_loop3A_277, %parallel_loop3A_278], %parallel_loop3A_276 {strides = array<i32>} : memref<80x128xf32, #tpu.memory_space<vmem>>, vector<16xf32>,
      } {sc.loop_unroll_factor = 8 : i64, sc.parallel_access}
      %dma_start3A_116 = arith.constant 22 : i32
      %dma_start3A_117 = arith.constant 0 : i32
      %dma_start3A_118 = tpu.memref_slice %arg11[%dma_start3A_116, %dma_start3A_117] : memref<25x80xi32, #tpu.memory_space<vmem>> -> memref<1x80xi32, #tpu.memory_space<vmem>>
      %dma_start3A_119 = tpu.memref_squeeze %dma_start3A_118 : memref<1x80xi32, #tpu.memory_space<vmem>> -> memref<80xi32, #tpu.memory_space<vmem>>
      %dma_start3A_120 = arith.constant 0 : i32
      %dma_start3A_121 = arith.constant 0 : i32
      %dma_start3A_122 = tpu.memref_slice %arg19[%dma_start3A_120, %dma_start3A_121] : memref<10000x128xf32, #tpu.memory_space<vmem_shared>> -> memref<10000x128xf32, #tpu.memory_space<vmem_shared>>
      tpu.enqueue_indirect_dma source(%arg16 : memref<80x128xf32, #tpu.memory_space<vmem>>) target(%dma_start3A_122 : memref<10000x128xf32, #tpu.memory_space<vmem_shared>>) offsets(%dma_start3A_119 : memref<80xi32, #tpu.memory_space<vmem>>) semaphore(%arg23 : memref<!tpu.dma_semaphore, #tpu.memory_space<semaphore_mem>>) {add = true}
      %convert_element_type3A_123 = arith.extui %eq3A_99 : i1 to i32
      %cond3A_124 = arith.constant 0 : i32
      %cond3A_125 = arith.cmpi ne, %convert_element_type3A_123, %cond3A_124 : i32
      scf.if %cond3A_125 {
        %dma_wait3A_195 = arith.constant 22 : i32
        %dma_wait3A_196 = arith.constant 0 : i32
        %dma_wait3A_197 = tpu.memref_slice %arg11[%dma_wait3A_195, %dma_wait3A_196] : memref<25x80xi32, #tpu.memory_space<vmem>> -> memref<1x80xi32, #tpu.memory_space<vmem>>
        %dma_wait3A_198 = tpu.memref_squeeze %dma_wait3A_197 : memref<1x80xi32, #tpu.memory_space<vmem>> -> memref<80xi32, #tpu.memory_space<vmem>>
        %dma_wait3A_199 = arith.constant 0 : i32
        %dma_wait3A_200 = arith.constant 0 : i32
        %dma_wait3A_201 = tpu.memref_slice %arg20[%dma_wait3A_199, %dma_wait3A_200] : memref<10000x16xf32, #tpu.memory_space<vmem_shared>> -> memref<10000x16xf32, #tpu.memory_space<vmem_shared>>
        tpu.wait_indirect_dma semaphore(%arg25 : memref<!tpu.dma_semaphore, #tpu.memory_space<semaphore_mem>>) src(%arg18 : memref<80x16xf32, #tpu.memory_space<vmem>>) dst(%dma_wait3A_201 : memref<10000x16xf32, #tpu.memory_space<vmem_shared>>)
      } else {
      }
      %dma_start3A_126 = arith.constant 1920 : i32
      %dma_start3A_127 = tpu.memref_slice %arg12[%dma_start3A_126] : memref<2000xi32, #tpu.memory_space<vmem>> -> memref<80xi32, #tpu.memory_space<vmem>>
      %dma_start3A_128 = arith.constant 0 : i32
      %dma_start3A_129 = arith.constant 0 : i32
      %dma_start3A_130 = tpu.memref_slice %arg2[%dma_start3A_128, %dma_start3A_129] : memref<20000x128xbf16, #tpu.memory_space<hbm>> -> memref<20000x128xbf16, #tpu.memory_space<hbm>>
      tpu.enqueue_indirect_dma source(%dma_start3A_130 : memref<20000x128xbf16, #tpu.memory_space<hbm>>) target(%arg14 : memref<80x128xbf16, #tpu.memory_space<vmem>>) offsets(%dma_start3A_127 : memref<80xi32, #tpu.memory_space<vmem>>) semaphore(%arg21 : memref<!tpu.dma_semaphore, #tpu.memory_space<semaphore_mem>>)
      %rem3A_131 = arith.constant 23 : i32
      %rem3A_132 = arith.constant 2 : i32
      %rem3A_133 = arith.remsi %rem3A_131, %rem3A_132 : i32
      %eq3A_134 = arith.cmpi eq, %arg0, %rem3A_133 : i32
      %dma_wait3A_135 = arith.constant 1840 : i32
      %dma_wait3A_136 = tpu.memref_slice %arg12[%dma_wait3A_135] : memref<2000xi32, #tpu.memory_space<vmem>> -> memref<80xi32, #tpu.memory_space<vmem>>
      %dma_wait3A_137 = arith.constant 0 : i32
      %dma_wait3A_138 = arith.constant 0 : i32
      %dma_wait3A_139 = tpu.memref_slice %arg2[%dma_wait3A_137, %dma_wait3A_138] : memref<20000x128xbf16, #tpu.memory_space<hbm>> -> memref<20000x128xbf16, #tpu.memory_space<hbm>>
      tpu.wait_indirect_dma semaphore(%arg22 : memref<!tpu.dma_semaphore, #tpu.memory_space<semaphore_mem>>) src(%dma_wait3A_139 : memref<20000x128xbf16, #tpu.memory_space<hbm>>) dst(%arg15 : memref<80x128xbf16, #tpu.memory_space<vmem>>)
      %convert_element_type3A_140 = arith.extui %eq3A_134 : i1 to i32
      %cond3A_141 = arith.constant 0 : i32
      %cond3A_142 = arith.cmpi ne, %convert_element_type3A_140, %cond3A_141 : i32
      scf.if %cond3A_142 {
        %dma_start3A_195 = arith.constant 23 : i32
        %dma_start3A_196 = arith.constant 0 : i32
        %dma_start3A_197 = tpu.memref_slice %arg11[%dma_start3A_195, %dma_start3A_196] : memref<25x80xi32, #tpu.memory_space<vmem>> -> memref<1x80xi32, #tpu.memory_space<vmem>>
        %dma_start3A_198 = tpu.memref_squeeze %dma_start3A_197 : memref<1x80xi32, #tpu.memory_space<vmem>> -> memref<80xi32, #tpu.memory_space<vmem>>
        %dma_start3A_199 = arith.constant 0 : i32
        %dma_start3A_200 = arith.constant 0 : i32
        %dma_start3A_201 = tpu.memref_slice %arg20[%dma_start3A_199, %dma_start3A_200] : memref<10000x16xf32, #tpu.memory_space<vmem_shared>> -> memref<10000x16xf32, #tpu.memory_space<vmem_shared>>
        tpu.enqueue_indirect_dma source(%arg18 : memref<80x16xf32, #tpu.memory_space<vmem>>) target(%dma_start3A_201 : memref<10000x16xf32, #tpu.memory_space<vmem_shared>>) offsets(%dma_start3A_198 : memref<80xi32, #tpu.memory_space<vmem>>) semaphore(%arg25 : memref<!tpu.dma_semaphore, #tpu.memory_space<semaphore_mem>>) {add = true}
      } else {
      }
      %dma_wait3A_143 = arith.constant 21 : i32
      %dma_wait3A_144 = arith.constant 0 : i32
      %dma_wait3A_145 = tpu.memref_slice %arg11[%dma_wait3A_143, %dma_wait3A_144] : memref<25x80xi32, #tpu.memory_space<vmem>> -> memref<1x80xi32, #tpu.memory_space<vmem>>
      %dma_wait3A_146 = tpu.memref_squeeze %dma_wait3A_145 : memref<1x80xi32, #tpu.memory_space<vmem>> -> memref<80xi32, #tpu.memory_space<vmem>>
      %dma_wait3A_147 = arith.constant 0 : i32
      %dma_wait3A_148 = arith.constant 0 : i32
      %dma_wait3A_149 = tpu.memref_slice %arg19[%dma_wait3A_147, %dma_wait3A_148] : memref<10000x128xf32, #tpu.memory_space<vmem_shared>> -> memref<10000x128xf32, #tpu.memory_space<vmem_shared>>
      tpu.wait_indirect_dma semaphore(%arg24 : memref<!tpu.dma_semaphore, #tpu.memory_space<semaphore_mem>>) src(%arg17 : memref<80x128xf32, #tpu.memory_space<vmem>>) dst(%dma_wait3A_149 : memref<10000x128xf32, #tpu.memory_space<vmem_shared>>)
      %parallel_loop3A_150 = arith.constant 0 : i32
      %parallel_loop3A_151 = arith.constant 80 : i32
      %parallel_loop3A_152 = arith.constant 1 : i32
      scf.for %parallel_loop3A_195 = %parallel_loop3A_150 to %parallel_loop3A_151 step %parallel_loop3A_152  : i32 {
        %parallel_loop3A_196 = arith.constant 1840 : i32
        %parallel_loop3A_197 = arith.addi %parallel_loop3A_196, %parallel_loop3A_195 : i32
        %parallel_loop3A_198 = vector.broadcast %parallel_loop3A_197 : i32 to vector<16xi32>
        %parallel_loop3A_199 = tpu.vector_load_idx %arg13[%parallel_loop3A_198] : memref<2000xf32, #tpu.memory_space<vmem>>[vector<16xi32>], vector<16xf32>,
        %parallel_loop3A_200 = arith.index_cast %parallel_loop3A_195 : i32 to index
        %parallel_loop3A_201 = arith.constant 0 : index
        %parallel_loop3A_202 = tpu.vector_load %arg15[%parallel_loop3A_200, %parallel_loop3A_201] {strides = array<i32>} : memref<80x128xbf16, #tpu.memory_space<vmem>>, vector<32xbf16>,
        %parallel_loop3A_203 = vector.bitcast %parallel_loop3A_202 : vector<32xbf16> to vector<16xi32>
        %parallel_loop3A_204 = arith.constant 16 : i32
        %parallel_loop3A_205 = vector.broadcast %parallel_loop3A_204 : i32 to vector<16xi32>
        %parallel_loop3A_206 = arith.shli %parallel_loop3A_203, %parallel_loop3A_205 : vector<16xi32>
        %parallel_loop3A_207 = vector.bitcast %parallel_loop3A_206 : vector<16xi32> to vector<16xf32>
        %parallel_loop3A_208 = arith.constant -65536 : i32
        %parallel_loop3A_209 = vector.broadcast %parallel_loop3A_208 : i32 to vector<16xi32>
        %parallel_loop3A_210 = arith.andi %parallel_loop3A_203, %parallel_loop3A_209 : vector<16xi32>
        %parallel_loop3A_211 = vector.bitcast %parallel_loop3A_210 : vector<16xi32> to vector<16xf32>
        %parallel_loop3A_212 = arith.mulf %parallel_loop3A_207, %parallel_loop3A_199 : vector<16xf32>
        %parallel_loop3A_213 = arith.index_cast %parallel_loop3A_195 : i32 to index
        %parallel_loop3A_214 = arith.constant 0 : index
        %parallel_loop3A_215 = tpu.vector_load %arg17[%parallel_loop3A_213, %parallel_loop3A_214] {strides = array<i32>} : memref<80x128xf32, #tpu.memory_space<vmem>>, vector<16xf32>,
        tpu.vector_store %arg17[%parallel_loop3A_213, %parallel_loop3A_214], %parallel_loop3A_212 {strides = array<i32>} : memref<80x128xf32, #tpu.memory_space<vmem>>, vector<16xf32>,
        %parallel_loop3A_216 = arith.mulf %parallel_loop3A_211, %parallel_loop3A_199 : vector<16xf32>
        %parallel_loop3A_217 = arith.index_cast %parallel_loop3A_195 : i32 to index
        %parallel_loop3A_218 = arith.constant 16 : index
        %parallel_loop3A_219 = tpu.vector_load %arg17[%parallel_loop3A_217, %parallel_loop3A_218] {strides = array<i32>} : memref<80x128xf32, #tpu.memory_space<vmem>>, vector<16xf32>,
        tpu.vector_store %arg17[%parallel_loop3A_217, %parallel_loop3A_218], %parallel_loop3A_216 {strides = array<i32>} : memref<80x128xf32, #tpu.memory_space<vmem>>, vector<16xf32>,
        %parallel_loop3A_220 = arith.index_cast %parallel_loop3A_195 : i32 to index
        %parallel_loop3A_221 = arith.constant 32 : index
        %parallel_loop3A_222 = tpu.vector_load %arg15[%parallel_loop3A_220, %parallel_loop3A_221] {strides = array<i32>} : memref<80x128xbf16, #tpu.memory_space<vmem>>, vector<32xbf16>,
        %parallel_loop3A_223 = vector.bitcast %parallel_loop3A_222 : vector<32xbf16> to vector<16xi32>
        %parallel_loop3A_224 = arith.constant 16 : i32
        %parallel_loop3A_225 = vector.broadcast %parallel_loop3A_224 : i32 to vector<16xi32>
        %parallel_loop3A_226 = arith.shli %parallel_loop3A_223, %parallel_loop3A_225 : vector<16xi32>
        %parallel_loop3A_227 = vector.bitcast %parallel_loop3A_226 : vector<16xi32> to vector<16xf32>
        %parallel_loop3A_228 = arith.constant -65536 : i32
        %parallel_loop3A_229 = vector.broadcast %parallel_loop3A_228 : i32 to vector<16xi32>
        %parallel_loop3A_230 = arith.andi %parallel_loop3A_223, %parallel_loop3A_229 : vector<16xi32>
        %parallel_loop3A_231 = vector.bitcast %parallel_loop3A_230 : vector<16xi32> to vector<16xf32>
        %parallel_loop3A_232 = arith.mulf %parallel_loop3A_227, %parallel_loop3A_199 : vector<16xf32>
        %parallel_loop3A_233 = arith.index_cast %parallel_loop3A_195 : i32 to index
        %parallel_loop3A_234 = arith.constant 32 : index
        %parallel_loop3A_235 = tpu.vector_load %arg17[%parallel_loop3A_233, %parallel_loop3A_234] {strides = array<i32>} : memref<80x128xf32, #tpu.memory_space<vmem>>, vector<16xf32>,
        tpu.vector_store %arg17[%parallel_loop3A_233, %parallel_loop3A_234], %parallel_loop3A_232 {strides = array<i32>} : memref<80x128xf32, #tpu.memory_space<vmem>>, vector<16xf32>,
        %parallel_loop3A_236 = arith.mulf %parallel_loop3A_231, %parallel_loop3A_199 : vector<16xf32>
        %parallel_loop3A_237 = arith.index_cast %parallel_loop3A_195 : i32 to index
        %parallel_loop3A_238 = arith.constant 48 : index
        %parallel_loop3A_239 = tpu.vector_load %arg17[%parallel_loop3A_237, %parallel_loop3A_238] {strides = array<i32>} : memref<80x128xf32, #tpu.memory_space<vmem>>, vector<16xf32>,
        tpu.vector_store %arg17[%parallel_loop3A_237, %parallel_loop3A_238], %parallel_loop3A_236 {strides = array<i32>} : memref<80x128xf32, #tpu.memory_space<vmem>>, vector<16xf32>,
        %parallel_loop3A_240 = arith.index_cast %parallel_loop3A_195 : i32 to index
        %parallel_loop3A_241 = arith.constant 64 : index
        %parallel_loop3A_242 = tpu.vector_load %arg15[%parallel_loop3A_240, %parallel_loop3A_241] {strides = array<i32>} : memref<80x128xbf16, #tpu.memory_space<vmem>>, vector<32xbf16>,
        %parallel_loop3A_243 = vector.bitcast %parallel_loop3A_242 : vector<32xbf16> to vector<16xi32>
        %parallel_loop3A_244 = arith.constant 16 : i32
        %parallel_loop3A_245 = vector.broadcast %parallel_loop3A_244 : i32 to vector<16xi32>
        %parallel_loop3A_246 = arith.shli %parallel_loop3A_243, %parallel_loop3A_245 : vector<16xi32>
        %parallel_loop3A_247 = vector.bitcast %parallel_loop3A_246 : vector<16xi32> to vector<16xf32>
        %parallel_loop3A_248 = arith.constant -65536 : i32
        %parallel_loop3A_249 = vector.broadcast %parallel_loop3A_248 : i32 to vector<16xi32>
        %parallel_loop3A_250 = arith.andi %parallel_loop3A_243, %parallel_loop3A_249 : vector<16xi32>
        %parallel_loop3A_251 = vector.bitcast %parallel_loop3A_250 : vector<16xi32> to vector<16xf32>
        %parallel_loop3A_252 = arith.mulf %parallel_loop3A_247, %parallel_loop3A_199 : vector<16xf32>
        %parallel_loop3A_253 = arith.index_cast %parallel_loop3A_195 : i32 to index
        %parallel_loop3A_254 = arith.constant 64 : index
        %parallel_loop3A_255 = tpu.vector_load %arg17[%parallel_loop3A_253, %parallel_loop3A_254] {strides = array<i32>} : memref<80x128xf32, #tpu.memory_space<vmem>>, vector<16xf32>,
        tpu.vector_store %arg17[%parallel_loop3A_253, %parallel_loop3A_254], %parallel_loop3A_252 {strides = array<i32>} : memref<80x128xf32, #tpu.memory_space<vmem>>, vector<16xf32>,
        %parallel_loop3A_256 = arith.mulf %parallel_loop3A_251, %parallel_loop3A_199 : vector<16xf32>
        %parallel_loop3A_257 = arith.index_cast %parallel_loop3A_195 : i32 to index
        %parallel_loop3A_258 = arith.constant 80 : index
        %parallel_loop3A_259 = tpu.vector_load %arg17[%parallel_loop3A_257, %parallel_loop3A_258] {strides = array<i32>} : memref<80x128xf32, #tpu.memory_space<vmem>>, vector<16xf32>,
        tpu.vector_store %arg17[%parallel_loop3A_257, %parallel_loop3A_258], %parallel_loop3A_256 {strides = array<i32>} : memref<80x128xf32, #tpu.memory_space<vmem>>, vector<16xf32>,
        %parallel_loop3A_260 = arith.index_cast %parallel_loop3A_195 : i32 to index
        %parallel_loop3A_261 = arith.constant 96 : index
        %parallel_loop3A_262 = tpu.vector_load %arg15[%parallel_loop3A_260, %parallel_loop3A_261] {strides = array<i32>} : memref<80x128xbf16, #tpu.memory_space<vmem>>, vector<32xbf16>,
        %parallel_loop3A_263 = vector.bitcast %parallel_loop3A_262 : vector<32xbf16> to vector<16xi32>
        %parallel_loop3A_264 = arith.constant 16 : i32
        %parallel_loop3A_265 = vector.broadcast %parallel_loop3A_264 : i32 to vector<16xi32>
        %parallel_loop3A_266 = arith.shli %parallel_loop3A_263, %parallel_loop3A_265 : vector<16xi32>
        %parallel_loop3A_267 = vector.bitcast %parallel_loop3A_266 : vector<16xi32> to vector<16xf32>
        %parallel_loop3A_268 = arith.constant -65536 : i32
        %parallel_loop3A_269 = vector.broadcast %parallel_loop3A_268 : i32 to vector<16xi32>
        %parallel_loop3A_270 = arith.andi %parallel_loop3A_263, %parallel_loop3A_269 : vector<16xi32>
        %parallel_loop3A_271 = vector.bitcast %parallel_loop3A_270 : vector<16xi32> to vector<16xf32>
        %parallel_loop3A_272 = arith.mulf %parallel_loop3A_267, %parallel_loop3A_199 : vector<16xf32>
        %parallel_loop3A_273 = arith.index_cast %parallel_loop3A_195 : i32 to index
        %parallel_loop3A_274 = arith.constant 96 : index
        %parallel_loop3A_275 = tpu.vector_load %arg17[%parallel_loop3A_273, %parallel_loop3A_274] {strides = array<i32>} : memref<80x128xf32, #tpu.memory_space<vmem>>, vector<16xf32>,
        tpu.vector_store %arg17[%parallel_loop3A_273, %parallel_loop3A_274], %parallel_loop3A_272 {strides = array<i32>} : memref<80x128xf32, #tpu.memory_space<vmem>>, vector<16xf32>,
        %parallel_loop3A_276 = arith.mulf %parallel_loop3A_271, %parallel_loop3A_199 : vector<16xf32>
        %parallel_loop3A_277 = arith.index_cast %parallel_loop3A_195 : i32 to index
        %parallel_loop3A_278 = arith.constant 112 : index
        %parallel_loop3A_279 = tpu.vector_load %arg17[%parallel_loop3A_277, %parallel_loop3A_278] {strides = array<i32>} : memref<80x128xf32, #tpu.memory_space<vmem>>, vector<16xf32>,
        tpu.vector_store %arg17[%parallel_loop3A_277, %parallel_loop3A_278], %parallel_loop3A_276 {strides = array<i32>} : memref<80x128xf32, #tpu.memory_space<vmem>>, vector<16xf32>,
      } {sc.loop_unroll_factor = 8 : i64, sc.parallel_access}
      %dma_start3A_153 = arith.constant 23 : i32
      %dma_start3A_154 = arith.constant 0 : i32
      %dma_start3A_155 = tpu.memref_slice %arg11[%dma_start3A_153, %dma_start3A_154] : memref<25x80xi32, #tpu.memory_space<vmem>> -> memref<1x80xi32, #tpu.memory_space<vmem>>
      %dma_start3A_156 = tpu.memref_squeeze %dma_start3A_155 : memref<1x80xi32, #tpu.memory_space<vmem>> -> memref<80xi32, #tpu.memory_space<vmem>>
      %dma_start3A_157 = arith.constant 0 : i32
      %dma_start3A_158 = arith.constant 0 : i32
      %dma_start3A_159 = tpu.memref_slice %arg19[%dma_start3A_157, %dma_start3A_158] : memref<10000x128xf32, #tpu.memory_space<vmem_shared>> -> memref<10000x128xf32, #tpu.memory_space<vmem_shared>>
      tpu.enqueue_indirect_dma source(%arg17 : memref<80x128xf32, #tpu.memory_space<vmem>>) target(%dma_start3A_159 : memref<10000x128xf32, #tpu.memory_space<vmem_shared>>) offsets(%dma_start3A_156 : memref<80xi32, #tpu.memory_space<vmem>>) semaphore(%arg24 : memref<!tpu.dma_semaphore, #tpu.memory_space<semaphore_mem>>) {add = true}
      %convert_element_type3A_160 = arith.extui %eq3A_134 : i1 to i32
      %cond3A_161 = arith.constant 0 : i32
      %cond3A_162 = arith.cmpi ne, %convert_element_type3A_160, %cond3A_161 : i32
      scf.if %cond3A_162 {
        %dma_wait3A_195 = arith.constant 23 : i32
        %dma_wait3A_196 = arith.constant 0 : i32
        %dma_wait3A_197 = tpu.memref_slice %arg11[%dma_wait3A_195, %dma_wait3A_196] : memref<25x80xi32, #tpu.memory_space<vmem>> -> memref<1x80xi32, #tpu.memory_space<vmem>>
        %dma_wait3A_198 = tpu.memref_squeeze %dma_wait3A_197 : memref<1x80xi32, #tpu.memory_space<vmem>> -> memref<80xi32, #tpu.memory_space<vmem>>
        %dma_wait3A_199 = arith.constant 0 : i32
        %dma_wait3A_200 = arith.constant 0 : i32
        %dma_wait3A_201 = tpu.memref_slice %arg20[%dma_wait3A_199, %dma_wait3A_200] : memref<10000x16xf32, #tpu.memory_space<vmem_shared>> -> memref<10000x16xf32, #tpu.memory_space<vmem_shared>>
        tpu.wait_indirect_dma semaphore(%arg25 : memref<!tpu.dma_semaphore, #tpu.memory_space<semaphore_mem>>) src(%arg18 : memref<80x16xf32, #tpu.memory_space<vmem>>) dst(%dma_wait3A_201 : memref<10000x16xf32, #tpu.memory_space<vmem_shared>>)
      } else {
      }
      %dma_wait3A_163 = arith.constant 1920 : i32
      %dma_wait3A_164 = tpu.memref_slice %arg12[%dma_wait3A_163] : memref<2000xi32, #tpu.memory_space<vmem>> -> memref<80xi32, #tpu.memory_space<vmem>>
      %dma_wait3A_165 = arith.constant 0 : i32
      %dma_wait3A_166 = arith.constant 0 : i32
      %dma_wait3A_167 = tpu.memref_slice %arg2[%dma_wait3A_165, %dma_wait3A_166] : memref<20000x128xbf16, #tpu.memory_space<hbm>> -> memref<20000x128xbf16, #tpu.memory_space<hbm>>
      tpu.wait_indirect_dma semaphore(%arg21 : memref<!tpu.dma_semaphore, #tpu.memory_space<semaphore_mem>>) src(%dma_wait3A_167 : memref<20000x128xbf16, #tpu.memory_space<hbm>>) dst(%arg14 : memref<80x128xbf16, #tpu.memory_space<vmem>>)
      %rem3A_168 = arith.constant 24 : i32
      %rem3A_169 = arith.constant 2 : i32
      %rem3A_170 = arith.remsi %rem3A_168, %rem3A_169 : i32
      %eq3A_171 = arith.cmpi eq, %arg0, %rem3A_170 : i32
      %convert_element_type3A_172 = arith.extui %eq3A_171 : i1 to i32
      %cond3A_173 = arith.constant 0 : i32
      %cond3A_174 = arith.cmpi ne, %convert_element_type3A_172, %cond3A_173 : i32
      scf.if %cond3A_174 {
        %dma_start3A_195 = arith.constant 24 : i32
        %dma_start3A_196 = arith.constant 0 : i32
        %dma_start3A_197 = tpu.memref_slice %arg11[%dma_start3A_195, %dma_start3A_196] : memref<25x80xi32, #tpu.memory_space<vmem>> -> memref<1x80xi32, #tpu.memory_space<vmem>>
        %dma_start3A_198 = tpu.memref_squeeze %dma_start3A_197 : memref<1x80xi32, #tpu.memory_space<vmem>> -> memref<80xi32, #tpu.memory_space<vmem>>
        %dma_start3A_199 = arith.constant 0 : i32
        %dma_start3A_200 = arith.constant 0 : i32
        %dma_start3A_201 = tpu.memref_slice %arg20[%dma_start3A_199, %dma_start3A_200] : memref<10000x16xf32, #tpu.memory_space<vmem_shared>> -> memref<10000x16xf32, #tpu.memory_space<vmem_shared>>
        tpu.enqueue_indirect_dma source(%arg18 : memref<80x16xf32, #tpu.memory_space<vmem>>) target(%dma_start3A_201 : memref<10000x16xf32, #tpu.memory_space<vmem_shared>>) offsets(%dma_start3A_198 : memref<80xi32, #tpu.memory_space<vmem>>) semaphore(%arg25 : memref<!tpu.dma_semaphore, #tpu.memory_space<semaphore_mem>>) {add = true}
      } else {
      }
      %dma_wait3A_175 = arith.constant 22 : i32
      %dma_wait3A_176 = arith.constant 0 : i32
      %dma_wait3A_177 = tpu.memref_slice %arg11[%dma_wait3A_175, %dma_wait3A_176] : memref<25x80xi32, #tpu.memory_space<vmem>> -> memref<1x80xi32, #tpu.memory_space<vmem>>
      %dma_wait3A_178 = tpu.memref_squeeze %dma_wait3A_177 : memref<1x80xi32, #tpu.memory_space<vmem>> -> memref<80xi32, #tpu.memory_space<vmem>>
      %dma_wait3A_179 = arith.constant 0 : i32
      %dma_wait3A_180 = arith.constant 0 : i32
      %dma_wait3A_181 = tpu.memref_slice %arg19[%dma_wait3A_179, %dma_wait3A_180] : memref<10000x128xf32, #tpu.memory_space<vmem_shared>> -> memref<10000x128xf32, #tpu.memory_space<vmem_shared>>
      tpu.wait_indirect_dma semaphore(%arg23 : memref<!tpu.dma_semaphore, #tpu.memory_space<semaphore_mem>>) src(%arg16 : memref<80x128xf32, #tpu.memory_space<vmem>>) dst(%dma_wait3A_181 : memref<10000x128xf32, #tpu.memory_space<vmem_shared>>)
      %parallel_loop3A_182 = arith.constant 0 : i32
      %parallel_loop3A_183 = arith.constant 80 : i32
      %parallel_loop3A_184 = arith.constant 1 : i32
      scf.for %parallel_loop3A_195 = %parallel_loop3A_182 to %parallel_loop3A_183 step %parallel_loop3A_184  : i32 {
        %parallel_loop3A_196 = arith.constant 1920 : i32
        %parallel_loop3A_197 = arith.addi %parallel_loop3A_196, %parallel_loop3A_195 : i32
        %parallel_loop3A_198 = vector.broadcast %parallel_loop3A_197 : i32 to vector<16xi32>
        %parallel_loop3A_199 = tpu.vector_load_idx %arg13[%parallel_loop3A_198] : memref<2000xf32, #tpu.memory_space<vmem>>[vector<16xi32>], vector<16xf32>,
        %parallel_loop3A_200 = arith.index_cast %parallel_loop3A_195 : i32 to index
        %parallel_loop3A_201 = arith.constant 0 : index
        %parallel_loop3A_202 = tpu.vector_load %arg14[%parallel_loop3A_200, %parallel_loop3A_201] {strides = array<i32>} : memref<80x128xbf16, #tpu.memory_space<vmem>>, vector<32xbf16>,
        %parallel_loop3A_203 = vector.bitcast %parallel_loop3A_202 : vector<32xbf16> to vector<16xi32>
        %parallel_loop3A_204 = arith.constant 16 : i32
        %parallel_loop3A_205 = vector.broadcast %parallel_loop3A_204 : i32 to vector<16xi32>
        %parallel_loop3A_206 = arith.shli %parallel_loop3A_203, %parallel_loop3A_205 : vector<16xi32>
        %parallel_loop3A_207 = vector.bitcast %parallel_loop3A_206 : vector<16xi32> to vector<16xf32>
        %parallel_loop3A_208 = arith.constant -65536 : i32
        %parallel_loop3A_209 = vector.broadcast %parallel_loop3A_208 : i32 to vector<16xi32>
        %parallel_loop3A_210 = arith.andi %parallel_loop3A_203, %parallel_loop3A_209 : vector<16xi32>
        %parallel_loop3A_211 = vector.bitcast %parallel_loop3A_210 : vector<16xi32> to vector<16xf32>
        %parallel_loop3A_212 = arith.mulf %parallel_loop3A_207, %parallel_loop3A_199 : vector<16xf32>
        %parallel_loop3A_213 = arith.index_cast %parallel_loop3A_195 : i32 to index
        %parallel_loop3A_214 = arith.constant 0 : index
        %parallel_loop3A_215 = tpu.vector_load %arg16[%parallel_loop3A_213, %parallel_loop3A_214] {strides = array<i32>} : memref<80x128xf32, #tpu.memory_space<vmem>>, vector<16xf32>,
        tpu.vector_store %arg16[%parallel_loop3A_213, %parallel_loop3A_214], %parallel_loop3A_212 {strides = array<i32>} : memref<80x128xf32, #tpu.memory_space<vmem>>, vector<16xf32>,
        %parallel_loop3A_216 = arith.mulf %parallel_loop3A_211, %parallel_loop3A_199 : vector<16xf32>
        %parallel_loop3A_217 = arith.index_cast %parallel_loop3A_195 : i32 to index
        %parallel_loop3A_218 = arith.constant 16 : index
        %parallel_loop3A_219 = tpu.vector_load %arg16[%parallel_loop3A_217, %parallel_loop3A_218] {strides = array<i32>} : memref<80x128xf32, #tpu.memory_space<vmem>>, vector<16xf32>,
        tpu.vector_store %arg16[%parallel_loop3A_217, %parallel_loop3A_218], %parallel_loop3A_216 {strides = array<i32>} : memref<80x128xf32, #tpu.memory_space<vmem>>, vector<16xf32>,
        %parallel_loop3A_220 = arith.index_cast %parallel_loop3A_195 : i32 to index
        %parallel_loop3A_221 = arith.constant 32 : index
        %parallel_loop3A_222 = tpu.vector_load %arg14[%parallel_loop3A_220, %parallel_loop3A_221] {strides = array<i32>} : memref<80x128xbf16, #tpu.memory_space<vmem>>, vector<32xbf16>,
        %parallel_loop3A_223 = vector.bitcast %parallel_loop3A_222 : vector<32xbf16> to vector<16xi32>
        %parallel_loop3A_224 = arith.constant 16 : i32
        %parallel_loop3A_225 = vector.broadcast %parallel_loop3A_224 : i32 to vector<16xi32>
        %parallel_loop3A_226 = arith.shli %parallel_loop3A_223, %parallel_loop3A_225 : vector<16xi32>
        %parallel_loop3A_227 = vector.bitcast %parallel_loop3A_226 : vector<16xi32> to vector<16xf32>
        %parallel_loop3A_228 = arith.constant -65536 : i32
        %parallel_loop3A_229 = vector.broadcast %parallel_loop3A_228 : i32 to vector<16xi32>
        %parallel_loop3A_230 = arith.andi %parallel_loop3A_223, %parallel_loop3A_229 : vector<16xi32>
        %parallel_loop3A_231 = vector.bitcast %parallel_loop3A_230 : vector<16xi32> to vector<16xf32>
        %parallel_loop3A_232 = arith.mulf %parallel_loop3A_227, %parallel_loop3A_199 : vector<16xf32>
        %parallel_loop3A_233 = arith.index_cast %parallel_loop3A_195 : i32 to index
        %parallel_loop3A_234 = arith.constant 32 : index
        %parallel_loop3A_235 = tpu.vector_load %arg16[%parallel_loop3A_233, %parallel_loop3A_234] {strides = array<i32>} : memref<80x128xf32, #tpu.memory_space<vmem>>, vector<16xf32>,
        tpu.vector_store %arg16[%parallel_loop3A_233, %parallel_loop3A_234], %parallel_loop3A_232 {strides = array<i32>} : memref<80x128xf32, #tpu.memory_space<vmem>>, vector<16xf32>,
        %parallel_loop3A_236 = arith.mulf %parallel_loop3A_231, %parallel_loop3A_199 : vector<16xf32>
        %parallel_loop3A_237 = arith.index_cast %parallel_loop3A_195 : i32 to index
        %parallel_loop3A_238 = arith.constant 48 : index
        %parallel_loop3A_239 = tpu.vector_load %arg16[%parallel_loop3A_237, %parallel_loop3A_238] {strides = array<i32>} : memref<80x128xf32, #tpu.memory_space<vmem>>, vector<16xf32>,
        tpu.vector_store %arg16[%parallel_loop3A_237, %parallel_loop3A_238], %parallel_loop3A_236 {strides = array<i32>} : memref<80x128xf32, #tpu.memory_space<vmem>>, vector<16xf32>,
        %parallel_loop3A_240 = arith.index_cast %parallel_loop3A_195 : i32 to index
        %parallel_loop3A_241 = arith.constant 64 : index
        %parallel_loop3A_242 = tpu.vector_load %arg14[%parallel_loop3A_240, %parallel_loop3A_241] {strides = array<i32>} : memref<80x128xbf16, #tpu.memory_space<vmem>>, vector<32xbf16>,
        %parallel_loop3A_243 = vector.bitcast %parallel_loop3A_242 : vector<32xbf16> to vector<16xi32>
        %parallel_loop3A_244 = arith.constant 16 : i32
        %parallel_loop3A_245 = vector.broadcast %parallel_loop3A_244 : i32 to vector<16xi32>
        %parallel_loop3A_246 = arith.shli %parallel_loop3A_243, %parallel_loop3A_245 : vector<16xi32>
        %parallel_loop3A_247 = vector.bitcast %parallel_loop3A_246 : vector<16xi32> to vector<16xf32>
        %parallel_loop3A_248 = arith.constant -65536 : i32
        %parallel_loop3A_249 = vector.broadcast %parallel_loop3A_248 : i32 to vector<16xi32>
        %parallel_loop3A_250 = arith.andi %parallel_loop3A_243, %parallel_loop3A_249 : vector<16xi32>
        %parallel_loop3A_251 = vector.bitcast %parallel_loop3A_250 : vector<16xi32> to vector<16xf32>
        %parallel_loop3A_252 = arith.mulf %parallel_loop3A_247, %parallel_loop3A_199 : vector<16xf32>
        %parallel_loop3A_253 = arith.index_cast %parallel_loop3A_195 : i32 to index
        %parallel_loop3A_254 = arith.constant 64 : index
        %parallel_loop3A_255 = tpu.vector_load %arg16[%parallel_loop3A_253, %parallel_loop3A_254] {strides = array<i32>} : memref<80x128xf32, #tpu.memory_space<vmem>>, vector<16xf32>,
        tpu.vector_store %arg16[%parallel_loop3A_253, %parallel_loop3A_254], %parallel_loop3A_252 {strides = array<i32>} : memref<80x128xf32, #tpu.memory_space<vmem>>, vector<16xf32>,
        %parallel_loop3A_256 = arith.mulf %parallel_loop3A_251, %parallel_loop3A_199 : vector<16xf32>
        %parallel_loop3A_257 = arith.index_cast %parallel_loop3A_195 : i32 to index
        %parallel_loop3A_258 = arith.constant 80 : index
        %parallel_loop3A_259 = tpu.vector_load %arg16[%parallel_loop3A_257, %parallel_loop3A_258] {strides = array<i32>} : memref<80x128xf32, #tpu.memory_space<vmem>>, vector<16xf32>,
        tpu.vector_store %arg16[%parallel_loop3A_257, %parallel_loop3A_258], %parallel_loop3A_256 {strides = array<i32>} : memref<80x128xf32, #tpu.memory_space<vmem>>, vector<16xf32>,
        %parallel_loop3A_260 = arith.index_cast %parallel_loop3A_195 : i32 to index
        %parallel_loop3A_261 = arith.constant 96 : index
        %parallel_loop3A_262 = tpu.vector_load %arg14[%parallel_loop3A_260, %parallel_loop3A_261] {strides = array<i32>} : memref<80x128xbf16, #tpu.memory_space<vmem>>, vector<32xbf16>,
        %parallel_loop3A_263 = vector.bitcast %parallel_loop3A_262 : vector<32xbf16> to vector<16xi32>
        %parallel_loop3A_264 = arith.constant 16 : i32
        %parallel_loop3A_265 = vector.broadcast %parallel_loop3A_264 : i32 to vector<16xi32>
        %parallel_loop3A_266 = arith.shli %parallel_loop3A_263, %parallel_loop3A_265 : vector<16xi32>
        %parallel_loop3A_267 = vector.bitcast %parallel_loop3A_266 : vector<16xi32> to vector<16xf32>
        %parallel_loop3A_268 = arith.constant -65536 : i32
        %parallel_loop3A_269 = vector.broadcast %parallel_loop3A_268 : i32 to vector<16xi32>
        %parallel_loop3A_270 = arith.andi %parallel_loop3A_263, %parallel_loop3A_269 : vector<16xi32>
        %parallel_loop3A_271 = vector.bitcast %parallel_loop3A_270 : vector<16xi32> to vector<16xf32>
        %parallel_loop3A_272 = arith.mulf %parallel_loop3A_267, %parallel_loop3A_199 : vector<16xf32>
        %parallel_loop3A_273 = arith.index_cast %parallel_loop3A_195 : i32 to index
        %parallel_loop3A_274 = arith.constant 96 : index
        %parallel_loop3A_275 = tpu.vector_load %arg16[%parallel_loop3A_273, %parallel_loop3A_274] {strides = array<i32>} : memref<80x128xf32, #tpu.memory_space<vmem>>, vector<16xf32>,
        tpu.vector_store %arg16[%parallel_loop3A_273, %parallel_loop3A_274], %parallel_loop3A_272 {strides = array<i32>} : memref<80x128xf32, #tpu.memory_space<vmem>>, vector<16xf32>,
        %parallel_loop3A_276 = arith.mulf %parallel_loop3A_271, %parallel_loop3A_199 : vector<16xf32>
        %parallel_loop3A_277 = arith.index_cast %parallel_loop3A_195 : i32 to index
        %parallel_loop3A_278 = arith.constant 112 : index
        %parallel_loop3A_279 = tpu.vector_load %arg16[%parallel_loop3A_277, %parallel_loop3A_278] {strides = array<i32>} : memref<80x128xf32, #tpu.memory_space<vmem>>, vector<16xf32>,
        tpu.vector_store %arg16[%parallel_loop3A_277, %parallel_loop3A_278], %parallel_loop3A_276 {strides = array<i32>} : memref<80x128xf32, #tpu.memory_space<vmem>>, vector<16xf32>,
      } {sc.loop_unroll_factor = 8 : i64, sc.parallel_access}
      %run_scoped3A = arith.constant 24 : i32
      "tpu.region"() ({
        %run_scoped3A_195 = tpu.sem_alloc : memref<!tpu.dma_semaphore, #tpu.memory_space<semaphore_mem>>
        %dma_start3A_196 = arith.constant 0 : i32
        %dma_start3A_197 = tpu.memref_slice %arg11[%run_scoped3A, %dma_start3A_196] : memref<25x80xi32, #tpu.memory_space<vmem>> -> memref<1x80xi32, #tpu.memory_space<vmem>>
        %dma_start3A_198 = tpu.memref_squeeze %dma_start3A_197 : memref<1x80xi32, #tpu.memory_space<vmem>> -> memref<80xi32, #tpu.memory_space<vmem>>
        %dma_start3A_199 = arith.constant 0 : i32
        %dma_start3A_200 = arith.constant 0 : i32
        %dma_start3A_201 = tpu.memref_slice %arg19[%dma_start3A_199, %dma_start3A_200] : memref<10000x128xf32, #tpu.memory_space<vmem_shared>> -> memref<10000x128xf32, #tpu.memory_space<vmem_shared>>
        tpu.enqueue_indirect_dma source(%arg16 : memref<80x128xf32, #tpu.memory_space<vmem>>) target(%dma_start3A_201 : memref<10000x128xf32, #tpu.memory_space<vmem_shared>>) offsets(%dma_start3A_198 : memref<80xi32, #tpu.memory_space<vmem>>) semaphore(%run_scoped3A_195 : memref<!tpu.dma_semaphore, #tpu.memory_space<semaphore_mem>>) {add = true}
        %dma_wait3A_202 = arith.constant 0 : i32
        %dma_wait3A_203 = tpu.memref_slice %arg11[%run_scoped3A, %dma_wait3A_202] : memref<25x80xi32, #tpu.memory_space<vmem>> -> memref<1x80xi32, #tpu.memory_space<vmem>>
        %dma_wait3A_204 = tpu.memref_squeeze %dma_wait3A_203 : memref<1x80xi32, #tpu.memory_space<vmem>> -> memref<80xi32, #tpu.memory_space<vmem>>
        %dma_wait3A_205 = arith.constant 0 : i32
        %dma_wait3A_206 = arith.constant 0 : i32
        %dma_wait3A_207 = tpu.memref_slice %arg19[%dma_wait3A_205, %dma_wait3A_206] : memref<10000x128xf32, #tpu.memory_space<vmem_shared>> -> memref<10000x128xf32, #tpu.memory_space<vmem_shared>>
        tpu.wait_indirect_dma semaphore(%run_scoped3A_195 : memref<!tpu.dma_semaphore, #tpu.memory_space<semaphore_mem>>) src(%arg16 : memref<80x128xf32, #tpu.memory_space<vmem>>) dst(%dma_wait3A_207 : memref<10000x128xf32, #tpu.memory_space<vmem_shared>>)
        tpu.yield
      }) : () -> ()
      %convert_element_type3A_185 = arith.extui %eq3A_171 : i1 to i32
      %cond3A_186 = arith.constant 0 : i32
      %cond3A_187 = arith.cmpi ne, %convert_element_type3A_185, %cond3A_186 : i32
      scf.if %cond3A_187 {
        %dma_wait3A_195 = arith.constant 24 : i32
        %dma_wait3A_196 = arith.constant 0 : i32
        %dma_wait3A_197 = tpu.memref_slice %arg11[%dma_wait3A_195, %dma_wait3A_196] : memref<25x80xi32, #tpu.memory_space<vmem>> -> memref<1x80xi32, #tpu.memory_space<vmem>>
        %dma_wait3A_198 = tpu.memref_squeeze %dma_wait3A_197 : memref<1x80xi32, #tpu.memory_space<vmem>> -> memref<80xi32, #tpu.memory_space<vmem>>
        %dma_wait3A_199 = arith.constant 0 : i32
        %dma_wait3A_200 = arith.constant 0 : i32
        %dma_wait3A_201 = tpu.memref_slice %arg20[%dma_wait3A_199, %dma_wait3A_200] : memref<10000x16xf32, #tpu.memory_space<vmem_shared>> -> memref<10000x16xf32, #tpu.memory_space<vmem_shared>>
        tpu.wait_indirect_dma semaphore(%arg25 : memref<!tpu.dma_semaphore, #tpu.memory_space<semaphore_mem>>) src(%arg18 : memref<80x16xf32, #tpu.memory_space<vmem>>) dst(%dma_wait3A_201 : memref<10000x16xf32, #tpu.memory_space<vmem_shared>>)
      } else {
      }
      %dma_wait3A_188 = arith.constant 23 : i32
      %dma_wait3A_189 = arith.constant 0 : i32
      %dma_wait3A_190 = tpu.memref_slice %arg11[%dma_wait3A_188, %dma_wait3A_189] : memref<25x80xi32, #tpu.memory_space<vmem>> -> memref<1x80xi32, #tpu.memory_space<vmem>>
      %dma_wait3A_191 = tpu.memref_squeeze %dma_wait3A_190 : memref<1x80xi32, #tpu.memory_space<vmem>> -> memref<80xi32, #tpu.memory_space<vmem>>
      %dma_wait3A_192 = arith.constant 0 : i32
      %dma_wait3A_193 = arith.constant 0 : i32
      %dma_wait3A_194 = tpu.memref_slice %arg19[%dma_wait3A_192, %dma_wait3A_193] : memref<10000x128xf32, #tpu.memory_space<vmem_shared>> -> memref<10000x128xf32, #tpu.memory_space<vmem_shared>>
      tpu.wait_indirect_dma semaphore(%arg24 : memref<!tpu.dma_semaphore, #tpu.memory_space<semaphore_mem>>) src(%arg17 : memref<80x128xf32, #tpu.memory_space<vmem>>) dst(%dma_wait3A_194 : memref<10000x128xf32, #tpu.memory_space<vmem_shared>>)
    }
    %scan3A_52 = arith.constant 5 : i32
    %barrier3A_53 = arith.constant 0 : index
    tpu.barrier barrier_id(%barrier3A_53)
    %eq3A = arith.constant 0 : i32
    %eq3A_54 = arith.cmpi eq, %arg0, %eq3A : i32
    %convert_element_type3A = arith.extui %eq3A_54 : i1 to i32
    %cond3A = arith.constant 0 : i32
    %cond3A_55 = arith.cmpi ne, %convert_element_type3A, %cond3A : i32
    scf.if %cond3A_55 {
      "tpu.region"() ({
        %run_scoped3A = tpu.sem_alloc : memref<!tpu.dma_semaphore, #tpu.memory_space<semaphore_mem>>
        %dma_start3A = arith.constant 0 : i32
        %dma_start3A_61 = tpu.memref_slice %arg6[%mul3A_0, %dma_start3A] : memref<10000x128xf32, #tpu.memory_space<hbm>> -> memref<625x128xf32, #tpu.memory_space<hbm>>
        %dma_start3A_62 = arith.constant 0 : i32
        %dma_start3A_63 = tpu.memref_slice %arg19[%mul3A_0, %dma_start3A_62] : memref<10000x128xf32, #tpu.memory_space<vmem_shared>> -> memref<625x128xf32, #tpu.memory_space<vmem_shared>>
        tpu.enqueue_dma source(%dma_start3A_63 : memref<625x128xf32, #tpu.memory_space<vmem_shared>>) target(%dma_start3A_61 : memref<625x128xf32, #tpu.memory_space<hbm>>) target_semaphore(%run_scoped3A : memref<!tpu.dma_semaphore, #tpu.memory_space<semaphore_mem>>)
        %dma_wait3A = arith.constant 0 : i32
        %dma_wait3A_64 = tpu.memref_slice %arg6[%mul3A_0, %dma_wait3A] : memref<10000x128xf32, #tpu.memory_space<hbm>> -> memref<625x128xf32, #tpu.memory_space<hbm>>
        %dma_wait3A_65 = arith.constant 0 : i32
        %dma_wait3A_66 = tpu.memref_slice %arg19[%mul3A_0, %dma_wait3A_65] : memref<10000x128xf32, #tpu.memory_space<vmem_shared>> -> memref<625x128xf32, #tpu.memory_space<vmem_shared>>
        tpu.wait_dma2 semaphore(%run_scoped3A : memref<!tpu.dma_semaphore, #tpu.memory_space<semaphore_mem>>) src(%dma_wait3A_66 : memref<625x128xf32, #tpu.memory_space<vmem_shared>>) dst(%dma_wait3A_64 : memref<625x128xf32, #tpu.memory_space<hbm>>)
        tpu.yield
      }) : () -> ()
      "tpu.region"() ({
        %run_scoped3A = tpu.sem_alloc : memref<!tpu.dma_semaphore, #tpu.memory_space<semaphore_mem>>
        %dma_start3A = arith.constant 0 : i32
        %dma_start3A_61 = tpu.memref_slice %arg8[%mul3A_0, %dma_start3A] : memref<10000x16xf32, #tpu.memory_space<hbm>> -> memref<625x16xf32, #tpu.memory_space<hbm>>
        %dma_start3A_62 = arith.constant 0 : i32
        %dma_start3A_63 = tpu.memref_slice %arg20[%mul3A_0, %dma_start3A_62] : memref<10000x16xf32, #tpu.memory_space<vmem_shared>> -> memref<625x16xf32, #tpu.memory_space<vmem_shared>>
        tpu.enqueue_dma source(%dma_start3A_63 : memref<625x16xf32, #tpu.memory_space<vmem_shared>>) target(%dma_start3A_61 : memref<625x16xf32, #tpu.memory_space<hbm>>) target_semaphore(%run_scoped3A : memref<!tpu.dma_semaphore, #tpu.memory_space<semaphore_mem>>)
        %dma_wait3A = arith.constant 0 : i32
        %dma_wait3A_64 = tpu.memref_slice %arg8[%mul3A_0, %dma_wait3A] : memref<10000x16xf32, #tpu.memory_space<hbm>> -> memref<625x16xf32, #tpu.memory_space<hbm>>
        %dma_wait3A_65 = arith.constant 0 : i32
        %dma_wait3A_66 = tpu.memref_slice %arg20[%mul3A_0, %dma_wait3A_65] : memref<10000x16xf32, #tpu.memory_space<vmem_shared>> -> memref<625x16xf32, #tpu.memory_space<vmem_shared>>
        tpu.wait_dma2 semaphore(%run_scoped3A : memref<!tpu.dma_semaphore, #tpu.memory_space<semaphore_mem>>) src(%dma_wait3A_66 : memref<625x16xf32, #tpu.memory_space<vmem_shared>>) dst(%dma_wait3A_64 : memref<625x16xf32, #tpu.memory_space<hbm>>)
        tpu.yield
      }) : () -> ()
    } else {
    }
    %eq3A_56 = arith.constant 1 : i32
    %eq3A_57 = arith.cmpi eq, %arg0, %eq3A_56 : i32
    %convert_element_type3A_58 = arith.extui %eq3A_57 : i1 to i32
    %cond3A_59 = arith.constant 0 : i32
    %cond3A_60 = arith.cmpi ne, %convert_element_type3A_58, %cond3A_59 : i32
    scf.if %cond3A_60 {
      "tpu.region"() ({
        %run_scoped3A = tpu.sem_alloc : memref<!tpu.dma_semaphore, #tpu.memory_space<semaphore_mem>>
        %dma_start3A = arith.constant 0 : i32
        %dma_start3A_61 = tpu.memref_slice %arg7[%mul3A_0, %dma_start3A] : memref<10000x128xf32, #tpu.memory_space<hbm>> -> memref<625x128xf32, #tpu.memory_space<hbm>>
        %dma_start3A_62 = arith.constant 0 : i32
        %dma_start3A_63 = tpu.memref_slice %arg19[%mul3A_0, %dma_start3A_62] : memref<10000x128xf32, #tpu.memory_space<vmem_shared>> -> memref<625x128xf32, #tpu.memory_space<vmem_shared>>
        tpu.enqueue_dma source(%dma_start3A_63 : memref<625x128xf32, #tpu.memory_space<vmem_shared>>) target(%dma_start3A_61 : memref<625x128xf32, #tpu.memory_space<hbm>>) target_semaphore(%run_scoped3A : memref<!tpu.dma_semaphore, #tpu.memory_space<semaphore_mem>>)
        %dma_wait3A = arith.constant 0 : i32
        %dma_wait3A_64 = tpu.memref_slice %arg7[%mul3A_0, %dma_wait3A] : memref<10000x128xf32, #tpu.memory_space<hbm>> -> memref<625x128xf32, #tpu.memory_space<hbm>>
        %dma_wait3A_65 = arith.constant 0 : i32
        %dma_wait3A_66 = tpu.memref_slice %arg19[%mul3A_0, %dma_wait3A_65] : memref<10000x128xf32, #tpu.memory_space<vmem_shared>> -> memref<625x128xf32, #tpu.memory_space<vmem_shared>>
        tpu.wait_dma2 semaphore(%run_scoped3A : memref<!tpu.dma_semaphore, #tpu.memory_space<semaphore_mem>>) src(%dma_wait3A_66 : memref<625x128xf32, #tpu.memory_space<vmem_shared>>) dst(%dma_wait3A_64 : memref<625x128xf32, #tpu.memory_space<hbm>>)
        tpu.yield
      }) : () -> ()
      "tpu.region"() ({
        %run_scoped3A = tpu.sem_alloc : memref<!tpu.dma_semaphore, #tpu.memory_space<semaphore_mem>>
        %dma_start3A = arith.constant 0 : i32
        %dma_start3A_61 = tpu.memref_slice %arg9[%mul3A_0, %dma_start3A] : memref<10000x16xf32, #tpu.memory_space<hbm>> -> memref<625x16xf32, #tpu.memory_space<hbm>>
        %dma_start3A_62 = arith.constant 0 : i32
        %dma_start3A_63 = tpu.memref_slice %arg20[%mul3A_0, %dma_start3A_62] : memref<10000x16xf32, #tpu.memory_space<vmem_shared>> -> memref<625x16xf32, #tpu.memory_space<vmem_shared>>
        tpu.enqueue_dma source(%dma_start3A_63 : memref<625x16xf32, #tpu.memory_space<vmem_shared>>) target(%dma_start3A_61 : memref<625x16xf32, #tpu.memory_space<hbm>>) target_semaphore(%run_scoped3A : memref<!tpu.dma_semaphore, #tpu.memory_space<semaphore_mem>>)
        %dma_wait3A = arith.constant 0 : i32
        %dma_wait3A_64 = tpu.memref_slice %arg9[%mul3A_0, %dma_wait3A] : memref<10000x16xf32, #tpu.memory_space<hbm>> -> memref<625x16xf32, #tpu.memory_space<hbm>>
        %dma_wait3A_65 = arith.constant 0 : i32
        %dma_wait3A_66 = tpu.memref_slice %arg20[%mul3A_0, %dma_wait3A_65] : memref<10000x16xf32, #tpu.memory_space<vmem_shared>> -> memref<625x16xf32, #tpu.memory_space<vmem_shared>>
        tpu.wait_dma2 semaphore(%run_scoped3A : memref<!tpu.dma_semaphore, #tpu.memory_space<semaphore_mem>>) src(%dma_wait3A_66 : memref<625x16xf32, #tpu.memory_space<vmem_shared>>) dst(%dma_wait3A_64 : memref<625x16xf32, #tpu.memory_space<hbm>>)
        tpu.yield
      }) : () -> ()
    } else {
    }
    return
  }
}

module attributes {stable_mosaic.version = 14 : i64} {
  func.func @_prep_body(%arg0: i32, %arg1: memref<2000x256xf32, #tpu.memory_space<vmem>>, %arg2: memref<256x256xf32, #tpu.memory_space<vmem>>, %arg3: memref<1x256xf32, #tpu.memory_space<vmem>>, %arg4: memref<1x256xf32, #tpu.memory_space<vmem>>, %arg5: memref<1x256xf32, #tpu.memory_space<vmem>>, %arg6: memref<2x160000xi32, #tpu.memory_space<vmem>>, %arg7: memref<2x2000x128xbf16, #tpu.memory_space<vmem>>, %arg8: memref<160000xi32, #tpu.memory_space<vmem>>, %arg9: memref<160000xi32, #tpu.memory_space<vmem>>) attributes {dimension_semantics = [#tpu.dimension_semantics<arbitrary>], iteration_bounds = array<i64: 5>, scalar_prefetch = 0 : i64, scratch_operands = 0 : i64, tpu.core_type = #tpu.core_type<tc>, window_params = [{transform_indices = @transform_0, window_bounds = array<i64: 2000, 256>}, {pipeline_mode = #tpu.pipeline_mode<synchronous>, transform_indices = @transform_1, window_bounds = array<i64: 256, 256>}, {pipeline_mode = #tpu.pipeline_mode<synchronous>, transform_indices = @transform_2, window_bounds = array<i64: 1, 256>}, {pipeline_mode = #tpu.pipeline_mode<synchronous>, transform_indices = @transform_3, window_bounds = array<i64: 1, 256>}, {pipeline_mode = #tpu.pipeline_mode<synchronous>, transform_indices = @transform_4, window_bounds = array<i64: 1, 256>}, {pipeline_mode = #tpu.pipeline_mode<synchronous>, transform_indices = @transform_5, window_bounds = array<i64: 2, 160000>}, {transform_indices = @transform_6, window_bounds = array<i64: 2, 2000, 128>}, {pipeline_mode = #tpu.pipeline_mode<synchronous>, transform_indices = @transform_7, window_bounds = array<i64: 160000>}, {pipeline_mode = #tpu.pipeline_mode<synchronous>, transform_indices = @transform_8, window_bounds = array<i64: 160000>}]} {
    %get3A = arith.constant 0 : index
    %get3A_0 = arith.constant 0 : index
    %get3A_1 = vector.load %arg1[%get3A, %get3A_0] : memref<2000x256xf32, #tpu.memory_space<vmem>>, vector<2000x256xf32>
    %get3A_2 = arith.constant 0 : index
    %get3A_3 = arith.constant 0 : index
    %get3A_4 = vector.load %arg4[%get3A_2, %get3A_3] : memref<1x256xf32, #tpu.memory_space<vmem>>, vector<1x256xf32>
    %mul3A = arith.constant 0.999500393 : f32
    %mul3A_5 = vector.broadcast %mul3A : f32 to vector<1x256xf32>
    %mul3A_6 = arith.mulf %get3A_4, %mul3A_5 : vector<1x256xf32>
    %mul3A_7 = vector.broadcast %mul3A_6 : vector<1x256xf32> to vector<2000x256xf32>
    %mul3A_8 = arith.mulf %get3A_1, %mul3A_7 : vector<2000x256xf32>
    %get3A_9 = arith.constant 0 : index
    %get3A_10 = arith.constant 0 : index
    %get3A_11 = vector.load %arg5[%get3A_9, %get3A_10] : memref<1x256xf32, #tpu.memory_space<vmem>>, vector<1x256xf32>
    %add3A = vector.broadcast %get3A_11 : vector<1x256xf32> to vector<2000x256xf32>
    %add3A_12 = arith.addf %mul3A_8, %add3A : vector<2000x256xf32>
    %get3A_13 = arith.constant 0 : index
    %get3A_14 = arith.constant 0 : index
    %get3A_15 = vector.load %arg2[%get3A_13, %get3A_14] : memref<256x256xf32, #tpu.memory_space<vmem>>, vector<256x256xf32>
    %dot_general3A = arith.constant dense<0.000000e+00> : vector<2000x256xf32>
    %dot_general3A_16 = tpu.matmul %add3A_12, %get3A_15, %dot_general3A {dimension_numbers = #tpu.dot_dimension_numbers<[1], [0], [0], [1], [0, 0, 1, 1], [], []>, transpose_lhs_hint = false} : vector<2000x256xf32>, vector<256x256xf32>, vector<2000x256xf32> -> vector<2000x256xf32>
    %get3A_17 = arith.constant 0 : index
    %get3A_18 = arith.constant 0 : index
    %get3A_19 = vector.load %arg3[%get3A_17, %get3A_18] : memref<1x256xf32, #tpu.memory_space<vmem>>, vector<1x256xf32>
    %add3A_20 = vector.broadcast %get3A_19 : vector<1x256xf32> to vector<2000x256xf32>
    %add3A_21 = arith.addf %dot_general3A_16, %add3A_20 : vector<2000x256xf32>
    %mul3A_22 = arith.constant 5.000000e-01 : f32
    %mul3A_23 = vector.broadcast %mul3A_22 : f32 to vector<2000x256xf32>
    %mul3A_24 = arith.mulf %mul3A_23, %add3A_21 : vector<2000x256xf32>
    %mul3A_25 = arith.constant 0.707106769 : f32
    %mul3A_26 = vector.broadcast %mul3A_25 : f32 to vector<2000x256xf32>
    %mul3A_27 = arith.mulf %add3A_21, %mul3A_26 : vector<2000x256xf32>
    %erf3A = math.erf %mul3A_27 : vector<2000x256xf32>
    %add3A_28 = arith.constant 1.000000e+00 : f32
    %add3A_29 = vector.broadcast %add3A_28 : f32 to vector<2000x256xf32>
    %add3A_30 = arith.addf %add3A_29, %erf3A : vector<2000x256xf32>
    %mul3A_31 = arith.mulf %mul3A_24, %add3A_30 : vector<2000x256xf32>
    %convert_element_type3A = arith.truncf %mul3A_31 : vector<2000x256xf32> to vector<2000x256xbf16>
    %slice3A = vector.extract_strided_slice %convert_element_type3A {offsets = [0, 0], sizes = [2000, 128], strides = [1, 1]} : vector<2000x256xbf16> to vector<2000x128xbf16>
    %swap3A = arith.constant 0 : index
    %swap3A_32 = arith.constant 0 : index
    %swap3A_33 = arith.constant 0 : index
    %swap3A_34 = vector.load %arg7[%swap3A, %swap3A_32, %swap3A_33] : memref<2x2000x128xbf16, #tpu.memory_space<vmem>>, vector<1x2000x128xbf16>
    %swap3A_35 = vector.shape_cast %swap3A_34 : vector<1x2000x128xbf16> to vector<2000x128xbf16>
    %swap3A_36 = vector.shape_cast %slice3A : vector<2000x128xbf16> to vector<1x2000x128xbf16>
    tpu.vector_store %arg7[%swap3A, %swap3A_32, %swap3A_33], %swap3A_36 {strides = array<i32>} : memref<2x2000x128xbf16, #tpu.memory_space<vmem>>, vector<1x2000x128xbf16>,
    %slice3A_37 = vector.extract_strided_slice %convert_element_type3A {offsets = [0, 128], sizes = [2000, 128], strides = [1, 1]} : vector<2000x256xbf16> to vector<2000x128xbf16>
    %swap3A_38 = arith.constant 1 : index
    %swap3A_39 = arith.constant 0 : index
    %swap3A_40 = arith.constant 0 : index
    %swap3A_41 = vector.load %arg7[%swap3A_38, %swap3A_39, %swap3A_40] : memref<2x2000x128xbf16, #tpu.memory_space<vmem>>, vector<1x2000x128xbf16>
    %swap3A_42 = vector.shape_cast %swap3A_41 : vector<1x2000x128xbf16> to vector<2000x128xbf16>
    %swap3A_43 = vector.shape_cast %slice3A_37 : vector<2000x128xbf16> to vector<1x2000x128xbf16>
    tpu.vector_store %arg7[%swap3A_38, %swap3A_39, %swap3A_40], %swap3A_43 {strides = array<i32>} : memref<2x2000x128xbf16, #tpu.memory_space<vmem>>, vector<1x2000x128xbf16>,
    %eq3A = arith.constant 0 : i32
    %eq3A_44 = arith.cmpi eq, %arg0, %eq3A : i32
    %convert_element_type3A_45 = arith.extui %eq3A_44 : i1 to i32
    %cond3A = arith.constant 0 : i32
    %cond3A_46 = arith.cmpi ne, %convert_element_type3A_45, %cond3A : i32
    scf.if %cond3A_46 {
      %get3A_47 = arith.constant 0 : index
      %get3A_48 = arith.constant 0 : index
      %get3A_49 = vector.load %arg6[%get3A_47, %get3A_48] : memref<2x160000xi32, #tpu.memory_space<vmem>>, vector<1x160000xi32>
      %get3A_50 = vector.shape_cast %get3A_49 : vector<1x160000xi32> to vector<160000xi32>
      %swap3A_51 = arith.constant 0 : index
      %swap3A_52 = vector.load %arg8[%swap3A_51] : memref<160000xi32, #tpu.memory_space<vmem>>, vector<160000xi32>
      tpu.vector_store %arg8[%swap3A_51], %get3A_50 {strides = array<i32>} : memref<160000xi32, #tpu.memory_space<vmem>>, vector<160000xi32>,
      %get3A_53 = arith.constant 1 : index
      %get3A_54 = arith.constant 0 : index
      %get3A_55 = vector.load %arg6[%get3A_53, %get3A_54] : memref<2x160000xi32, #tpu.memory_space<vmem>>, vector<1x160000xi32>
      %get3A_56 = vector.shape_cast %get3A_55 : vector<1x160000xi32> to vector<160000xi32>
      %swap3A_57 = arith.constant 0 : index
      %swap3A_58 = vector.load %arg9[%swap3A_57] : memref<160000xi32, #tpu.memory_space<vmem>>, vector<160000xi32>
      tpu.vector_store %arg9[%swap3A_57], %get3A_56 {strides = array<i32>} : memref<160000xi32, #tpu.memory_space<vmem>>, vector<160000xi32>,
    } else {
    }
    return
  }
  func.func @transform_0(%arg0: i32) -> (i32, i32) {
    %c0_i32 = arith.constant 0 : i32
    %c0_i32_0 = arith.constant 0 : i32
    return %arg0, %c0_i32 : i32, i32
  }
  func.func @transform_1(%arg0: i32) -> (i32, i32) {
    %c0_i32 = arith.constant 0 : i32
    %c0_i32_0 = arith.constant 0 : i32
    %c0_i32_1 = arith.constant 0 : i32
    return %c0_i32, %c0_i32_0 : i32, i32
  }
  func.func @transform_2(%arg0: i32) -> (i32, i32) {
    %c0_i32 = arith.constant 0 : i32
    %c0_i32_0 = arith.constant 0 : i32
    %c0_i32_1 = arith.constant 0 : i32
    return %c0_i32, %c0_i32_0 : i32, i32
  }
  func.func @transform_3(%arg0: i32) -> (i32, i32) {
    %c0_i32 = arith.constant 0 : i32
    %c0_i32_0 = arith.constant 0 : i32
    %c0_i32_1 = arith.constant 0 : i32
    return %c0_i32, %c0_i32_0 : i32, i32
  }
  func.func @transform_4(%arg0: i32) -> (i32, i32) {
    %c0_i32 = arith.constant 0 : i32
    %c0_i32_0 = arith.constant 0 : i32
    %c0_i32_1 = arith.constant 0 : i32
    return %c0_i32, %c0_i32_0 : i32, i32
  }
  func.func @transform_5(%arg0: i32) -> (i32, i32) {
    %c0_i32 = arith.constant 0 : i32
    %c0_i32_0 = arith.constant 0 : i32
    %c0_i32_1 = arith.constant 0 : i32
    return %c0_i32, %c0_i32_0 : i32, i32
  }
  func.func @transform_6(%arg0: i32) -> (i32, i32, i32) {
    %c0_i32 = arith.constant 0 : i32
    %c0_i32_0 = arith.constant 0 : i32
    %c0_i32_1 = arith.constant 0 : i32
    return %c0_i32, %arg0, %c0_i32_0 : i32, i32, i32
  }
  func.func @transform_7(%arg0: i32) -> i32 {
    %c0_i32 = arith.constant 0 : i32
    %c0_i32_0 = arith.constant 0 : i32
    return %c0_i32 : i32
  }
  func.func @transform_8(%arg0: i32) -> i32 {
    %c0_i32 = arith.constant 0 : i32
    %c0_i32_0 = arith.constant 0 : i32
    return %c0_i32 : i32
  }
}

module attributes {stable_mosaic.version = 14 : i64} {
  func.func @_lin_body(%arg0: i32, %arg1: memref<2000x256xf32, #tpu.memory_space<vmem>>, %arg2: memref<256x256xf32, #tpu.memory_space<vmem>>, %arg3: memref<1x256xf32, #tpu.memory_space<vmem>>, %arg4: memref<1x256xf32, #tpu.memory_space<vmem>>, %arg5: memref<2000x256xf32, #tpu.memory_space<vmem>>) attributes {dimension_semantics = [#tpu.dimension_semantics<arbitrary>], iteration_bounds = array<i64: 5>, scalar_prefetch = 0 : i64, scratch_operands = 0 : i64, tpu.core_type = #tpu.core_type<tc>, window_params = [{transform_indices = @transform_0, window_bounds = array<i64: 2000, 256>}, {transform_indices = @transform_1, window_bounds = array<i64: 256, 256>}, {transform_indices = @transform_2, window_bounds = array<i64: 1, 256>}, {transform_indices = @transform_3, window_bounds = array<i64: 1, 256>}, {transform_indices = @transform_4, window_bounds = array<i64: 2000, 256>}]} {
    %get3A = arith.constant 0 : index
    %get3A_0 = arith.constant 0 : index
    %get3A_1 = vector.load %arg1[%get3A, %get3A_0] : memref<2000x256xf32, #tpu.memory_space<vmem>>, vector<2000x256xf32>
    %get3A_2 = arith.constant 0 : index
    %get3A_3 = arith.constant 0 : index
    %get3A_4 = vector.load %arg3[%get3A_2, %get3A_3] : memref<1x256xf32, #tpu.memory_space<vmem>>, vector<1x256xf32>
    %mul3A = arith.constant 0.999500393 : f32
    %mul3A_5 = vector.broadcast %mul3A : f32 to vector<1x256xf32>
    %mul3A_6 = arith.mulf %get3A_4, %mul3A_5 : vector<1x256xf32>
    %mul3A_7 = vector.broadcast %mul3A_6 : vector<1x256xf32> to vector<2000x256xf32>
    %mul3A_8 = arith.mulf %get3A_1, %mul3A_7 : vector<2000x256xf32>
    %get3A_9 = arith.constant 0 : index
    %get3A_10 = arith.constant 0 : index
    %get3A_11 = vector.load %arg4[%get3A_9, %get3A_10] : memref<1x256xf32, #tpu.memory_space<vmem>>, vector<1x256xf32>
    %add3A = vector.broadcast %get3A_11 : vector<1x256xf32> to vector<2000x256xf32>
    %add3A_12 = arith.addf %mul3A_8, %add3A : vector<2000x256xf32>
    %get3A_13 = arith.constant 0 : index
    %get3A_14 = arith.constant 0 : index
    %get3A_15 = vector.load %arg2[%get3A_13, %get3A_14] : memref<256x256xf32, #tpu.memory_space<vmem>>, vector<256x256xf32>
    %dot_general3A = arith.constant dense<0.000000e+00> : vector<2000x256xf32>
    %dot_general3A_16 = tpu.matmul %add3A_12, %get3A_15, %dot_general3A {dimension_numbers = #tpu.dot_dimension_numbers<[1], [0], [0], [1], [0, 0, 1, 1], [], []>, transpose_lhs_hint = false} : vector<2000x256xf32>, vector<256x256xf32>, vector<2000x256xf32> -> vector<2000x256xf32>
    %swap3A = arith.constant 0 : index
    %swap3A_17 = arith.constant 0 : index
    %swap3A_18 = vector.load %arg5[%swap3A, %swap3A_17] : memref<2000x256xf32, #tpu.memory_space<vmem>>, vector<2000x256xf32>
    tpu.vector_store %arg5[%swap3A, %swap3A_17], %dot_general3A_16 {strides = array<i32>} : memref<2000x256xf32, #tpu.memory_space<vmem>>, vector<2000x256xf32>,
    return
  }
  func.func @transform_0(%arg0: i32) -> (i32, i32) {
    %c0_i32 = arith.constant 0 : i32
    %c0_i32_0 = arith.constant 0 : i32
    return %arg0, %c0_i32 : i32, i32
  }
  func.func @transform_1(%arg0: i32) -> (i32, i32) {
    %c0_i32 = arith.constant 0 : i32
    %c0_i32_0 = arith.constant 0 : i32
    %c0_i32_1 = arith.constant 0 : i32
    return %c0_i32, %c0_i32_0 : i32, i32
  }
  func.func @transform_2(%arg0: i32) -> (i32, i32) {
    %c0_i32 = arith.constant 0 : i32
    %c0_i32_0 = arith.constant 0 : i32
    %c0_i32_1 = arith.constant 0 : i32
    return %c0_i32, %c0_i32_0 : i32, i32
  }
  func.func @transform_3(%arg0: i32) -> (i32, i32) {
    %c0_i32 = arith.constant 0 : i32
    %c0_i32_0 = arith.constant 0 : i32
    %c0_i32_1 = arith.constant 0 : i32
    return %c0_i32, %c0_i32_0 : i32, i32
  }
  func.func @transform_4(%arg0: i32) -> (i32, i32) {
    %c0_i32 = arith.constant 0 : i32
    %c0_i32_0 = arith.constant 0 : i32
    return %arg0, %c0_i32 : i32, i32
  }
}

module attributes {stable_mosaic.version = 14 : i64} {
  func.func @_upd_body(%arg0: i32, %arg1: memref<2000x256xf32, #tpu.memory_space<vmem>>, %arg2: memref<2000x128xf32, #tpu.memory_space<vmem>>, %arg3: memref<2000x128xf32, #tpu.memory_space<vmem>>, %arg4: memref<2000x16xf32, #tpu.memory_space<vmem>>, %arg5: memref<2000x16xf32, #tpu.memory_space<vmem>>, %arg6: memref<128x256xf32, #tpu.memory_space<vmem>>, %arg7: memref<128x256xf32, #tpu.memory_space<vmem>>, %arg8: memref<1x256xf32, #tpu.memory_space<vmem>>, %arg9: memref<1x256xf32, #tpu.memory_space<vmem>>, %arg10: memref<1x256xf32, #tpu.memory_space<vmem>>, %arg11: memref<2000x256xf32, #tpu.memory_space<vmem>>) attributes {dimension_semantics = [#tpu.dimension_semantics<arbitrary>], iteration_bounds = array<i64: 5>, scalar_prefetch = 0 : i64, scratch_operands = 0 : i64, tpu.core_type = #tpu.core_type<tc>, window_params = [{transform_indices = @transform_0, window_bounds = array<i64: 2000, 256>}, {transform_indices = @transform_1, window_bounds = array<i64: 2000, 128>}, {transform_indices = @transform_2, window_bounds = array<i64: 2000, 128>}, {transform_indices = @transform_3, window_bounds = array<i64: 2000, 16>}, {transform_indices = @transform_4, window_bounds = array<i64: 2000, 16>}, {pipeline_mode = #tpu.pipeline_mode<synchronous>, transform_indices = @transform_5, window_bounds = array<i64: 128, 256>}, {pipeline_mode = #tpu.pipeline_mode<synchronous>, transform_indices = @transform_6, window_bounds = array<i64: 128, 256>}, {pipeline_mode = #tpu.pipeline_mode<synchronous>, transform_indices = @transform_7, window_bounds = array<i64: 1, 256>}, {pipeline_mode = #tpu.pipeline_mode<synchronous>, transform_indices = @transform_8, window_bounds = array<i64: 1, 256>}, {pipeline_mode = #tpu.pipeline_mode<synchronous>, transform_indices = @transform_9, window_bounds = array<i64: 1, 256>}, {transform_indices = @transform_10, window_bounds = array<i64: 2000, 256>}]} {
    %get3A = arith.constant 0 : index
    %get3A_0 = arith.constant 0 : index
    %get3A_1 = vector.load %arg4[%get3A, %get3A_0] : memref<2000x16xf32, #tpu.memory_space<vmem>>, vector<2000x16xf32>
    %slice3A = vector.extract_strided_slice %get3A_1 {offsets = [0, 0], sizes = [2000, 1], strides = [1, 1]} : vector<2000x16xf32> to vector<2000x1xf32>
    %get3A_2 = arith.constant 0 : index
    %get3A_3 = arith.constant 0 : index
    %get3A_4 = vector.load %arg5[%get3A_2, %get3A_3] : memref<2000x16xf32, #tpu.memory_space<vmem>>, vector<2000x16xf32>
    %slice3A_5 = vector.extract_strided_slice %get3A_4 {offsets = [0, 0], sizes = [2000, 1], strides = [1, 1]} : vector<2000x16xf32> to vector<2000x1xf32>
    %add3A = arith.addf %slice3A, %slice3A_5 : vector<2000x1xf32>
    %max3A = arith.constant 1.000000e+00 : f32
    %max3A_6 = vector.broadcast %max3A : f32 to vector<2000x1xf32>
    %max3A_7 = arith.maximumf %add3A, %max3A_6 : vector<2000x1xf32>
    %div3A = arith.constant 1.000000e+00 : f32
    %div3A_8 = vector.broadcast %div3A : f32 to vector<2000x1xf32>
    %div3A_9 = arith.divf %div3A_8, %max3A_7 : vector<2000x1xf32>
    %get3A_10 = arith.constant 0 : index
    %get3A_11 = arith.constant 0 : index
    %get3A_12 = vector.load %arg8[%get3A_10, %get3A_11] : memref<1x256xf32, #tpu.memory_space<vmem>>, vector<1x256xf32>
    %mul3A = arith.constant 0.999500393 : f32
    %mul3A_13 = vector.broadcast %mul3A : f32 to vector<1x256xf32>
    %mul3A_14 = arith.mulf %get3A_12, %mul3A_13 : vector<1x256xf32>
    %get3A_15 = arith.constant 0 : index
    %get3A_16 = arith.constant 0 : index
    %get3A_17 = vector.load %arg2[%get3A_15, %get3A_16] : memref<2000x128xf32, #tpu.memory_space<vmem>>, vector<2000x128xf32>
    %mul3A_18 = vector.broadcast %div3A_9 : vector<2000x1xf32> to vector<2000x128xf32>
    %mul3A_19 = arith.mulf %get3A_17, %mul3A_18 : vector<2000x128xf32>
    %slice3A_20 = vector.extract_strided_slice %mul3A_14 {offsets = [0, 0], sizes = [1, 128], strides = [1, 1]} : vector<1x256xf32> to vector<1x128xf32>
    %mul3A_21 = vector.broadcast %slice3A_20 : vector<1x128xf32> to vector<2000x128xf32>
    %mul3A_22 = arith.mulf %mul3A_19, %mul3A_21 : vector<2000x128xf32>
    %get3A_23 = arith.constant 0 : index
    %get3A_24 = arith.constant 0 : index
    %get3A_25 = vector.load %arg9[%get3A_23, %get3A_24] : memref<1x256xf32, #tpu.memory_space<vmem>>, vector<1x256xf32>
    %slice3A_26 = vector.extract_strided_slice %get3A_25 {offsets = [0, 0], sizes = [1, 128], strides = [1, 1]} : vector<1x256xf32> to vector<1x128xf32>
    %add3A_27 = vector.broadcast %slice3A_26 : vector<1x128xf32> to vector<2000x128xf32>
    %add3A_28 = arith.addf %mul3A_22, %add3A_27 : vector<2000x128xf32>
    %get3A_29 = arith.constant 0 : index
    %get3A_30 = arith.constant 0 : index
    %get3A_31 = vector.load %arg3[%get3A_29, %get3A_30] : memref<2000x128xf32, #tpu.memory_space<vmem>>, vector<2000x128xf32>
    %mul3A_32 = vector.broadcast %div3A_9 : vector<2000x1xf32> to vector<2000x128xf32>
    %mul3A_33 = arith.mulf %get3A_31, %mul3A_32 : vector<2000x128xf32>
    %slice3A_34 = vector.extract_strided_slice %mul3A_14 {offsets = [0, 128], sizes = [1, 128], strides = [1, 1]} : vector<1x256xf32> to vector<1x128xf32>
    %mul3A_35 = vector.broadcast %slice3A_34 : vector<1x128xf32> to vector<2000x128xf32>
    %mul3A_36 = arith.mulf %mul3A_33, %mul3A_35 : vector<2000x128xf32>
    %get3A_37 = arith.constant 0 : index
    %get3A_38 = arith.constant 0 : index
    %get3A_39 = vector.load %arg9[%get3A_37, %get3A_38] : memref<1x256xf32, #tpu.memory_space<vmem>>, vector<1x256xf32>
    %slice3A_40 = vector.extract_strided_slice %get3A_39 {offsets = [0, 128], sizes = [1, 128], strides = [1, 1]} : vector<1x256xf32> to vector<1x128xf32>
    %add3A_41 = vector.broadcast %slice3A_40 : vector<1x128xf32> to vector<2000x128xf32>
    %add3A_42 = arith.addf %mul3A_36, %add3A_41 : vector<2000x128xf32>
    %get3A_43 = arith.constant 0 : index
    %get3A_44 = arith.constant 0 : index
    %get3A_45 = vector.load %arg6[%get3A_43, %get3A_44] : memref<128x256xf32, #tpu.memory_space<vmem>>, vector<128x256xf32>
    %dot_general3A = arith.constant dense<0.000000e+00> : vector<2000x256xf32>
    %dot_general3A_46 = tpu.matmul %add3A_28, %get3A_45, %dot_general3A {dimension_numbers = #tpu.dot_dimension_numbers<[1], [0], [0], [1], [0, 0, 1, 1], [], []>, transpose_lhs_hint = false} : vector<2000x128xf32>, vector<128x256xf32>, vector<2000x256xf32> -> vector<2000x256xf32>
    %get3A_47 = arith.constant 0 : index
    %get3A_48 = arith.constant 0 : index
    %get3A_49 = vector.load %arg7[%get3A_47, %get3A_48] : memref<128x256xf32, #tpu.memory_space<vmem>>, vector<128x256xf32>
    %dot_general3A_50 = arith.constant dense<0.000000e+00> : vector<2000x256xf32>
    %dot_general3A_51 = tpu.matmul %add3A_42, %get3A_49, %dot_general3A_50 {dimension_numbers = #tpu.dot_dimension_numbers<[1], [0], [0], [1], [0, 0, 1, 1], [], []>, transpose_lhs_hint = false} : vector<2000x128xf32>, vector<128x256xf32>, vector<2000x256xf32> -> vector<2000x256xf32>
    %add3A_52 = arith.addf %dot_general3A_46, %dot_general3A_51 : vector<2000x256xf32>
    %get3A_53 = arith.constant 0 : index
    %get3A_54 = arith.constant 0 : index
    %get3A_55 = vector.load %arg1[%get3A_53, %get3A_54] : memref<2000x256xf32, #tpu.memory_space<vmem>>, vector<2000x256xf32>
    %add3A_56 = arith.addf %get3A_55, %add3A_52 : vector<2000x256xf32>
    %get3A_57 = arith.constant 0 : index
    %get3A_58 = arith.constant 0 : index
    %get3A_59 = vector.load %arg10[%get3A_57, %get3A_58] : memref<1x256xf32, #tpu.memory_space<vmem>>, vector<1x256xf32>
    %add3A_60 = vector.broadcast %get3A_59 : vector<1x256xf32> to vector<2000x256xf32>
    %add3A_61 = arith.addf %add3A_56, %add3A_60 : vector<2000x256xf32>
    %mul3A_62 = arith.constant 5.000000e-01 : f32
    %mul3A_63 = vector.broadcast %mul3A_62 : f32 to vector<2000x256xf32>
    %mul3A_64 = arith.mulf %mul3A_63, %add3A_61 : vector<2000x256xf32>
    %mul3A_65 = arith.constant 0.707106769 : f32
    %mul3A_66 = vector.broadcast %mul3A_65 : f32 to vector<2000x256xf32>
    %mul3A_67 = arith.mulf %add3A_61, %mul3A_66 : vector<2000x256xf32>
    %erf3A = math.erf %mul3A_67 : vector<2000x256xf32>
    %add3A_68 = arith.constant 1.000000e+00 : f32
    %add3A_69 = vector.broadcast %add3A_68 : f32 to vector<2000x256xf32>
    %add3A_70 = arith.addf %add3A_69, %erf3A : vector<2000x256xf32>
    %mul3A_71 = arith.mulf %mul3A_64, %add3A_70 : vector<2000x256xf32>
    %swap3A = arith.constant 0 : index
    %swap3A_72 = arith.constant 0 : index
    %swap3A_73 = vector.load %arg11[%swap3A, %swap3A_72] : memref<2000x256xf32, #tpu.memory_space<vmem>>, vector<2000x256xf32>
    tpu.vector_store %arg11[%swap3A, %swap3A_72], %mul3A_71 {strides = array<i32>} : memref<2000x256xf32, #tpu.memory_space<vmem>>, vector<2000x256xf32>,
    return
  }
  func.func @transform_0(%arg0: i32) -> (i32, i32) {
    %c0_i32 = arith.constant 0 : i32
    %c0_i32_0 = arith.constant 0 : i32
    return %arg0, %c0_i32 : i32, i32
  }
  func.func @transform_1(%arg0: i32) -> (i32, i32) {
    %c0_i32 = arith.constant 0 : i32
    %c0_i32_0 = arith.constant 0 : i32
    return %arg0, %c0_i32 : i32, i32
  }
  func.func @transform_2(%arg0: i32) -> (i32, i32) {
    %c0_i32 = arith.constant 0 : i32
    %c0_i32_0 = arith.constant 0 : i32
    return %arg0, %c0_i32 : i32, i32
  }
  func.func @transform_3(%arg0: i32) -> (i32, i32) {
    %c0_i32 = arith.constant 0 : i32
    %c0_i32_0 = arith.constant 0 : i32
    return %arg0, %c0_i32 : i32, i32
  }
  func.func @transform_4(%arg0: i32) -> (i32, i32) {
    %c0_i32 = arith.constant 0 : i32
    %c0_i32_0 = arith.constant 0 : i32
    return %arg0, %c0_i32 : i32, i32
  }
  func.func @transform_5(%arg0: i32) -> (i32, i32) {
    %c0_i32 = arith.constant 0 : i32
    %c0_i32_0 = arith.constant 0 : i32
    %c0_i32_1 = arith.constant 0 : i32
    return %c0_i32, %c0_i32_0 : i32, i32
  }
  func.func @transform_6(%arg0: i32) -> (i32, i32) {
    %c0_i32 = arith.constant 0 : i32
    %c0_i32_0 = arith.constant 0 : i32
    %c0_i32_1 = arith.constant 0 : i32
    return %c0_i32, %c0_i32_0 : i32, i32
  }
  func.func @transform_7(%arg0: i32) -> (i32, i32) {
    %c0_i32 = arith.constant 0 : i32
    %c0_i32_0 = arith.constant 0 : i32
    %c0_i32_1 = arith.constant 0 : i32
    return %c0_i32, %c0_i32_0 : i32, i32
  }
  func.func @transform_8(%arg0: i32) -> (i32, i32) {
    %c0_i32 = arith.constant 0 : i32
    %c0_i32_0 = arith.constant 0 : i32
    %c0_i32_1 = arith.constant 0 : i32
    return %c0_i32, %c0_i32_0 : i32, i32
  }
  func.func @transform_9(%arg0: i32) -> (i32, i32) {
    %c0_i32 = arith.constant 0 : i32
    %c0_i32_0 = arith.constant 0 : i32
    %c0_i32_1 = arith.constant 0 : i32
    return %c0_i32, %c0_i32_0 : i32, i32
  }
  func.func @transform_10(%arg0: i32) -> (i32, i32) {
    %c0_i32 = arith.constant 0 : i32
    %c0_i32_0 = arith.constant 0 : i32
    return %arg0, %c0_i32 : i32, i32
  }
}

</mosaic_0001>

<sc_bundles>
// kernel: kernel.6.cloned.1.call-start
scs
__scs_entry_jumppad:
0x0: {  	(pc) =	sbr.rel $0x88, $3  }
0x1: {  	(tag) =	ssettag $0x0;
	lr =	simm.s32 $0x1  }
0x2: {  	[smem:$0x3F96] =	sst lr;
	_ =	strace $0xD0000000  }
0x3: {  	_ = 	snop  }
0x4: {  	_ = 	snop  }
0x5: {  	_ = 	snop  }
0x6: {  	_ = 	snop  }
0x7: {  	_ = 	snop  }
__scs_overlays_trampoline_lowered:
0x8: {  	[smem:$0x3FA5] =	sst s0  }
0x9: {  	[smem:$0x3FA6] =	sst s1  }
0xa: {  	[smem:$0x3FA7] =	sst s2  }
0xb: {  	[smem:$0x3FA8] =	sst s3  }
0xc: {  	[smem:$0x3FA9] =	sst s4  }
0xd: {  	[smem:$0x3FAA] =	sst s5  }
0xe: {  	[smem:$0x3FAB] =	sst s6  }
0xf: {  	[smem:$0x3FAC] =	sst s7  }
0x10: {  	[smem:$0x3FAD] =	sst s8  }
0x11: {  	[smem:$0x3FAE] =	sst s9;
	s0 =	simm.s32 @!p0 $0x0  }
0x12: {  	s1 =	sld [smem:$0x3F94];
	s0 =	simm.s32 @p0 $0x1  }
0x13: {  	[smem:$0x3FAF] =	sst s0;
	s0 =	simm.s32 @!p1 $0x0  }
0x14: {  	s2 =	sld [smem:$0x3F93];
	s0 =	simm.s32 @p1 $0x1  }
0x15: {  	[smem:$0x3FB0] =	sst s0;
	s0 =	simm.s32 @!p2 $0x0  }
0x16: {  	s3 =	sld [smem:$0x3FDB];
	s0 =	simm.s32 @p2 $0x1  }
0x17: {  	s4 =	simm.s32 $0x1BF5;
	[smem:$0x3FB2] =	sst s0  }
0x18: {  	s0 =	sld [smem:$0x3F95];
	_ =	swait.ge [sflag:s4], $0x0  }
0x19: {  	s7 =	sld [smem:$0x3F96]  }
0x1a: {  	s8 =	sadd.s32 $0xFFFFE003, lr  }
0x1b: {  	s9 =	sadd.s32 $0xFFFFFEF7, lr;
	s5 =	simm.s32 $0xFFFFFFFF;
	p2 =	slt.u32 s8, $0xFFFFF086  }
0x1c: {  	p1 =	slt.u32 s9, $0xF7A;
	s5 =	simm.s32 @!p2 $0x0  }
0x1d: {  	s5 =	simm.s32 @p1 $0x1;
	p0 =	seq.s32 s7, s2  }
0x1e: {  	s7 =	smul.u32 @!p0 $0xF7A, s2;
	p2 =	seq.s32 @!p0 s5, $0x0  }
0x1f: {  	s9 =	smul.u32 $0xF7A, s1;
	s8 =	simm.s32 @!p0 $0x1BF5;
	p2 =	por !p2, p0  }
0x20: {  	[sflag:s8] =	ssyncset.s32 @!p0 $0xFFFFF086;
	s6 =	sadd.s32 @!p0 s3, s7;
	s7 =	simm.s32 @!p0 $0x108  }
0x21: {  	s3 =	sadd.s32 s3, s9;
	s6 =	sadd.s32 @!p0 $0x88, s6;
	s7 =	simm.s32 @p2 $0x1082  }
0x22: {  	[simem:s7], [sflag:s8] =	dma.local @!p0 [hbm:s6], $0xF7A  }
0x23: {  	s9 =	sor.u32 $0xD0000000, s2;
	s6 =	simm.s32 $0x108;
	_ =	swait.ge @!p0 [sflag:s8], $0x0  }
0x24: {  	s3 =	sadd.s32 $0x88, s3;
	s6 =	simm.s32 @!p1 $0x1082;
	[sflag:s4] =	ssyncset.s32 $0xFFFFF086  }
0x25: {  	[simem:s6], [sflag:s4] =	dma.local [hbm:s3], $0xF7A  }
0x26: {  	[smem:$0x3F96] =	sst s1;
	(tag) =	ssettag s2;
	_ =	strace s9  }
0x27: {  	s1 =	sld [smem:$0x3FA6]  }
0x28: {  	s2 =	sld [smem:$0x3FA7]  }
0x29: {  	s4 =	sld [smem:$0x3FA9]  }
0x2a: {  	p0 =	seq.s32 s5, $0x0;
	s5 =	sld [smem:$0x3FAA]  }
0x2b: {  	s6 =	sld [smem:$0x3FAB]  }
0x2c: {  	s7 =	sld [smem:$0x3FAC]  }
0x2d: {  	s3 =	simm.s32 $0x108;
	s8 =	sld [smem:$0x3FAD]  }
0x2e: {  	s3 =	simm.s32 @!p0 $0x1082;
	s9 =	sld [smem:$0x3FAE]  }
0x2f: {  	lr =	sadd.s32 s0, s3;
	s0 =	sld [smem:$0x3FA5]  }
0x30: {  	s3 =	sld [smem:$0x3FA8]  }
0x31: {  	[smem:$0x3FB1] =	sst s10  }
0x32: {  	s10 =	sld [smem:$0x3FAF];
	_ =	sdelay $0x3  }
0x33: {  	p0 =	seq.s32 s10, $0x1;
	s10 =	sld [smem:$0x3FB1];
	_ =	sdelay $0x3  }
0x34: {  	[smem:$0x3FB1] =	sst s10  }
0x35: {  	s10 =	sld [smem:$0x3FB0];
	_ =	sdelay $0x3  }
0x36: {  	p1 =	seq.s32 s10, $0x1;
	s10 =	sld [smem:$0x3FB1];
	_ =	sdelay $0x3  }
0x37: {  	[smem:$0x3FB1] =	sst s10  }
0x38: {  	s10 =	sld [smem:$0x3FB2]  }
0x39: {  	_ = 	snop;
	(pc) =	sbr.ind lr, $3  }
0x3a: {  	_ = 	snop  }
0x3b: {  	_ = 	snop  }
0x3c: {  	p2 =	seq.s32 s10, $0x1;
	s10 =	sld [smem:$0x3FB1]  }
0x3d: {  	_ =	shalt  }
0x3e: {  	_ =	shalt  }
0x3f: {  	_ =	shalt  }
0x40: {  	_ =	shalt  }
0x41: {  	_ =	shalt  }
0x42: {  	_ =	shalt  }
0x43: {  	_ =	shalt  }
0x44: {  	_ =	shalt  }
0x45: {  	_ =	shalt  }
0x46: {  	_ =	shalt  }
0x47: {  	_ =	shalt  }
0x48: {  	_ =	shalt  }
0x49: {  	_ =	shalt  }
0x4a: {  	_ =	shalt  }
0x4b: {  	_ =	shalt  }
0x4c: {  	_ =	shalt  }
0x4d: {  	_ =	shalt  }
0x4e: {  	_ =	shalt  }
0x4f: {  	_ =	shalt  }
0x50: {  	_ =	shalt  }
0x51: {  	_ =	shalt  }
0x52: {  	_ =	shalt  }
0x53: {  	_ =	shalt  }
0x54: {  	_ =	shalt  }
0x55: {  	_ =	shalt  }
0x56: {  	_ =	shalt  }
0x57: {  	_ =	shalt  }
0x58: {  	_ =	shalt  }
0x59: {  	_ =	shalt  }
0x5a: {  	_ =	shalt  }
0x5b: {  	_ =	shalt  }
0x5c: {  	_ =	shalt  }
0x5d: {  	_ =	shalt  }
0x5e: {  	_ =	shalt  }
0x5f: {  	_ =	shalt  }
0x60: {  	_ =	shalt  }
0x61: {  	_ =	shalt  }
0x62: {  	_ =	shalt  }
0x63: {  	_ =	shalt  }
0x64: {  	_ =	shalt  }
0x65: {  	_ =	shalt  }
0x66: {  	_ =	shalt  }
0x67: {  	_ =	shalt  }
0x68: {  	_ =	shalt  }
0x69: {  	_ =	shalt  }
0x6a: {  	_ =	shalt  }
0x6b: {  	_ =	shalt  }
0x6c: {  	_ =	shalt  }
0x6d: {  	_ =	shalt  }
0x6e: {  	_ =	shalt  }
0x6f: {  	_ =	shalt  }
0x70: {  	_ =	shalt  }
0x71: {  	_ =	shalt  }
0x72: {  	_ =	shalt  }
0x73: {  	_ =	shalt  }
0x74: {  	_ =	shalt  }
0x75: {  	_ =	shalt  }
0x76: {  	_ =	shalt  }
0x77: {  	_ =	shalt  }
0x78: {  	_ =	shalt  }
0x79: {  	_ =	shalt  }
0x7a: {  	_ =	shalt  }
0x7b: {  	_ =	shalt  }
0x7c: {  	_ =	shalt  }
0x7d: {  	_ =	shalt  }
0x7e: {  	_ =	shalt  }
0x7f: {  	_ =	shalt  }
0x80: {  	_ =	shalt  }
0x81: {  	_ =	shalt  }
0x82: {  	_ =	shalt  }
0x83: {  	_ =	shalt  }
0x84: {  	_ =	shalt  }
0x85: {  	_ =	shalt  }
0x86: {  	_ =	shalt  }
0x87: {  	_ =	shalt  }
.Lfunc_end0:
.L_simem_size_0:
called_computation_lowered:
.L_overlay_start_0:
0x88: {  	s2 =	sld [smem:$0x3FD9]  }
0x89: {  	s3 =	sld [smem:$0x3FFE];
	_ =	sdelay $0x1  }
0x8a: {  	s1 =	srdreg.scid  }
0x8b: {  	s0 =	sand.u32 $0x1, s1  }
0x8c: {  	s17 =	sshll.u32 s0, $0xA;
	s2 =	sadd.s32 s3, s2  }
0x8d: {  	s2 =	sadd.s32 s2, s17  }
0x8e: {  	[smem:$0x3FBD] =	sst s2  }
0x8f: {  	_ = 	snop  }
0x90: {  	s2 =	sld [smem:$0x3FC7]  }
0x91: {  	s18 =	sld [smem:$0x3FD0];
	(tm) =	ssettm $0x1  }
0x92: {  	s4 =	sld [smem:$0x3FFB];
	_ =	sdelay $0x3  }
0x93: {  	_ =	strace s4  }
0x94: {  	s4 =	sld [smem:$0x3FFC];
	_ =	sdelay $0x3  }
0x95: {  	_ =	strace s4  }
0x96: {  	s4 =	sld [smem:$0x3FFD];
	_ =	sdelay $0x3  }
0x97: {  	_ =	strace s4  }
0x98: {  	_ =	strace $0x8FFFFFFF  }
0x99: {  	s19 =	sld [smem:$0x3FDB];
	_ =	sdelay $0x1  }
0x9a: {  	s5 =	simm.s32 $_scs_section_size  }
0x9b: {  	s6 =	simm.s32 $_size__tile_overlayer_lowered;
	s7 =	simm.s32 $_tile_overlayer_lowered  }
0x9c: {  	s22 =	simm.s32 $0x1BFF;
	s21 =	sshll.u32 s7, $0x1;
	s4 =	sadd.s32 s5, s19  }
0x9d: {  	s8 =	simm.s32 $0x0;
	s20 =	sshll.u32 s6, $0x1;
	s6 =	sadd.s32 s21, s4  }
0x9e: {  	[timem:s8], [sflag:s22] =	dma.local [hbm:s6], s20  }
0x9f: {  	_ =	swait.ge [sflag:s22], s20  }
0xa0: {  	s5 =	ssub.s32 $0x0, s20;
	[sflag:s22] =	ssyncset.done $0x0  }
0xa1: {  	[sflag:s22] =	ssyncadd.s32 s5;
	_ =	sdelay $0x1  }
0xa2: {  	s23 =	simm.s32 $0x1B8B  }
0xa3: {  	_ =	swait.ge [sflag:s23], $0x1  }
0xa4: {  	[sflag:s23] =	ssyncset.done $0x0  }
0xa5: {  	s25 =	simm.s32 $0x1B8E;
	s24 =	sld [smem:$0x3FFE];
	[sflag:s23] =	ssyncadd.s32 $0xFFFFFFFF  }
0xa6: {  	s26 =	simm.s32 $execute0_lowered;
	[smem:$0x3FD2] =	sst s25  }
0xa7: {  	s6 =	sshll.u32 s26, $0x1;
	_ =	strace $0x80000046;
	[dreg:$0x1] =	wrdreg $0xFFFFFFFF  }
0xa8: {  	s28 =	simm.s32 $_size_execute0_lowered;
	s4 =	sadd.s32 s4, s6;
	[dreg:$0x0] =	wrdreg $0x0  }
0xa9: {  	s6 =	sshll.u32 s28, $0x1;
	[dreg:$0x2] =	wrdreg s4  }
0xaa: {  	[dreg:$0x3] =	wrdreg s6  }
0xab: {  	[dreg:$0x4] =	wrdreg $0xC0  }
0xac: {  	_ =	task [dreg:s8], $0x5FFFF  }
0xad: {  	[dreg:$0x1] =	wrdreg $0xFFFFFFFF  }
0xae: {  	[dreg:$0x0] =	wrdreg $0x60  }
0xaf: {  	[dreg:$0x2] =	wrdreg s18  }
0xb0: {  	[dreg:$0x3] =	wrdreg s24  }
0xb1: {  	[dreg:$0x4] =	wrdreg s2  }
0xb2: {  	[dreg:$0x5] =	wrdreg $0x1D4C00  }
0xb3: {  	[dreg:$0x6] =	wrdreg $0x9C400  }
0xb4: {  	[dreg:$0x7] =	wrdreg $0x9  }
0xb5: {  	_ =	task.clear_ibuf [dreg:s8], $0x8FFFF;
	_ =	strace $0x90000046  }
0xb6: {  	s29 =	simm.s32 $0x9;
	_ =	strace $0x80000048  }
0xb7: {  	_ =	swait.ge [sflag:s29], $0x1  }
0xb8: {  	[sflag:s29] =	ssyncadd.s32 $0xFFFFFFFF  }
0xb9: {  	_ =	strace $0x90000048  }
0xba: {  	_ =	sfence  }
0xbb: {  	s30 =	sld [smem:$0x0];
	_ =	sdelay $0x2  }
0xbc: {  	s31 =	sshll.u32 s1, $0xD;
	s1 =	sshrl.u32 s1, $0x2  }
0xbd: {  	s3 =	sand.u32 $0x4000, s31;
	s1 =	sadd.s32 s1, s30  }
0xbe: {  	s0 =	sor.u32 s3, s0;
	s1 =	sshll.u32 s1, $0x11  }
0xbf: {  	s0 =	sor.u32 s1, s0  }
0xc0: {  	s0 =	sadd.s32 $0x8F2B, s0  }
0xc1: {  	[sflag:s0] =	ssyncadd.remote.s32 $0x1  }
0xc2: {  	_ =	sfence.sel $0xFFFF  }
0xc3: {  	[dreg:$0x0] =	wrdreg $0xFFFFFFFF;
	(pc) =	sbr.abs _section_cstart, $3  }
0xc4: {  	[dreg:$0x1] =	wrdreg $0xFFFFFFFF  }
0xc5: {  	_ =	task.clear_ibuf [dreg:s8], $0x2FFFF;
	_ =	strace $0x9FFFFFFF  }
0xc6: {  	(tm) =	ssettm $0x7FFFFFFF  }
0xc7: {  	_ =	shalt  }
tec
execute0_lowered:
.L_overlay_start_1:
0x0: {  	(tag) =	ssettag $0x1  }
0x1: {  	s1 =	rddreg [dreg:$0x0]  }
0x2: {  	s0 =	rddreg [dreg:$0x1]  }
0x3: {  	s3 =	rddreg [dreg:$0x3]  }
0x4: {  	s4 =	rddreg [dreg:$0x4];
	s7 =	simm.s32 $0x0;
	s21 =	srdreg.scid  }
0x5: {  	s8 =	stileid.u32;
	s31 =	simm.s32 $0x6;
	[smem:$0x7FF] =	sst s7  }
0x6: {  	s2 =	sadd.s32 $0x3E00, s0;
	s5 =	sadd.s32 $0x8E00, s0;
	s10 =	smul.u32 $0x271, s8  }
0x7: {  	s11 =	sadd.s32 $0x3F000, s0;
	_ =	strace $0x80000047;
	[dreg:$0x7] =	wrdreg s2  }
0x8: {  	s12 =	sadd.s32 $0xDE00, s0;
	s19 =	smul.u32 $0x13880, s8;
	[dreg:$0x8] =	wrdreg s5  }
0x9: {  	s2 =	sand.u32 $0x1, s21;
	s5 =	sadd.s32 $0x17E00, s0;
	s0 =	sadd.s32 $0x12E00, s0  }
0xa: {  	s6 =	ssub.s32 $0x2, s2;
	s13 =	sadd.s32 $0x50, s10;
	s15 =	sadd.s32 $0xA0, s10  }
0xb: {  	s16 =	sadd.s32 $0xF0, s10;
	s17 =	sadd.s32 $0x140, s10;
	p0 =	seq.s32 s2, $0x1  }
0xc: {  	s26 =	sshrl.u32 s19, $0x3;
	s29 =	sadd.s32 $0x190, s10;
	s30 =	sadd.s32 $0x1E0, s10  }
0xd: {  	s10 =	sadd.s32 $0x230, s10;
	p1 =	seq.s32 s2, $0x0;
	s9 =	sshrl.u32 s6, $0x1  }
0xe: {  	s14 =	sshll.u32 s13, $0x4;
	s22 =	sshll.u32 s15, $0x4;
	s23 =	sshll.u32 s16, $0x4  }
0xf: {  	s18 =	sshll.u32 s17, $0x4;
	s5 =	smov.u32 @p0 s11;
	s12 =	smov.u32 @p0 s0  }
0x10: {  	p0 =	sne.s32 s2, $0x0;
	s2 =	smul.u32 $0x2710, s2;
	s6 =	ssub.s32 s6, s9  }
0x11: {  	s9 =	smul.u32 $0x2710, s8;
	s14 =	sadd.s32 s14, s3;
	s24 =	sadd.s32 s23, s3  }
0x12: {  	s25 =	sadd.s32 s18, s3;
	s5 =	sadd.s32 s5, s26;
	[dreg:$0xa] =	wrdreg s14  }
0x13: {  	s8 =	sshll.u32 s29, $0x4;
	s18 =	sshll.u32 s10, $0x4;
	[dreg:$0xc] =	wrdreg s24  }
0x14: {  	s23 =	sshll.u32 s15, $0x7;
	s15 =	simm.s32 $0x1;
	[dreg:$0xd] =	wrdreg s25  }
0x15: {  	s14 =	sadd.s32 s22, s3;
	[dreg:$0xe] =	wrdreg s5;
	s21 =	sadd.s32 s18, s3  }
0x16: {  	s22 =	sshll.u32 s13, $0x7;
	s24 =	sshll.u32 s16, $0x7;
	[dreg:$0xb] =	wrdreg s14  }
0x17: {  	s25 =	sshll.u32 s17, $0x7;
	s5 =	sshll.u32 s29, $0x7;
	[dreg:$0x12] =	wrdreg s21  }
0x18: {  	s16 =	simm.s32 $0x2;
	s11 =	sadd.s32 s22, s4;
	[dreg:$0x9] =	wrdreg s9  }
0x19: {  	s17 =	simm.s32 $0x6F40;
	s26 =	sadd.s32 s25, s4;
	[dreg:$0x14] =	wrdreg s11  }
0x1a: {  	s18 =	simm.s32 $0x3;
	s5 =	sadd.s32 s5, s4;
	[dreg:$0x17] =	wrdreg s26  }
0x1b: {  	s28 =	sshrl.u32 s9, $0x3;
	s9 =	sadd.s32 s9, s3;
	[dreg:$0x18] =	wrdreg s5  }
0x1c: {  	s14 =	sshll.u32 s30, $0x4;
	s0 =	sadd.s32 s12, s28;
	[dreg:$0x1c] =	wrdreg s9  }
0x1d: {  	s21 =	simm.s32 $0x4;
	s12 =	sadd.s32 s8, s3;
	[dreg:$0xf] =	wrdreg s0  }
0x1e: {  	s20 =	sadd.s32 s14, s3;
	s8 =	sadd.s32 s19, s4;
	[dreg:$0x10] =	wrdreg s12  }
0x1f: {  	s11 =	sadd.s32 s23, s4;
	s28 =	sshll.u32 s10, $0x7;
	[dreg:$0x11] =	wrdreg s20  }
0x20: {  	s10 =	simm.s32 $0xFA0;
	s14 =	simm.s32 $0x3340;
	[dreg:$0x15] =	wrdreg s11  }
0x21: {  	s11 =	sadd.s32 s24, s4;
	s0 =	sshll.u32 s30, $0x7;
	[dreg:$0x13] =	wrdreg s8  }
0x22: {  	s29 =	sadd.s32 s28, s4;
	s30 =	smax.u32 s6, $0x1;
	[dreg:$0x16] =	wrdreg s11  }
0x23: {  	s6 =	simm.s32 $0x1770;
	s12 =	simm.s32 $0x1F40;
	[dreg:$0x1a] =	wrdreg s29  }
0x24: {  	v3 =	vimm.s32 $0x0;
	vm0 =	vcmask $0x300;
	v1 =	vimm.f32 $0.0e+00;
	s24 =	simm.s32 $0x0;
	s0 =	sadd.s32 s0, s4;
	[dreg:$0x1b] =	wrdreg s30  }
0x25: {  	v2 =	vimm.f32 $1.000000000e+00;
	v3 =	vsel vm0, $0x3, v3;
	v0 =	vmov s2;
	s11 =	simm.s32 $0x50;
	[dreg:$0x19] =	wrdreg s0;
	s0 =	simm.s32 $0x4740  }
.LBB2_1:
0x26: {  	s2 =	simm.s32 $0x40;
	s5 =	simm.s32 $0x0  }
.LBB2_2:
0x27: {  	p2 =	sne.s32 s2, $0x13C0;
	[tilespmem:s5+$0x9740] =	vst v1;
	s5 =	smov.u32 s2;
	s2 =	sadd.s32 $0x40, s2  }
.Ltmp0:
0x28: {  	(pc) =	sbr.rel @p2 .LBB2_2-.Ltmp0, $2  }
0x29: {  	_ =	sdelay $0x2  }
0x2a: {  	s5 =	sshra.s32 s5, $0x2  }
0x2b: {  	[tilespmem:s5+$0x9740] =	vst v1;
	s22 =	simm.s32 $0x9740  }
0x2c: {  	[spmem:s9] =	stream.linear.scatter [tilespmem:s22], [sflag:$0x6], $0x500, $0x38;
	[tilespmem:$0x1FBD0] =	vst v63  }
0x2d: {  	_ =	swait.ge [sflag:s31], $0x500  }
0x2e: {  	[sflag:s31] =	ssyncset.done $0x0  }
0x2f: {  	s2 =	rddreg [dreg:$0xa];
	[sflag:s31] =	ssyncadd.s32 $0xFFFFFB00  }
0x30: {  	[spmem:s2] =	stream.linear.scatter [tilespmem:s22], [sflag:$0x6], $0x500, $0x38;
	[tilespmem:$0x1FBD0] =	vst v63  }
0x31: {  	_ =	swait.ge [sflag:s31], $0x500  }
0x32: {  	[sflag:s31] =	ssyncset.done $0x0  }
0x33: {  	s23 =	rddreg [dreg:$0xb];
	[sflag:s31] =	ssyncadd.s32 $0xFFFFFB00  }
0x34: {  	[spmem:s23] =	stream.linear.scatter [tilespmem:s22], [sflag:$0x6], $0x500, $0x38;
	[tilespmem:$0x1FBD0] =	vst v63  }
0x35: {  	_ =	swait.ge [sflag:s31], $0x500  }
0x36: {  	[sflag:s31] =	ssyncset.done $0x0  }
0x37: {  	s25 =	rddreg [dreg:$0xc];
	[sflag:s31] =	ssyncadd.s32 $0xFFFFFB00  }
0x38: {  	[spmem:s25] =	stream.linear.scatter [tilespmem:s22], [sflag:$0x6], $0x500, $0x38;
	[tilespmem:$0x1FBD0] =	vst v63  }
0x39: {  	_ =	swait.ge [sflag:s31], $0x500  }
0x3a: {  	[sflag:s31] =	ssyncset.done $0x0  }
0x3b: {  	s26 =	rddreg [dreg:$0xd];
	[sflag:s31] =	ssyncadd.s32 $0xFFFFFB00  }
0x3c: {  	[spmem:s26] =	stream.linear.scatter [tilespmem:s22], [sflag:$0x6], $0x500, $0x38;
	[tilespmem:$0x1FBD0] =	vst v63  }
0x3d: {  	_ =	swait.ge [sflag:s31], $0x500  }
0x3e: {  	[sflag:s31] =	ssyncset.done $0x0  }
0x3f: {  	s28 =	rddreg [dreg:$0x10];
	[sflag:s31] =	ssyncadd.s32 $0xFFFFFB00  }
0x40: {  	[spmem:s28] =	stream.linear.scatter [tilespmem:s22], [sflag:$0x6], $0x500, $0x38;
	[tilespmem:$0x1FBD0] =	vst v63  }
0x41: {  	_ =	swait.ge [sflag:s31], $0x500  }
0x42: {  	[sflag:s31] =	ssyncset.done $0x0  }
0x43: {  	s29 =	rddreg [dreg:$0x11];
	[sflag:s31] =	ssyncadd.s32 $0xFFFFFB00  }
0x44: {  	[spmem:s29] =	stream.linear.scatter [tilespmem:s22], [sflag:$0x6], $0x500, $0x38;
	[tilespmem:$0x1FBD0] =	vst v63  }
0x45: {  	_ =	swait.ge [sflag:s31], $0x500  }
0x46: {  	[sflag:s31] =	ssyncset.done $0x0  }
0x47: {  	s30 =	rddreg [dreg:$0x12];
	[sflag:s31] =	ssyncadd.s32 $0xFFFFFB00  }
0x48: {  	[spmem:s30] =	stream.linear.scatter [tilespmem:s22], [sflag:$0x6], $0x410, $0x38;
	[tilespmem:$0x1FBD0] =	vst v63  }
0x49: {  	_ =	swait.ge [sflag:s31], $0x410  }
0x4a: {  	[sflag:s31] =	ssyncset.done $0x0  }
0x4b: {  	s5 =	simm.s32 $0x0;
	s2 =	simm.s32 $0x40;
	[sflag:s31] =	ssyncadd.s32 $0xFFFFFBF0  }
.LBB2_4:
0x4c: {  	p2 =	sne.s32 s2, $0x13C0;
	[tilespmem:s5+$0x9740] =	vst v2;
	s5 =	smov.u32 s2;
	s2 =	sadd.s32 $0x40, s2  }
.Ltmp1:
0x4d: {  	(pc) =	sbr.rel @p2 .LBB2_4-.Ltmp1, $2  }
0x4e: {  	_ =	sdelay $0x2  }
0x4f: {  	s5 =	sshra.s32 s5, $0x2  }
0x50: {  	[dreg:$0x6] =	wrdreg s7;
	[tilespmem:s5+$0x9740] =	vst v2;
	s2 =	simm.s32 $0x0;
	s5 =	simm.s32 $0x200  }
.LBB2_6:
0x51: {  	p2 =	sne.s32 s5, $0x9E00;
	[tilespmem:s2+$0x47B0] =	vst v1  }
0x52: {  	[tilespmem:s2+$0x4740] =	vst v1  }
0x53: {  	[tilespmem:s2+$0x4750] =	vst v1  }
.Ltmp2:
0x54: {  	[tilespmem:s2+$0x4760] =	vst v1;
	(pc) =	sbr.rel @p2 .LBB2_6-.Ltmp2, $4  }
0x55: {  	[tilespmem:s2+$0x4770] =	vst v1  }
0x56: {  	[tilespmem:s2+$0x4780] =	vst v1  }
0x57: {  	[tilespmem:s2+$0x4790] =	vst v1  }
0x58: {  	[tilespmem:s2+$0x47A0] =	vst v1;
	s2 =	sshra.s32 s5, $0x2;
	s5 =	sadd.s32 $0x200, s5  }
0x59: {  	[tilespmem:s2+$0x47B0] =	vst v1  }
0x5a: {  	[tilespmem:s2+$0x4740] =	vst v1  }
0x5b: {  	[tilespmem:s2+$0x4750] =	vst v1  }
0x5c: {  	[tilespmem:s2+$0x4760] =	vst v1  }
0x5d: {  	[tilespmem:s2+$0x4770] =	vst v1  }
0x5e: {  	[tilespmem:s2+$0x4780] =	vst v1  }
0x5f: {  	[tilespmem:s2+$0x4790] =	vst v1  }
0x60: {  	[tilespmem:s2+$0x47A0] =	vst v1  }
0x61: {  	[spmem:s8] =	stream.linear.scatter [tilespmem:s0], [sflag:$0x6], $0x2800, $0x38;
	[tilespmem:$0x1FBD0] =	vst v63  }
0x62: {  	_ =	swait.ge [sflag:s31], $0x2800  }
0x63: {  	[sflag:s31] =	ssyncset.done $0x0  }
0x64: {  	s22 =	rddreg [dreg:$0x14];
	[sflag:s31] =	ssyncadd.s32 $0xFFFFD800  }
0x65: {  	[spmem:s22] =	stream.linear.scatter [tilespmem:s0], [sflag:$0x6], $0x2800, $0x38;
	[tilespmem:$0x1FBD0] =	vst v63  }
0x66: {  	_ =	swait.ge [sflag:s31], $0x2800  }
0x67: {  	[sflag:s31] =	ssyncset.done $0x0  }
0x68: {  	s23 =	rddreg [dreg:$0x15];
	[sflag:s31] =	ssyncadd.s32 $0xFFFFD800  }
0x69: {  	[spmem:s23] =	stream.linear.scatter [tilespmem:s0], [sflag:$0x6], $0x2800, $0x38;
	[tilespmem:$0x1FBD0] =	vst v63  }
0x6a: {  	_ =	swait.ge [sflag:s31], $0x2800  }
0x6b: {  	[sflag:s31] =	ssyncset.done $0x0  }
0x6c: {  	s25 =	rddreg [dreg:$0x16];
	[sflag:s31] =	ssyncadd.s32 $0xFFFFD800  }
0x6d: {  	[spmem:s25] =	stream.linear.scatter [tilespmem:s0], [sflag:$0x6], $0x2800, $0x38;
	[tilespmem:$0x1FBD0] =	vst v63  }
0x6e: {  	_ =	swait.ge [sflag:s31], $0x2800  }
0x6f: {  	[sflag:s31] =	ssyncset.done $0x0  }
0x70: {  	s26 =	rddreg [dreg:$0x17];
	[sflag:s31] =	ssyncadd.s32 $0xFFFFD800  }
0x71: {  	[spmem:s26] =	stream.linear.scatter [tilespmem:s0], [sflag:$0x6], $0x2800, $0x38;
	[tilespmem:$0x1FBD0] =	vst v63  }
0x72: {  	_ =	swait.ge [sflag:s31], $0x2800  }
0x73: {  	[sflag:s31] =	ssyncset.done $0x0  }
0x74: {  	s28 =	rddreg [dreg:$0x18];
	[sflag:s31] =	ssyncadd.s32 $0xFFFFD800  }
0x75: {  	[spmem:s28] =	stream.linear.scatter [tilespmem:s0], [sflag:$0x6], $0x2800, $0x38;
	[tilespmem:$0x1FBD0] =	vst v63  }
0x76: {  	_ =	swait.ge [sflag:s31], $0x2800  }
0x77: {  	[sflag:s31] =	ssyncset.done $0x0  }
0x78: {  	s29 =	rddreg [dreg:$0x19];
	[sflag:s31] =	ssyncadd.s32 $0xFFFFD800  }
0x79: {  	[spmem:s29] =	stream.linear.scatter [tilespmem:s0], [sflag:$0x6], $0x2800, $0x38;
	[tilespmem:$0x1FBD0] =	vst v63  }
0x7a: {  	_ =	swait.ge [sflag:s31], $0x2800  }
0x7b: {  	[sflag:s31] =	ssyncset.done $0x0  }
0x7c: {  	s30 =	rddreg [dreg:$0x1a];
	[sflag:s31] =	ssyncadd.s32 $0xFFFFD800  }
0x7d: {  	[spmem:s30] =	stream.linear.scatter [tilespmem:s0], [sflag:$0x6], $0x2080, $0x38;
	[tilespmem:$0x1FBD0] =	vst v63  }
0x7e: {  	_ =	swait.ge [sflag:s31], $0x2080  }
0x7f: {  	[sflag:s31] =	ssyncset.done $0x0  }
0x80: {  	[sflag:s31] =	ssyncadd.s32 $0xFFFFDF80  }
0x81: {  	s25 =	simm.s32 $0x0;
	[bflag:$0x0] =	sbarrier.arrive $0xFFFF  }
.LBB2_8:
0x82: {  	s2 =	smul.u32 $0x7D0, s25  }
0x83: {  	s5 =	rddreg [dreg:$0x9]  }
0x84: {  	s2 =	sadd.s32 s5, s2  }
0x85: {  	s28 =	rddreg [dreg:$0x7];
	s2 =	sshrl.u32 s2, $0x3  }
0x86: {  	s5 =	sadd.s32 s28, s2  }
0x87: {  	[tilespmem:s24], [sflag:$0x6] =	stream.linear.gather [hbm4b:s5+s24], $0x7D0, $0x38;
	[tilespmem:$0x1FBD0] =	vst v63  }
0x88: {  	_ =	swait.ge [sflag:s31], $0x7D0  }
0x89: {  	[sflag:s31] =	ssyncset.done $0x0  }
0x8a: {  	[sflag:s31] =	ssyncadd.s32 $0xFFFFF830  }
0x8b: {  	s29 =	rddreg [dreg:$0x2]  }
0x8c: {  	s5 =	sadd.s32 s29, s2  }
0x8d: {  	[tilespmem:s6], [sflag:$0x6] =	stream.linear.gather [hbm4b:s5+s24], $0x7D0, $0x38;
	[tilespmem:$0x1FBD0] =	vst v63  }
0x8e: {  	_ =	swait.ge [sflag:s31], $0x7D0  }
0x8f: {  	[sflag:s31] =	ssyncset.done $0x0;
	s30 =	rddreg [dreg:$0x8]  }
0x90: {  	[sflag:s31] =	ssyncadd.s32 $0xFFFFF830;
	s2 =	sadd.s32 s30, s2  }
0x91: {  	[tilespmem:s10], [sflag:$0x6] =	stream.linear.gather [hbm4b:s2+s24], $0x7D0, $0x38;
	[tilespmem:$0x1FBD0] =	vst v63  }
0x92: {  	_ =	swait.ge [sflag:s31], $0x7D0  }
0x93: {  	[sflag:s31] =	ssyncset.done $0x0  }
0x94: {  	s5 =	simm.s32 $0x40;
	s2 =	simm.s32 $0x0;
	[sflag:s31] =	ssyncadd.s32 $0xFFFFF830  }
.LBB2_9:
0x95: {  	p2 =	sne.s32 s5, $0x1F00;
	v4 =	vld [tilespmem:s2+$0xFA0];
	_ =	sdelay $0x1  }
.Ltmp3:
0x96: {  	(pc) =	sbr.rel @p2 .LBB2_9-.Ltmp3, $3  }
0x97: {  	_ =	sdelay $0x1  }
0x98: {  	v4 =	vadd.s32 v0, v4  }
0x99: {  	[tilespmem:s2+$0xFA0] =	vst v4;
	s2 =	sshra.s32 s5, $0x2;
	s5 =	sadd.s32 $0x40, s5  }
0x9a: {  	v4 =	vld [tilespmem:s2+$0xFA0];
	_ =	sdelay $0x4  }
0x9b: {  	v4 =	vadd.s32 v0, v4  }
0x9c: {  	[tilespmem:s2+$0xFA0] =	vst v4;
	s2 =	simm.s32 $0x0  }
0x9d: {  	v4 =	vld [tilespmem:s2+$0x40]  }
0x9e: {  	v5 =	vld [tilespmem:s2+$0x0]  }
0x9f: {  	v6 =	vld [tilespmem:s2+$0x10]  }
0xa0: {  	v7 =	vld [tilespmem:s2+$0x20]  }
0xa1: {  	s5 =	simm.s32 $0x140;
	v8 =	vld [tilespmem:s2+$0x30]  }
.LBB2_11:
0xa2: {  	s13 =	sshra.s32 s5, $0x2;
	p2 =	sne.s32 s5, $0x1E00;
	s5 =	sadd.s32 $0x140, s5;
	[tilespmem:s2+$0x810] =	vst v4  }
.Ltmp4:
0xa3: {  	v4 =	vld [tilespmem:s13+$0x40];
	[tilespmem:s2+$0x7D0] =	vst v5;
	(pc) =	sbr.rel @p2 .LBB2_11-.Ltmp4, $4  }
0xa4: {  	v5 =	vld [tilespmem:s13+$0x0];
	[tilespmem:s2+$0x7E0] =	vst v6  }
0xa5: {  	v6 =	vld [tilespmem:s13+$0x10];
	[tilespmem:s2+$0x7F0] =	vst v7  }
0xa6: {  	v7 =	vld [tilespmem:s13+$0x20];
	[tilespmem:s2+$0x800] =	vst v8;
	s2 =	smov.u32 s13  }
0xa7: {  	v8 =	vld [tilespmem:s2+$0x30]  }
0xa8: {  	[tilespmem:s2+$0x810] =	vst v4  }
0xa9: {  	[tilespmem:s2+$0x7D0] =	vst v5  }
0xaa: {  	[tilespmem:s2+$0x7E0] =	vst v6  }
0xab: {  	[tilespmem:s2+$0x7F0] =	vst v7  }
0xac: {  	[tilespmem:s2+$0x800] =	vst v8  }
0xad: {  	[tilespmem:s12], [sflag:$0x1] =	stream.indirect.gather [hbm4b:s1+s11], $0x40, s10, s11, $0xb8;
	[tilespmem:$0x1FBD0] =	vst v63  }
0xae: {  	s30 =	simm.s32 $0xFF0;
	s26 =	simm.s32 $0x0;
	s28 =	simm.s32 $0x0  }
0xaf: {  	[tilespmem:s14], [sflag:$0x2] =	stream.indirect.gather [hbm4b:s1+s11], $0x40, s30, s11, $0xb8;
	[tilespmem:$0x1FBD0] =	vst v63  }
.LBB2_13:
0xb0: {  	s5 =	sadd.s32 $0xFFFFFFF8, s26  }
0xb1: {  	s13 =	sadd.s32 $0xF, s5  }
0xb2: {  	s2 =	smul.u32 @!p0 $0x280, s28;
	v4 =	vmov s13  }
0xb3: {  	_ =	swait.ge [sflag:s15], $0x1400;
	s19 =	simm.s32 @!p0 $0x9740;
	v4 =	vshrl.u32 v4, $0x3  }
0xb4: {  	p2 =	seq.s32 s28, $0x0;
	[sflag:s15] =	ssyncset.done $0x0;
	s2 =	sshra.s32 @!p0 s2, $0x2;
	v4 =	vshll.u32 v4, v3  }
0xb5: {  	[sflag:s15] =	ssyncadd.s32 $0xFFFFEC00;
	s13 =	simm.s32 @!p0 $0x50;
	s2 =	sadd.s32 @!p0 $0x7D0, s2;
	v4 =	vadd.s32 $0x7, v4  }
0xb6: {  	[spmem:s3] =	stream.indirect.scatter.add.f32 @!p0 [tilespmem:s19], [sflag:$0x5], $0x10, s2, s13, $0xb8;
	v4 =	vbroadcast v4, $0x0;
	[tilespmem:$0x1FBD0] =	vst v63  }
0xb7: {  	s2 =	simm.s32 @!p2 $0x3  }
0xb8: {  	_ =	swait.ge @!p2 [sflag:s2], $0x2800  }
0xb9: {  	s9 =	sadd.s32 $0x9, s5;
	[sflag:s2] =	ssyncset.done @!p2 $0x0  }
0xba: {  	v5 =	vmov s9;
	[sflag:s2] =	ssyncadd.s32 @!p2 $0xFFFFD800;
	s2 =	simm.s32 $0x2040  }
0xbb: {  	v5 =	vshrl.u32 v5, $0x3;
	v6 =	vld [tilespmem:s2+$0xC0]  }
0xbc: {  	s10 =	sadd.s32 $0xA, s5;
	v5 =	vshll.u32 v5, v3;
	v4 =	vld.idx.msk [tilespmem:v4+s6+$0x0], $0xffff  }
0xbd: {  	v7 =	vmov s10;
	v5 =	vadd.s32 $0x1, v5  }
0xbe: {  	s20 =	sadd.s32 $0xC, s5;
	v7 =	vshrl.u32 v7, $0x3;
	v5 =	vbroadcast v5, $0x0  }
0xbf: {  	v9 =	vmov s20;
	s19 =	sadd.s32 $0xB, s5;
	v7 =	vshll.u32 v7, v3  }
0xc0: {  	v8 =	vmov s19;
	v7 =	vadd.s32 $0x2, v7;
	v10 =	vshll.u32 v6, $0x10  }
0xc1: {  	v8 =	vshrl.u32 v8, $0x3;
	v6 =	vand.u32 $0xFFFF0000, v6;
	v10 =	vmul.f32 v10, v4  }
0xc2: {  	s19 =	simm.s32 $0x4940;
	v7 =	vbroadcast v7, $0x0;
	v8 =	vshll.u32 v8, v3;
	v6 =	vmul.f32 v6, v4  }
0xc3: {  	s22 =	sadd.s32 $0xD, s5;
	v9 =	vshrl.u32 v9, $0x3;
	v8 =	vadd.s32 $0x3, v8;
	v11 =	vld [tilespmem:s2+$0xFFFFFF40];
	[tilespmem:s19+$0x180] =	vst v10  }
0xc4: {  	v9 =	vshll.u32 v9, v3;
	v8 =	vbroadcast v8, $0x0;
	v13 =	vld.idx.msk [tilespmem:v5+s6+$0x0], $0xffff;
	v10 =	vmov s22;
	[tilespmem:s19+$0x190] =	vst v6  }
0xc5: {  	v6 =	vadd.s32 $0x4, v9;
	v5 =	vshrl.u32 v10, $0x3;
	v9 =	vld [tilespmem:s2+$0xD0]  }
0xc6: {  	s23 =	sadd.s32 $0x8, s5;
	s5 =	sadd.s32 $0xE, s5;
	v6 =	vbroadcast v6, $0x0;
	v5 =	vshll.u32 v5, v3  }
0xc7: {  	v12 =	vmov s23;
	v14 =	vld [tilespmem:s2+$0xFFFFFF80];
	v10 =	vmov s5;
	v5 =	vadd.s32 $0x5, v5  }
0xc8: {  	v15 =	vld.idx.msk [tilespmem:v7+s6+$0x0], $0xffff;
	v16 =	vshll.u32 v11, $0x10;
	v10 =	vshrl.u32 v10, $0x3;
	v5 =	vbroadcast v5, $0x0  }
0xc9: {  	v11 =	vand.u32 $0xFFFF0000, v11;
	v16 =	vmul.f32 v16, v13;
	v7 =	vshll.u32 v10, v3;
	v10 =	vld [tilespmem:s2+$0xFFFFFFC0]  }
0xca: {  	v12 =	vshrl.u32 v12, $0x3;
	v17 =	vld.idx.msk [tilespmem:v8+s6+$0x0], $0xffff;
	v8 =	vmul.f32 v11, v13;
	v11 =	vshll.u32 v9, $0x10  }
0xcb: {  	v18 =	vld [tilespmem:s2+$0x0];
	[tilespmem:s19+$0xFFFFFE80] =	vst v16;
	v7 =	vadd.s32 $0x6, v7;
	v9 =	vand.u32 $0xFFFF0000, v9;
	v11 =	vmul.f32 v11, v4  }
0xcc: {  	v16 =	vshll.u32 v14, $0x10;
	[tilespmem:s19+$0xFFFFFE90] =	vst v8;
	v7 =	vbroadcast v7, $0x0;
	v20 =	vld.idx.msk [tilespmem:v6+s6+$0x0], $0xffff;
	v6 =	vmul.f32 v9, v4  }
0xcd: {  	v8 =	vshll.u32 v12, v3;
	v12 =	vand.u32 $0xFFFF0000, v14;
	v14 =	vmul.f32 v16, v15;
	v9 =	vld [tilespmem:s2+$0x40];
	[tilespmem:s19+$0x1A0] =	vst v11  }
0xce: {  	v8 =	vbroadcast v8, $0x0;
	v11 =	vshll.u32 v10, $0x10;
	[tilespmem:s19+$0x1B0] =	vst v6;
	v16 =	vld.idx.msk [tilespmem:v5+s6+$0x0], $0xffff;
	v5 =	vmul.f32 v12, v15  }
0xcf: {  	[tilespmem:s19+$0xFFFFFF00] =	vst v14;
	v6 =	vand.u32 $0xFFFF0000, v10;
	v10 =	vmul.f32 v11, v17;
	v11 =	vld [tilespmem:s2+$0xE0]  }
0xd0: {  	v12 =	vshll.u32 v18, $0x10;
	v6 =	vmul.f32 v6, v17;
	[tilespmem:s19+$0xFFFFFF10] =	vst v5  }
0xd1: {  	v14 =	vand.u32 $0xFFFF0000, v18;
	v5 =	vld [tilespmem:s2+$0x80];
	v12 =	vmul.f32 v12, v20;
	[tilespmem:s19+$0xFFFFFF80] =	vst v10  }
0xd2: {  	v19 =	vld.idx.msk [tilespmem:v7+s6+$0x0], $0xffff;
	v10 =	vshll.u32 v9, $0x10;
	v7 =	vmul.f32 v14, v20;
	[tilespmem:s19+$0xFFFFFF90] =	vst v6  }
0xd3: {  	v6 =	vld [tilespmem:s2+$0xFFFFFF00];
	v9 =	vand.u32 $0xFFFF0000, v9;
	[tilespmem:s19+$0x0] =	vst v12;
	v10 =	vmul.f32 v10, v16  }
0xd4: {  	v12 =	vld.idx.msk [tilespmem:v8+s6+$0x0], $0xffff;
	[tilespmem:s19+$0x10] =	vst v7;
	v8 =	vmul.f32 v9, v16;
	v7 =	vshll.u32 v11, $0x10  }
0xd5: {  	v9 =	vld [tilespmem:s2+$0xFFFFFF50];
	v7 =	vmul.f32 v7, v4;
	[tilespmem:s19+$0x80] =	vst v10;
	v10 =	vand.u32 $0xFFFF0000, v11  }
0xd6: {  	v11 =	vshll.u32 v5, $0x10;
	[tilespmem:s19+$0x90] =	vst v8;
	v8 =	vmul.f32 v10, v4  }
0xd7: {  	v5 =	vand.u32 $0xFFFF0000, v5;
	v10 =	vmul.f32 v11, v19;
	v11 =	vld [tilespmem:s2+$0xFFFFFF90];
	[tilespmem:s19+$0x1C0] =	vst v7  }
0xd8: {  	v14 =	vld [tilespmem:s2+$0xFFFFFFD0];
	v7 =	vshll.u32 v6, $0x10;
	v5 =	vmul.f32 v5, v19;
	[tilespmem:s19+$0x1D0] =	vst v8  }
0xd9: {  	v6 =	vand.u32 $0xFFFF0000, v6;
	v7 =	vmul.f32 v7, v12;
	[tilespmem:s19+$0x100] =	vst v10  }
0xda: {  	v6 =	vmul.f32 v6, v12;
	v8 =	vld [tilespmem:s2+$0x10];
	v10 =	vshll.u32 v9, $0x10;
	[tilespmem:s19+$0x110] =	vst v5  }
0xdb: {  	v5 =	vand.u32 $0xFFFF0000, v9;
	v9 =	vmul.f32 v10, v13;
	v10 =	vld [tilespmem:s2+$0x50];
	[tilespmem:s19+$0xFFFFFE00] =	vst v7  }
0xdc: {  	v5 =	vmul.f32 v5, v13;
	[tilespmem:s19+$0xFFFFFE10] =	vst v6;
	v21 =	vld [tilespmem:s2+$0x90];
	v7 =	vshll.u32 v11, $0x10  }
0xdd: {  	v18 =	vld [tilespmem:s2+$0xF0];
	v11 =	vand.u32 $0xFFFF0000, v11;
	[tilespmem:s19+$0xFFFFFEA0] =	vst v9;
	v9 =	vand.u32 $0xFFFF0000, v14;
	v6 =	vmul.f32 v7, v15  }
0xde: {  	s5 =	sadd.s32 $0x0, s26;
	[tilespmem:s19+$0xFFFFFEB0] =	vst v5;
	v7 =	vmul.f32 v11, v15;
	v11 =	vshll.u32 v14, $0x10;
	v5 =	vmul.f32 v9, v17  }
0xdf: {  	s9 =	sadd.s32 $0xB, s5;
	v11 =	vmul.f32 v11, v17;
	v14 =	vshll.u32 v8, $0x10;
	v8 =	vand.u32 $0xFFFF0000, v8;
	[tilespmem:s19+$0xFFFFFF20] =	vst v6  }
0xe0: {  	v27 =	vmov s9;
	v22 =	vld [tilespmem:s2+$0xFFFFFF60];
	v9 =	vmul.f32 v14, v20;
	v6 =	vmul.f32 v8, v20;
	[tilespmem:s19+$0xFFFFFF30] =	vst v7  }
0xe1: {  	v14 =	vld [tilespmem:s2+$0xFFFFFF10];
	v8 =	vshll.u32 v10, $0x10;
	v10 =	vand.u32 $0xFFFF0000, v10;
	[tilespmem:s19+$0xFFFFFFB0] =	vst v5;
	v5 =	vand.u32 $0xFFFF0000, v21  }
0xe2: {  	v7 =	vmul.f32 v8, v16;
	v8 =	vmul.f32 v10, v16;
	[tilespmem:s19+$0xFFFFFFA0] =	vst v11;
	v11 =	vand.u32 $0xFFFF0000, v18  }
0xe3: {  	s22 =	sadd.s32 $0xC, s5;
	v10 =	vshll.u32 v18, $0x10;
	v18 =	vshll.u32 v21, $0x10;
	v23 =	vld [tilespmem:s2+$0xFFFFFFA0];
	v11 =	vmul.f32 v11, v4;
	[tilespmem:s19+$0x20] =	vst v9  }
0xe4: {  	v28 =	vmov s22;
	v18 =	vmul.f32 v18, v19;
	v9 =	vmul.f32 v5, v19;
	[tilespmem:s19+$0x30] =	vst v6  }
0xe5: {  	v24 =	vld [tilespmem:s2+$0xFFFFFFE0];
	v5 =	vmul.f32 v10, v4;
	v6 =	vshll.u32 v22, $0x10;
	[tilespmem:s19+$0xA0] =	vst v7;
	v10 =	vand.u32 $0xFFFF0000, v22  }
0xe6: {  	s7 =	sadd.s32 $0xF, s5;
	[tilespmem:s19+$0xB0] =	vst v8;
	v6 =	vmul.f32 v6, v13;
	v21 =	vshll.u32 v14, $0x10;
	v14 =	vand.u32 $0xFFFF0000, v14  }
0xe7: {  	v8 =	vmul.f32 v10, v13;
	[tilespmem:s19+$0x130] =	vst v9;
	v9 =	vmov s7;
	v7 =	vmul.f32 v14, v12;
	v14 =	vld [tilespmem:s2+$0x20]  }
0xe8: {  	s20 =	sadd.s32 $0xA, s5;
	v22 =	vld [tilespmem:s2+$0x60];
	[tilespmem:s19+$0x120] =	vst v18;
	v9 =	vshrl.u32 v9, $0x3;
	v4 =	vmul.f32 v21, v12;
	v10 =	vshll.u32 v23, $0x10  }
0xe9: {  	v21 =	vand.u32 $0xFFFF0000, v23;
	v9 =	vshll.u32 v9, v3;
	[tilespmem:s19+$0xFFFFFED0] =	vst v8;
	v8 =	vmov s20  }
0xea: {  	v18 =	vmul.f32 v21, v15;
	v21 =	vshll.u32 v24, $0x10;
	v23 =	vand.u32 $0xFFFF0000, v24;
	v24 =	vld [tilespmem:s2+$0xA0]  }
0xeb: {  	v10 =	vmul.f32 v10, v15;
	v9 =	vadd.s32 $0x7, v9;
	v21 =	vmul.f32 v21, v17  }
0xec: {  	v25 =	vmul.f32 v23, v17;
	v9 =	vbroadcast v9, $0x0;
	v23 =	vshll.u32 v14, $0x10  }
0xed: {  	[tilespmem:s19+$0xFFFFFEC0] =	vst v6;
	v14 =	vand.u32 $0xFFFF0000, v14;
	v26 =	vmul.f32 v23, v20;
	v23 =	vshll.u32 v22, $0x10  }
0xee: {  	[tilespmem:s19+$0xFFFFFE20] =	vst v4;
	v4 =	vmul.f32 v14, v20;
	v14 =	vand.u32 $0xFFFF0000, v22;
	v22 =	vmul.f32 v23, v16  }
0xef: {  	s29 =	simm.s32 $0x2240;
	s8 =	sadd.s32 $0x9, s5;
	[tilespmem:s19+$0xFFFFFE30] =	vst v7;
	v7 =	vmul.f32 v14, v16;
	v14 =	vshll.u32 v24, $0x10;
	v23 =	vand.u32 $0xFFFF0000, v24  }
0xf0: {  	v30 =	vld [tilespmem:s29+$0xC0];
	s23 =	sadd.s32 $0xE, s5;
	[tilespmem:s19+$0xFFFFFF40] =	vst v10;
	v6 =	vmul.f32 v14, v19;
	v14 =	vmul.f32 v23, v19;
	v23 =	vmov s8  }
0xf1: {  	v32 =	vld [tilespmem:s29+$0xFFFFFF80];
	v29 =	vmov s23;
	v8 =	vshrl.u32 v8, $0x3;
	[tilespmem:s19+$0xFFFFFF50] =	vst v18;
	v23 =	vshrl.u32 v23, $0x3  }
0xf2: {  	s10 =	sadd.s32 $0xD, s5;
	v8 =	vshll.u32 v8, v3;
	v18 =	vshrl.u32 v27, $0x3;
	[tilespmem:s19+$0xFFFFFFC0] =	vst v21;
	v27 =	vshll.u32 v23, v3;
	v23 =	vld.idx.msk [tilespmem:v9+s6+$0x0], $0xffff  }
0xf3: {  	s5 =	sadd.s32 $0x8, s5;
	v10 =	vmov s10;
	v21 =	vshrl.u32 v28, $0x3;
	v31 =	vld [tilespmem:s2+$0xFFFFFFB0];
	[tilespmem:s19+$0xFFFFFFD0] =	vst v25;
	v27 =	vadd.s32 $0x1, v27  }
0xf4: {  	[tilespmem:s19+$0x1F0] =	vst v11;
	v28 =	vmov s5;
	v10 =	vshrl.u32 v10, $0x3;
	v11 =	vld [tilespmem:s2+$0xFFFFFFF0];
	v27 =	vbroadcast v27, $0x0  }
0xf5: {  	v25 =	vshrl.u32 v29, $0x3;
	v18 =	vshll.u32 v18, v3;
	v29 =	vshll.u32 v30, $0x10;
	v24 =	vld [tilespmem:s2+$0xFFFFFF20];
	[tilespmem:s19+$0x40] =	vst v26  }
0xf6: {  	v30 =	vand.u32 $0xFFFF0000, v30;
	v21 =	vshll.u32 v21, v3;
	v26 =	vld [tilespmem:s29+$0xFFFFFF00];
	[tilespmem:s19+$0x50] =	vst v4;
	v4 =	vadd.s32 $0x2, v8  }
0xf7: {  	v8 =	vld [tilespmem:s29+$0xFFFFFF40];
	[tilespmem:s19+$0xC0] =	vst v22;
	v22 =	vshrl.u32 v28, $0x3;
	v28 =	vbroadcast v4, $0x0;
	v29 =	vmul.f32 v29, v23  }
0xf8: {  	s30 =	simm.s32 $0x4D40;
	v4 =	vadd.s32 $0x3, v18;
	v18 =	vadd.s32 $0x4, v21;
	v21 =	vld [tilespmem:s29+$0xFFFFFFC0];
	[tilespmem:s19+$0xD0] =	vst v7;
	v30 =	vmul.f32 v30, v23  }
0xf9: {  	v10 =	vshll.u32 v10, v3;
	v9 =	vld [tilespmem:s2+$0xFFFFFF70];
	[tilespmem:s30+$0x180] =	vst v29  }
0xfa: {  	v25 =	vshll.u32 v25, v3;
	v10 =	vadd.s32 $0x5, v10;
	v29 =	vbroadcast v4, $0x0;
	[tilespmem:s30+$0x190] =	vst v30;
	v4 =	vld.idx.msk [tilespmem:v27+s6+$0x0], $0xffff  }
0xfb: {  	v25 =	vadd.s32 $0x6, v25;
	v18 =	vbroadcast v18, $0x0;
	[tilespmem:s19+$0x140] =	vst v6;
	v7 =	vshll.u32 v24, $0x10;
	v30 =	vld [tilespmem:s29+$0xD0]  }
0xfc: {  	[tilespmem:s19+$0x150] =	vst v14;
	v14 =	vbroadcast v25, $0x0;
	v25 =	vld [tilespmem:s29+$0x40];
	v6 =	vand.u32 $0xFFFF0000, v24;
	v7 =	vmul.f32 v7, v12  }
0xfd: {  	v22 =	vshll.u32 v22, v3;
	v48 =	vld [tilespmem:s2+$0x70];
	v6 =	vmul.f32 v6, v12;
	v27 =	vbroadcast v10, $0x0  }
0xfe: {  	v22 =	vbroadcast v22, $0x0;
	[tilespmem:s19+$0xFFFFFE40] =	vst v7;
	v7 =	vshll.u32 v8, $0x10;
	v10 =	vld.idx.msk [tilespmem:v28+s6+$0x0], $0xffff  }
0xff: {  	v24 =	vld [tilespmem:s29+$0x0];
	v33 =	vshll.u32 v9, $0x10;
	[tilespmem:s19+$0xFFFFFE50] =	vst v6;
	v6 =	vand.u32 $0xFFFF0000, v8;
	v8 =	vmul.f32 v7, v4  }
0x100: {  	[tilespmem:s19+$0x1E0] =	vst v5;
	v34 =	vand.u32 $0xFFFF0000, v9;
	v9 =	vld.idx.msk [tilespmem:v29+s6+$0x0], $0xffff;
	v5 =	vmul.f32 v6, v4;
	v6 =	vshll.u32 v30, $0x10  }
0x101: {  	v7 =	vld.idx.msk [tilespmem:v18+s6+$0x0], $0xffff;
	v18 =	vand.u32 $0xFFFF0000, v30;
	v30 =	vmul.f32 v6, v23;
	[tilespmem:s30+$0xFFFFFE80] =	vst v8  }
0x102: {  	v36 =	vshll.u32 v32, $0x10;
	v45 =	vand.u32 $0xFFFF0000, v11;
	v18 =	vmul.f32 v18, v23;
	v6 =	vld.idx.msk [tilespmem:v14+s6+$0x0], $0xffff;
	[tilespmem:s30+$0xFFFFFE90] =	vst v5  }
0x103: {  	v44 =	vshll.u32 v21, $0x10;
	v14 =	vmul.f32 v36, v10;
	v8 =	vld.idx.msk [tilespmem:v27+s6+$0x0], $0xffff;
	v27 =	vand.u32 $0xFFFF0000, v32;
	[tilespmem:s30+$0x1A0] =	vst v30  }
0x104: {  	v21 =	vand.u32 $0xFFFF0000, v21;
	v46 =	vshll.u32 v25, $0x10;
	v5 =	vld.idx.msk [tilespmem:v22+s6+$0x0], $0xffff;
	v22 =	vmul.f32 v27, v10;
	[tilespmem:s30+$0x1B0] =	vst v18  }
0x105: {  	v35 =	vld [tilespmem:s29+$0x80];
	v25 =	vand.u32 $0xFFFF0000, v25;
	v55 =	vand.u32 $0xFFFF0000, v48;
	[tilespmem:s30+$0xFFFFFF00] =	vst v14;
	v27 =	vmul.f32 v44, v9  }
0x106: {  	v28 =	vshll.u32 v31, $0x10;
	v18 =	vshll.u32 v24, $0x10;
	v21 =	vmul.f32 v21, v9;
	[tilespmem:s30+$0xFFFFFF10] =	vst v22  }
0x107: {  	v29 =	vshll.u32 v26, $0x10;
	v24 =	vand.u32 $0xFFFF0000, v24;
	v47 =	vld [tilespmem:s29+$0xFFFFFF50];
	v18 =	vmul.f32 v18, v7;
	[tilespmem:s30+$0xFFFFFF80] =	vst v27  }
0x108: {  	v30 =	vshll.u32 v11, $0x10;
	v11 =	vmul.f32 v33, v13;
	v14 =	vld [tilespmem:s29+$0xE0];
	v24 =	vmul.f32 v24, v7;
	[tilespmem:s30+$0xFFFFFF90] =	vst v21  }
0x109: {  	v26 =	vand.u32 $0xFFFF0000, v26;
	v13 =	vmul.f32 v34, v13;
	v22 =	vld [tilespmem:s2+$0x30];
	v36 =	vmul.f32 v46, v8;
	[tilespmem:s30+$0x0] =	vst v18  }
0x10a: {  	v27 =	vshll.u32 v35, $0x10;
	v25 =	vmul.f32 v25, v8;
	v29 =	vmul.f32 v29, v5;
	[tilespmem:s30+$0x10] =	vst v24  }
0x10b: {  	v21 =	vand.u32 $0xFFFF0000, v35;
	v24 =	vmul.f32 v26, v5;
	v27 =	vmul.f32 v27, v6;
	[tilespmem:s30+$0x80] =	vst v36  }
0x10c: {  	v57 =	vld [tilespmem:s2+$0xFFFFFF30];
	v21 =	vmul.f32 v21, v6;
	v37 =	vshll.u32 v47, $0x10;
	v33 =	vand.u32 $0xFFFF0000, v47;
	[tilespmem:s30+$0x90] =	vst v25  }
0x10d: {  	v26 =	vld [tilespmem:s29+$0xFFFFFF90];
	v18 =	vshll.u32 v14, $0x10;
	v14 =	vand.u32 $0xFFFF0000, v14;
	v33 =	vmul.f32 v33, v4;
	[tilespmem:s30+$0xFFFFFE00] =	vst v29  }
0x10e: {  	v50 =	vld [tilespmem:s29+$0xFFFFFFD0];
	[tilespmem:s30+$0xFFFFFE10] =	vst v24;
	v18 =	vmul.f32 v18, v23;
	v49 =	vshll.u32 v22, $0x10;
	v25 =	vmul.f32 v14, v23  }
0x10f: {  	v51 =	vld [tilespmem:s29+$0x10];
	v14 =	vmul.f32 v28, v15;
	v22 =	vand.u32 $0xFFFF0000, v22;
	v28 =	vmul.f32 v37, v4;
	[tilespmem:s30+$0x100] =	vst v27  }
0x110: {  	v31 =	vand.u32 $0xFFFF0000, v31;
	[tilespmem:s30+$0x110] =	vst v21;
	v21 =	vmul.f32 v49, v20;
	v22 =	vmul.f32 v22, v20  }
0x111: {  	v60 =	vshll.u32 v57, $0x10;
	[tilespmem:s30+$0x1C0] =	vst v18;
	v18 =	vmul.f32 v31, v15;
	v15 =	vmul.f32 v30, v17;
	v31 =	vld [tilespmem:s29+$0x50]  }
0x112: {  	v29 =	vld [tilespmem:s2+$0xB0];
	[tilespmem:s30+$0x1D0] =	vst v25;
	v17 =	vmul.f32 v45, v17;
	v30 =	vshll.u32 v26, $0x10;
	v26 =	vand.u32 $0xFFFF0000, v26  }
0x113: {  	[tilespmem:s30+$0xFFFFFEB0] =	vst v33;
	v25 =	vshll.u32 v48, $0x10;
	v27 =	vld [tilespmem:s29+$0xF0];
	v30 =	vmul.f32 v30, v10;
	v26 =	vmul.f32 v26, v10  }
0x114: {  	v54 =	vld [tilespmem:s29+$0x90];
	[tilespmem:s30+$0xFFFFFEA0] =	vst v28;
	v52 =	vshll.u32 v50, $0x10;
	v34 =	vand.u32 $0xFFFF0000, v50;
	v24 =	vshll.u32 v51, $0x10  }
0x115: {  	v53 =	vand.u32 $0xFFFF0000, v51;
	v32 =	vmul.f32 v52, v9;
	v34 =	vmul.f32 v34, v9;
	[tilespmem:s30+$0xFFFFFF20] =	vst v30  }
0x116: {  	v58 =	vld [tilespmem:s29+$0xFFFFFF60];
	v28 =	vmul.f32 v24, v7;
	v56 =	vmul.f32 v53, v7;
	[tilespmem:s30+$0xFFFFFF30] =	vst v26;
	v30 =	vshll.u32 v31, $0x10  }
0x117: {  	v24 =	vmul.f32 v25, v16;
	v25 =	vld [tilespmem:s29+$0xFFFFFF10];
	[tilespmem:s30+$0xFFFFFFA0] =	vst v32;
	v31 =	vand.u32 $0xFFFF0000, v31;
	v30 =	vmul.f32 v30, v8  }
0x118: {  	v16 =	vmul.f32 v55, v16;
	[tilespmem:s30+$0xFFFFFFB0] =	vst v34;
	v20 =	vand.u32 $0xFFFF0000, v27;
	v31 =	vmul.f32 v31, v8  }
0x119: {  	v26 =	vshll.u32 v29, $0x10;
	v59 =	vand.u32 $0xFFFF0000, v54;
	v20 =	vmul.f32 v20, v23;
	[tilespmem:s30+$0xA0] =	vst v30  }
0x11a: {  	v29 =	vand.u32 $0xFFFF0000, v29;
	v32 =	vmul.f32 v59, v6;
	v27 =	vshll.u32 v27, $0x10;
	[tilespmem:s30+$0xB0] =	vst v31  }
0x11b: {  	v33 =	vand.u32 $0xFFFF0000, v58;
	[tilespmem:s30+$0x1F0] =	vst v20;
	v20 =	vmul.f32 v26, v19;
	v19 =	vmul.f32 v29, v19;
	v29 =	vld [tilespmem:s29+$0xFFFFFFA0]  }
0x11c: {  	[tilespmem:s30+$0x20] =	vst v28;
	v28 =	vshll.u32 v25, $0x10;
	v25 =	vand.u32 $0xFFFF0000, v25;
	v23 =	vmul.f32 v27, v23;
	v63 =	vld [tilespmem:s29+$0x60]  }
0x11d: {  	[tilespmem:s30+$0x30] =	vst v56;
	v27 =	vld [tilespmem:s29+$0xFFFFFFE0];
	v33 =	vmul.f32 v33, v4;
	v28 =	vmul.f32 v28, v5;
	v26 =	vshll.u32 v54, $0x10  }
0x11e: {  	[tilespmem:s30+$0x130] =	vst v32;
	v61 =	vmul.f32 v25, v5;
	v30 =	vshll.u32 v58, $0x10;
	v26 =	vmul.f32 v26, v6  }
0x11f: {  	v62 =	vld [tilespmem:s29+$0x20];
	v25 =	vmul.f32 v60, v12;
	v31 =	vand.u32 $0xFFFF0000, v57;
	v30 =	vmul.f32 v30, v4;
	[tilespmem:s30+$0xFFFFFED0] =	vst v33  }
0x120: {  	v12 =	vmul.f32 v31, v12;
	[tilespmem:s30+$0x120] =	vst v26;
	v26 =	vshll.u32 v29, $0x10;
	v29 =	vand.u32 $0xFFFF0000, v29  }
0x121: {  	[tilespmem:s30+$0xFFFFFEC0] =	vst v30;
	v35 =	vld [tilespmem:s29+$0xA0];
	v30 =	vshll.u32 v63, $0x10;
	v36 =	vand.u32 $0xFFFF0000, v63;
	v38 =	vmul.f32 v26, v10  }
0x122: {  	[tilespmem:s30+$0xFFFFFE20] =	vst v28;
	v31 =	vmul.f32 v29, v10;
	v26 =	vshll.u32 v27, $0x10;
	v33 =	vmul.f32 v30, v8  }
0x123: {  	[tilespmem:s30+$0xFFFFFE30] =	vst v61;
	v27 =	vand.u32 $0xFFFF0000, v27;
	v30 =	vmul.f32 v36, v8;
	v34 =	vmul.f32 v26, v9  }
0x124: {  	s13 =	simm.s32 $0x2240;
	v28 =	vld [tilespmem:s29+$0xFFFFFF20];
	v26 =	vshll.u32 v62, $0x10;
	v29 =	vmul.f32 v27, v9;
	v27 =	vand.u32 $0xFFFF0000, v62  }
0x125: {  	s20 =	simm.s32 $0x8;
	s5 =	simm.s32 $0x4D40;
	s2 =	sshll.u32 s28, $0x1;
	v32 =	vmul.f32 v26, v7;
	v26 =	vmul.f32 v27, v7;
	v27 =	vld [tilespmem:s29+$0xFFFFFF70];
	[tilespmem:s30+$0xFFFFFF40] =	vst v38  }
.LBB2_14:
0x126: {  	s22 =	sadd.s32 s20, s26;
	[tilespmem:s30+$0xFFFFFF50] =	vst v31;
	v31 =	vshll.u32 v35, $0x10;
	v35 =	vand.u32 $0xFFFF0000, v35  }
0x127: {  	s23 =	sadd.s32 $0x9, s22;
	s7 =	sadd.s32 $0xA, s22;
	s8 =	sadd.s32 $0xF, s22;
	v36 =	vld [tilespmem:s29+$0xFFFFFFB0];
	[tilespmem:s30+$0xFFFFFFC0] =	vst v34;
	v31 =	vmul.f32 v31, v6;
	v34 =	vmul.f32 v35, v6  }
0x128: {  	s9 =	sadd.s32 $0xD, s22;
	v35 =	vmov s23;
	v37 =	vmov s7;
	s7 =	sadd.s32 $0xB, s22;
	s23 =	sadd.s32 $0xC, s22;
	v38 =	vmov s8;
	[tilespmem:s30+$0xFFFFFFD0] =	vst v29  }
0x129: {  	s20 =	sadd.s32 $0x8, s20;
	s8 =	sadd.s32 $0x8, s22;
	v29 =	vmov s7;
	v39 =	vmov s23;
	s7 =	sadd.s32 $0xE, s22;
	v38 =	vshrl.u32 v38, $0x3;
	v40 =	vld [tilespmem:s29+$0xFFFFFFF0];
	[tilespmem:s30+$0x40] =	vst v32  }
0x12a: {  	p3 =	slt.u32 s20, $0x48;
	v32 =	vmov s9;
	v41 =	vmov s7;
	v38 =	vshll.u32 v38, v3;
	[tilespmem:s30+$0x50] =	vst v26  }
0x12b: {  	v26 =	vshrl.u32 v35, $0x3;
	v35 =	vshrl.u32 v37, $0x3;
	v37 =	vadd.s32 $0x7, v38;
	v38 =	vld [tilespmem:s29+$0x30];
	[tilespmem:s30+$0xC0] =	vst v33  }
0x12c: {  	v29 =	vshrl.u32 v29, $0x3;
	v33 =	vshrl.u32 v39, $0x3;
	v37 =	vbroadcast v37, $0x0;
	[tilespmem:s30+$0xD0] =	vst v30  }
0x12d: {  	v32 =	vshrl.u32 v32, $0x3;
	v39 =	vshrl.u32 v41, $0x3;
	v30 =	vmov s8;
	v41 =	vld [tilespmem:s29+$0x70];
	[tilespmem:s30+$0x140] =	vst v31  }
0x12e: {  	v26 =	vshll.u32 v26, v3;
	v29 =	vshll.u32 v29, v3;
	v31 =	vshll.u32 v35, v3;
	[tilespmem:s30+$0x150] =	vst v34  }
0x12f: {  	v32 =	vshll.u32 v32, v3;
	v33 =	vshll.u32 v33, v3;
	v34 =	vshll.u32 v39, v3;
	v35 =	vld [tilespmem:s29+$0xB0];
	[tilespmem:s19+$0xFFFFFEE0] =	vst v11  }
0x130: {  	v26 =	vadd.s32 $0x1, v26;
	v11 =	vshrl.u32 v30, $0x3;
	v30 =	vadd.s32 $0x2, v31;
	s29 =	sadd.s32 $0x200, s29;
	[tilespmem:s19+$0xFFFFFEF0] =	vst v13  }
0x131: {  	v31 =	vadd.s32 $0x5, v32;
	v13 =	vadd.s32 $0x3, v29;
	v29 =	vadd.s32 $0x4, v33;
	v32 =	vld [tilespmem:s29+$0xC0];
	[tilespmem:s19+$0xFFFFFF60] =	vst v14  }
0x132: {  	v11 =	vshll.u32 v11, v3;
	v33 =	vadd.s32 $0x6, v34;
	v14 =	vbroadcast v26, $0x0;
	v26 =	vld.idx.msk [tilespmem:v37+s6+$0x0], $0xffff;
	[tilespmem:s19+$0xFFFFFF70] =	vst v18  }
0x133: {  	v30 =	vbroadcast v30, $0x0;
	v34 =	vshll.u32 v28, $0x10;
	v13 =	vbroadcast v13, $0x0;
	v18 =	vld [tilespmem:s29+$0xFFFFFF00];
	[tilespmem:s19+$0xFFFFFFE0] =	vst v15  }
0x134: {  	v31 =	vbroadcast v31, $0x0;
	v28 =	vand.u32 $0xFFFF0000, v28;
	v29 =	vbroadcast v29, $0x0;
	v15 =	vld [tilespmem:s29+$0xFFFFFF40];
	[tilespmem:s19+$0xFFFFFFF0] =	vst v17  }
0x135: {  	v11 =	vbroadcast v11, $0x0;
	v33 =	vbroadcast v33, $0x0;
	v37 =	vshll.u32 v27, $0x10;
	v17 =	vld [tilespmem:s29+$0xFFFFFF80];
	[tilespmem:s19+$0x60] =	vst v21  }
0x136: {  	v39 =	vand.u32 $0xFFFF0000, v27;
	v34 =	vmul.f32 v34, v5;
	v28 =	vmul.f32 v28, v5;
	v21 =	vld [tilespmem:s29+$0xFFFFFFC0];
	[tilespmem:s19+$0x70] =	vst v22  }
0x137: {  	v42 =	vshll.u32 v36, $0x10;
	v36 =	vand.u32 $0xFFFF0000, v36;
	v27 =	vshll.u32 v32, $0x10;
	v22 =	vld [tilespmem:s29+$0x0];
	[tilespmem:s19+$0xE0] =	vst v24  }
0x138: {  	v32 =	vand.u32 $0xFFFF0000, v32;
	v27 =	vmul.f32 v27, v26;
	v24 =	vshll.u32 v18, $0x10;
	v43 =	vld [tilespmem:s29+$0x40];
	[tilespmem:s30+$0xFFFFFE40] =	vst v34  }
0x139: {  	v32 =	vmul.f32 v32, v26;
	v18 =	vand.u32 $0xFFFF0000, v18;
	s30 =	sadd.s32 $0x400, s30;
	v34 =	vshll.u32 v15, $0x10;
	v44 =	vld [tilespmem:s29+$0x80];
	[tilespmem:s5+$0xFFFFFE50] =	vst v28  }
0x13a: {  	v15 =	vand.u32 $0xFFFF0000, v15;
	v14 =	vld.idx.msk [tilespmem:v14+s6+$0x0], $0xffff;
	v28 =	vshll.u32 v17, $0x10;
	v17 =	vand.u32 $0xFFFF0000, v17;
	[tilespmem:s30+$0x180] =	vst v27  }
0x13b: {  	v30 =	vld.idx.msk [tilespmem:v30+s6+$0x0], $0xffff;
	v45 =	vshll.u32 v21, $0x10;
	v21 =	vand.u32 $0xFFFF0000, v21;
	[tilespmem:s30+$0x190] =	vst v32;
	v32 =	vshll.u32 v40, $0x10  }
0x13c: {  	v40 =	vand.u32 $0xFFFF0000, v40;
	v46 =	vshll.u32 v22, $0x10;
	v22 =	vand.u32 $0xFFFF0000, v22;
	v47 =	vld [tilespmem:s29+$0xD0];
	[tilespmem:s19+$0xF0] =	vst v16  }
0x13d: {  	v48 =	vshll.u32 v38, $0x10;
	v16 =	vld.idx.msk [tilespmem:v13+s6+$0x0], $0xffff;
	v13 =	vshll.u32 v43, $0x10;
	v43 =	vand.u32 $0xFFFF0000, v43;
	[tilespmem:s19+$0x160] =	vst v20  }
0x13e: {  	v38 =	vand.u32 $0xFFFF0000, v38;
	v20 =	vld.idx.msk [tilespmem:v29+s6+$0x0], $0xffff;
	v29 =	vshll.u32 v44, $0x10;
	v44 =	vand.u32 $0xFFFF0000, v44;
	[tilespmem:s19+$0x170] =	vst v19  }
0x13f: {  	v49 =	vshll.u32 v35, $0x10;
	v19 =	vld.idx.msk [tilespmem:v31+s6+$0x0], $0xffff;
	v31 =	vshll.u32 v41, $0x10;
	v41 =	vand.u32 $0xFFFF0000, v41;
	[tilespmem:s5+$0x1E0] =	vst v23  }
0x140: {  	v23 =	vmul.f32 v34, v14;
	v15 =	vmul.f32 v15, v14;
	v34 =	vand.u32 $0xFFFF0000, v35;
	v33 =	vld.idx.msk [tilespmem:v33+s6+$0x0], $0xffff;
	[tilespmem:s19+$0xFFFFFE60] =	vst v25  }
0x141: {  	v25 =	vmul.f32 v28, v30;
	v17 =	vmul.f32 v17, v30;
	v27 =	vld.idx.msk [tilespmem:v11+s6+$0x0], $0xffff;
	v11 =	vshll.u32 v47, $0x10;
	[tilespmem:s19+$0xFFFFFE70] =	vst v12;
	s19 =	smov.u32 s5;
	s5 =	smov.u32 s30  }
0x142: {  	v12 =	vand.u32 $0xFFFF0000, v47;
	[tilespmem:s30+$0xFFFFFE80] =	vst v23;
	v23 =	vmul.f32 v11, v26;
	v28 =	vld [tilespmem:s13+$0xFFFFFF30];
	v11 =	vmul.f32 v37, v4;
	s13 =	smov.u32 s29  }
0x143: {  	v12 =	vmul.f32 v12, v26;
	[tilespmem:s30+$0xFFFFFE90] =	vst v15;
	v15 =	vmul.f32 v45, v16  }
0x144: {  	v21 =	vmul.f32 v21, v16;
	v37 =	vmul.f32 v46, v20;
	v35 =	vld [tilespmem:s29+$0xFFFFFF50];
	[tilespmem:s30+$0x1A0] =	vst v23  }
0x145: {  	v22 =	vmul.f32 v22, v20;
	v23 =	vmul.f32 v13, v19;
	[tilespmem:s30+$0x1B0] =	vst v12  }
0x146: {  	v12 =	vmul.f32 v43, v19;
	[tilespmem:s30+$0xFFFFFF00] =	vst v25;
	v25 =	vmul.f32 v29, v33;
	v29 =	vld [tilespmem:s29+$0xE0]  }
0x147: {  	v43 =	vmul.f32 v44, v33;
	v24 =	vmul.f32 v24, v27;
	[tilespmem:s30+$0xFFFFFF10] =	vst v17;
	v44 =	vshll.u32 v28, $0x10  }
0x148: {  	v13 =	vmul.f32 v39, v4;
	v4 =	vmovc v14;
	v45 =	vmul.f32 v18, v27;
	v28 =	vand.u32 $0xFFFF0000, v28;
	v46 =	vld [tilespmem:s29+$0xFFFFFF90];
	[tilespmem:s30+$0xFFFFFF80] =	vst v15  }
0x149: {  	v14 =	vmul.f32 v42, v10;
	v15 =	vshll.u32 v35, $0x10;
	v17 =	vand.u32 $0xFFFF0000, v35;
	[tilespmem:s30+$0xFFFFFF90] =	vst v21  }
0x14a: {  	v35 =	vmul.f32 v15, v4;
	v39 =	vmul.f32 v17, v4;
	v21 =	vld [tilespmem:s29+$0xFFFFFFD0];
	[tilespmem:s30+$0x0] =	vst v37  }
0x14b: {  	v18 =	vmul.f32 v36, v10;
	v10 =	vmovc v30;
	v15 =	vmul.f32 v32, v9;
	[tilespmem:s30+$0x10] =	vst v22;
	v17 =	vshll.u32 v29, $0x10  }
0x14c: {  	v22 =	vld [tilespmem:s29+$0x10];
	[tilespmem:s30+$0x80] =	vst v23;
	v23 =	vand.u32 $0xFFFF0000, v29;
	v29 =	vmul.f32 v17, v26;
	v17 =	vmul.f32 v40, v9;
	v9 =	vmovc v16  }
0x14d: {  	v16 =	vshll.u32 v46, $0x10;
	v30 =	vand.u32 $0xFFFF0000, v46;
	[tilespmem:s30+$0x90] =	vst v12;
	v12 =	vmul.f32 v23, v26  }
0x14e: {  	v23 =	vmul.f32 v16, v10;
	v30 =	vmul.f32 v30, v10;
	v16 =	vld [tilespmem:s29+$0x50];
	[tilespmem:s30+$0x1C0] =	vst v29  }
0x14f: {  	v29 =	vshll.u32 v21, $0x10;
	v32 =	vand.u32 $0xFFFF0000, v21;
	[tilespmem:s30+$0x1D0] =	vst v12;
	v21 =	vmul.f32 v48, v7  }
0x150: {  	v12 =	vmul.f32 v29, v9;
	v29 =	vmul.f32 v32, v9;
	[tilespmem:s30+$0x100] =	vst v25;
	v25 =	vld [tilespmem:s29+$0xF0]  }
0x151: {  	v32 =	vshll.u32 v22, $0x10;
	v36 =	vand.u32 $0xFFFF0000, v22;
	[tilespmem:s30+$0x110] =	vst v43;
	v22 =	vmul.f32 v38, v7;
	v7 =	vmovc v20  }
0x152: {  	[tilespmem:s30+$0xFFFFFE00] =	vst v24;
	v32 =	vmul.f32 v32, v7;
	v36 =	vmul.f32 v36, v7;
	v37 =	vld [tilespmem:s29+$0x90]  }
0x153: {  	v24 =	vmul.f32 v31, v8;
	[tilespmem:s30+$0xFFFFFE10] =	vst v45;
	v20 =	vshll.u32 v16, $0x10;
	v16 =	vand.u32 $0xFFFF0000, v16  }
0x154: {  	v31 =	vld [tilespmem:s29+$0xFFFFFF10];
	[tilespmem:s30+$0xFFFFFEA0] =	vst v35;
	v35 =	vmul.f32 v20, v19;
	v38 =	vmul.f32 v16, v19  }
0x155: {  	v16 =	vmul.f32 v41, v8;
	v8 =	vmovc v19;
	[tilespmem:s30+$0xFFFFFEB0] =	vst v39;
	v39 =	vshll.u32 v25, $0x10;
	v20 =	vand.u32 $0xFFFF0000, v25  }
0x156: {  	v25 =	vld [tilespmem:s29+$0xFFFFFF60];
	[tilespmem:s30+$0xFFFFFF20] =	vst v23;
	v23 =	vmul.f32 v20, v26;
	v20 =	vmul.f32 v49, v6  }
0x157: {  	v19 =	vmul.f32 v34, v6;
	v6 =	vmovc v33;
	[tilespmem:s30+$0xFFFFFF30] =	vst v30;
	v30 =	vshll.u32 v37, $0x10;
	v37 =	vand.u32 $0xFFFF0000, v37  }
0x158: {  	v33 =	vld [tilespmem:s29+$0xFFFFFFA0];
	v30 =	vmul.f32 v30, v6;
	v34 =	vmul.f32 v37, v6;
	[tilespmem:s30+$0x1F0] =	vst v23  }
0x159: {  	v23 =	vmul.f32 v39, v26;
	v37 =	vshll.u32 v31, $0x10;
	v31 =	vand.u32 $0xFFFF0000, v31;
	[tilespmem:s30+$0xFFFFFFA0] =	vst v12  }
0x15a: {  	v26 =	vmul.f32 v37, v27;
	v37 =	vmul.f32 v31, v27;
	[tilespmem:s30+$0xFFFFFFB0] =	vst v29  }
0x15b: {  	v12 =	vshll.u32 v25, $0x10;
	v29 =	vand.u32 $0xFFFF0000, v25;
	v39 =	vld [tilespmem:s29+$0xFFFFFFE0];
	[tilespmem:s30+$0x20] =	vst v32;
	v25 =	vmul.f32 v44, v5  }
0x15c: {  	v32 =	vmul.f32 v12, v4;
	v40 =	vmul.f32 v29, v4;
	[tilespmem:s30+$0x30] =	vst v36  }
0x15d: {  	v12 =	vmul.f32 v28, v5;
	v5 =	vmovc v27;
	v29 =	vshll.u32 v33, $0x10;
	v31 =	vand.u32 $0xFFFF0000, v33;
	v33 =	vld [tilespmem:s29+$0x20];
	[tilespmem:s30+$0xA0] =	vst v35  }
0x15e: {  	v36 =	vmul.f32 v29, v10;
	v31 =	vmul.f32 v31, v10;
	[tilespmem:s30+$0xB0] =	vst v38  }
0x15f: {  	v27 =	vld [tilespmem:s29+$0x60];
	[tilespmem:s30+$0x120] =	vst v30  }
0x160: {  	v28 =	vshll.u32 v39, $0x10;
	v29 =	vand.u32 $0xFFFF0000, v39;
	[tilespmem:s30+$0x130] =	vst v34  }
.Ltmp5:
0x161: {  	[tilespmem:s30+$0xFFFFFE20] =	vst v26;
	v34 =	vmul.f32 v28, v9;
	v29 =	vmul.f32 v29, v9;
	v35 =	vld [tilespmem:s29+$0xA0];
	(pc) =	sbr.rel @p3 .LBB2_14-.Ltmp5, $4  }
0x162: {  	[tilespmem:s30+$0xFFFFFE30] =	vst v37;
	v26 =	vshll.u32 v33, $0x10;
	v30 =	vand.u32 $0xFFFF0000, v33  }
0x163: {  	v28 =	vld [tilespmem:s29+$0xFFFFFF20];
	[tilespmem:s30+$0xFFFFFEC0] =	vst v32;
	v32 =	vmul.f32 v26, v7;
	v26 =	vmul.f32 v30, v7  }
0x164: {  	[tilespmem:s30+$0xFFFFFED0] =	vst v40;
	v30 =	vshll.u32 v27, $0x10;
	v37 =	vand.u32 $0xFFFF0000, v27  }
0x165: {  	v27 =	vld [tilespmem:s29+$0xFFFFFF70];
	[tilespmem:s30+$0xFFFFFF40] =	vst v36;
	v33 =	vmul.f32 v30, v8;
	v30 =	vmul.f32 v37, v8  }
0x166: {  	[tilespmem:s30+$0xFFFFFF50] =	vst v31  }
0x167: {  	[tilespmem:s30+$0xFFFFFFC0] =	vst v34  }
0x168: {  	[tilespmem:s30+$0xFFFFFFD0] =	vst v29  }
0x169: {  	[tilespmem:s30+$0x40] =	vst v32  }
0x16a: {  	[tilespmem:s30+$0x50] =	vst v26  }
0x16b: {  	[tilespmem:s19+$0xFFFFFEE0] =	vst v11  }
0x16c: {  	[tilespmem:s19+$0xFFFFFEF0] =	vst v13  }
0x16d: {  	[tilespmem:s19+$0xFFFFFF60] =	vst v14  }
0x16e: {  	[tilespmem:s19+$0xFFFFFF70] =	vst v18  }
0x16f: {  	[tilespmem:s19+$0xFFFFFFE0] =	vst v15  }
0x170: {  	[tilespmem:s19+$0xFFFFFFF0] =	vst v17  }
0x171: {  	[tilespmem:s19+$0x60] =	vst v21  }
0x172: {  	[tilespmem:s19+$0x70] =	vst v22  }
0x173: {  	[tilespmem:s19+$0xE0] =	vst v24  }
0x174: {  	[tilespmem:s19+$0xF0] =	vst v16  }
0x175: {  	[tilespmem:s19+$0x160] =	vst v20  }
0x176: {  	[tilespmem:s19+$0x170] =	vst v19  }
0x177: {  	[tilespmem:s5+$0x1E0] =	vst v23;
	v11 =	vshll.u32 v28, $0x10  }
0x178: {  	[tilespmem:s19+$0xFFFFFE60] =	vst v25;
	v11 =	vmul.f32 v11, v5  }
0x179: {  	[tilespmem:s19+$0xFFFFFE70] =	vst v12;
	v13 =	vand.u32 $0xFFFF0000, v28  }
0x17a: {  	v13 =	vmul.f32 v13, v5;
	[tilespmem:s30+$0xFFFFFE40] =	vst v11;
	v11 =	vld [tilespmem:s29+$0xFFFFFFB0]  }
0x17b: {  	v29 =	vshll.u32 v35, $0x10;
	[tilespmem:s30+$0xC0] =	vst v33  }
0x17c: {  	v26 =	vand.u32 $0xFFFF0000, v35;
	v29 =	vmul.f32 v29, v6;
	[tilespmem:s5+$0xFFFFFE50] =	vst v13;
	v13 =	vld [tilespmem:s29+$0xFFFFFFF0]  }
0x17d: {  	v26 =	vmul.f32 v26, v6;
	[tilespmem:s30+$0xD0] =	vst v30;
	v14 =	vshll.u32 v27, $0x10  }
0x17e: {  	v15 =	vld [tilespmem:s29+$0x30];
	[tilespmem:s30+$0x140] =	vst v29;
	v16 =	vand.u32 $0xFFFF0000, v27;
	v14 =	vmul.f32 v14, v4  }
0x17f: {  	[tilespmem:s30+$0x150] =	vst v26;
	v4 =	vmul.f32 v16, v4;
	v17 =	vshll.u32 v11, $0x10  }
0x180: {  	v12 =	vld [tilespmem:s29+$0x70];
	[tilespmem:s5+$0xFFFFFEE0] =	vst v14;
	v11 =	vand.u32 $0xFFFF0000, v11;
	v16 =	vmul.f32 v17, v10  }
0x181: {  	[tilespmem:s5+$0xFFFFFEF0] =	vst v4;
	v14 =	vshll.u32 v13, $0x10;
	v10 =	vmul.f32 v11, v10  }
0x182: {  	v4 =	vld [tilespmem:s29+$0xB0];
	v11 =	vand.u32 $0xFFFF0000, v13;
	v13 =	vmul.f32 v14, v9;
	[tilespmem:s5+$0xFFFFFF60] =	vst v16  }
0x183: {  	v14 =	vshll.u32 v15, $0x10;
	v9 =	vmul.f32 v11, v9;
	[tilespmem:s5+$0xFFFFFF70] =	vst v10  }
0x184: {  	v11 =	vld [tilespmem:s13+$0xFFFFFF30];
	v10 =	vand.u32 $0xFFFF0000, v15;
	v14 =	vmul.f32 v14, v7;
	[tilespmem:s5+$0xFFFFFFE0] =	vst v13  }
0x185: {  	v13 =	vshll.u32 v12, $0x10;
	v7 =	vmul.f32 v10, v7;
	[tilespmem:s5+$0xFFFFFFF0] =	vst v9  }
0x186: {  	v9 =	vand.u32 $0xFFFF0000, v12;
	v10 =	vmul.f32 v13, v8;
	[tilespmem:s5+$0x60] =	vst v14  }
0x187: {  	v12 =	vshll.u32 v4, $0x10;
	v4 =	vand.u32 $0xFFFF0000, v4;
	v8 =	vmul.f32 v9, v8;
	[tilespmem:s5+$0x70] =	vst v7  }
0x188: {  	v4 =	vmul.f32 v4, v6;
	[tilespmem:s5+$0xE0] =	vst v10  }
0x189: {  	v7 =	vmul.f32 v12, v6;
	v9 =	vshll.u32 v11, $0x10;
	[tilespmem:s5+$0xF0] =	vst v8  }
0x18a: {  	s7 =	smul.u32 $0x280, s28;
	v6 =	vand.u32 $0xFFFF0000, v11;
	[tilespmem:s5+$0x170] =	vst v4;
	v8 =	vmul.f32 v9, v5  }
0x18b: {  	[tilespmem:s5+$0x160] =	vst v7;
	v5 =	vmul.f32 v6, v5  }
0x18c: {  	s19 =	sshra.s32 s7, $0x2;
	[tilespmem:s5+$0xFFFFFE60] =	vst v8  }
0x18d: {  	s13 =	sadd.s32 $0x7D0, s19;
	[tilespmem:s5+$0xFFFFFE70] =	vst v5;
	s5 =	simm.s32 @!p0 $0x5  }
0x18e: {  	[spmem:s4] =	stream.indirect.scatter.add.f32 [tilespmem:s0], [sflag:$0x3], $0x80, s13, s11, $0xb8;
	[tilespmem:$0x1FBD0] =	vst v63  }
0x18f: {  	_ =	swait.ge @!p0 [sflag:s5], $0x500  }
0x190: {  	[sflag:s5] =	ssyncset.done @!p0 $0x0  }
0x191: {  	s2 =	sor.u32 $0x1, s2;
	[sflag:s5] =	ssyncadd.s32 @!p0 $0xFFFFFB00;
	s5 =	sadd.s32 $0xFFFFFFF8, s26  }
0x192: {  	s8 =	smul.u32 @!p1 $0x140, s2;
	s20 =	sadd.s32 $0x1040, s19;
	s22 =	sadd.s32 $0x5F, s5  }
0x193: {  	[tilespmem:s12], [sflag:$0x1] =	stream.indirect.gather [hbm4b:s1+s11], $0x40, s20, s11, $0xb8;
	v4 =	vmov s22;
	[tilespmem:$0x1FBD0] =	vst v63  }
0x194: {  	_ =	swait.ge [sflag:s16], $0x1400;
	v4 =	vshrl.u32 v4, $0x3  }
0x195: {  	s9 =	simm.s32 @!p1 $0x9740;
	s7 =	sshra.s32 @!p1 s8, $0x2;
	[sflag:s16] =	ssyncset.done $0x0;
	v4 =	vshll.u32 v4, v3  }
0x196: {  	s8 =	simm.s32 @!p1 $0x50;
	s7 =	sadd.s32 @!p1 $0x7D0, s7;
	[sflag:s16] =	ssyncadd.s32 $0xFFFFEC00;
	v4 =	vadd.s32 $0x7, v4  }
0x197: {  	[spmem:s3] =	stream.indirect.scatter.add.f32 @!p1 [tilespmem:s9], [sflag:$0x5], $0x10, s7, s8, $0xb8;
	v4 =	vbroadcast v4, $0x0;
	[tilespmem:$0x1FBD0] =	vst v63  }
0x198: {  	s7 =	simm.s32 @!p2 $0x4  }
0x199: {  	_ =	swait.ge @!p2 [sflag:s7], $0x2800  }
0x19a: {  	s23 =	sadd.s32 $0x59, s5;
	[sflag:s7] =	ssyncset.done @!p2 $0x0  }
0x19b: {  	s13 =	simm.s32 $0x3440;
	v5 =	vmov s23;
	[sflag:s7] =	ssyncadd.s32 @!p2 $0xFFFFD800  }
0x19c: {  	v5 =	vshrl.u32 v5, $0x3;
	v6 =	vld [tilespmem:s13+$0xC0]  }
0x19d: {  	v5 =	vshll.u32 v5, v3;
	v4 =	vld.idx.msk [tilespmem:v4+s6+$0x0], $0xffff  }
0x19e: {  	s8 =	sadd.s32 $0x5A, s5;
	v5 =	vadd.s32 $0x1, v5  }
0x19f: {  	s10 =	sadd.s32 $0x5C, s5;
	s9 =	sadd.s32 $0x5B, s5;
	v7 =	vmov s8;
	v5 =	vbroadcast v5, $0x0  }
0x1a0: {  	v9 =	vmov s10;
	v8 =	vmov s9;
	v7 =	vshrl.u32 v7, $0x3  }
0x1a1: {  	v8 =	vshrl.u32 v8, $0x3;
	v7 =	vshll.u32 v7, v3;
	v10 =	vshll.u32 v6, $0x10  }
0x1a2: {  	v7 =	vadd.s32 $0x2, v7;
	v6 =	vand.u32 $0xFFFF0000, v6;
	v10 =	vmul.f32 v10, v4  }
0x1a3: {  	s29 =	simm.s32 $0x7140;
	v8 =	vshll.u32 v8, v3;
	v7 =	vbroadcast v7, $0x0;
	v6 =	vmul.f32 v6, v4  }
0x1a4: {  	s20 =	sadd.s32 $0x5D, s5;
	v9 =	vshrl.u32 v9, $0x3;
	v8 =	vadd.s32 $0x3, v8;
	v11 =	vld [tilespmem:s13+$0xFFFFFF40];
	[tilespmem:s29+$0x180] =	vst v10  }
0x1a5: {  	v9 =	vshll.u32 v9, v3;
	v8 =	vbroadcast v8, $0x0;
	v13 =	vld.idx.msk [tilespmem:v5+s6+$0x0], $0xffff;
	v10 =	vmov s20;
	[tilespmem:s29+$0x190] =	vst v6  }
0x1a6: {  	v6 =	vadd.s32 $0x4, v9;
	v5 =	vshrl.u32 v10, $0x3;
	v9 =	vld [tilespmem:s13+$0xD0]  }
0x1a7: {  	s22 =	sadd.s32 $0x58, s5;
	s5 =	sadd.s32 $0x5E, s5;
	v6 =	vbroadcast v6, $0x0;
	v5 =	vshll.u32 v5, v3  }
0x1a8: {  	v12 =	vmov s22;
	v14 =	vld [tilespmem:s13+$0xFFFFFF80];
	v10 =	vmov s5;
	v5 =	vadd.s32 $0x5, v5  }
0x1a9: {  	v16 =	vshll.u32 v11, $0x10;
	v15 =	vld.idx.msk [tilespmem:v7+s6+$0x0], $0xffff;
	v10 =	vshrl.u32 v10, $0x3;
	v5 =	vbroadcast v5, $0x0  }
0x1aa: {  	v11 =	vand.u32 $0xFFFF0000, v11;
	v16 =	vmul.f32 v16, v13;
	v7 =	vshll.u32 v10, v3;
	v10 =	vld [tilespmem:s13+$0xFFFFFFC0]  }
0x1ab: {  	v12 =	vshrl.u32 v12, $0x3;
	v17 =	vld.idx.msk [tilespmem:v8+s6+$0x0], $0xffff;
	v8 =	vmul.f32 v11, v13;
	v11 =	vshll.u32 v9, $0x10  }
0x1ac: {  	v18 =	vld [tilespmem:s13+$0x0];
	[tilespmem:s29+$0xFFFFFE80] =	vst v16;
	v7 =	vadd.s32 $0x6, v7;
	v9 =	vand.u32 $0xFFFF0000, v9;
	v11 =	vmul.f32 v11, v4  }
0x1ad: {  	v16 =	vshll.u32 v14, $0x10;
	[tilespmem:s29+$0xFFFFFE90] =	vst v8;
	v7 =	vbroadcast v7, $0x0;
	v20 =	vld.idx.msk [tilespmem:v6+s6+$0x0], $0xffff;
	v6 =	vmul.f32 v9, v4  }
0x1ae: {  	v8 =	vshll.u32 v12, v3;
	v12 =	vand.u32 $0xFFFF0000, v14;
	v14 =	vmul.f32 v16, v15;
	v9 =	vld [tilespmem:s13+$0x40];
	[tilespmem:s29+$0x1A0] =	vst v11  }
0x1af: {  	v8 =	vbroadcast v8, $0x0;
	v11 =	vshll.u32 v10, $0x10;
	[tilespmem:s29+$0x1B0] =	vst v6;
	v16 =	vld.idx.msk [tilespmem:v5+s6+$0x0], $0xffff;
	v5 =	vmul.f32 v12, v15  }
0x1b0: {  	[tilespmem:s29+$0xFFFFFF00] =	vst v14;
	v6 =	vand.u32 $0xFFFF0000, v10;
	v10 =	vmul.f32 v11, v17;
	v11 =	vld [tilespmem:s13+$0xE0]  }
0x1b1: {  	v12 =	vshll.u32 v18, $0x10;
	v6 =	vmul.f32 v6, v17;
	[tilespmem:s29+$0xFFFFFF10] =	vst v5  }
0x1b2: {  	v14 =	vand.u32 $0xFFFF0000, v18;
	v5 =	vld [tilespmem:s13+$0x80];
	v12 =	vmul.f32 v12, v20;
	[tilespmem:s29+$0xFFFFFF80] =	vst v10  }
0x1b3: {  	v19 =	vld.idx.msk [tilespmem:v7+s6+$0x0], $0xffff;
	v10 =	vshll.u32 v9, $0x10;
	v7 =	vmul.f32 v14, v20;
	[tilespmem:s29+$0xFFFFFF90] =	vst v6  }
0x1b4: {  	v6 =	vld [tilespmem:s13+$0xFFFFFF00];
	v9 =	vand.u32 $0xFFFF0000, v9;
	[tilespmem:s29+$0x0] =	vst v12;
	v10 =	vmul.f32 v10, v16  }
0x1b5: {  	v12 =	vld.idx.msk [tilespmem:v8+s6+$0x0], $0xffff;
	[tilespmem:s29+$0x10] =	vst v7;
	v8 =	vmul.f32 v9, v16;
	v7 =	vshll.u32 v11, $0x10  }
0x1b6: {  	v9 =	vld [tilespmem:s13+$0xFFFFFF50];
	v7 =	vmul.f32 v7, v4;
	[tilespmem:s29+$0x80] =	vst v10;
	v10 =	vand.u32 $0xFFFF0000, v11  }
0x1b7: {  	v11 =	vshll.u32 v5, $0x10;
	[tilespmem:s29+$0x90] =	vst v8;
	v8 =	vmul.f32 v10, v4  }
0x1b8: {  	v5 =	vand.u32 $0xFFFF0000, v5;
	v10 =	vmul.f32 v11, v19;
	v11 =	vld [tilespmem:s13+$0xFFFFFF90];
	[tilespmem:s29+$0x1C0] =	vst v7  }
0x1b9: {  	v14 =	vld [tilespmem:s13+$0xFFFFFFD0];
	v7 =	vshll.u32 v6, $0x10;
	v5 =	vmul.f32 v5, v19;
	[tilespmem:s29+$0x1D0] =	vst v8  }
0x1ba: {  	v6 =	vand.u32 $0xFFFF0000, v6;
	v7 =	vmul.f32 v7, v12;
	[tilespmem:s29+$0x100] =	vst v10  }
0x1bb: {  	v6 =	vmul.f32 v6, v12;
	v8 =	vld [tilespmem:s13+$0x10];
	v10 =	vshll.u32 v9, $0x10;
	[tilespmem:s29+$0x110] =	vst v5  }
0x1bc: {  	v5 =	vand.u32 $0xFFFF0000, v9;
	v9 =	vmul.f32 v10, v13;
	v10 =	vld [tilespmem:s13+$0x50];
	[tilespmem:s29+$0xFFFFFE00] =	vst v7  }
0x1bd: {  	v5 =	vmul.f32 v5, v13;
	[tilespmem:s29+$0xFFFFFE10] =	vst v6;
	v21 =	vld [tilespmem:s13+$0x90];
	v7 =	vshll.u32 v11, $0x10  }
0x1be: {  	v18 =	vld [tilespmem:s13+$0xF0];
	v11 =	vand.u32 $0xFFFF0000, v11;
	[tilespmem:s29+$0xFFFFFEA0] =	vst v9;
	v9 =	vand.u32 $0xFFFF0000, v14;
	v6 =	vmul.f32 v7, v15  }
0x1bf: {  	s5 =	sadd.s32 $0x0, s26;
	[tilespmem:s29+$0xFFFFFEB0] =	vst v5;
	v7 =	vmul.f32 v11, v15;
	v11 =	vshll.u32 v14, $0x10;
	v5 =	vmul.f32 v9, v17  }
0x1c0: {  	s10 =	sadd.s32 $0x5B, s5;
	v11 =	vmul.f32 v11, v17;
	v14 =	vshll.u32 v8, $0x10;
	v8 =	vand.u32 $0xFFFF0000, v8;
	[tilespmem:s29+$0xFFFFFF20] =	vst v6  }
0x1c1: {  	v27 =	vmov s10;
	v22 =	vld [tilespmem:s13+$0xFFFFFF60];
	v9 =	vmul.f32 v14, v20;
	v6 =	vmul.f32 v8, v20;
	[tilespmem:s29+$0xFFFFFF30] =	vst v7  }
0x1c2: {  	v14 =	vld [tilespmem:s13+$0xFFFFFF10];
	v8 =	vshll.u32 v10, $0x10;
	v10 =	vand.u32 $0xFFFF0000, v10;
	[tilespmem:s29+$0xFFFFFFB0] =	vst v5;
	v5 =	vand.u32 $0xFFFF0000, v21  }
0x1c3: {  	v7 =	vmul.f32 v8, v16;
	v8 =	vmul.f32 v10, v16;
	[tilespmem:s29+$0xFFFFFFA0] =	vst v11;
	v11 =	vand.u32 $0xFFFF0000, v18  }
0x1c4: {  	s20 =	sadd.s32 $0x5C, s5;
	v10 =	vshll.u32 v18, $0x10;
	v18 =	vshll.u32 v21, $0x10;
	v23 =	vld [tilespmem:s13+$0xFFFFFFA0];
	v11 =	vmul.f32 v11, v4;
	[tilespmem:s29+$0x20] =	vst v9  }
0x1c5: {  	v28 =	vmov s20;
	v18 =	vmul.f32 v18, v19;
	v9 =	vmul.f32 v5, v19;
	[tilespmem:s29+$0x30] =	vst v6  }
0x1c6: {  	v24 =	vld [tilespmem:s13+$0xFFFFFFE0];
	v5 =	vmul.f32 v10, v4;
	v6 =	vshll.u32 v22, $0x10;
	[tilespmem:s29+$0xA0] =	vst v7;
	v10 =	vand.u32 $0xFFFF0000, v22  }
0x1c7: {  	s23 =	sadd.s32 $0x5F, s5;
	[tilespmem:s29+$0xB0] =	vst v8;
	v6 =	vmul.f32 v6, v13;
	v21 =	vshll.u32 v14, $0x10;
	v14 =	vand.u32 $0xFFFF0000, v14  }
0x1c8: {  	v8 =	vmul.f32 v10, v13;
	[tilespmem:s29+$0x130] =	vst v9;
	v9 =	vmov s23;
	v7 =	vmul.f32 v14, v12;
	v14 =	vld [tilespmem:s13+$0x20]  }
0x1c9: {  	s9 =	sadd.s32 $0x5A, s5;
	v22 =	vld [tilespmem:s13+$0x60];
	[tilespmem:s29+$0x120] =	vst v18;
	v9 =	vshrl.u32 v9, $0x3;
	v4 =	vmul.f32 v21, v12;
	v10 =	vshll.u32 v23, $0x10  }
0x1ca: {  	v21 =	vand.u32 $0xFFFF0000, v23;
	v9 =	vshll.u32 v9, v3;
	[tilespmem:s29+$0xFFFFFED0] =	vst v8;
	v8 =	vmov s9  }
0x1cb: {  	v18 =	vmul.f32 v21, v15;
	v21 =	vshll.u32 v24, $0x10;
	v23 =	vand.u32 $0xFFFF0000, v24;
	v24 =	vld [tilespmem:s13+$0xA0]  }
0x1cc: {  	v10 =	vmul.f32 v10, v15;
	v9 =	vadd.s32 $0x7, v9;
	v21 =	vmul.f32 v21, v17  }
0x1cd: {  	v25 =	vmul.f32 v23, v17;
	v9 =	vbroadcast v9, $0x0;
	v23 =	vshll.u32 v14, $0x10  }
0x1ce: {  	[tilespmem:s29+$0xFFFFFEC0] =	vst v6;
	v14 =	vand.u32 $0xFFFF0000, v14;
	v26 =	vmul.f32 v23, v20;
	v23 =	vshll.u32 v22, $0x10  }
0x1cf: {  	[tilespmem:s29+$0xFFFFFE20] =	vst v4;
	v4 =	vmul.f32 v14, v20;
	v14 =	vand.u32 $0xFFFF0000, v22;
	v22 =	vmul.f32 v23, v16  }
0x1d0: {  	s30 =	simm.s32 $0x3640;
	s8 =	sadd.s32 $0x59, s5;
	[tilespmem:s29+$0xFFFFFE30] =	vst v7;
	v7 =	vmul.f32 v14, v16;
	v14 =	vshll.u32 v24, $0x10;
	v23 =	vand.u32 $0xFFFF0000, v24  }
0x1d1: {  	v30 =	vld [tilespmem:s30+$0xC0];
	s23 =	sadd.s32 $0x5E, s5;
	[tilespmem:s29+$0xFFFFFF40] =	vst v10;
	v6 =	vmul.f32 v14, v19;
	v14 =	vmul.f32 v23, v19;
	v23 =	vmov s8  }
0x1d2: {  	v41 =	vld [tilespmem:s30+$0xFFFFFF80];
	v29 =	vmov s23;
	v8 =	vshrl.u32 v8, $0x3;
	[tilespmem:s29+$0xFFFFFF50] =	vst v18;
	v23 =	vshrl.u32 v23, $0x3  }
0x1d3: {  	s22 =	sadd.s32 $0x5D, s5;
	v8 =	vshll.u32 v8, v3;
	v18 =	vshrl.u32 v27, $0x3;
	[tilespmem:s29+$0xFFFFFFC0] =	vst v21;
	v27 =	vshll.u32 v23, v3;
	v23 =	vld.idx.msk [tilespmem:v9+s6+$0x0], $0xffff  }
0x1d4: {  	s5 =	sadd.s32 $0x58, s5;
	v10 =	vmov s22;
	v21 =	vshrl.u32 v28, $0x3;
	v31 =	vld [tilespmem:s13+$0xFFFFFFB0];
	[tilespmem:s29+$0xFFFFFFD0] =	vst v25;
	v27 =	vadd.s32 $0x1, v27  }
0x1d5: {  	[tilespmem:s29+$0x1F0] =	vst v11;
	v28 =	vmov s5;
	v10 =	vshrl.u32 v10, $0x3;
	v11 =	vld [tilespmem:s13+$0xFFFFFFF0];
	v27 =	vbroadcast v27, $0x0  }
0x1d6: {  	v25 =	vshrl.u32 v29, $0x3;
	v18 =	vshll.u32 v18, v3;
	v29 =	vshll.u32 v30, $0x10;
	v24 =	vld [tilespmem:s13+$0xFFFFFF20];
	[tilespmem:s29+$0x40] =	vst v26  }
0x1d7: {  	v30 =	vand.u32 $0xFFFF0000, v30;
	v21 =	vshll.u32 v21, v3;
	v26 =	vld [tilespmem:s30+$0xFFFFFF00];
	[tilespmem:s29+$0x50] =	vst v4;
	v4 =	vadd.s32 $0x2, v8  }
0x1d8: {  	v8 =	vld [tilespmem:s30+$0xFFFFFF40];
	[tilespmem:s29+$0xC0] =	vst v22;
	v22 =	vshrl.u32 v28, $0x3;
	v28 =	vbroadcast v4, $0x0;
	v29 =	vmul.f32 v29, v23  }
0x1d9: {  	s5 =	simm.s32 $0x7540;
	v4 =	vadd.s32 $0x3, v18;
	v18 =	vadd.s32 $0x4, v21;
	v21 =	vld [tilespmem:s30+$0xFFFFFFC0];
	[tilespmem:s29+$0xD0] =	vst v7;
	v30 =	vmul.f32 v30, v23  }
0x1da: {  	v10 =	vshll.u32 v10, v3;
	v25 =	vshll.u32 v25, v3;
	v9 =	vld [tilespmem:s13+$0xFFFFFF70];
	[tilespmem:s5+$0x180] =	vst v29  }
0x1db: {  	v10 =	vadd.s32 $0x5, v10;
	v25 =	vadd.s32 $0x6, v25;
	v29 =	vbroadcast v4, $0x0;
	[tilespmem:s5+$0x190] =	vst v30;
	v4 =	vld.idx.msk [tilespmem:v27+s6+$0x0], $0xffff  }
0x1dc: {  	v18 =	vbroadcast v18, $0x0;
	[tilespmem:s29+$0x150] =	vst v14;
	v14 =	vbroadcast v25, $0x0;
	v7 =	vshll.u32 v24, $0x10;
	v30 =	vld [tilespmem:s30+$0xD0]  }
0x1dd: {  	[tilespmem:s29+$0x140] =	vst v6;
	v25 =	vld [tilespmem:s30+$0x40];
	v6 =	vand.u32 $0xFFFF0000, v24;
	v7 =	vmul.f32 v7, v12;
	v27 =	vbroadcast v10, $0x0  }
0x1de: {  	v22 =	vshll.u32 v22, v3;
	v48 =	vld [tilespmem:s13+$0x70];
	v6 =	vmul.f32 v6, v12  }
0x1df: {  	v22 =	vbroadcast v22, $0x0;
	[tilespmem:s29+$0xFFFFFE40] =	vst v7;
	v7 =	vshll.u32 v8, $0x10;
	v10 =	vld.idx.msk [tilespmem:v28+s6+$0x0], $0xffff  }
0x1e0: {  	v24 =	vld [tilespmem:s30+$0x0];
	v42 =	vshll.u32 v9, $0x10;
	[tilespmem:s29+$0xFFFFFE50] =	vst v6;
	v6 =	vand.u32 $0xFFFF0000, v8;
	v8 =	vmul.f32 v7, v4  }
0x1e1: {  	[tilespmem:s29+$0x1E0] =	vst v5;
	v43 =	vand.u32 $0xFFFF0000, v9;
	v9 =	vld.idx.msk [tilespmem:v29+s6+$0x0], $0xffff;
	v5 =	vmul.f32 v6, v4;
	v6 =	vshll.u32 v30, $0x10  }
0x1e2: {  	v7 =	vld.idx.msk [tilespmem:v18+s6+$0x0], $0xffff;
	v18 =	vand.u32 $0xFFFF0000, v30;
	v6 =	vmul.f32 v6, v23;
	[tilespmem:s5+$0xFFFFFE80] =	vst v8  }
0x1e3: {  	v46 =	vand.u32 $0xFFFF0000, v11;
	v30 =	vshll.u32 v41, $0x10;
	v18 =	vmul.f32 v18, v23;
	v8 =	vld.idx.msk [tilespmem:v27+s6+$0x0], $0xffff;
	[tilespmem:s5+$0xFFFFFE90] =	vst v5  }
0x1e4: {  	v45 =	vshll.u32 v21, $0x10;
	v27 =	vand.u32 $0xFFFF0000, v41;
	v5 =	vld.idx.msk [tilespmem:v14+s6+$0x0], $0xffff;
	v14 =	vmul.f32 v30, v10;
	[tilespmem:s5+$0x1A0] =	vst v6  }
0x1e5: {  	v21 =	vand.u32 $0xFFFF0000, v21;
	v36 =	vshll.u32 v25, $0x10;
	v6 =	vld.idx.msk [tilespmem:v22+s6+$0x0], $0xffff;
	v22 =	vmul.f32 v27, v10;
	[tilespmem:s5+$0x1B0] =	vst v18  }
0x1e6: {  	v44 =	vld [tilespmem:s30+$0x80];
	v25 =	vand.u32 $0xFFFF0000, v25;
	v55 =	vand.u32 $0xFFFF0000, v48;
	[tilespmem:s5+$0xFFFFFF00] =	vst v14;
	v27 =	vmul.f32 v45, v9  }
0x1e7: {  	v57 =	vld [tilespmem:s13+$0xFFFFFF30];
	v28 =	vshll.u32 v31, $0x10;
	v18 =	vshll.u32 v24, $0x10;
	v21 =	vmul.f32 v21, v9;
	[tilespmem:s5+$0xFFFFFF10] =	vst v22  }
0x1e8: {  	v31 =	vand.u32 $0xFFFF0000, v31;
	v24 =	vand.u32 $0xFFFF0000, v24;
	v47 =	vld [tilespmem:s30+$0xFFFFFF50];
	v18 =	vmul.f32 v18, v7;
	[tilespmem:s5+$0xFFFFFF80] =	vst v27  }
0x1e9: {  	v29 =	vshll.u32 v26, $0x10;
	v26 =	vand.u32 $0xFFFF0000, v26;
	v14 =	vld [tilespmem:s30+$0xE0];
	v24 =	vmul.f32 v24, v7;
	[tilespmem:s5+$0xFFFFFF90] =	vst v21  }
0x1ea: {  	v30 =	vshll.u32 v11, $0x10;
	v11 =	vmul.f32 v42, v13;
	v36 =	vmul.f32 v36, v8;
	[tilespmem:s5+$0x0] =	vst v18  }
0x1eb: {  	v13 =	vmul.f32 v43, v13;
	v22 =	vld [tilespmem:s13+$0x30];
	v27 =	vshll.u32 v44, $0x10;
	v25 =	vmul.f32 v25, v8;
	[tilespmem:s5+$0x10] =	vst v24  }
0x1ec: {  	v21 =	vand.u32 $0xFFFF0000, v44;
	v27 =	vmul.f32 v27, v5;
	v29 =	vmul.f32 v29, v6;
	[tilespmem:s5+$0x80] =	vst v36  }
0x1ed: {  	v60 =	vshll.u32 v57, $0x10;
	v21 =	vmul.f32 v21, v5;
	v24 =	vmul.f32 v26, v6;
	[tilespmem:s5+$0x90] =	vst v25  }
0x1ee: {  	v26 =	vld [tilespmem:s30+$0xFFFFFF90];
	v37 =	vshll.u32 v47, $0x10;
	v33 =	vand.u32 $0xFFFF0000, v47;
	v18 =	vshll.u32 v14, $0x10;
	[tilespmem:s5+$0x100] =	vst v27  }
0x1ef: {  	v50 =	vld [tilespmem:s30+$0xFFFFFFD0];
	v14 =	vand.u32 $0xFFFF0000, v14;
	v33 =	vmul.f32 v33, v4;
	v18 =	vmul.f32 v18, v23;
	[tilespmem:s5+$0x110] =	vst v21  }
0x1f0: {  	v51 =	vld [tilespmem:s30+$0x10];
	v49 =	vshll.u32 v22, $0x10;
	v25 =	vmul.f32 v14, v23;
	v14 =	vmul.f32 v28, v15;
	[tilespmem:s5+$0xFFFFFE00] =	vst v29  }
0x1f1: {  	v22 =	vand.u32 $0xFFFF0000, v22;
	v28 =	vmul.f32 v37, v4;
	v21 =	vmul.f32 v49, v20;
	[tilespmem:s5+$0x1C0] =	vst v18  }
0x1f2: {  	v22 =	vmul.f32 v22, v20;
	[tilespmem:s5+$0x1D0] =	vst v25;
	v25 =	vshll.u32 v48, $0x10;
	v18 =	vmul.f32 v31, v15;
	v31 =	vld [tilespmem:s30+$0x50]  }
0x1f3: {  	v29 =	vld [tilespmem:s13+$0xB0];
	[tilespmem:s5+$0xFFFFFE10] =	vst v24;
	v15 =	vmul.f32 v30, v17;
	v17 =	vmul.f32 v46, v17;
	v30 =	vshll.u32 v26, $0x10  }
0x1f4: {  	[tilespmem:s5+$0xFFFFFEB0] =	vst v33;
	v27 =	vld [tilespmem:s30+$0xF0];
	v26 =	vand.u32 $0xFFFF0000, v26;
	v52 =	vshll.u32 v50, $0x10;
	v30 =	vmul.f32 v30, v10  }
0x1f5: {  	v54 =	vld [tilespmem:s30+$0x90];
	[tilespmem:s5+$0xFFFFFEA0] =	vst v28;
	v34 =	vand.u32 $0xFFFF0000, v50;
	v24 =	vshll.u32 v51, $0x10;
	v26 =	vmul.f32 v26, v10  }
0x1f6: {  	v53 =	vand.u32 $0xFFFF0000, v51;
	v32 =	vmul.f32 v52, v9;
	v34 =	vmul.f32 v34, v9;
	[tilespmem:s5+$0xFFFFFF20] =	vst v30  }
0x1f7: {  	v58 =	vld [tilespmem:s30+$0xFFFFFF60];
	v28 =	vmul.f32 v24, v7;
	v56 =	vmul.f32 v53, v7;
	[tilespmem:s5+$0xFFFFFF30] =	vst v26;
	v30 =	vshll.u32 v31, $0x10  }
0x1f8: {  	v24 =	vmul.f32 v25, v16;
	v25 =	vld [tilespmem:s30+$0xFFFFFF10];
	[tilespmem:s5+$0xFFFFFFA0] =	vst v32;
	v31 =	vand.u32 $0xFFFF0000, v31;
	v30 =	vmul.f32 v30, v8  }
0x1f9: {  	v16 =	vmul.f32 v55, v16;
	[tilespmem:s5+$0xFFFFFFB0] =	vst v34;
	v20 =	vand.u32 $0xFFFF0000, v27;
	v31 =	vmul.f32 v31, v8  }
0x1fa: {  	v26 =	vshll.u32 v29, $0x10;
	v59 =	vand.u32 $0xFFFF0000, v54;
	v20 =	vmul.f32 v20, v23;
	[tilespmem:s5+$0xA0] =	vst v30  }
0x1fb: {  	v29 =	vand.u32 $0xFFFF0000, v29;
	v32 =	vmul.f32 v59, v5;
	v27 =	vshll.u32 v27, $0x10;
	[tilespmem:s5+$0xB0] =	vst v31  }
0x1fc: {  	v33 =	vand.u32 $0xFFFF0000, v58;
	[tilespmem:s5+$0x1F0] =	vst v20;
	v20 =	vmul.f32 v26, v19;
	v19 =	vmul.f32 v29, v19;
	v29 =	vld [tilespmem:s30+$0xFFFFFFA0]  }
0x1fd: {  	[tilespmem:s5+$0x20] =	vst v28;
	v28 =	vshll.u32 v25, $0x10;
	v25 =	vand.u32 $0xFFFF0000, v25;
	v23 =	vmul.f32 v27, v23;
	v63 =	vld [tilespmem:s30+$0x60]  }
0x1fe: {  	[tilespmem:s5+$0x30] =	vst v56;
	v27 =	vld [tilespmem:s30+$0xFFFFFFE0];
	v33 =	vmul.f32 v33, v4;
	v28 =	vmul.f32 v28, v6;
	v26 =	vshll.u32 v54, $0x10  }
0x1ff: {  	[tilespmem:s5+$0x130] =	vst v32;
	v61 =	vmul.f32 v25, v6;
	v30 =	vshll.u32 v58, $0x10;
	v26 =	vmul.f32 v26, v5  }
0x200: {  	v62 =	vld [tilespmem:s30+$0x20];
	v25 =	vmul.f32 v60, v12;
	v31 =	vand.u32 $0xFFFF0000, v57;
	v30 =	vmul.f32 v30, v4;
	[tilespmem:s5+$0xFFFFFED0] =	vst v33  }
0x201: {  	v12 =	vmul.f32 v31, v12;
	[tilespmem:s5+$0x120] =	vst v26;
	v26 =	vshll.u32 v29, $0x10;
	v29 =	vand.u32 $0xFFFF0000, v29  }
0x202: {  	[tilespmem:s5+$0xFFFFFEC0] =	vst v30;
	v35 =	vld [tilespmem:s30+$0xA0];
	v30 =	vshll.u32 v63, $0x10;
	v36 =	vand.u32 $0xFFFF0000, v63;
	v38 =	vmul.f32 v26, v10  }
0x203: {  	[tilespmem:s5+$0xFFFFFE20] =	vst v28;
	v31 =	vmul.f32 v29, v10;
	v26 =	vshll.u32 v27, $0x10;
	v33 =	vmul.f32 v30, v8  }
0x204: {  	[tilespmem:s5+$0xFFFFFE30] =	vst v61;
	v27 =	vand.u32 $0xFFFF0000, v27;
	v30 =	vmul.f32 v36, v8;
	v34 =	vmul.f32 v26, v9  }
0x205: {  	s2 =	smul.u32 $0x50, s2;
	v28 =	vld [tilespmem:s30+$0xFFFFFF20];
	v26 =	vshll.u32 v62, $0x10;
	v29 =	vmul.f32 v27, v9;
	v27 =	vand.u32 $0xFFFF0000, v62  }
0x206: {  	s20 =	simm.s32 $0x3640;
	s22 =	simm.s32 $0x8;
	s13 =	simm.s32 $0x7540;
	v32 =	vmul.f32 v26, v7;
	v26 =	vmul.f32 v27, v7;
	v27 =	vld [tilespmem:s30+$0xFFFFFF70];
	[tilespmem:s5+$0xFFFFFF40] =	vst v38  }
.LBB2_16:
0x207: {  	s7 =	sadd.s32 s22, s26;
	[tilespmem:s5+$0xFFFFFF50] =	vst v31;
	v31 =	vshll.u32 v35, $0x10;
	v35 =	vand.u32 $0xFFFF0000, v35  }
0x208: {  	s8 =	sadd.s32 $0x59, s7;
	s9 =	sadd.s32 $0x5A, s7;
	s23 =	sadd.s32 $0x5F, s7;
	v36 =	vld [tilespmem:s30+$0xFFFFFFB0];
	[tilespmem:s5+$0xFFFFFFC0] =	vst v34;
	v31 =	vmul.f32 v31, v5;
	v34 =	vmul.f32 v35, v5  }
0x209: {  	s10 =	sadd.s32 $0x5D, s7;
	v35 =	vmov s8;
	v37 =	vmov s9;
	s8 =	sadd.s32 $0x5B, s7;
	s9 =	sadd.s32 $0x5C, s7;
	v38 =	vmov s23;
	[tilespmem:s5+$0xFFFFFFD0] =	vst v29  }
0x20a: {  	s22 =	sadd.s32 $0x8, s22;
	s23 =	sadd.s32 $0x58, s7;
	s7 =	sadd.s32 $0x5E, s7;
	v29 =	vmov s8;
	v39 =	vmov s9;
	v38 =	vshrl.u32 v38, $0x3;
	v40 =	vld [tilespmem:s30+$0xFFFFFFF0];
	[tilespmem:s5+$0x40] =	vst v32  }
0x20b: {  	p2 =	slt.u32 s22, $0x48;
	v32 =	vmov s10;
	v41 =	vmov s7;
	v38 =	vshll.u32 v38, v3;
	[tilespmem:s5+$0x50] =	vst v26  }
0x20c: {  	v26 =	vshrl.u32 v35, $0x3;
	v35 =	vshrl.u32 v37, $0x3;
	v37 =	vadd.s32 $0x7, v38;
	v38 =	vld [tilespmem:s30+$0x30];
	[tilespmem:s5+$0xC0] =	vst v33  }
0x20d: {  	v29 =	vshrl.u32 v29, $0x3;
	v33 =	vshrl.u32 v39, $0x3;
	v37 =	vbroadcast v37, $0x0;
	[tilespmem:s5+$0xD0] =	vst v30  }
0x20e: {  	v32 =	vshrl.u32 v32, $0x3;
	v39 =	vshrl.u32 v41, $0x3;
	v30 =	vmov s23;
	v41 =	vld [tilespmem:s30+$0x70];
	[tilespmem:s5+$0x140] =	vst v31  }
0x20f: {  	v26 =	vshll.u32 v26, v3;
	v29 =	vshll.u32 v29, v3;
	v31 =	vshll.u32 v35, v3;
	[tilespmem:s5+$0x150] =	vst v34  }
0x210: {  	v32 =	vshll.u32 v32, v3;
	v33 =	vshll.u32 v33, v3;
	v34 =	vshll.u32 v39, v3;
	v35 =	vld [tilespmem:s30+$0xB0];
	[tilespmem:s29+$0xFFFFFEE0] =	vst v11  }
0x211: {  	v26 =	vadd.s32 $0x1, v26;
	v11 =	vshrl.u32 v30, $0x3;
	v30 =	vadd.s32 $0x2, v31;
	s30 =	sadd.s32 $0x200, s30;
	[tilespmem:s29+$0xFFFFFEF0] =	vst v13  }
0x212: {  	v31 =	vadd.s32 $0x5, v32;
	v13 =	vadd.s32 $0x3, v29;
	v29 =	vadd.s32 $0x4, v33;
	v32 =	vld [tilespmem:s30+$0xC0];
	[tilespmem:s29+$0xFFFFFF60] =	vst v14  }
0x213: {  	v11 =	vshll.u32 v11, v3;
	v33 =	vadd.s32 $0x6, v34;
	v14 =	vbroadcast v26, $0x0;
	v26 =	vld.idx.msk [tilespmem:v37+s6+$0x0], $0xffff;
	[tilespmem:s29+$0xFFFFFF70] =	vst v18  }
0x214: {  	v30 =	vbroadcast v30, $0x0;
	v34 =	vshll.u32 v28, $0x10;
	v13 =	vbroadcast v13, $0x0;
	v18 =	vld [tilespmem:s30+$0xFFFFFF00];
	[tilespmem:s29+$0xFFFFFFE0] =	vst v15  }
0x215: {  	v31 =	vbroadcast v31, $0x0;
	v28 =	vand.u32 $0xFFFF0000, v28;
	v29 =	vbroadcast v29, $0x0;
	v15 =	vld [tilespmem:s30+$0xFFFFFF40];
	[tilespmem:s29+$0xFFFFFFF0] =	vst v17  }
0x216: {  	v11 =	vbroadcast v11, $0x0;
	v33 =	vbroadcast v33, $0x0;
	v37 =	vshll.u32 v27, $0x10;
	v17 =	vld [tilespmem:s30+$0xFFFFFF80];
	[tilespmem:s29+$0x60] =	vst v21  }
0x217: {  	v39 =	vand.u32 $0xFFFF0000, v27;
	v34 =	vmul.f32 v34, v6;
	v28 =	vmul.f32 v28, v6;
	v21 =	vld [tilespmem:s30+$0xFFFFFFC0];
	[tilespmem:s29+$0x70] =	vst v22  }
0x218: {  	v42 =	vshll.u32 v36, $0x10;
	v36 =	vand.u32 $0xFFFF0000, v36;
	v27 =	vshll.u32 v32, $0x10;
	v22 =	vld [tilespmem:s30+$0x0];
	[tilespmem:s29+$0xE0] =	vst v24  }
0x219: {  	v32 =	vand.u32 $0xFFFF0000, v32;
	v27 =	vmul.f32 v27, v26;
	v24 =	vshll.u32 v18, $0x10;
	v43 =	vld [tilespmem:s30+$0x40];
	[tilespmem:s5+$0xFFFFFE40] =	vst v34  }
0x21a: {  	v32 =	vmul.f32 v32, v26;
	v18 =	vand.u32 $0xFFFF0000, v18;
	s5 =	sadd.s32 $0x400, s5;
	v34 =	vshll.u32 v15, $0x10;
	v44 =	vld [tilespmem:s30+$0x80];
	[tilespmem:s13+$0xFFFFFE50] =	vst v28  }
0x21b: {  	v15 =	vand.u32 $0xFFFF0000, v15;
	v14 =	vld.idx.msk [tilespmem:v14+s6+$0x0], $0xffff;
	v28 =	vshll.u32 v17, $0x10;
	v17 =	vand.u32 $0xFFFF0000, v17;
	[tilespmem:s5+$0x180] =	vst v27  }
0x21c: {  	v30 =	vld.idx.msk [tilespmem:v30+s6+$0x0], $0xffff;
	v45 =	vshll.u32 v21, $0x10;
	v21 =	vand.u32 $0xFFFF0000, v21;
	[tilespmem:s5+$0x190] =	vst v32;
	v32 =	vshll.u32 v40, $0x10  }
0x21d: {  	v40 =	vand.u32 $0xFFFF0000, v40;
	v46 =	vshll.u32 v22, $0x10;
	v22 =	vand.u32 $0xFFFF0000, v22;
	v47 =	vld [tilespmem:s30+$0xD0];
	[tilespmem:s29+$0xF0] =	vst v16  }
0x21e: {  	v48 =	vshll.u32 v38, $0x10;
	v16 =	vld.idx.msk [tilespmem:v13+s6+$0x0], $0xffff;
	v13 =	vshll.u32 v43, $0x10;
	v43 =	vand.u32 $0xFFFF0000, v43;
	[tilespmem:s29+$0x160] =	vst v20  }
0x21f: {  	v38 =	vand.u32 $0xFFFF0000, v38;
	v20 =	vld.idx.msk [tilespmem:v29+s6+$0x0], $0xffff;
	v29 =	vshll.u32 v44, $0x10;
	v44 =	vand.u32 $0xFFFF0000, v44;
	[tilespmem:s29+$0x170] =	vst v19  }
0x220: {  	v49 =	vshll.u32 v35, $0x10;
	v19 =	vld.idx.msk [tilespmem:v31+s6+$0x0], $0xffff;
	v31 =	vshll.u32 v41, $0x10;
	v41 =	vand.u32 $0xFFFF0000, v41;
	[tilespmem:s13+$0x1E0] =	vst v23  }
0x221: {  	v23 =	vmul.f32 v34, v14;
	v15 =	vmul.f32 v15, v14;
	v34 =	vand.u32 $0xFFFF0000, v35;
	v33 =	vld.idx.msk [tilespmem:v33+s6+$0x0], $0xffff;
	[tilespmem:s29+$0xFFFFFE60] =	vst v25  }
0x222: {  	v25 =	vmul.f32 v28, v30;
	v17 =	vmul.f32 v17, v30;
	v27 =	vld.idx.msk [tilespmem:v11+s6+$0x0], $0xffff;
	v11 =	vshll.u32 v47, $0x10;
	[tilespmem:s29+$0xFFFFFE70] =	vst v12;
	s29 =	smov.u32 s13;
	s13 =	smov.u32 s5  }
0x223: {  	v12 =	vand.u32 $0xFFFF0000, v47;
	[tilespmem:s5+$0xFFFFFE80] =	vst v23;
	v23 =	vmul.f32 v11, v26;
	v28 =	vld [tilespmem:s20+$0xFFFFFF30];
	v11 =	vmul.f32 v37, v4;
	s20 =	smov.u32 s30  }
0x224: {  	v12 =	vmul.f32 v12, v26;
	[tilespmem:s5+$0xFFFFFE90] =	vst v15;
	v15 =	vmul.f32 v45, v16  }
0x225: {  	v21 =	vmul.f32 v21, v16;
	v37 =	vmul.f32 v46, v20;
	v35 =	vld [tilespmem:s30+$0xFFFFFF50];
	[tilespmem:s5+$0x1A0] =	vst v23  }
0x226: {  	v22 =	vmul.f32 v22, v20;
	v23 =	vmul.f32 v13, v19;
	[tilespmem:s5+$0x1B0] =	vst v12  }
0x227: {  	v12 =	vmul.f32 v43, v19;
	[tilespmem:s5+$0xFFFFFF00] =	vst v25;
	v25 =	vmul.f32 v29, v33;
	v29 =	vld [tilespmem:s30+$0xE0]  }
0x228: {  	v43 =	vmul.f32 v44, v33;
	v24 =	vmul.f32 v24, v27;
	[tilespmem:s5+$0xFFFFFF10] =	vst v17;
	v44 =	vshll.u32 v28, $0x10  }
0x229: {  	v13 =	vmul.f32 v39, v4;
	v4 =	vmovc v14;
	v45 =	vmul.f32 v18, v27;
	v28 =	vand.u32 $0xFFFF0000, v28;
	v46 =	vld [tilespmem:s30+$0xFFFFFF90];
	[tilespmem:s5+$0xFFFFFF80] =	vst v15  }
0x22a: {  	v14 =	vmul.f32 v42, v10;
	v15 =	vshll.u32 v35, $0x10;
	v17 =	vand.u32 $0xFFFF0000, v35;
	[tilespmem:s5+$0xFFFFFF90] =	vst v21  }
0x22b: {  	v35 =	vmul.f32 v15, v4;
	v39 =	vmul.f32 v17, v4;
	v21 =	vld [tilespmem:s30+$0xFFFFFFD0];
	[tilespmem:s5+$0x0] =	vst v37  }
0x22c: {  	v18 =	vmul.f32 v36, v10;
	v10 =	vmovc v30;
	v15 =	vmul.f32 v32, v9;
	[tilespmem:s5+$0x10] =	vst v22;
	v17 =	vshll.u32 v29, $0x10  }
0x22d: {  	v22 =	vld [tilespmem:s30+$0x10];
	[tilespmem:s5+$0x80] =	vst v23;
	v23 =	vand.u32 $0xFFFF0000, v29;
	v29 =	vmul.f32 v17, v26;
	v17 =	vmul.f32 v40, v9;
	v9 =	vmovc v16  }
0x22e: {  	v16 =	vshll.u32 v46, $0x10;
	v30 =	vand.u32 $0xFFFF0000, v46;
	[tilespmem:s5+$0x90] =	vst v12;
	v12 =	vmul.f32 v23, v26  }
0x22f: {  	v23 =	vmul.f32 v16, v10;
	v30 =	vmul.f32 v30, v10;
	v16 =	vld [tilespmem:s30+$0x50];
	[tilespmem:s5+$0x1C0] =	vst v29  }
0x230: {  	v29 =	vshll.u32 v21, $0x10;
	v32 =	vand.u32 $0xFFFF0000, v21;
	[tilespmem:s5+$0x1D0] =	vst v12;
	v21 =	vmul.f32 v48, v7  }
0x231: {  	v12 =	vmul.f32 v29, v9;
	v29 =	vmul.f32 v32, v9;
	[tilespmem:s5+$0x100] =	vst v25;
	v25 =	vld [tilespmem:s30+$0xF0]  }
0x232: {  	v32 =	vshll.u32 v22, $0x10;
	v36 =	vand.u32 $0xFFFF0000, v22;
	[tilespmem:s5+$0x110] =	vst v43;
	v22 =	vmul.f32 v38, v7;
	v7 =	vmovc v20  }
0x233: {  	[tilespmem:s5+$0xFFFFFE00] =	vst v24;
	v32 =	vmul.f32 v32, v7;
	v36 =	vmul.f32 v36, v7;
	v37 =	vld [tilespmem:s30+$0x90]  }
0x234: {  	v24 =	vmul.f32 v31, v8;
	[tilespmem:s5+$0xFFFFFE10] =	vst v45;
	v20 =	vshll.u32 v16, $0x10;
	v16 =	vand.u32 $0xFFFF0000, v16  }
0x235: {  	v31 =	vld [tilespmem:s30+$0xFFFFFF10];
	[tilespmem:s5+$0xFFFFFEA0] =	vst v35;
	v35 =	vmul.f32 v20, v19;
	v38 =	vmul.f32 v16, v19  }
0x236: {  	v16 =	vmul.f32 v41, v8;
	v8 =	vmovc v19;
	[tilespmem:s5+$0xFFFFFEB0] =	vst v39;
	v39 =	vshll.u32 v25, $0x10;
	v20 =	vand.u32 $0xFFFF0000, v25  }
0x237: {  	v25 =	vld [tilespmem:s30+$0xFFFFFF60];
	[tilespmem:s5+$0xFFFFFF20] =	vst v23;
	v23 =	vmul.f32 v20, v26;
	v20 =	vmul.f32 v49, v5  }
0x238: {  	v19 =	vmul.f32 v34, v5;
	v5 =	vmovc v33;
	[tilespmem:s5+$0xFFFFFF30] =	vst v30;
	v30 =	vshll.u32 v37, $0x10;
	v37 =	vand.u32 $0xFFFF0000, v37  }
0x239: {  	v33 =	vld [tilespmem:s30+$0xFFFFFFA0];
	v30 =	vmul.f32 v30, v5;
	v34 =	vmul.f32 v37, v5;
	[tilespmem:s5+$0x1F0] =	vst v23  }
0x23a: {  	v23 =	vmul.f32 v39, v26;
	v37 =	vshll.u32 v31, $0x10;
	v31 =	vand.u32 $0xFFFF0000, v31;
	[tilespmem:s5+$0xFFFFFFA0] =	vst v12  }
0x23b: {  	v26 =	vmul.f32 v37, v27;
	v37 =	vmul.f32 v31, v27;
	[tilespmem:s5+$0xFFFFFFB0] =	vst v29  }
0x23c: {  	v12 =	vshll.u32 v25, $0x10;
	v29 =	vand.u32 $0xFFFF0000, v25;
	v39 =	vld [tilespmem:s30+$0xFFFFFFE0];
	[tilespmem:s5+$0x20] =	vst v32;
	v25 =	vmul.f32 v44, v6  }
0x23d: {  	v32 =	vmul.f32 v12, v4;
	v40 =	vmul.f32 v29, v4;
	[tilespmem:s5+$0x30] =	vst v36  }
0x23e: {  	v12 =	vmul.f32 v28, v6;
	v6 =	vmovc v27;
	v29 =	vshll.u32 v33, $0x10;
	v31 =	vand.u32 $0xFFFF0000, v33;
	v33 =	vld [tilespmem:s30+$0x20];
	[tilespmem:s5+$0xA0] =	vst v35  }
0x23f: {  	v36 =	vmul.f32 v29, v10;
	v31 =	vmul.f32 v31, v10;
	[tilespmem:s5+$0xB0] =	vst v38  }
0x240: {  	v27 =	vld [tilespmem:s30+$0x60];
	[tilespmem:s5+$0x120] =	vst v30  }
0x241: {  	v28 =	vshll.u32 v39, $0x10;
	v29 =	vand.u32 $0xFFFF0000, v39;
	[tilespmem:s5+$0x130] =	vst v34  }
.Ltmp6:
0x242: {  	[tilespmem:s5+$0xFFFFFE20] =	vst v26;
	v34 =	vmul.f32 v28, v9;
	v29 =	vmul.f32 v29, v9;
	v35 =	vld [tilespmem:s30+$0xA0];
	(pc) =	sbr.rel @p2 .LBB2_16-.Ltmp6, $4  }
0x243: {  	[tilespmem:s5+$0xFFFFFE30] =	vst v37;
	v26 =	vshll.u32 v33, $0x10;
	v30 =	vand.u32 $0xFFFF0000, v33  }
0x244: {  	v28 =	vld [tilespmem:s30+$0xFFFFFF20];
	[tilespmem:s5+$0xFFFFFEC0] =	vst v32;
	v32 =	vmul.f32 v26, v7;
	v26 =	vmul.f32 v30, v7  }
0x245: {  	[tilespmem:s5+$0xFFFFFED0] =	vst v40;
	v30 =	vshll.u32 v27, $0x10;
	v37 =	vand.u32 $0xFFFF0000, v27  }
0x246: {  	v27 =	vld [tilespmem:s30+$0xFFFFFF70];
	[tilespmem:s5+$0xFFFFFF40] =	vst v36;
	v33 =	vmul.f32 v30, v8;
	v30 =	vmul.f32 v37, v8  }
0x247: {  	[tilespmem:s5+$0xFFFFFF50] =	vst v31  }
0x248: {  	[tilespmem:s5+$0xFFFFFFC0] =	vst v34  }
0x249: {  	[tilespmem:s5+$0xFFFFFFD0] =	vst v29  }
0x24a: {  	[tilespmem:s5+$0x40] =	vst v32  }
0x24b: {  	[tilespmem:s5+$0x50] =	vst v26  }
0x24c: {  	[tilespmem:s29+$0xFFFFFEE0] =	vst v11  }
0x24d: {  	[tilespmem:s29+$0xFFFFFEF0] =	vst v13  }
0x24e: {  	[tilespmem:s29+$0xFFFFFF60] =	vst v14  }
0x24f: {  	[tilespmem:s29+$0xFFFFFF70] =	vst v18  }
0x250: {  	[tilespmem:s29+$0xFFFFFFE0] =	vst v15  }
0x251: {  	[tilespmem:s29+$0xFFFFFFF0] =	vst v17  }
0x252: {  	[tilespmem:s29+$0x60] =	vst v21  }
0x253: {  	[tilespmem:s29+$0x70] =	vst v22  }
0x254: {  	[tilespmem:s29+$0xE0] =	vst v24  }
0x255: {  	[tilespmem:s29+$0xF0] =	vst v16  }
0x256: {  	[tilespmem:s29+$0x160] =	vst v20  }
0x257: {  	[tilespmem:s29+$0x170] =	vst v19  }
0x258: {  	[tilespmem:s13+$0x1E0] =	vst v23  }
0x259: {  	[tilespmem:s29+$0xFFFFFE60] =	vst v25  }
0x25a: {  	v34 =	vshll.u32 v35, $0x10;
	[tilespmem:s29+$0xFFFFFE70] =	vst v12  }
0x25b: {  	v36 =	vand.u32 $0xFFFF0000, v35;
	v29 =	vmul.f32 v34, v5;
	[tilespmem:s5+$0xC0] =	vst v33;
	v39 =	vld [tilespmem:s30+$0xFFFFFFB0]  }
0x25c: {  	v26 =	vmul.f32 v36, v5;
	[tilespmem:s5+$0xD0] =	vst v30;
	v37 =	vshll.u32 v28, $0x10  }
0x25d: {  	v40 =	vld [tilespmem:s30+$0xFFFFFFF0];
	v38 =	vand.u32 $0xFFFF0000, v28;
	[tilespmem:s5+$0x140] =	vst v29;
	v11 =	vmul.f32 v37, v6  }
0x25e: {  	[tilespmem:s5+$0x150] =	vst v26;
	v13 =	vmul.f32 v38, v6;
	v41 =	vshll.u32 v27, $0x10  }
0x25f: {  	v42 =	vld [tilespmem:s30+$0x30];
	v43 =	vand.u32 $0xFFFF0000, v27;
	[tilespmem:s5+$0xFFFFFE40] =	vst v11;
	v14 =	vmul.f32 v41, v4  }
0x260: {  	v4 =	vmul.f32 v43, v4;
	[tilespmem:s13+$0xFFFFFE50] =	vst v13;
	v44 =	vshll.u32 v39, $0x10  }
0x261: {  	v45 =	vld [tilespmem:s30+$0x70];
	v11 =	vand.u32 $0xFFFF0000, v39;
	v46 =	vmul.f32 v44, v10;
	[tilespmem:s13+$0xFFFFFEE0] =	vst v14  }
0x262: {  	v47 =	vshll.u32 v40, $0x10;
	v48 =	vmul.f32 v11, v10;
	[tilespmem:s13+$0xFFFFFEF0] =	vst v4  }
0x263: {  	v49 =	vand.u32 $0xFFFF0000, v40;
	v4 =	vld [tilespmem:s30+$0xB0];
	v50 =	vmul.f32 v47, v9;
	[tilespmem:s13+$0xFFFFFF60] =	vst v46  }
0x264: {  	v51 =	vshll.u32 v42, $0x10;
	v52 =	vmul.f32 v49, v9;
	[tilespmem:s13+$0xFFFFFF70] =	vst v48  }
0x265: {  	v53 =	vand.u32 $0xFFFF0000, v42;
	v54 =	vld [tilespmem:s20+$0xFFFFFF30];
	v14 =	vmul.f32 v51, v7;
	[tilespmem:s13+$0xFFFFFFE0] =	vst v50  }
0x266: {  	v55 =	vshll.u32 v45, $0x10;
	v56 =	vmul.f32 v53, v7;
	[tilespmem:s13+$0xFFFFFFF0] =	vst v52  }
0x267: {  	v57 =	vand.u32 $0xFFFF0000, v45;
	v58 =	vmul.f32 v55, v8;
	[tilespmem:s13+$0x60] =	vst v14  }
0x268: {  	v60 =	vmul.f32 v57, v8;
	[tilespmem:s13+$0x70] =	vst v56;
	v59 =	vshll.u32 v4, $0x10  }
0x269: {  	[tilespmem:s13+$0xE0] =	vst v58;
	v4 =	vand.u32 $0xFFFF0000, v4;
	v61 =	vmul.f32 v59, v5  }
0x26a: {  	[tilespmem:s13+$0xF0] =	vst v60;
	v62 =	vshll.u32 v54, $0x10;
	v4 =	vmul.f32 v4, v5  }
0x26b: {  	v5 =	vand.u32 $0xFFFF0000, v54;
	v63 =	vmul.f32 v62, v6;
	[tilespmem:s13+$0x160] =	vst v61  }
0x26c: {  	v5 =	vmul.f32 v5, v6;
	[tilespmem:s13+$0x170] =	vst v4  }
0x26d: {  	s28 =	sadd.s32 $0x1, s28;
	[tilespmem:s13+$0xFFFFFE60] =	vst v63  }
0x26e: {  	s2 =	sadd.s32 $0x7D0, s2;
	p2 =	sne.s32 s28, $0xB;
	[tilespmem:s13+$0xFFFFFE70] =	vst v5  }
0x26f: {  	[spmem:s4] =	stream.indirect.scatter.add.f32 [tilespmem:s17], [sflag:$0x4], $0x80, s2, s11, $0xb8;
	[tilespmem:$0x1FBD0] =	vst v63  }
.Ltmp7:
0x270: {  	s2 =	simm.s32 @!p1 $0x5;
	(pc) =	sbr.rel @p2 .LBB2_13-.Ltmp7, $4  }
0x271: {  	_ =	swait.ge @!p1 [sflag:s2], $0x500  }
0x272: {  	[sflag:s2] =	ssyncset.done @!p1 $0x0  }
0x273: {  	s26 =	sadd.s32 $0xA0, s26;
	s30 =	sadd.s32 $0x1090, s19;
	[sflag:s2] =	ssyncadd.s32 @!p1 $0xFFFFFB00  }
0x274: {  	[tilespmem:s14], [sflag:$0x2] =	stream.indirect.gather [hbm4b:s1+s11], $0x40, s30, s11, $0xb8;
	[tilespmem:$0x1FBD0] =	vst v63  }
0x275: {  	s2 =	simm.s32 $0x6E7  }
0x276: {  	v4 =	vmov s2  }
0x277: {  	s5 =	simm.s32 $0x6E1;
	v4 =	vshrl.u32 v4, $0x3  }
0x278: {  	_ =	swait.ge [sflag:s15], $0x1400;
	s23 =	simm.s32 $0x6E2;
	s7 =	simm.s32 @!p0 $0x9740;
	v4 =	vshll.u32 v4, v3  }
0x279: {  	s8 =	simm.s32 $0x6E3;
	s26 =	simm.s32 $0x6E4;
	v5 =	vmov s5;
	[sflag:s15] =	ssyncset.done $0x0;
	v4 =	vadd.s32 $0x7, v4  }
0x27a: {  	s5 =	simm.s32 @!p0 $0x50;
	s2 =	simm.s32 @!p0 $0xEB0;
	v5 =	vshrl.u32 v5, $0x3;
	[sflag:s15] =	ssyncadd.s32 $0xFFFFEC00;
	v4 =	vbroadcast v4, $0x0  }
0x27b: {  	v6 =	vmov s23;
	v7 =	vmov s8;
	v5 =	vshll.u32 v5, v3;
	[spmem:s3] =	stream.indirect.scatter.add.f32 @!p0 [tilespmem:s7], [sflag:$0x5], $0x10, s2, s5, $0xb8;
	[tilespmem:$0x1FBD0] =	vst v63  }
0x27c: {  	v8 =	vmov s26;
	v6 =	vshrl.u32 v6, $0x3;
	v5 =	vadd.s32 $0x1, v5;
	_ =	swait.ge [sflag:s18], $0x2800  }
0x27d: {  	v7 =	vshrl.u32 v7, $0x3;
	v6 =	vshll.u32 v6, v3;
	v5 =	vbroadcast v5, $0x0;
	[sflag:s18] =	ssyncset.done $0x0  }
0x27e: {  	v8 =	vshrl.u32 v8, $0x3;
	v7 =	vshll.u32 v7, v3;
	s5 =	simm.s32 $0x2040;
	v6 =	vadd.s32 $0x2, v6;
	[sflag:s18] =	ssyncadd.s32 $0xFFFFD800  }
0x27f: {  	s29 =	simm.s32 $0x6E6;
	v8 =	vshll.u32 v8, v3;
	v7 =	vadd.s32 $0x3, v7;
	v6 =	vbroadcast v6, $0x0;
	v10 =	vld [tilespmem:s5+$0xC0]  }
0x280: {  	v9 =	vbroadcast v7, $0x0;
	v7 =	vadd.s32 $0x4, v8;
	v8 =	vmov s29;
	v11 =	vld.idx.msk [tilespmem:v4+s6+$0x0], $0xffff  }
0x281: {  	v8 =	vshrl.u32 v8, $0x3;
	v12 =	vld [tilespmem:s5+$0xFFFFFF40];
	v4 =	vbroadcast v7, $0x0  }
0x282: {  	s28 =	simm.s32 $0x6E5;
	v8 =	vshll.u32 v8, v3;
	v14 =	vld [tilespmem:s5+$0xFFFFFF80]  }
0x283: {  	v8 =	vadd.s32 $0x6, v8;
	v7 =	vld.idx.msk [tilespmem:v5+s6+$0x0], $0xffff;
	v5 =	vmov s28  }
0x284: {  	v16 =	vld [tilespmem:s5+$0xFFFFFFC0];
	v8 =	vbroadcast v8, $0x0;
	v5 =	vshrl.u32 v5, $0x3;
	v15 =	vshll.u32 v10, $0x10  }
0x285: {  	s30 =	simm.s32 $0x6E0;
	v6 =	vld.idx.msk [tilespmem:v6+s6+$0x0], $0xffff;
	v10 =	vand.u32 $0xFFFF0000, v10;
	v5 =	vshll.u32 v5, v3;
	v15 =	vmul.f32 v15, v11  }
0x286: {  	s19 =	simm.s32 $0x4940;
	v13 =	vadd.s32 $0x5, v5;
	v5 =	vld.idx.msk [tilespmem:v9+s6+$0x0], $0xffff;
	v9 =	vmov s30;
	v10 =	vmul.f32 v10, v11  }
0x287: {  	v17 =	vshll.u32 v12, $0x10;
	v13 =	vbroadcast v13, $0x0;
	v9 =	vshrl.u32 v9, $0x3;
	v4 =	vld.idx.msk [tilespmem:v4+s6+$0x0], $0xffff;
	[tilespmem:s19+$0x180] =	vst v15  }
0x288: {  	v12 =	vand.u32 $0xFFFF0000, v12;
	v9 =	vshll.u32 v9, v3;
	v17 =	vmul.f32 v17, v7;
	v15 =	vld [tilespmem:s5+$0x0];
	[tilespmem:s19+$0x190] =	vst v10  }
0x289: {  	v18 =	vbroadcast v9, $0x0;
	v9 =	vshll.u32 v14, $0x10;
	v10 =	vmul.f32 v12, v7;
	v12 =	vld [tilespmem:s5+$0xD0]  }
0x28a: {  	v19 =	vld [tilespmem:s5+$0xFFFFFF00];
	v14 =	vand.u32 $0xFFFF0000, v14;
	[tilespmem:s19+$0xFFFFFE80] =	vst v17;
	v9 =	vmul.f32 v9, v6  }
0x28b: {  	v21 =	vld [tilespmem:s5+$0x80];
	v20 =	vshll.u32 v16, $0x10;
	v14 =	vmul.f32 v14, v6;
	[tilespmem:s19+$0xFFFFFE90] =	vst v10  }
0x28c: {  	v16 =	vand.u32 $0xFFFF0000, v16;
	v17 =	vld [tilespmem:s5+$0x40];
	v20 =	vmul.f32 v20, v5;
	[tilespmem:s19+$0xFFFFFF00] =	vst v9  }
0x28d: {  	v16 =	vmul.f32 v16, v5;
	[tilespmem:s19+$0xFFFFFF10] =	vst v14;
	v10 =	vld.idx.msk [tilespmem:v13+s6+$0x0], $0xffff;
	v13 =	vshll.u32 v15, $0x10  }
0x28e: {  	v9 =	vld.idx.msk [tilespmem:v8+s6+$0x0], $0xffff;
	[tilespmem:s19+$0xFFFFFF80] =	vst v20;
	v13 =	vmul.f32 v13, v4;
	v14 =	vshll.u32 v12, $0x10  }
0x28f: {  	[tilespmem:s19+$0xFFFFFF90] =	vst v16;
	v16 =	vld [tilespmem:s5+$0xFFFFFF50];
	v12 =	vand.u32 $0xFFFF0000, v12;
	v14 =	vmul.f32 v14, v11  }
0x290: {  	v8 =	vld.idx.msk [tilespmem:v18+s6+$0x0], $0xffff;
	v15 =	vand.u32 $0xFFFF0000, v15;
	v12 =	vmul.f32 v12, v11;
	[tilespmem:s19+$0x0] =	vst v13  }
0x291: {  	v15 =	vmul.f32 v15, v4;
	v13 =	vshll.u32 v17, $0x10;
	[tilespmem:s19+$0x1A0] =	vst v14;
	v14 =	vand.u32 $0xFFFF0000, v17;
	v17 =	vld [tilespmem:s5+$0xFFFFFF90]  }
0x292: {  	v20 =	vand.u32 $0xFFFF0000, v21;
	v18 =	vshll.u32 v21, $0x10;
	v21 =	vld [tilespmem:s5+$0xFFFFFFD0];
	v13 =	vmul.f32 v13, v10;
	[tilespmem:s19+$0x1B0] =	vst v12  }
0x293: {  	v18 =	vmul.f32 v18, v9;
	[tilespmem:s19+$0x10] =	vst v15;
	v12 =	vshll.u32 v19, $0x10;
	v14 =	vmul.f32 v14, v10;
	v15 =	vld [tilespmem:s5+$0xE0]  }
0x294: {  	v19 =	vand.u32 $0xFFFF0000, v19;
	[tilespmem:s19+$0x80] =	vst v13;
	v13 =	vmul.f32 v20, v9;
	v20 =	vshll.u32 v16, $0x10  }
0x295: {  	[tilespmem:s19+$0x90] =	vst v14;
	v14 =	vmul.f32 v19, v8;
	v19 =	vmul.f32 v20, v7;
	v20 =	vld [tilespmem:s5+$0x10]  }
0x296: {  	[tilespmem:s19+$0x100] =	vst v18;
	v12 =	vmul.f32 v12, v8;
	v16 =	vand.u32 $0xFFFF0000, v16;
	v18 =	vshll.u32 v17, $0x10  }
0x297: {  	v16 =	vmul.f32 v16, v7;
	v22 =	vld [tilespmem:s5+$0x50];
	[tilespmem:s19+$0x110] =	vst v13;
	v17 =	vand.u32 $0xFFFF0000, v17;
	v23 =	vmul.f32 v18, v6  }
0x298: {  	[tilespmem:s19+$0xFFFFFE00] =	vst v12;
	v12 =	vld [tilespmem:s5+$0x90];
	v24 =	vmul.f32 v17, v6;
	v13 =	vshll.u32 v15, $0x10;
	v17 =	vshll.u32 v21, $0x10  }
0x299: {  	[tilespmem:s19+$0xFFFFFE10] =	vst v14;
	v15 =	vand.u32 $0xFFFF0000, v15;
	v18 =	vmul.f32 v13, v11;
	v13 =	vand.u32 $0xFFFF0000, v21  }
0x29a: {  	[tilespmem:s19+$0xFFFFFEA0] =	vst v19;
	v25 =	vld [tilespmem:s5+$0xFFFFFF10];
	v14 =	vmul.f32 v17, v5;
	v15 =	vmul.f32 v15, v11;
	v17 =	vshll.u32 v20, $0x10  }
0x29b: {  	v13 =	vmul.f32 v13, v5;
	v19 =	vand.u32 $0xFFFF0000, v20;
	[tilespmem:s19+$0x1C0] =	vst v18;
	v20 =	vmul.f32 v17, v4  }
0x29c: {  	v18 =	vmul.f32 v19, v4;
	v17 =	vshll.u32 v22, $0x10;
	[tilespmem:s19+$0x1D0] =	vst v15;
	v15 =	vand.u32 $0xFFFF0000, v22  }
0x29d: {  	[tilespmem:s19+$0xFFFFFEB0] =	vst v16;
	v19 =	vmul.f32 v17, v10;
	v16 =	vshll.u32 v12, $0x10;
	v22 =	vand.u32 $0xFFFF0000, v12;
	v12 =	vld [tilespmem:s5+$0xF0]  }
0x29e: {  	v21 =	vld [tilespmem:s5+$0xFFFFFF60];
	[tilespmem:s19+$0xFFFFFF20] =	vst v23;
	v15 =	vmul.f32 v15, v10;
	v17 =	vmul.f32 v16, v9  }
0x29f: {  	s13 =	simm.s32 $0x0;
	s2 =	simm.s32 $0x4940;
	[tilespmem:s19+$0xFFFFFF30] =	vst v24;
	v16 =	vmul.f32 v22, v9;
	v23 =	vshll.u32 v25, $0x10;
	v22 =	vand.u32 $0xFFFF0000, v25  }
.LBB2_19:
0x2a0: {  	s7 =	sadd.s32 $0x6E9, s13;
	v23 =	vmul.f32 v23, v8;
	v22 =	vmul.f32 v22, v8;
	v24 =	vld [tilespmem:s5+$0xFFFFFFA0];
	[tilespmem:s19+$0xFFFFFFA0] =	vst v14;
	s20 =	smov.u32 s13  }
0x2a1: {  	v14 =	vmov s7;
	s7 =	sadd.s32 $0x6EA, s13;
	[tilespmem:s19+$0xFFFFFFB0] =	vst v13  }
0x2a2: {  	v13 =	vmov s7;
	v25 =	vld [tilespmem:s5+$0xFFFFFFE0];
	[tilespmem:s19+$0x20] =	vst v20;
	v20 =	vshll.u32 v12, $0x10;
	v12 =	vand.u32 $0xFFFF0000, v12  }
0x2a3: {  	s7 =	sadd.s32 $0x6EB, s13;
	v26 =	vshll.u32 v21, $0x10;
	v21 =	vand.u32 $0xFFFF0000, v21;
	[tilespmem:s19+$0x30] =	vst v18;
	v18 =	vmul.f32 v12, v11  }
0x2a4: {  	v27 =	vmov s7;
	v26 =	vmul.f32 v26, v7;
	v21 =	vmul.f32 v21, v7;
	v28 =	vld [tilespmem:s5+$0x20];
	[tilespmem:s19+$0xA0] =	vst v19  }
0x2a5: {  	s7 =	sadd.s32 $0x6EC, s13;
	v12 =	vmul.f32 v20, v11;
	v19 =	vshll.u32 v24, $0x10;
	v24 =	vand.u32 $0xFFFF0000, v24;
	[tilespmem:s19+$0x1F0] =	vst v18  }
0x2a6: {  	v11 =	vmov s7;
	v18 =	vmul.f32 v19, v6;
	v19 =	vmul.f32 v24, v6;
	[tilespmem:s19+$0xB0] =	vst v15  }
0x2a7: {  	v14 =	vshrl.u32 v14, $0x3;
	v15 =	vshll.u32 v25, $0x10;
	v20 =	vand.u32 $0xFFFF0000, v25;
	v24 =	vld [tilespmem:s5+$0x60];
	[tilespmem:s19+$0x120] =	vst v17  }
0x2a8: {  	v13 =	vshrl.u32 v13, $0x3;
	v15 =	vmul.f32 v15, v5;
	v17 =	vmul.f32 v20, v5;
	[tilespmem:s19+$0x130] =	vst v16  }
0x2a9: {  	v16 =	vshrl.u32 v27, $0x3;
	[tilespmem:s19+$0xFFFFFE20] =	vst v23;
	v20 =	vshll.u32 v28, $0x10;
	v23 =	vand.u32 $0xFFFF0000, v28;
	v25 =	vld [tilespmem:s5+$0xA0]  }
0x2aa: {  	v11 =	vshrl.u32 v11, $0x3;
	[tilespmem:s19+$0xFFFFFE30] =	vst v22;
	v20 =	vmul.f32 v20, v4;
	v22 =	vmul.f32 v23, v4  }
0x2ab: {  	v14 =	vshll.u32 v14, v3;
	v13 =	vshll.u32 v13, v3;
	v16 =	vshll.u32 v16, v3;
	v23 =	vld [tilespmem:s5+$0xFFFFFF20];
	[tilespmem:s19+$0xFFFFFEC0] =	vst v26  }
0x2ac: {  	v11 =	vshll.u32 v11, v3;
	[tilespmem:s19+$0xFFFFFED0] =	vst v21;
	v21 =	vshll.u32 v24, $0x10;
	v24 =	vand.u32 $0xFFFF0000, v24  }
0x2ad: {  	v14 =	vadd.s32 $0x1, v14;
	v26 =	vld [tilespmem:s5+$0xFFFFFF70];
	[tilespmem:s19+$0xFFFFFF40] =	vst v18;
	v18 =	vmul.f32 v21, v10;
	v21 =	vmul.f32 v24, v10  }
0x2ae: {  	v14 =	vbroadcast v14, $0x0;
	[tilespmem:s19+$0xFFFFFF50] =	vst v19;
	v19 =	vshll.u32 v25, $0x10;
	v24 =	vand.u32 $0xFFFF0000, v25  }
0x2af: {  	v13 =	vadd.s32 $0x2, v13;
	v25 =	vld [tilespmem:s5+$0xFFFFFFB0];
	[tilespmem:s19+$0xFFFFFFC0] =	vst v15;
	v15 =	vmul.f32 v19, v9;
	v19 =	vmul.f32 v24, v9  }
0x2b0: {  	v13 =	vbroadcast v13, $0x0;
	v24 =	vshll.u32 v23, $0x10;
	v23 =	vand.u32 $0xFFFF0000, v23;
	[tilespmem:s19+$0xFFFFFFD0] =	vst v17  }
0x2b1: {  	v16 =	vadd.s32 $0x3, v16;
	v17 =	vmul.f32 v24, v8;
	v23 =	vmul.f32 v23, v8;
	v24 =	vld [tilespmem:s5+$0xFFFFFFF0];
	[tilespmem:s19+$0x40] =	vst v20  }
0x2b2: {  	v16 =	vbroadcast v16, $0x0;
	v20 =	vshll.u32 v26, $0x10;
	v26 =	vand.u32 $0xFFFF0000, v26;
	[tilespmem:s19+$0x50] =	vst v22  }
0x2b3: {  	v11 =	vadd.s32 $0x4, v11;
	v20 =	vmul.f32 v20, v7;
	v22 =	vmul.f32 v26, v7;
	v7 =	vld [tilespmem:s5+$0x30];
	[tilespmem:s19+$0xC0] =	vst v18  }
0x2b4: {  	s7 =	sadd.s32 $0x6EF, s13;
	v11 =	vbroadcast v11, $0x0;
	v18 =	vshll.u32 v25, $0x10;
	v25 =	vand.u32 $0xFFFF0000, v25;
	[tilespmem:s19+$0xD0] =	vst v21  }
0x2b5: {  	v21 =	vmov s7;
	v18 =	vmul.f32 v18, v6;
	v25 =	vmul.f32 v25, v6;
	v6 =	vld [tilespmem:s5+$0x70];
	[tilespmem:s19+$0x140] =	vst v15  }
0x2b6: {  	v15 =	vshrl.u32 v21, $0x3;
	v21 =	vshll.u32 v24, $0x10;
	v24 =	vand.u32 $0xFFFF0000, v24;
	[tilespmem:s19+$0x150] =	vst v19  }
0x2b7: {  	s13 =	sadd.s32 $0x8, s13;
	v15 =	vshll.u32 v15, v3;
	[tilespmem:s19+$0xFFFFFE40] =	vst v17;
	v17 =	vmul.f32 v21, v5;
	v19 =	vmul.f32 v24, v5;
	v21 =	vld [tilespmem:s5+$0xB0]  }
0x2b8: {  	p2 =	slt.u32 s13, $0x48;
	v5 =	vadd.s32 $0x7, v15;
	[tilespmem:s19+$0xFFFFFE50] =	vst v23;
	v15 =	vshll.u32 v7, $0x10;
	v23 =	vand.u32 $0xFFFF0000, v7  }
0x2b9: {  	v24 =	vbroadcast v5, $0x0;
	v26 =	vld [tilespmem:s5+$0xFFFFFF30];
	[tilespmem:s19+$0xFFFFFEE0] =	vst v20;
	v15 =	vmul.f32 v15, v4  }
0x2ba: {  	s7 =	sadd.s32 $0x6ED, s20;
	v7 =	vld.idx.msk [tilespmem:v14+s6+$0x0], $0xffff;
	[tilespmem:s19+$0xFFFFFEF0] =	vst v22;
	v14 =	vmul.f32 v23, v4;
	v4 =	vshll.u32 v6, $0x10;
	v5 =	vand.u32 $0xFFFF0000, v6  }
0x2bb: {  	v6 =	vld.idx.msk [tilespmem:v13+s6+$0x0], $0xffff;
	v13 =	vmov s7;
	s7 =	sadd.s32 $0x6EE, s20;
	[tilespmem:s19+$0xFFFFFF60] =	vst v18;
	v18 =	vmul.f32 v4, v10;
	v10 =	vmul.f32 v5, v10  }
0x2bc: {  	v5 =	vld.idx.msk [tilespmem:v16+s6+$0x0], $0xffff;
	v16 =	vmov s7;
	[tilespmem:s19+$0xFFFFFF70] =	vst v25;
	v20 =	vshll.u32 v21, $0x10;
	v21 =	vand.u32 $0xFFFF0000, v21  }
0x2bd: {  	s5 =	sadd.s32 $0x200, s5;
	v4 =	vld.idx.msk [tilespmem:v11+s6+$0x0], $0xffff;
	v11 =	vshrl.u32 v13, $0x3;
	[tilespmem:s19+$0xFFFFFFE0] =	vst v17;
	v13 =	vmul.f32 v20, v9;
	v9 =	vmul.f32 v21, v9  }
0x2be: {  	v17 =	vshll.u32 v11, v3;
	v20 =	vld [tilespmem:s5+$0xC0];
	v21 =	vshll.u32 v26, $0x10;
	v22 =	vand.u32 $0xFFFF0000, v26;
	[tilespmem:s19+$0xFFFFFFF0] =	vst v19  }
0x2bf: {  	v16 =	vshrl.u32 v16, $0x3;
	v11 =	vld.idx.msk [tilespmem:v24+s6+$0x0], $0xffff;
	v19 =	vmul.f32 v21, v8;
	v8 =	vmul.f32 v22, v8;
	[tilespmem:s19+$0x60] =	vst v15  }
0x2c0: {  	s7 =	sadd.s32 $0x6E8, s20;
	v16 =	vshll.u32 v16, v3;
	v17 =	vadd.s32 $0x5, v17;
	v15 =	vld [tilespmem:s5+$0xFFFFFF00];
	[tilespmem:s19+$0x70] =	vst v14  }
0x2c1: {  	v16 =	vadd.s32 $0x6, v16;
	v14 =	vmov s7;
	v17 =	vbroadcast v17, $0x0;
	v21 =	vld [tilespmem:s5+$0xFFFFFF40];
	[tilespmem:s19+$0xE0] =	vst v18  }
0x2c2: {  	v16 =	vbroadcast v16, $0x0;
	v14 =	vshrl.u32 v14, $0x3;
	v18 =	vld [tilespmem:s5+$0xFFFFFF80];
	[tilespmem:s19+$0xF0] =	vst v10  }
0x2c3: {  	v10 =	vshll.u32 v14, v3;
	v14 =	vld [tilespmem:s5+$0xFFFFFFC0];
	[tilespmem:s19+$0x160] =	vst v13  }
0x2c4: {  	v13 =	vbroadcast v10, $0x0;
	v10 =	vshll.u32 v20, $0x10;
	v22 =	vld [tilespmem:s5+$0x0];
	[tilespmem:s19+$0x170] =	vst v9  }
0x2c5: {  	v9 =	vand.u32 $0xFFFF0000, v20;
	v20 =	vmul.f32 v10, v11;
	v23 =	vshll.u32 v15, $0x10;
	v24 =	vld [tilespmem:s5+$0x40];
	[tilespmem:s19+$0x1E0] =	vst v12  }
0x2c6: {  	v12 =	vand.u32 $0xFFFF0000, v15;
	v26 =	vmul.f32 v9, v11;
	s19 =	sadd.s32 $0x400, s19;
	v15 =	vshll.u32 v21, $0x10;
	v25 =	vld [tilespmem:s5+$0x80];
	[tilespmem:s2+$0xFFFFFE60] =	vst v19  }
0x2c7: {  	v19 =	vand.u32 $0xFFFF0000, v21;
	v21 =	vshll.u32 v18, $0x10;
	v18 =	vand.u32 $0xFFFF0000, v18;
	v10 =	vld.idx.msk [tilespmem:v17+s6+$0x0], $0xffff;
	[tilespmem:s19+$0x180] =	vst v20  }
0x2c8: {  	v15 =	vmul.f32 v15, v7;
	v17 =	vshll.u32 v14, $0x10;
	v14 =	vand.u32 $0xFFFF0000, v14;
	v9 =	vld.idx.msk [tilespmem:v16+s6+$0x0], $0xffff;
	[tilespmem:s19+$0x190] =	vst v26  }
0x2c9: {  	v16 =	vmul.f32 v19, v7;
	v19 =	vshll.u32 v22, $0x10;
	v20 =	vand.u32 $0xFFFF0000, v22;
	v22 =	vld [tilespmem:s5+$0xD0];
	[tilespmem:s2+$0xFFFFFE70] =	vst v8;
	s2 =	smov.u32 s19  }
0x2ca: {  	[tilespmem:s19+$0xFFFFFE80] =	vst v15;
	v15 =	vmul.f32 v21, v6;
	v21 =	vshll.u32 v24, $0x10;
	v24 =	vand.u32 $0xFFFF0000, v24  }
0x2cb: {  	v8 =	vld.idx.msk [tilespmem:v13+s6+$0x0], $0xffff;
	[tilespmem:s19+$0xFFFFFE90] =	vst v16;
	v13 =	vmul.f32 v18, v6;
	v16 =	vshll.u32 v25, $0x10;
	v18 =	vand.u32 $0xFFFF0000, v25  }
0x2cc: {  	v14 =	vmul.f32 v14, v5;
	v25 =	vld [tilespmem:s5+$0xFFFFFF50];
	[tilespmem:s19+$0xFFFFFF00] =	vst v15;
	v15 =	vmul.f32 v17, v5  }
0x2cd: {  	v17 =	vmul.f32 v20, v4;
	[tilespmem:s19+$0xFFFFFF10] =	vst v13;
	v13 =	vmul.f32 v19, v4  }
0x2ce: {  	v20 =	vmul.f32 v24, v10;
	v19 =	vld [tilespmem:s5+$0xFFFFFF90];
	[tilespmem:s19+$0xFFFFFF80] =	vst v15;
	v15 =	vmul.f32 v21, v10;
	v21 =	vshll.u32 v22, $0x10  }
0x2cf: {  	v16 =	vmul.f32 v16, v9;
	[tilespmem:s19+$0xFFFFFF90] =	vst v14;
	v14 =	vand.u32 $0xFFFF0000, v22;
	v21 =	vmul.f32 v21, v11  }
0x2d0: {  	v18 =	vmul.f32 v18, v9;
	v22 =	vld [tilespmem:s5+$0xFFFFFFD0];
	[tilespmem:s19+$0x0] =	vst v13;
	v13 =	vmul.f32 v14, v11  }
0x2d1: {  	v23 =	vmul.f32 v23, v8;
	v12 =	vmul.f32 v12, v8;
	v14 =	vshll.u32 v25, $0x10;
	[tilespmem:s19+$0x1A0] =	vst v21  }
0x2d2: {  	v21 =	vand.u32 $0xFFFF0000, v25;
	v24 =	vmul.f32 v14, v7;
	[tilespmem:s19+$0x1B0] =	vst v13  }
0x2d3: {  	v21 =	vmul.f32 v21, v7;
	v13 =	vshll.u32 v19, $0x10;
	v14 =	vand.u32 $0xFFFF0000, v19;
	[tilespmem:s19+$0x10] =	vst v17;
	v17 =	vld [tilespmem:s5+$0xE0]  }
0x2d4: {  	v25 =	vmul.f32 v13, v6;
	v26 =	vmul.f32 v14, v6;
	v19 =	vld [tilespmem:s5+$0x10];
	[tilespmem:s19+$0x80] =	vst v15  }
0x2d5: {  	v13 =	vshll.u32 v22, $0x10;
	v15 =	vand.u32 $0xFFFF0000, v22;
	[tilespmem:s19+$0x90] =	vst v20  }
0x2d6: {  	v14 =	vmul.f32 v13, v5;
	v13 =	vmul.f32 v15, v5;
	v15 =	vld [tilespmem:s5+$0x50];
	[tilespmem:s19+$0x100] =	vst v16  }
0x2d7: {  	[tilespmem:s19+$0x110] =	vst v18  }
0x2d8: {  	[tilespmem:s19+$0xFFFFFE00] =	vst v23;
	v16 =	vld [tilespmem:s5+$0x90];
	v18 =	vshll.u32 v17, $0x10  }
0x2d9: {  	v17 =	vand.u32 $0xFFFF0000, v17;
	[tilespmem:s19+$0xFFFFFE10] =	vst v12;
	v12 =	vshll.u32 v19, $0x10;
	v22 =	vmul.f32 v18, v11  }
0x2da: {  	v18 =	vand.u32 $0xFFFF0000, v19;
	v27 =	vld [tilespmem:s5+$0xFFFFFF10];
	[tilespmem:s19+$0xFFFFFEA0] =	vst v24;
	v20 =	vmul.f32 v12, v4;
	v12 =	vmul.f32 v17, v11  }
.Ltmp8:
0x2db: {  	v18 =	vmul.f32 v18, v4;
	v17 =	vshll.u32 v15, $0x10;
	v15 =	vand.u32 $0xFFFF0000, v15;
	[tilespmem:s19+$0x1C0] =	vst v22;
	(pc) =	sbr.rel @p2 .LBB2_19-.Ltmp8, $4  }
0x2dc: {  	v19 =	vmul.f32 v17, v10;
	v15 =	vmul.f32 v15, v10;
	[tilespmem:s19+$0x1D0] =	vst v12  }
0x2dd: {  	[tilespmem:s19+$0xFFFFFEB0] =	vst v21;
	v17 =	vshll.u32 v16, $0x10;
	v16 =	vand.u32 $0xFFFF0000, v16;
	v12 =	vld [tilespmem:s5+$0xF0]  }
0x2de: {  	v21 =	vld [tilespmem:s5+$0xFFFFFF60];
	[tilespmem:s19+$0xFFFFFF20] =	vst v25;
	v17 =	vmul.f32 v17, v9;
	v16 =	vmul.f32 v16, v9  }
0x2df: {  	v23 =	vshll.u32 v27, $0x10;
	v22 =	vand.u32 $0xFFFF0000, v27;
	[tilespmem:s19+$0xFFFFFF30] =	vst v26  }
0x2e0: {  	[tilespmem:s19+$0xFFFFFFA0] =	vst v14  }
0x2e1: {  	[tilespmem:s19+$0xFFFFFFB0] =	vst v13  }
0x2e2: {  	[tilespmem:s19+$0x20] =	vst v20  }
0x2e3: {  	[tilespmem:s19+$0x30] =	vst v18  }
0x2e4: {  	[tilespmem:s19+$0xA0] =	vst v19  }
0x2e5: {  	v14 =	vld [tilespmem:s5+$0xFFFFFFA0];
	[tilespmem:s19+$0xB0] =	vst v15;
	v13 =	vand.u32 $0xFFFF0000, v12  }
0x2e6: {  	[tilespmem:s19+$0x120] =	vst v17;
	v13 =	vmul.f32 v13, v11  }
0x2e7: {  	v17 =	vmul.f32 v22, v8;
	[tilespmem:s19+$0x130] =	vst v16;
	v15 =	vld [tilespmem:s5+$0xFFFFFFE0]  }
0x2e8: {  	v18 =	vshll.u32 v21, $0x10;
	[tilespmem:s19+$0x1F0] =	vst v13;
	v13 =	vmul.f32 v23, v8  }
0x2e9: {  	v19 =	vld [tilespmem:s5+$0x20];
	[tilespmem:s19+$0xFFFFFE30] =	vst v17;
	v16 =	vand.u32 $0xFFFF0000, v21;
	v18 =	vmul.f32 v18, v7  }
0x2ea: {  	[tilespmem:s19+$0xFFFFFE20] =	vst v13;
	v13 =	vmul.f32 v16, v7;
	v16 =	vshll.u32 v14, $0x10  }
0x2eb: {  	v17 =	vld [tilespmem:s5+$0x60];
	[tilespmem:s19+$0xFFFFFEC0] =	vst v18;
	v14 =	vand.u32 $0xFFFF0000, v14;
	v16 =	vmul.f32 v16, v6  }
0x2ec: {  	v18 =	vshll.u32 v15, $0x10;
	v14 =	vmul.f32 v14, v6;
	[tilespmem:s19+$0xFFFFFED0] =	vst v13  }
0x2ed: {  	v13 =	vand.u32 $0xFFFF0000, v15;
	v15 =	vmul.f32 v18, v5;
	v18 =	vld [tilespmem:s5+$0xA0];
	[tilespmem:s19+$0xFFFFFF40] =	vst v16  }
0x2ee: {  	v13 =	vmul.f32 v13, v5;
	v16 =	vshll.u32 v19, $0x10;
	[tilespmem:s19+$0xFFFFFF50] =	vst v14  }
0x2ef: {  	v14 =	vand.u32 $0xFFFF0000, v19;
	v19 =	vld [tilespmem:s5+$0xFFFFFF20];
	v16 =	vmul.f32 v16, v4;
	[tilespmem:s19+$0xFFFFFFC0] =	vst v15  }
0x2f0: {  	v14 =	vmul.f32 v14, v4;
	v15 =	vshll.u32 v17, $0x10;
	[tilespmem:s19+$0xFFFFFFD0] =	vst v13  }
0x2f1: {  	v13 =	vand.u32 $0xFFFF0000, v17;
	v17 =	vld [tilespmem:s5+$0xFFFFFF70];
	v15 =	vmul.f32 v15, v10;
	[tilespmem:s19+$0x40] =	vst v16  }
0x2f2: {  	v13 =	vmul.f32 v13, v10;
	[tilespmem:s19+$0x50] =	vst v14;
	v16 =	vshll.u32 v18, $0x10  }
0x2f3: {  	v14 =	vand.u32 $0xFFFF0000, v18;
	v18 =	vld [tilespmem:s5+$0xFFFFFFB0];
	[tilespmem:s19+$0xC0] =	vst v15;
	v16 =	vmul.f32 v16, v9  }
0x2f4: {  	v14 =	vmul.f32 v14, v9;
	v15 =	vshll.u32 v19, $0x10;
	[tilespmem:s19+$0xD0] =	vst v13  }
0x2f5: {  	v13 =	vand.u32 $0xFFFF0000, v19;
	v19 =	vld [tilespmem:s5+$0xFFFFFFF0];
	v15 =	vmul.f32 v15, v8;
	[tilespmem:s19+$0x140] =	vst v16  }
0x2f6: {  	v13 =	vmul.f32 v13, v8;
	v16 =	vshll.u32 v17, $0x10;
	[tilespmem:s19+$0x150] =	vst v14  }
0x2f7: {  	v14 =	vand.u32 $0xFFFF0000, v17;
	v17 =	vld [tilespmem:s5+$0x30];
	v16 =	vmul.f32 v16, v7;
	[tilespmem:s19+$0xFFFFFE40] =	vst v15  }
0x2f8: {  	v7 =	vmul.f32 v14, v7;
	[tilespmem:s19+$0xFFFFFE50] =	vst v13;
	v14 =	vshll.u32 v18, $0x10  }
0x2f9: {  	v15 =	vld [tilespmem:s5+$0x70];
	v13 =	vand.u32 $0xFFFF0000, v18;
	v14 =	vmul.f32 v14, v6;
	[tilespmem:s19+$0xFFFFFEE0] =	vst v16  }
0x2fa: {  	v6 =	vmul.f32 v13, v6;
	v13 =	vshll.u32 v19, $0x10;
	[tilespmem:s19+$0xFFFFFEF0] =	vst v7  }
0x2fb: {  	v7 =	vand.u32 $0xFFFF0000, v19;
	v16 =	vld [tilespmem:s5+$0xB0];
	v13 =	vmul.f32 v13, v5;
	[tilespmem:s19+$0xFFFFFF60] =	vst v14  }
0x2fc: {  	v5 =	vmul.f32 v7, v5;
	v7 =	vshll.u32 v17, $0x10;
	[tilespmem:s19+$0xFFFFFF70] =	vst v6  }
0x2fd: {  	v6 =	vand.u32 $0xFFFF0000, v17;
	v7 =	vmul.f32 v7, v4;
	[tilespmem:s19+$0xFFFFFFE0] =	vst v13  }
0x2fe: {  	v13 =	vld [tilespmem:s5+$0xFFFFFF30];
	v4 =	vmul.f32 v6, v4;
	v6 =	vshll.u32 v15, $0x10;
	[tilespmem:s19+$0xFFFFFFF0] =	vst v5  }
0x2ff: {  	v5 =	vand.u32 $0xFFFF0000, v15;
	v6 =	vmul.f32 v6, v10;
	[tilespmem:s19+$0x60] =	vst v7  }
0x300: {  	v5 =	vmul.f32 v5, v10;
	v7 =	vshll.u32 v16, $0x10;
	[tilespmem:s19+$0x70] =	vst v4  }
0x301: {  	v4 =	vand.u32 $0xFFFF0000, v16;
	v7 =	vmul.f32 v7, v9;
	[tilespmem:s19+$0xE0] =	vst v6  }
0x302: {  	v6 =	vshll.u32 v12, $0x10;
	v4 =	vmul.f32 v4, v9;
	[tilespmem:s19+$0xF0] =	vst v5  }
0x303: {  	v5 =	vmul.f32 v6, v11;
	v6 =	vshll.u32 v13, $0x10;
	[tilespmem:s19+$0x160] =	vst v7  }
0x304: {  	v7 =	vand.u32 $0xFFFF0000, v13;
	[tilespmem:s19+$0x170] =	vst v4;
	v6 =	vmul.f32 v6, v8  }
0x305: {  	v4 =	vmul.f32 v7, v8;
	[tilespmem:s19+$0x1E0] =	vst v5  }
0x306: {  	[tilespmem:s2+$0xFFFFFE60] =	vst v6  }
0x307: {  	s13 =	simm.s32 $0xEB0;
	[tilespmem:s2+$0xFFFFFE70] =	vst v4  }
0x308: {  	[spmem:s4] =	stream.indirect.scatter.add.f32 [tilespmem:s0], [sflag:$0x3], $0x80, s13, s11, $0xb8;
	[tilespmem:$0x1FBD0] =	vst v63  }
0x309: {  	s7 =	simm.s32 @p0 $0x1F40;
	s5 =	simm.s32 @p0 $0x1720;
	s2 =	simm.s32 @p0 $0x50  }
0x30a: {  	[tilespmem:s7], [sflag:$0x1] =	stream.indirect.gather @p0 [hbm4b:s1+s2], $0x40, s5, s2, $0xb8;
	[tilespmem:$0x1FBD0] =	vst v63  }
0x30b: {  	s5 =	simm.s32 @p0 $0x2  }
0x30c: {  	_ =	swait.ge @p0 [sflag:s5], $0x1400  }
0x30d: {  	[sflag:s5] =	ssyncset.done @p0 $0x0  }
0x30e: {  	s7 =	simm.s32 @p0 $0x9740;
	[sflag:s5] =	ssyncadd.s32 @p0 $0xFFFFEC00;
	s5 =	simm.s32 @p0 $0xF00  }
0x30f: {  	[spmem:s3] =	stream.indirect.scatter.add.f32 @p0 [tilespmem:s7], [sflag:$0x5], $0x10, s5, s2, $0xb8;
	[tilespmem:$0x1FBD0] =	vst v63  }
0x310: {  	s2 =	simm.s32 @!p0 $0x5  }
0x311: {  	s8 =	simm.s32 @!p0 $0x1F40;
	_ =	swait.ge @!p0 [sflag:s2], $0x500  }
0x312: {  	s20 =	simm.s32 $0x731;
	s19 =	simm.s32 $0x737;
	[sflag:s2] =	ssyncset.done @!p0 $0x0  }
0x313: {  	v4 =	vmov s19;
	s7 =	simm.s32 @!p0 $0x1720;
	[sflag:s2] =	ssyncadd.s32 @!p0 $0xFFFFFB00;
	s2 =	simm.s32 @!p0 $0x50  }
0x314: {  	v5 =	vmov s20;
	v4 =	vshrl.u32 v4, $0x3;
	[tilespmem:s8], [sflag:$0x1] =	stream.indirect.gather @!p0 [hbm4b:s1+s2], $0x40, s7, s2, $0xb8;
	[tilespmem:$0x1FBD0] =	vst v63  }
0x315: {  	v5 =	vshrl.u32 v5, $0x3;
	v4 =	vshll.u32 v4, v3;
	s2 =	simm.s32 @!p0 $0x2  }
0x316: {  	s22 =	simm.s32 $0x732;
	v5 =	vshll.u32 v5, v3;
	v4 =	vadd.s32 $0x7, v4;
	_ =	swait.ge @!p0 [sflag:s2], $0x1400  }
0x317: {  	s23 =	simm.s32 $0x733;
	v6 =	vmov s22;
	v5 =	vadd.s32 $0x1, v5;
	v4 =	vbroadcast v4, $0x0;
	[sflag:s2] =	ssyncset.done @!p0 $0x0  }
0x318: {  	v7 =	vmov s23;
	v6 =	vshrl.u32 v6, $0x3;
	v5 =	vbroadcast v5, $0x0;
	[sflag:s2] =	ssyncadd.s32 @!p0 $0xFFFFEC00  }
0x319: {  	s26 =	simm.s32 $0x734;
	v7 =	vshrl.u32 v7, $0x3;
	v6 =	vshll.u32 v6, v3;
	_ =	swait.ge [sflag:s21], $0x2800  }
0x31a: {  	v8 =	vmov s26;
	v7 =	vshll.u32 v7, v3;
	v6 =	vadd.s32 $0x2, v6;
	[sflag:s21] =	ssyncset.done $0x0  }
0x31b: {  	v8 =	vshrl.u32 v8, $0x3;
	v7 =	vadd.s32 $0x3, v7;
	v6 =	vbroadcast v6, $0x0;
	s5 =	simm.s32 $0x3440;
	[sflag:s21] =	ssyncadd.s32 $0xFFFFD800  }
0x31c: {  	s29 =	simm.s32 $0x736;
	v8 =	vshll.u32 v8, v3;
	v9 =	vbroadcast v7, $0x0;
	v10 =	vld [tilespmem:s5+$0xC0]  }
0x31d: {  	s28 =	simm.s32 $0x735;
	v7 =	vadd.s32 $0x4, v8;
	v8 =	vmov s29;
	v11 =	vld.idx.msk [tilespmem:v4+s6+$0x0], $0xffff  }
0x31e: {  	v8 =	vshrl.u32 v8, $0x3;
	v4 =	vbroadcast v7, $0x0;
	v7 =	vld.idx.msk [tilespmem:v5+s6+$0x0], $0xffff;
	v5 =	vmov s28  }
0x31f: {  	v8 =	vshll.u32 v8, v3;
	v12 =	vld [tilespmem:s5+$0xFFFFFF40];
	v5 =	vshrl.u32 v5, $0x3  }
0x320: {  	v8 =	vadd.s32 $0x6, v8;
	v14 =	vld [tilespmem:s5+$0xFFFFFF80];
	v5 =	vshll.u32 v5, v3  }
0x321: {  	s30 =	simm.s32 $0x730;
	v8 =	vbroadcast v8, $0x0;
	v6 =	vld.idx.msk [tilespmem:v6+s6+$0x0], $0xffff;
	v13 =	vadd.s32 $0x5, v5;
	v15 =	vshll.u32 v10, $0x10  }
0x322: {  	v5 =	vld.idx.msk [tilespmem:v9+s6+$0x0], $0xffff;
	v9 =	vmov s30;
	v10 =	vand.u32 $0xFFFF0000, v10;
	v15 =	vmul.f32 v15, v11  }
0x323: {  	s19 =	simm.s32 $0x7140;
	v16 =	vld [tilespmem:s5+$0xFFFFFFC0];
	v13 =	vbroadcast v13, $0x0;
	v9 =	vshrl.u32 v9, $0x3;
	v10 =	vmul.f32 v10, v11  }
0x324: {  	v17 =	vshll.u32 v12, $0x10;
	v9 =	vshll.u32 v9, v3;
	v12 =	vand.u32 $0xFFFF0000, v12;
	v4 =	vld.idx.msk [tilespmem:v4+s6+$0x0], $0xffff;
	[tilespmem:s19+$0x180] =	vst v15  }
0x325: {  	v17 =	vmul.f32 v17, v7;
	v18 =	vbroadcast v9, $0x0;
	v9 =	vshll.u32 v14, $0x10;
	v15 =	vld [tilespmem:s5+$0x0];
	[tilespmem:s19+$0x190] =	vst v10  }
0x326: {  	v14 =	vand.u32 $0xFFFF0000, v14;
	v9 =	vmul.f32 v9, v6;
	v10 =	vmul.f32 v12, v7;
	v12 =	vld [tilespmem:s5+$0xD0]  }
0x327: {  	v19 =	vld [tilespmem:s5+$0xFFFFFF00];
	v14 =	vmul.f32 v14, v6;
	[tilespmem:s19+$0xFFFFFE80] =	vst v17  }
0x328: {  	v21 =	vld [tilespmem:s5+$0x80];
	v20 =	vshll.u32 v16, $0x10;
	[tilespmem:s19+$0xFFFFFF00] =	vst v9  }
0x329: {  	v16 =	vand.u32 $0xFFFF0000, v16;
	v17 =	vld [tilespmem:s5+$0x40];
	v20 =	vmul.f32 v20, v5;
	[tilespmem:s19+$0xFFFFFF10] =	vst v14  }
0x32a: {  	v16 =	vmul.f32 v16, v5;
	[tilespmem:s19+$0xFFFFFE90] =	vst v10;
	v10 =	vld.idx.msk [tilespmem:v13+s6+$0x0], $0xffff;
	v13 =	vshll.u32 v15, $0x10  }
0x32b: {  	v9 =	vld.idx.msk [tilespmem:v8+s6+$0x0], $0xffff;
	[tilespmem:s19+$0xFFFFFF80] =	vst v20;
	v13 =	vmul.f32 v13, v4;
	v14 =	vshll.u32 v12, $0x10  }
0x32c: {  	[tilespmem:s19+$0xFFFFFF90] =	vst v16;
	v16 =	vld [tilespmem:s5+$0xFFFFFF50];
	v12 =	vand.u32 $0xFFFF0000, v12;
	v14 =	vmul.f32 v14, v11  }
0x32d: {  	v8 =	vld.idx.msk [tilespmem:v18+s6+$0x0], $0xffff;
	v15 =	vand.u32 $0xFFFF0000, v15;
	v12 =	vmul.f32 v12, v11;
	[tilespmem:s19+$0x0] =	vst v13  }
0x32e: {  	v15 =	vmul.f32 v15, v4;
	v13 =	vshll.u32 v17, $0x10;
	[tilespmem:s19+$0x1A0] =	vst v14;
	v14 =	vand.u32 $0xFFFF0000, v17;
	v17 =	vld [tilespmem:s5+$0xFFFFFF90]  }
0x32f: {  	v20 =	vand.u32 $0xFFFF0000, v21;
	v18 =	vshll.u32 v21, $0x10;
	v21 =	vld [tilespmem:s5+$0xFFFFFFD0];
	v13 =	vmul.f32 v13, v10;
	[tilespmem:s19+$0x1B0] =	vst v12  }
0x330: {  	v18 =	vmul.f32 v18, v9;
	[tilespmem:s19+$0x10] =	vst v15;
	v12 =	vshll.u32 v19, $0x10;
	v14 =	vmul.f32 v14, v10;
	v15 =	vld [tilespmem:s5+$0xE0]  }
0x331: {  	v19 =	vand.u32 $0xFFFF0000, v19;
	[tilespmem:s19+$0x80] =	vst v13;
	v13 =	vmul.f32 v20, v9;
	v20 =	vshll.u32 v16, $0x10  }
0x332: {  	[tilespmem:s19+$0x90] =	vst v14;
	v14 =	vmul.f32 v19, v8;
	v19 =	vmul.f32 v20, v7;
	v20 =	vld [tilespmem:s5+$0x10]  }
0x333: {  	[tilespmem:s19+$0x100] =	vst v18;
	v12 =	vmul.f32 v12, v8;
	v16 =	vand.u32 $0xFFFF0000, v16;
	v18 =	vshll.u32 v17, $0x10  }
0x334: {  	v16 =	vmul.f32 v16, v7;
	v22 =	vld [tilespmem:s5+$0x50];
	[tilespmem:s19+$0x110] =	vst v13;
	v17 =	vand.u32 $0xFFFF0000, v17;
	v23 =	vmul.f32 v18, v6  }
0x335: {  	[tilespmem:s19+$0xFFFFFE00] =	vst v12;
	v12 =	vld [tilespmem:s5+$0x90];
	v24 =	vmul.f32 v17, v6;
	v13 =	vshll.u32 v15, $0x10;
	v17 =	vshll.u32 v21, $0x10  }
0x336: {  	[tilespmem:s19+$0xFFFFFE10] =	vst v14;
	v15 =	vand.u32 $0xFFFF0000, v15;
	v18 =	vmul.f32 v13, v11;
	v13 =	vand.u32 $0xFFFF0000, v21  }
0x337: {  	[tilespmem:s19+$0xFFFFFEA0] =	vst v19;
	v25 =	vld [tilespmem:s5+$0xFFFFFF10];
	v14 =	vmul.f32 v17, v5;
	v15 =	vmul.f32 v15, v11;
	v17 =	vshll.u32 v20, $0x10  }
0x338: {  	v13 =	vmul.f32 v13, v5;
	v19 =	vand.u32 $0xFFFF0000, v20;
	[tilespmem:s19+$0x1C0] =	vst v18;
	v20 =	vmul.f32 v17, v4  }
0x339: {  	v18 =	vmul.f32 v19, v4;
	v17 =	vshll.u32 v22, $0x10;
	[tilespmem:s19+$0x1D0] =	vst v15;
	v15 =	vand.u32 $0xFFFF0000, v22  }
0x33a: {  	[tilespmem:s19+$0xFFFFFEB0] =	vst v16;
	v19 =	vmul.f32 v17, v10;
	v16 =	vshll.u32 v12, $0x10;
	v22 =	vand.u32 $0xFFFF0000, v12;
	v12 =	vld [tilespmem:s5+$0xF0]  }
0x33b: {  	v21 =	vld [tilespmem:s5+$0xFFFFFF60];
	[tilespmem:s19+$0xFFFFFF20] =	vst v23;
	v15 =	vmul.f32 v15, v10;
	v17 =	vmul.f32 v16, v9  }
0x33c: {  	s10 =	simm.s32 $0xFA0;
	s13 =	simm.s32 $0x0;
	s2 =	simm.s32 $0x7140;
	[tilespmem:s19+$0xFFFFFF30] =	vst v24;
	v16 =	vmul.f32 v22, v9;
	v23 =	vshll.u32 v25, $0x10;
	v22 =	vand.u32 $0xFFFF0000, v25  }
.LBB2_21:
0x33d: {  	s7 =	sadd.s32 $0x739, s13;
	v23 =	vmul.f32 v23, v8;
	v22 =	vmul.f32 v22, v8;
	v24 =	vld [tilespmem:s5+$0xFFFFFFA0];
	[tilespmem:s19+$0xFFFFFFA0] =	vst v14;
	s20 =	smov.u32 s13  }
0x33e: {  	v14 =	vmov s7;
	s7 =	sadd.s32 $0x73A, s13;
	[tilespmem:s19+$0xFFFFFFB0] =	vst v13  }
0x33f: {  	v13 =	vmov s7;
	v25 =	vld [tilespmem:s5+$0xFFFFFFE0];
	[tilespmem:s19+$0x20] =	vst v20;
	v20 =	vshll.u32 v12, $0x10;
	v12 =	vand.u32 $0xFFFF0000, v12  }
0x340: {  	s7 =	sadd.s32 $0x73B, s13;
	v26 =	vshll.u32 v21, $0x10;
	v21 =	vand.u32 $0xFFFF0000, v21;
	[tilespmem:s19+$0x30] =	vst v18;
	v18 =	vmul.f32 v12, v11  }
0x341: {  	v27 =	vmov s7;
	v26 =	vmul.f32 v26, v7;
	v21 =	vmul.f32 v21, v7;
	v28 =	vld [tilespmem:s5+$0x20];
	[tilespmem:s19+$0xA0] =	vst v19  }
0x342: {  	s7 =	sadd.s32 $0x73C, s13;
	v12 =	vmul.f32 v20, v11;
	v19 =	vshll.u32 v24, $0x10;
	v24 =	vand.u32 $0xFFFF0000, v24;
	[tilespmem:s19+$0x1F0] =	vst v18  }
0x343: {  	v11 =	vmov s7;
	v18 =	vmul.f32 v19, v6;
	v19 =	vmul.f32 v24, v6;
	[tilespmem:s19+$0xB0] =	vst v15  }
0x344: {  	v14 =	vshrl.u32 v14, $0x3;
	v15 =	vshll.u32 v25, $0x10;
	v20 =	vand.u32 $0xFFFF0000, v25;
	v24 =	vld [tilespmem:s5+$0x60];
	[tilespmem:s19+$0x120] =	vst v17  }
0x345: {  	v13 =	vshrl.u32 v13, $0x3;
	v15 =	vmul.f32 v15, v5;
	v17 =	vmul.f32 v20, v5;
	[tilespmem:s19+$0x130] =	vst v16  }
0x346: {  	v16 =	vshrl.u32 v27, $0x3;
	[tilespmem:s19+$0xFFFFFE20] =	vst v23;
	v20 =	vshll.u32 v28, $0x10;
	v23 =	vand.u32 $0xFFFF0000, v28;
	v25 =	vld [tilespmem:s5+$0xA0]  }
0x347: {  	v11 =	vshrl.u32 v11, $0x3;
	[tilespmem:s19+$0xFFFFFE30] =	vst v22;
	v20 =	vmul.f32 v20, v4;
	v22 =	vmul.f32 v23, v4  }
0x348: {  	v14 =	vshll.u32 v14, v3;
	v13 =	vshll.u32 v13, v3;
	v16 =	vshll.u32 v16, v3;
	v23 =	vld [tilespmem:s5+$0xFFFFFF20];
	[tilespmem:s19+$0xFFFFFEC0] =	vst v26  }
0x349: {  	v11 =	vshll.u32 v11, v3;
	[tilespmem:s19+$0xFFFFFED0] =	vst v21;
	v21 =	vshll.u32 v24, $0x10;
	v24 =	vand.u32 $0xFFFF0000, v24  }
0x34a: {  	v14 =	vadd.s32 $0x1, v14;
	v26 =	vld [tilespmem:s5+$0xFFFFFF70];
	[tilespmem:s19+$0xFFFFFF40] =	vst v18;
	v18 =	vmul.f32 v21, v10;
	v21 =	vmul.f32 v24, v10  }
0x34b: {  	v14 =	vbroadcast v14, $0x0;
	[tilespmem:s19+$0xFFFFFF50] =	vst v19;
	v19 =	vshll.u32 v25, $0x10;
	v24 =	vand.u32 $0xFFFF0000, v25  }
0x34c: {  	v13 =	vadd.s32 $0x2, v13;
	v25 =	vld [tilespmem:s5+$0xFFFFFFB0];
	[tilespmem:s19+$0xFFFFFFC0] =	vst v15;
	v15 =	vmul.f32 v19, v9;
	v19 =	vmul.f32 v24, v9  }
0x34d: {  	v13 =	vbroadcast v13, $0x0;
	v24 =	vshll.u32 v23, $0x10;
	v23 =	vand.u32 $0xFFFF0000, v23;
	[tilespmem:s19+$0xFFFFFFD0] =	vst v17  }
0x34e: {  	v16 =	vadd.s32 $0x3, v16;
	v17 =	vmul.f32 v24, v8;
	v23 =	vmul.f32 v23, v8;
	v24 =	vld [tilespmem:s5+$0xFFFFFFF0];
	[tilespmem:s19+$0x40] =	vst v20  }
0x34f: {  	v16 =	vbroadcast v16, $0x0;
	v20 =	vshll.u32 v26, $0x10;
	v26 =	vand.u32 $0xFFFF0000, v26;
	[tilespmem:s19+$0x50] =	vst v22  }
0x350: {  	v11 =	vadd.s32 $0x4, v11;
	v20 =	vmul.f32 v20, v7;
	v22 =	vmul.f32 v26, v7;
	v7 =	vld [tilespmem:s5+$0x30];
	[tilespmem:s19+$0xC0] =	vst v18  }
0x351: {  	s7 =	sadd.s32 $0x73F, s13;
	v11 =	vbroadcast v11, $0x0;
	v18 =	vshll.u32 v25, $0x10;
	v25 =	vand.u32 $0xFFFF0000, v25;
	[tilespmem:s19+$0xD0] =	vst v21  }
0x352: {  	v21 =	vmov s7;
	v18 =	vmul.f32 v18, v6;
	v25 =	vmul.f32 v25, v6;
	v6 =	vld [tilespmem:s5+$0x70];
	[tilespmem:s19+$0x140] =	vst v15  }
0x353: {  	v15 =	vshrl.u32 v21, $0x3;
	v21 =	vshll.u32 v24, $0x10;
	v24 =	vand.u32 $0xFFFF0000, v24;
	[tilespmem:s19+$0x150] =	vst v19  }
0x354: {  	s13 =	sadd.s32 $0x8, s13;
	v15 =	vshll.u32 v15, v3;
	[tilespmem:s19+$0xFFFFFE40] =	vst v17;
	v17 =	vmul.f32 v21, v5;
	v19 =	vmul.f32 v24, v5;
	v21 =	vld [tilespmem:s5+$0xB0]  }
0x355: {  	p2 =	slt.u32 s13, $0x48;
	v5 =	vadd.s32 $0x7, v15;
	[tilespmem:s19+$0xFFFFFE50] =	vst v23;
	v15 =	vshll.u32 v7, $0x10;
	v23 =	vand.u32 $0xFFFF0000, v7  }
0x356: {  	v24 =	vbroadcast v5, $0x0;
	v26 =	vld [tilespmem:s5+$0xFFFFFF30];
	[tilespmem:s19+$0xFFFFFEE0] =	vst v20;
	v15 =	vmul.f32 v15, v4  }
0x357: {  	s7 =	sadd.s32 $0x73D, s20;
	v7 =	vld.idx.msk [tilespmem:v14+s6+$0x0], $0xffff;
	[tilespmem:s19+$0xFFFFFEF0] =	vst v22;
	v14 =	vmul.f32 v23, v4;
	v4 =	vshll.u32 v6, $0x10;
	v5 =	vand.u32 $0xFFFF0000, v6  }
0x358: {  	v6 =	vld.idx.msk [tilespmem:v13+s6+$0x0], $0xffff;
	v13 =	vmov s7;
	s7 =	sadd.s32 $0x73E, s20;
	[tilespmem:s19+$0xFFFFFF60] =	vst v18;
	v18 =	vmul.f32 v4, v10;
	v10 =	vmul.f32 v5, v10  }
0x359: {  	v5 =	vld.idx.msk [tilespmem:v16+s6+$0x0], $0xffff;
	v16 =	vmov s7;
	[tilespmem:s19+$0xFFFFFF70] =	vst v25;
	v20 =	vshll.u32 v21, $0x10;
	v21 =	vand.u32 $0xFFFF0000, v21  }
0x35a: {  	s5 =	sadd.s32 $0x200, s5;
	v4 =	vld.idx.msk [tilespmem:v11+s6+$0x0], $0xffff;
	v11 =	vshrl.u32 v13, $0x3;
	[tilespmem:s19+$0xFFFFFFE0] =	vst v17;
	v13 =	vmul.f32 v20, v9;
	v9 =	vmul.f32 v21, v9  }
0x35b: {  	v17 =	vshll.u32 v11, v3;
	v20 =	vld [tilespmem:s5+$0xC0];
	v21 =	vshll.u32 v26, $0x10;
	v22 =	vand.u32 $0xFFFF0000, v26;
	[tilespmem:s19+$0xFFFFFFF0] =	vst v19  }
0x35c: {  	v16 =	vshrl.u32 v16, $0x3;
	v11 =	vld.idx.msk [tilespmem:v24+s6+$0x0], $0xffff;
	v19 =	vmul.f32 v21, v8;
	v8 =	vmul.f32 v22, v8;
	[tilespmem:s19+$0x60] =	vst v15  }
0x35d: {  	s7 =	sadd.s32 $0x738, s20;
	v16 =	vshll.u32 v16, v3;
	v17 =	vadd.s32 $0x5, v17;
	v15 =	vld [tilespmem:s5+$0xFFFFFF00];
	[tilespmem:s19+$0x70] =	vst v14  }
0x35e: {  	v16 =	vadd.s32 $0x6, v16;
	v14 =	vmov s7;
	v17 =	vbroadcast v17, $0x0;
	v21 =	vld [tilespmem:s5+$0xFFFFFF40];
	[tilespmem:s19+$0xE0] =	vst v18  }
0x35f: {  	v16 =	vbroadcast v16, $0x0;
	v14 =	vshrl.u32 v14, $0x3;
	v18 =	vld [tilespmem:s5+$0xFFFFFF80];
	[tilespmem:s19+$0xF0] =	vst v10  }
0x360: {  	v10 =	vshll.u32 v14, v3;
	v14 =	vld [tilespmem:s5+$0xFFFFFFC0];
	[tilespmem:s19+$0x160] =	vst v13  }
0x361: {  	v13 =	vbroadcast v10, $0x0;
	v10 =	vshll.u32 v20, $0x10;
	v22 =	vld [tilespmem:s5+$0x0];
	[tilespmem:s19+$0x170] =	vst v9  }
0x362: {  	v9 =	vand.u32 $0xFFFF0000, v20;
	v20 =	vmul.f32 v10, v11;
	v23 =	vshll.u32 v15, $0x10;
	v24 =	vld [tilespmem:s5+$0x40];
	[tilespmem:s19+$0x1E0] =	vst v12  }
0x363: {  	v12 =	vand.u32 $0xFFFF0000, v15;
	v26 =	vmul.f32 v9, v11;
	s19 =	sadd.s32 $0x400, s19;
	v15 =	vshll.u32 v21, $0x10;
	v25 =	vld [tilespmem:s5+$0x80];
	[tilespmem:s2+$0xFFFFFE60] =	vst v19  }
0x364: {  	v19 =	vand.u32 $0xFFFF0000, v21;
	v21 =	vshll.u32 v18, $0x10;
	v18 =	vand.u32 $0xFFFF0000, v18;
	v10 =	vld.idx.msk [tilespmem:v17+s6+$0x0], $0xffff;
	[tilespmem:s19+$0x180] =	vst v20  }
0x365: {  	v15 =	vmul.f32 v15, v7;
	v17 =	vshll.u32 v14, $0x10;
	v14 =	vand.u32 $0xFFFF0000, v14;
	v9 =	vld.idx.msk [tilespmem:v16+s6+$0x0], $0xffff;
	[tilespmem:s19+$0x190] =	vst v26  }
0x366: {  	v16 =	vmul.f32 v19, v7;
	v19 =	vshll.u32 v22, $0x10;
	v20 =	vand.u32 $0xFFFF0000, v22;
	v22 =	vld [tilespmem:s5+$0xD0];
	[tilespmem:s2+$0xFFFFFE70] =	vst v8;
	s2 =	smov.u32 s19  }
0x367: {  	[tilespmem:s19+$0xFFFFFE80] =	vst v15;
	v15 =	vmul.f32 v21, v6;
	v21 =	vshll.u32 v24, $0x10;
	v24 =	vand.u32 $0xFFFF0000, v24  }
0x368: {  	v8 =	vld.idx.msk [tilespmem:v13+s6+$0x0], $0xffff;
	[tilespmem:s19+$0xFFFFFE90] =	vst v16;
	v13 =	vmul.f32 v18, v6;
	v16 =	vshll.u32 v25, $0x10;
	v18 =	vand.u32 $0xFFFF0000, v25  }
0x369: {  	v14 =	vmul.f32 v14, v5;
	v25 =	vld [tilespmem:s5+$0xFFFFFF50];
	[tilespmem:s19+$0xFFFFFF00] =	vst v15;
	v15 =	vmul.f32 v17, v5  }
0x36a: {  	v17 =	vmul.f32 v20, v4;
	[tilespmem:s19+$0xFFFFFF10] =	vst v13;
	v13 =	vmul.f32 v19, v4  }
0x36b: {  	v20 =	vmul.f32 v24, v10;
	v19 =	vld [tilespmem:s5+$0xFFFFFF90];
	[tilespmem:s19+$0xFFFFFF80] =	vst v15;
	v15 =	vmul.f32 v21, v10;
	v21 =	vshll.u32 v22, $0x10  }
0x36c: {  	v16 =	vmul.f32 v16, v9;
	[tilespmem:s19+$0xFFFFFF90] =	vst v14;
	v14 =	vand.u32 $0xFFFF0000, v22;
	v21 =	vmul.f32 v21, v11  }
0x36d: {  	v18 =	vmul.f32 v18, v9;
	v22 =	vld [tilespmem:s5+$0xFFFFFFD0];
	[tilespmem:s19+$0x0] =	vst v13;
	v13 =	vmul.f32 v14, v11  }
0x36e: {  	v23 =	vmul.f32 v23, v8;
	v12 =	vmul.f32 v12, v8;
	v14 =	vshll.u32 v25, $0x10;
	[tilespmem:s19+$0x1A0] =	vst v21  }
0x36f: {  	v21 =	vand.u32 $0xFFFF0000, v25;
	v24 =	vmul.f32 v14, v7;
	[tilespmem:s19+$0x1B0] =	vst v13  }
0x370: {  	v21 =	vmul.f32 v21, v7;
	v13 =	vshll.u32 v19, $0x10;
	v14 =	vand.u32 $0xFFFF0000, v19;
	[tilespmem:s19+$0x10] =	vst v17;
	v17 =	vld [tilespmem:s5+$0xE0]  }
0x371: {  	v25 =	vmul.f32 v13, v6;
	v26 =	vmul.f32 v14, v6;
	v19 =	vld [tilespmem:s5+$0x10];
	[tilespmem:s19+$0x80] =	vst v15  }
0x372: {  	v13 =	vshll.u32 v22, $0x10;
	v15 =	vand.u32 $0xFFFF0000, v22;
	[tilespmem:s19+$0x90] =	vst v20  }
0x373: {  	v14 =	vmul.f32 v13, v5;
	v13 =	vmul.f32 v15, v5;
	v15 =	vld [tilespmem:s5+$0x50];
	[tilespmem:s19+$0x100] =	vst v16  }
0x374: {  	[tilespmem:s19+$0x110] =	vst v18  }
0x375: {  	[tilespmem:s19+$0xFFFFFE00] =	vst v23;
	v16 =	vld [tilespmem:s5+$0x90];
	v18 =	vshll.u32 v17, $0x10  }
0x376: {  	v17 =	vand.u32 $0xFFFF0000, v17;
	[tilespmem:s19+$0xFFFFFE10] =	vst v12;
	v12 =	vshll.u32 v19, $0x10;
	v22 =	vmul.f32 v18, v11  }
0x377: {  	v18 =	vand.u32 $0xFFFF0000, v19;
	v27 =	vld [tilespmem:s5+$0xFFFFFF10];
	[tilespmem:s19+$0xFFFFFEA0] =	vst v24;
	v20 =	vmul.f32 v12, v4;
	v12 =	vmul.f32 v17, v11  }
.Ltmp9:
0x378: {  	v18 =	vmul.f32 v18, v4;
	v17 =	vshll.u32 v15, $0x10;
	v15 =	vand.u32 $0xFFFF0000, v15;
	[tilespmem:s19+$0x1C0] =	vst v22;
	(pc) =	sbr.rel @p2 .LBB2_21-.Ltmp9, $4  }
0x379: {  	v19 =	vmul.f32 v17, v10;
	v15 =	vmul.f32 v15, v10;
	[tilespmem:s19+$0x1D0] =	vst v12  }
0x37a: {  	[tilespmem:s19+$0xFFFFFEB0] =	vst v21;
	v17 =	vshll.u32 v16, $0x10;
	v16 =	vand.u32 $0xFFFF0000, v16;
	v12 =	vld [tilespmem:s5+$0xF0]  }
0x37b: {  	v21 =	vld [tilespmem:s5+$0xFFFFFF60];
	[tilespmem:s19+$0xFFFFFF20] =	vst v25;
	v17 =	vmul.f32 v17, v9;
	v16 =	vmul.f32 v16, v9  }
0x37c: {  	v23 =	vshll.u32 v27, $0x10;
	v22 =	vand.u32 $0xFFFF0000, v27;
	[tilespmem:s19+$0xFFFFFF30] =	vst v26  }
0x37d: {  	[tilespmem:s19+$0xFFFFFFA0] =	vst v14  }
0x37e: {  	[tilespmem:s19+$0xFFFFFFB0] =	vst v13  }
0x37f: {  	[tilespmem:s19+$0x20] =	vst v20  }
0x380: {  	[tilespmem:s19+$0x30] =	vst v18  }
0x381: {  	[tilespmem:s19+$0xA0] =	vst v19  }
0x382: {  	v14 =	vld [tilespmem:s5+$0xFFFFFFA0];
	[tilespmem:s19+$0xB0] =	vst v15;
	v13 =	vand.u32 $0xFFFF0000, v12  }
0x383: {  	[tilespmem:s19+$0x120] =	vst v17;
	v13 =	vmul.f32 v13, v11  }
0x384: {  	v17 =	vmul.f32 v22, v8;
	[tilespmem:s19+$0x130] =	vst v16;
	v15 =	vld [tilespmem:s5+$0xFFFFFFE0]  }
0x385: {  	v18 =	vshll.u32 v21, $0x10;
	[tilespmem:s19+$0x1F0] =	vst v13;
	v13 =	vmul.f32 v23, v8  }
0x386: {  	v19 =	vld [tilespmem:s5+$0x20];
	[tilespmem:s19+$0xFFFFFE30] =	vst v17;
	v16 =	vand.u32 $0xFFFF0000, v21;
	v18 =	vmul.f32 v18, v7  }
0x387: {  	[tilespmem:s19+$0xFFFFFE20] =	vst v13;
	v13 =	vmul.f32 v16, v7;
	v16 =	vshll.u32 v14, $0x10  }
0x388: {  	v17 =	vld [tilespmem:s5+$0x60];
	[tilespmem:s19+$0xFFFFFEC0] =	vst v18;
	v14 =	vand.u32 $0xFFFF0000, v14;
	v16 =	vmul.f32 v16, v6  }
0x389: {  	v18 =	vshll.u32 v15, $0x10;
	v14 =	vmul.f32 v14, v6;
	[tilespmem:s19+$0xFFFFFED0] =	vst v13  }
0x38a: {  	v13 =	vand.u32 $0xFFFF0000, v15;
	v15 =	vmul.f32 v18, v5;
	v18 =	vld [tilespmem:s5+$0xA0];
	[tilespmem:s19+$0xFFFFFF40] =	vst v16  }
0x38b: {  	v13 =	vmul.f32 v13, v5;
	v16 =	vshll.u32 v19, $0x10;
	[tilespmem:s19+$0xFFFFFF50] =	vst v14  }
0x38c: {  	v14 =	vand.u32 $0xFFFF0000, v19;
	v19 =	vld [tilespmem:s5+$0xFFFFFF20];
	v16 =	vmul.f32 v16, v4;
	[tilespmem:s19+$0xFFFFFFC0] =	vst v15  }
0x38d: {  	v14 =	vmul.f32 v14, v4;
	v15 =	vshll.u32 v17, $0x10;
	[tilespmem:s19+$0xFFFFFFD0] =	vst v13  }
0x38e: {  	v13 =	vand.u32 $0xFFFF0000, v17;
	v17 =	vld [tilespmem:s5+$0xFFFFFF70];
	v15 =	vmul.f32 v15, v10;
	[tilespmem:s19+$0x40] =	vst v16  }
0x38f: {  	v13 =	vmul.f32 v13, v10;
	[tilespmem:s19+$0x50] =	vst v14;
	v16 =	vshll.u32 v18, $0x10  }
0x390: {  	v14 =	vand.u32 $0xFFFF0000, v18;
	v18 =	vld [tilespmem:s5+$0xFFFFFFB0];
	[tilespmem:s19+$0xC0] =	vst v15;
	v16 =	vmul.f32 v16, v9  }
0x391: {  	v14 =	vmul.f32 v14, v9;
	v15 =	vshll.u32 v19, $0x10;
	[tilespmem:s19+$0xD0] =	vst v13  }
0x392: {  	v13 =	vand.u32 $0xFFFF0000, v19;
	v19 =	vld [tilespmem:s5+$0xFFFFFFF0];
	v15 =	vmul.f32 v15, v8;
	[tilespmem:s19+$0x140] =	vst v16  }
0x393: {  	v13 =	vmul.f32 v13, v8;
	v16 =	vshll.u32 v17, $0x10;
	[tilespmem:s19+$0x150] =	vst v14  }
0x394: {  	v14 =	vand.u32 $0xFFFF0000, v17;
	v17 =	vld [tilespmem:s5+$0x30];
	v16 =	vmul.f32 v16, v7;
	[tilespmem:s19+$0xFFFFFE40] =	vst v15  }
0x395: {  	v7 =	vmul.f32 v14, v7;
	[tilespmem:s19+$0xFFFFFE50] =	vst v13;
	v14 =	vshll.u32 v18, $0x10  }
0x396: {  	v15 =	vld [tilespmem:s5+$0x70];
	v13 =	vand.u32 $0xFFFF0000, v18;
	v14 =	vmul.f32 v14, v6;
	[tilespmem:s19+$0xFFFFFEE0] =	vst v16  }
0x397: {  	v6 =	vmul.f32 v13, v6;
	v13 =	vshll.u32 v19, $0x10;
	[tilespmem:s19+$0xFFFFFEF0] =	vst v7  }
0x398: {  	v7 =	vand.u32 $0xFFFF0000, v19;
	v16 =	vld [tilespmem:s5+$0xB0];
	v13 =	vmul.f32 v13, v5;
	[tilespmem:s19+$0xFFFFFF60] =	vst v14  }
0x399: {  	v5 =	vmul.f32 v7, v5;
	v7 =	vshll.u32 v17, $0x10;
	[tilespmem:s19+$0xFFFFFF70] =	vst v6  }
0x39a: {  	v6 =	vand.u32 $0xFFFF0000, v17;
	v7 =	vmul.f32 v7, v4;
	[tilespmem:s19+$0xFFFFFFE0] =	vst v13  }
0x39b: {  	v13 =	vld [tilespmem:s5+$0xFFFFFF30];
	v4 =	vmul.f32 v6, v4;
	v6 =	vshll.u32 v15, $0x10;
	[tilespmem:s19+$0xFFFFFFF0] =	vst v5  }
0x39c: {  	v5 =	vand.u32 $0xFFFF0000, v15;
	v6 =	vmul.f32 v6, v10;
	[tilespmem:s19+$0x60] =	vst v7  }
0x39d: {  	v5 =	vmul.f32 v5, v10;
	v7 =	vshll.u32 v16, $0x10;
	[tilespmem:s19+$0x70] =	vst v4  }
0x39e: {  	v4 =	vand.u32 $0xFFFF0000, v16;
	v7 =	vmul.f32 v7, v9;
	[tilespmem:s19+$0xE0] =	vst v6  }
0x39f: {  	v6 =	vshll.u32 v12, $0x10;
	v4 =	vmul.f32 v4, v9;
	[tilespmem:s19+$0xF0] =	vst v5  }
0x3a0: {  	v5 =	vmul.f32 v6, v11;
	v6 =	vshll.u32 v13, $0x10;
	[tilespmem:s19+$0x160] =	vst v7  }
0x3a1: {  	v7 =	vand.u32 $0xFFFF0000, v13;
	[tilespmem:s19+$0x170] =	vst v4;
	v6 =	vmul.f32 v6, v8  }
0x3a2: {  	v4 =	vmul.f32 v7, v8;
	[tilespmem:s19+$0x1E0] =	vst v5  }
0x3a3: {  	[tilespmem:s2+$0xFFFFFE60] =	vst v6  }
0x3a4: {  	s13 =	simm.s32 $0xF00;
	[tilespmem:s2+$0xFFFFFE70] =	vst v4;
	s2 =	simm.s32 @p1 $0x1  }
0x3a5: {  	[spmem:s4] =	stream.indirect.scatter.add.f32 [tilespmem:s17], [sflag:$0x4], $0x80, s13, s11, $0xb8;
	[tilespmem:$0x1FBD0] =	vst v63  }
0x3a6: {  	_ =	swait.ge @p1 [sflag:s2], $0x1400  }
0x3a7: {  	s7 =	simm.s32 @p1 $0x9740;
	[sflag:s2] =	ssyncset.done @p1 $0x0  }
0x3a8: {  	s5 =	simm.s32 @p1 $0xF50;
	[sflag:s2] =	ssyncadd.s32 @p1 $0xFFFFEC00;
	s2 =	simm.s32 @p1 $0x50  }
0x3a9: {  	[spmem:s3] =	stream.indirect.scatter.add.f32 @p1 [tilespmem:s7], [sflag:$0x5], $0x10, s5, s2, $0xb8;
	[tilespmem:$0x1FBD0] =	vst v63  }
0x3aa: {  	s19 =	simm.s32 $0x787;
	s2 =	simm.s32 @!p1 $0x5  }
0x3ab: {  	s20 =	simm.s32 $0x781;
	v4 =	vmov s19;
	_ =	swait.ge @!p1 [sflag:s2], $0x500  }
0x3ac: {  	v5 =	vmov s20;
	v4 =	vshrl.u32 v4, $0x3;
	[sflag:s2] =	ssyncset.done @!p1 $0x0  }
0x3ad: {  	v5 =	vshrl.u32 v5, $0x3;
	v4 =	vshll.u32 v4, v3;
	[sflag:s2] =	ssyncadd.s32 @!p1 $0xFFFFFB00;
	s2 =	simm.s32 @!p1 $0x1  }
0x3ae: {  	s22 =	simm.s32 $0x782;
	v5 =	vshll.u32 v5, v3;
	v4 =	vadd.s32 $0x7, v4;
	_ =	swait.ge @!p1 [sflag:s2], $0x1400  }
0x3af: {  	s23 =	simm.s32 $0x783;
	v6 =	vmov s22;
	v5 =	vadd.s32 $0x1, v5;
	v4 =	vbroadcast v4, $0x0;
	[sflag:s2] =	ssyncset.done @!p1 $0x0  }
0x3b0: {  	v7 =	vmov s23;
	v6 =	vshrl.u32 v6, $0x3;
	v5 =	vbroadcast v5, $0x0;
	[sflag:s2] =	ssyncadd.s32 @!p1 $0xFFFFEC00  }
0x3b1: {  	s26 =	simm.s32 $0x784;
	v7 =	vshrl.u32 v7, $0x3;
	v6 =	vshll.u32 v6, v3;
	_ =	swait.ge [sflag:s18], $0x2800  }
0x3b2: {  	v8 =	vmov s26;
	v7 =	vshll.u32 v7, v3;
	v6 =	vadd.s32 $0x2, v6;
	[sflag:s18] =	ssyncset.done $0x0  }
0x3b3: {  	v8 =	vshrl.u32 v8, $0x3;
	v7 =	vadd.s32 $0x3, v7;
	v6 =	vbroadcast v6, $0x0;
	s5 =	simm.s32 $0x2040;
	[sflag:s18] =	ssyncadd.s32 $0xFFFFD800  }
0x3b4: {  	s29 =	simm.s32 $0x786;
	v8 =	vshll.u32 v8, v3;
	v9 =	vbroadcast v7, $0x0;
	v10 =	vld [tilespmem:s5+$0xC0]  }
0x3b5: {  	s28 =	simm.s32 $0x785;
	v7 =	vadd.s32 $0x4, v8;
	v8 =	vmov s29;
	v11 =	vld.idx.msk [tilespmem:v4+s6+$0x0], $0xffff  }
0x3b6: {  	v8 =	vshrl.u32 v8, $0x3;
	v4 =	vbroadcast v7, $0x0;
	v7 =	vld.idx.msk [tilespmem:v5+s6+$0x0], $0xffff;
	v5 =	vmov s28  }
0x3b7: {  	v8 =	vshll.u32 v8, v3;
	v12 =	vld [tilespmem:s5+$0xFFFFFF40];
	v5 =	vshrl.u32 v5, $0x3  }
0x3b8: {  	v8 =	vadd.s32 $0x6, v8;
	v14 =	vld [tilespmem:s5+$0xFFFFFF80];
	v5 =	vshll.u32 v5, v3  }
0x3b9: {  	s30 =	simm.s32 $0x780;
	v8 =	vbroadcast v8, $0x0;
	v6 =	vld.idx.msk [tilespmem:v6+s6+$0x0], $0xffff;
	v13 =	vadd.s32 $0x5, v5;
	v15 =	vshll.u32 v10, $0x10  }
0x3ba: {  	v5 =	vld.idx.msk [tilespmem:v9+s6+$0x0], $0xffff;
	v9 =	vmov s30;
	v10 =	vand.u32 $0xFFFF0000, v10;
	v15 =	vmul.f32 v15, v11  }
0x3bb: {  	s19 =	simm.s32 $0x4940;
	v16 =	vld [tilespmem:s5+$0xFFFFFFC0];
	v13 =	vbroadcast v13, $0x0;
	v9 =	vshrl.u32 v9, $0x3;
	v10 =	vmul.f32 v10, v11  }
0x3bc: {  	v17 =	vshll.u32 v12, $0x10;
	v9 =	vshll.u32 v9, v3;
	v12 =	vand.u32 $0xFFFF0000, v12;
	v4 =	vld.idx.msk [tilespmem:v4+s6+$0x0], $0xffff;
	[tilespmem:s19+$0x180] =	vst v15  }
0x3bd: {  	v17 =	vmul.f32 v17, v7;
	v18 =	vbroadcast v9, $0x0;
	v9 =	vshll.u32 v14, $0x10;
	v15 =	vld [tilespmem:s5+$0x0];
	[tilespmem:s19+$0x190] =	vst v10  }
0x3be: {  	v14 =	vand.u32 $0xFFFF0000, v14;
	v9 =	vmul.f32 v9, v6;
	v10 =	vmul.f32 v12, v7;
	v12 =	vld [tilespmem:s5+$0xD0]  }
0x3bf: {  	v19 =	vld [tilespmem:s5+$0xFFFFFF00];
	v14 =	vmul.f32 v14, v6;
	[tilespmem:s19+$0xFFFFFE80] =	vst v17  }
0x3c0: {  	v21 =	vld [tilespmem:s5+$0x80];
	v20 =	vshll.u32 v16, $0x10;
	[tilespmem:s19+$0xFFFFFF00] =	vst v9  }
0x3c1: {  	v16 =	vand.u32 $0xFFFF0000, v16;
	v17 =	vld [tilespmem:s5+$0x40];
	v20 =	vmul.f32 v20, v5;
	[tilespmem:s19+$0xFFFFFF10] =	vst v14  }
0x3c2: {  	v16 =	vmul.f32 v16, v5;
	[tilespmem:s19+$0xFFFFFE90] =	vst v10;
	v10 =	vld.idx.msk [tilespmem:v13+s6+$0x0], $0xffff;
	v13 =	vshll.u32 v15, $0x10  }
0x3c3: {  	v9 =	vld.idx.msk [tilespmem:v8+s6+$0x0], $0xffff;
	[tilespmem:s19+$0xFFFFFF80] =	vst v20;
	v13 =	vmul.f32 v13, v4;
	v14 =	vshll.u32 v12, $0x10  }
0x3c4: {  	[tilespmem:s19+$0xFFFFFF90] =	vst v16;
	v16 =	vld [tilespmem:s5+$0xFFFFFF50];
	v12 =	vand.u32 $0xFFFF0000, v12;
	v14 =	vmul.f32 v14, v11  }
0x3c5: {  	v8 =	vld.idx.msk [tilespmem:v18+s6+$0x0], $0xffff;
	v15 =	vand.u32 $0xFFFF0000, v15;
	v12 =	vmul.f32 v12, v11;
	[tilespmem:s19+$0x0] =	vst v13  }
0x3c6: {  	v15 =	vmul.f32 v15, v4;
	v13 =	vshll.u32 v17, $0x10;
	[tilespmem:s19+$0x1A0] =	vst v14;
	v14 =	vand.u32 $0xFFFF0000, v17;
	v17 =	vld [tilespmem:s5+$0xFFFFFF90]  }
0x3c7: {  	v20 =	vand.u32 $0xFFFF0000, v21;
	v18 =	vshll.u32 v21, $0x10;
	v21 =	vld [tilespmem:s5+$0xFFFFFFD0];
	v13 =	vmul.f32 v13, v10;
	[tilespmem:s19+$0x1B0] =	vst v12  }
0x3c8: {  	v18 =	vmul.f32 v18, v9;
	[tilespmem:s19+$0x10] =	vst v15;
	v12 =	vshll.u32 v19, $0x10;
	v14 =	vmul.f32 v14, v10;
	v15 =	vld [tilespmem:s5+$0xE0]  }
0x3c9: {  	v19 =	vand.u32 $0xFFFF0000, v19;
	[tilespmem:s19+$0x80] =	vst v13;
	v13 =	vmul.f32 v20, v9;
	v20 =	vshll.u32 v16, $0x10  }
0x3ca: {  	[tilespmem:s19+$0x90] =	vst v14;
	v14 =	vmul.f32 v19, v8;
	v19 =	vmul.f32 v20, v7;
	v20 =	vld [tilespmem:s5+$0x10]  }
0x3cb: {  	[tilespmem:s19+$0x100] =	vst v18;
	v12 =	vmul.f32 v12, v8;
	v16 =	vand.u32 $0xFFFF0000, v16;
	v18 =	vshll.u32 v17, $0x10  }
0x3cc: {  	v16 =	vmul.f32 v16, v7;
	v22 =	vld [tilespmem:s5+$0x50];
	[tilespmem:s19+$0x110] =	vst v13;
	v17 =	vand.u32 $0xFFFF0000, v17;
	v23 =	vmul.f32 v18, v6  }
0x3cd: {  	[tilespmem:s19+$0xFFFFFE00] =	vst v12;
	v12 =	vld [tilespmem:s5+$0x90];
	v24 =	vmul.f32 v17, v6;
	v13 =	vshll.u32 v15, $0x10;
	v17 =	vshll.u32 v21, $0x10  }
0x3ce: {  	[tilespmem:s19+$0xFFFFFE10] =	vst v14;
	v15 =	vand.u32 $0xFFFF0000, v15;
	v18 =	vmul.f32 v13, v11;
	v13 =	vand.u32 $0xFFFF0000, v21  }
0x3cf: {  	[tilespmem:s19+$0xFFFFFEA0] =	vst v19;
	v25 =	vld [tilespmem:s5+$0xFFFFFF10];
	v14 =	vmul.f32 v17, v5;
	v15 =	vmul.f32 v15, v11;
	v17 =	vshll.u32 v20, $0x10  }
0x3d0: {  	v13 =	vmul.f32 v13, v5;
	v19 =	vand.u32 $0xFFFF0000, v20;
	[tilespmem:s19+$0x1C0] =	vst v18;
	v20 =	vmul.f32 v17, v4  }
0x3d1: {  	v18 =	vmul.f32 v19, v4;
	v17 =	vshll.u32 v22, $0x10;
	[tilespmem:s19+$0x1D0] =	vst v15;
	v15 =	vand.u32 $0xFFFF0000, v22  }
0x3d2: {  	[tilespmem:s19+$0xFFFFFEB0] =	vst v16;
	v19 =	vmul.f32 v17, v10;
	v16 =	vshll.u32 v12, $0x10;
	v22 =	vand.u32 $0xFFFF0000, v12;
	v12 =	vld [tilespmem:s5+$0xF0]  }
0x3d3: {  	v21 =	vld [tilespmem:s5+$0xFFFFFF60];
	[tilespmem:s19+$0xFFFFFF20] =	vst v23;
	v15 =	vmul.f32 v15, v10;
	v17 =	vmul.f32 v16, v9  }
0x3d4: {  	s13 =	simm.s32 $0x0;
	s2 =	simm.s32 $0x4940;
	[tilespmem:s19+$0xFFFFFF30] =	vst v24;
	v16 =	vmul.f32 v22, v9;
	v23 =	vshll.u32 v25, $0x10;
	v22 =	vand.u32 $0xFFFF0000, v25  }
.LBB2_23:
0x3d5: {  	s7 =	sadd.s32 $0x789, s13;
	v23 =	vmul.f32 v23, v8;
	v22 =	vmul.f32 v22, v8;
	v24 =	vld [tilespmem:s5+$0xFFFFFFA0];
	[tilespmem:s19+$0xFFFFFFA0] =	vst v14;
	s20 =	smov.u32 s13  }
0x3d6: {  	v14 =	vmov s7;
	s7 =	sadd.s32 $0x78A, s13;
	[tilespmem:s19+$0xFFFFFFB0] =	vst v13  }
0x3d7: {  	v13 =	vmov s7;
	v25 =	vld [tilespmem:s5+$0xFFFFFFE0];
	[tilespmem:s19+$0x20] =	vst v20;
	v20 =	vshll.u32 v12, $0x10;
	v12 =	vand.u32 $0xFFFF0000, v12  }
0x3d8: {  	s7 =	sadd.s32 $0x78B, s13;
	v26 =	vshll.u32 v21, $0x10;
	v21 =	vand.u32 $0xFFFF0000, v21;
	[tilespmem:s19+$0x30] =	vst v18;
	v18 =	vmul.f32 v12, v11  }
0x3d9: {  	v27 =	vmov s7;
	v26 =	vmul.f32 v26, v7;
	v21 =	vmul.f32 v21, v7;
	v28 =	vld [tilespmem:s5+$0x20];
	[tilespmem:s19+$0xA0] =	vst v19  }
0x3da: {  	s7 =	sadd.s32 $0x78C, s13;
	v12 =	vmul.f32 v20, v11;
	v19 =	vshll.u32 v24, $0x10;
	v24 =	vand.u32 $0xFFFF0000, v24;
	[tilespmem:s19+$0x1F0] =	vst v18  }
0x3db: {  	v11 =	vmov s7;
	v18 =	vmul.f32 v19, v6;
	v19 =	vmul.f32 v24, v6;
	[tilespmem:s19+$0xB0] =	vst v15  }
0x3dc: {  	v14 =	vshrl.u32 v14, $0x3;
	v15 =	vshll.u32 v25, $0x10;
	v20 =	vand.u32 $0xFFFF0000, v25;
	v24 =	vld [tilespmem:s5+$0x60];
	[tilespmem:s19+$0x120] =	vst v17  }
0x3dd: {  	v13 =	vshrl.u32 v13, $0x3;
	v15 =	vmul.f32 v15, v5;
	v17 =	vmul.f32 v20, v5;
	[tilespmem:s19+$0x130] =	vst v16  }
0x3de: {  	v16 =	vshrl.u32 v27, $0x3;
	[tilespmem:s19+$0xFFFFFE20] =	vst v23;
	v20 =	vshll.u32 v28, $0x10;
	v23 =	vand.u32 $0xFFFF0000, v28;
	v25 =	vld [tilespmem:s5+$0xA0]  }
0x3df: {  	v11 =	vshrl.u32 v11, $0x3;
	[tilespmem:s19+$0xFFFFFE30] =	vst v22;
	v20 =	vmul.f32 v20, v4;
	v22 =	vmul.f32 v23, v4  }
0x3e0: {  	v14 =	vshll.u32 v14, v3;
	v13 =	vshll.u32 v13, v3;
	v16 =	vshll.u32 v16, v3;
	v23 =	vld [tilespmem:s5+$0xFFFFFF20];
	[tilespmem:s19+$0xFFFFFEC0] =	vst v26  }
0x3e1: {  	v11 =	vshll.u32 v11, v3;
	[tilespmem:s19+$0xFFFFFED0] =	vst v21;
	v21 =	vshll.u32 v24, $0x10;
	v24 =	vand.u32 $0xFFFF0000, v24  }
0x3e2: {  	v14 =	vadd.s32 $0x1, v14;
	v26 =	vld [tilespmem:s5+$0xFFFFFF70];
	[tilespmem:s19+$0xFFFFFF40] =	vst v18;
	v18 =	vmul.f32 v21, v10;
	v21 =	vmul.f32 v24, v10  }
0x3e3: {  	v14 =	vbroadcast v14, $0x0;
	[tilespmem:s19+$0xFFFFFF50] =	vst v19;
	v19 =	vshll.u32 v25, $0x10;
	v24 =	vand.u32 $0xFFFF0000, v25  }
0x3e4: {  	v13 =	vadd.s32 $0x2, v13;
	v25 =	vld [tilespmem:s5+$0xFFFFFFB0];
	[tilespmem:s19+$0xFFFFFFC0] =	vst v15;
	v15 =	vmul.f32 v19, v9;
	v19 =	vmul.f32 v24, v9  }
0x3e5: {  	v13 =	vbroadcast v13, $0x0;
	v24 =	vshll.u32 v23, $0x10;
	v23 =	vand.u32 $0xFFFF0000, v23;
	[tilespmem:s19+$0xFFFFFFD0] =	vst v17  }
0x3e6: {  	v16 =	vadd.s32 $0x3, v16;
	v17 =	vmul.f32 v24, v8;
	v23 =	vmul.f32 v23, v8;
	v24 =	vld [tilespmem:s5+$0xFFFFFFF0];
	[tilespmem:s19+$0x40] =	vst v20  }
0x3e7: {  	v16 =	vbroadcast v16, $0x0;
	v20 =	vshll.u32 v26, $0x10;
	v26 =	vand.u32 $0xFFFF0000, v26;
	[tilespmem:s19+$0x50] =	vst v22  }
0x3e8: {  	v11 =	vadd.s32 $0x4, v11;
	v20 =	vmul.f32 v20, v7;
	v22 =	vmul.f32 v26, v7;
	v7 =	vld [tilespmem:s5+$0x30];
	[tilespmem:s19+$0xC0] =	vst v18  }
0x3e9: {  	s7 =	sadd.s32 $0x78F, s13;
	v11 =	vbroadcast v11, $0x0;
	v18 =	vshll.u32 v25, $0x10;
	v25 =	vand.u32 $0xFFFF0000, v25;
	[tilespmem:s19+$0xD0] =	vst v21  }
0x3ea: {  	v21 =	vmov s7;
	v18 =	vmul.f32 v18, v6;
	v25 =	vmul.f32 v25, v6;
	v6 =	vld [tilespmem:s5+$0x70];
	[tilespmem:s19+$0x140] =	vst v15  }
0x3eb: {  	v15 =	vshrl.u32 v21, $0x3;
	v21 =	vshll.u32 v24, $0x10;
	v24 =	vand.u32 $0xFFFF0000, v24;
	[tilespmem:s19+$0x150] =	vst v19  }
0x3ec: {  	s13 =	sadd.s32 $0x8, s13;
	v15 =	vshll.u32 v15, v3;
	[tilespmem:s19+$0xFFFFFE40] =	vst v17;
	v17 =	vmul.f32 v21, v5;
	v19 =	vmul.f32 v24, v5;
	v21 =	vld [tilespmem:s5+$0xB0]  }
0x3ed: {  	p2 =	slt.u32 s13, $0x48;
	v5 =	vadd.s32 $0x7, v15;
	[tilespmem:s19+$0xFFFFFE50] =	vst v23;
	v15 =	vshll.u32 v7, $0x10;
	v23 =	vand.u32 $0xFFFF0000, v7  }
0x3ee: {  	v24 =	vbroadcast v5, $0x0;
	v26 =	vld [tilespmem:s5+$0xFFFFFF30];
	[tilespmem:s19+$0xFFFFFEE0] =	vst v20;
	v15 =	vmul.f32 v15, v4  }
0x3ef: {  	s7 =	sadd.s32 $0x78D, s20;
	v7 =	vld.idx.msk [tilespmem:v14+s6+$0x0], $0xffff;
	[tilespmem:s19+$0xFFFFFEF0] =	vst v22;
	v14 =	vmul.f32 v23, v4;
	v4 =	vshll.u32 v6, $0x10;
	v5 =	vand.u32 $0xFFFF0000, v6  }
0x3f0: {  	v6 =	vld.idx.msk [tilespmem:v13+s6+$0x0], $0xffff;
	v13 =	vmov s7;
	s7 =	sadd.s32 $0x78E, s20;
	[tilespmem:s19+$0xFFFFFF60] =	vst v18;
	v18 =	vmul.f32 v4, v10;
	v10 =	vmul.f32 v5, v10  }
0x3f1: {  	v5 =	vld.idx.msk [tilespmem:v16+s6+$0x0], $0xffff;
	v16 =	vmov s7;
	[tilespmem:s19+$0xFFFFFF70] =	vst v25;
	v20 =	vshll.u32 v21, $0x10;
	v21 =	vand.u32 $0xFFFF0000, v21  }
0x3f2: {  	s5 =	sadd.s32 $0x200, s5;
	v4 =	vld.idx.msk [tilespmem:v11+s6+$0x0], $0xffff;
	v11 =	vshrl.u32 v13, $0x3;
	[tilespmem:s19+$0xFFFFFFE0] =	vst v17;
	v13 =	vmul.f32 v20, v9;
	v9 =	vmul.f32 v21, v9  }
0x3f3: {  	v17 =	vshll.u32 v11, v3;
	v20 =	vld [tilespmem:s5+$0xC0];
	v21 =	vshll.u32 v26, $0x10;
	v22 =	vand.u32 $0xFFFF0000, v26;
	[tilespmem:s19+$0xFFFFFFF0] =	vst v19  }
0x3f4: {  	v16 =	vshrl.u32 v16, $0x3;
	v11 =	vld.idx.msk [tilespmem:v24+s6+$0x0], $0xffff;
	v19 =	vmul.f32 v21, v8;
	v8 =	vmul.f32 v22, v8;
	[tilespmem:s19+$0x60] =	vst v15  }
0x3f5: {  	s7 =	sadd.s32 $0x788, s20;
	v16 =	vshll.u32 v16, v3;
	v17 =	vadd.s32 $0x5, v17;
	v15 =	vld [tilespmem:s5+$0xFFFFFF00];
	[tilespmem:s19+$0x70] =	vst v14  }
0x3f6: {  	v16 =	vadd.s32 $0x6, v16;
	v14 =	vmov s7;
	v17 =	vbroadcast v17, $0x0;
	v21 =	vld [tilespmem:s5+$0xFFFFFF40];
	[tilespmem:s19+$0xE0] =	vst v18  }
0x3f7: {  	v16 =	vbroadcast v16, $0x0;
	v14 =	vshrl.u32 v14, $0x3;
	v18 =	vld [tilespmem:s5+$0xFFFFFF80];
	[tilespmem:s19+$0xF0] =	vst v10  }
0x3f8: {  	v10 =	vshll.u32 v14, v3;
	v14 =	vld [tilespmem:s5+$0xFFFFFFC0];
	[tilespmem:s19+$0x160] =	vst v13  }
0x3f9: {  	v13 =	vbroadcast v10, $0x0;
	v10 =	vshll.u32 v20, $0x10;
	v22 =	vld [tilespmem:s5+$0x0];
	[tilespmem:s19+$0x170] =	vst v9  }
0x3fa: {  	v9 =	vand.u32 $0xFFFF0000, v20;
	v20 =	vmul.f32 v10, v11;
	v23 =	vshll.u32 v15, $0x10;
	v24 =	vld [tilespmem:s5+$0x40];
	[tilespmem:s19+$0x1E0] =	vst v12  }
0x3fb: {  	v12 =	vand.u32 $0xFFFF0000, v15;
	v26 =	vmul.f32 v9, v11;
	s19 =	sadd.s32 $0x400, s19;
	v15 =	vshll.u32 v21, $0x10;
	v25 =	vld [tilespmem:s5+$0x80];
	[tilespmem:s2+$0xFFFFFE60] =	vst v19  }
0x3fc: {  	v19 =	vand.u32 $0xFFFF0000, v21;
	v21 =	vshll.u32 v18, $0x10;
	v18 =	vand.u32 $0xFFFF0000, v18;
	v10 =	vld.idx.msk [tilespmem:v17+s6+$0x0], $0xffff;
	[tilespmem:s19+$0x180] =	vst v20  }
0x3fd: {  	v15 =	vmul.f32 v15, v7;
	v17 =	vshll.u32 v14, $0x10;
	v14 =	vand.u32 $0xFFFF0000, v14;
	v9 =	vld.idx.msk [tilespmem:v16+s6+$0x0], $0xffff;
	[tilespmem:s19+$0x190] =	vst v26  }
0x3fe: {  	v16 =	vmul.f32 v19, v7;
	v19 =	vshll.u32 v22, $0x10;
	v20 =	vand.u32 $0xFFFF0000, v22;
	v22 =	vld [tilespmem:s5+$0xD0];
	[tilespmem:s2+$0xFFFFFE70] =	vst v8;
	s2 =	smov.u32 s19  }
0x3ff: {  	[tilespmem:s19+$0xFFFFFE80] =	vst v15;
	v15 =	vmul.f32 v21, v6;
	v21 =	vshll.u32 v24, $0x10;
	v24 =	vand.u32 $0xFFFF0000, v24  }
0x400: {  	v8 =	vld.idx.msk [tilespmem:v13+s6+$0x0], $0xffff;
	[tilespmem:s19+$0xFFFFFE90] =	vst v16;
	v13 =	vmul.f32 v18, v6;
	v16 =	vshll.u32 v25, $0x10;
	v18 =	vand.u32 $0xFFFF0000, v25  }
0x401: {  	v14 =	vmul.f32 v14, v5;
	v25 =	vld [tilespmem:s5+$0xFFFFFF50];
	[tilespmem:s19+$0xFFFFFF00] =	vst v15;
	v15 =	vmul.f32 v17, v5  }
0x402: {  	v17 =	vmul.f32 v20, v4;
	[tilespmem:s19+$0xFFFFFF10] =	vst v13;
	v13 =	vmul.f32 v19, v4  }
0x403: {  	v20 =	vmul.f32 v24, v10;
	v19 =	vld [tilespmem:s5+$0xFFFFFF90];
	[tilespmem:s19+$0xFFFFFF80] =	vst v15;
	v15 =	vmul.f32 v21, v10;
	v21 =	vshll.u32 v22, $0x10  }
0x404: {  	v16 =	vmul.f32 v16, v9;
	[tilespmem:s19+$0xFFFFFF90] =	vst v14;
	v14 =	vand.u32 $0xFFFF0000, v22;
	v21 =	vmul.f32 v21, v11  }
0x405: {  	v18 =	vmul.f32 v18, v9;
	v22 =	vld [tilespmem:s5+$0xFFFFFFD0];
	[tilespmem:s19+$0x0] =	vst v13;
	v13 =	vmul.f32 v14, v11  }
0x406: {  	v23 =	vmul.f32 v23, v8;
	v12 =	vmul.f32 v12, v8;
	v14 =	vshll.u32 v25, $0x10;
	[tilespmem:s19+$0x1A0] =	vst v21  }
0x407: {  	v21 =	vand.u32 $0xFFFF0000, v25;
	v24 =	vmul.f32 v14, v7;
	[tilespmem:s19+$0x1B0] =	vst v13  }
0x408: {  	v21 =	vmul.f32 v21, v7;
	v13 =	vshll.u32 v19, $0x10;
	v14 =	vand.u32 $0xFFFF0000, v19;
	[tilespmem:s19+$0x10] =	vst v17;
	v17 =	vld [tilespmem:s5+$0xE0]  }
0x409: {  	v25 =	vmul.f32 v13, v6;
	v26 =	vmul.f32 v14, v6;
	v19 =	vld [tilespmem:s5+$0x10];
	[tilespmem:s19+$0x80] =	vst v15  }
0x40a: {  	v13 =	vshll.u32 v22, $0x10;
	v15 =	vand.u32 $0xFFFF0000, v22;
	[tilespmem:s19+$0x90] =	vst v20  }
0x40b: {  	v14 =	vmul.f32 v13, v5;
	v13 =	vmul.f32 v15, v5;
	v15 =	vld [tilespmem:s5+$0x50];
	[tilespmem:s19+$0x100] =	vst v16  }
0x40c: {  	[tilespmem:s19+$0x110] =	vst v18  }
0x40d: {  	[tilespmem:s19+$0xFFFFFE00] =	vst v23;
	v16 =	vld [tilespmem:s5+$0x90];
	v18 =	vshll.u32 v17, $0x10  }
0x40e: {  	v17 =	vand.u32 $0xFFFF0000, v17;
	[tilespmem:s19+$0xFFFFFE10] =	vst v12;
	v12 =	vshll.u32 v19, $0x10;
	v22 =	vmul.f32 v18, v11  }
0x40f: {  	v18 =	vand.u32 $0xFFFF0000, v19;
	v27 =	vld [tilespmem:s5+$0xFFFFFF10];
	[tilespmem:s19+$0xFFFFFEA0] =	vst v24;
	v20 =	vmul.f32 v12, v4;
	v12 =	vmul.f32 v17, v11  }
.Ltmp10:
0x410: {  	v18 =	vmul.f32 v18, v4;
	v17 =	vshll.u32 v15, $0x10;
	v15 =	vand.u32 $0xFFFF0000, v15;
	[tilespmem:s19+$0x1C0] =	vst v22;
	(pc) =	sbr.rel @p2 .LBB2_23-.Ltmp10, $4  }
0x411: {  	v19 =	vmul.f32 v17, v10;
	v15 =	vmul.f32 v15, v10;
	[tilespmem:s19+$0x1D0] =	vst v12  }
0x412: {  	[tilespmem:s19+$0xFFFFFEB0] =	vst v21;
	v17 =	vshll.u32 v16, $0x10;
	v16 =	vand.u32 $0xFFFF0000, v16;
	v12 =	vld [tilespmem:s5+$0xF0]  }
0x413: {  	v21 =	vld [tilespmem:s5+$0xFFFFFF60];
	[tilespmem:s19+$0xFFFFFF20] =	vst v25;
	v17 =	vmul.f32 v17, v9;
	v16 =	vmul.f32 v16, v9  }
0x414: {  	v23 =	vshll.u32 v27, $0x10;
	v22 =	vand.u32 $0xFFFF0000, v27;
	[tilespmem:s19+$0xFFFFFF30] =	vst v26  }
0x415: {  	[tilespmem:s19+$0xFFFFFFA0] =	vst v14  }
0x416: {  	[tilespmem:s19+$0xFFFFFFB0] =	vst v13  }
0x417: {  	[tilespmem:s19+$0x20] =	vst v20  }
0x418: {  	[tilespmem:s19+$0x30] =	vst v18  }
0x419: {  	[tilespmem:s19+$0xA0] =	vst v19  }
0x41a: {  	v61 =	vld [tilespmem:s5+$0xFFFFFFA0];
	[tilespmem:s19+$0xB0] =	vst v15  }
0x41b: {  	v62 =	vmul.f32 v23, v8;
	[tilespmem:s19+$0x120] =	vst v17  }
0x41c: {  	v22 =	vmul.f32 v22, v8;
	[tilespmem:s19+$0x130] =	vst v16;
	v63 =	vld [tilespmem:s5+$0xFFFFFFE0];
	v60 =	vand.u32 $0xFFFF0000, v12  }
0x41d: {  	[tilespmem:s19+$0xFFFFFE20] =	vst v62;
	v13 =	vmul.f32 v60, v11;
	v23 =	vshll.u32 v21, $0x10  }
0x41e: {  	v28 =	vld [tilespmem:s5+$0x60];
	[tilespmem:s19+$0xFFFFFE30] =	vst v22;
	v24 =	vand.u32 $0xFFFF0000, v21;
	v18 =	vmul.f32 v23, v7  }
0x41f: {  	v25 =	vld [tilespmem:s5+$0x20];
	v26 =	vmul.f32 v24, v7;
	[tilespmem:s19+$0x1F0] =	vst v13;
	v27 =	vshll.u32 v61, $0x10  }
0x420: {  	v14 =	vand.u32 $0xFFFF0000, v61;
	v16 =	vmul.f32 v27, v6;
	[tilespmem:s19+$0xFFFFFEC0] =	vst v18  }
0x421: {  	v14 =	vmul.f32 v14, v6;
	v29 =	vshll.u32 v63, $0x10;
	[tilespmem:s19+$0xFFFFFED0] =	vst v26  }
0x422: {  	v35 =	vld [tilespmem:s5+$0xFFFFFF20];
	v30 =	vand.u32 $0xFFFF0000, v63;
	v31 =	vmul.f32 v29, v5;
	[tilespmem:s19+$0xFFFFFF40] =	vst v16  }
0x423: {  	v32 =	vld [tilespmem:s5+$0xA0];
	v36 =	vshll.u32 v28, $0x10;
	v13 =	vmul.f32 v30, v5;
	[tilespmem:s19+$0xFFFFFF50] =	vst v14  }
0x424: {  	v33 =	vshll.u32 v25, $0x10;
	v15 =	vmul.f32 v36, v10;
	[tilespmem:s19+$0xFFFFFFC0] =	vst v31  }
0x425: {  	v34 =	vand.u32 $0xFFFF0000, v25;
	v16 =	vmul.f32 v33, v4;
	[tilespmem:s19+$0xFFFFFFD0] =	vst v13  }
0x426: {  	v37 =	vand.u32 $0xFFFF0000, v28;
	v38 =	vld [tilespmem:s5+$0xFFFFFF70];
	v14 =	vmul.f32 v34, v4;
	[tilespmem:s19+$0xC0] =	vst v15  }
0x427: {  	v42 =	vshll.u32 v35, $0x10;
	v13 =	vmul.f32 v37, v10;
	[tilespmem:s19+$0x40] =	vst v16  }
0x428: {  	v39 =	vshll.u32 v32, $0x10;
	v41 =	vld [tilespmem:s5+$0xFFFFFFB0];
	v15 =	vmul.f32 v42, v8;
	[tilespmem:s19+$0x50] =	vst v14  }
0x429: {  	v40 =	vand.u32 $0xFFFF0000, v32;
	v16 =	vmul.f32 v39, v9;
	[tilespmem:s19+$0xD0] =	vst v13  }
0x42a: {  	v43 =	vand.u32 $0xFFFF0000, v35;
	v14 =	vmul.f32 v40, v9;
	v44 =	vld [tilespmem:s5+$0xFFFFFFF0];
	[tilespmem:s19+$0xFFFFFE40] =	vst v15  }
0x42b: {  	v13 =	vmul.f32 v43, v8;
	[tilespmem:s19+$0x140] =	vst v16;
	v45 =	vshll.u32 v38, $0x10  }
0x42c: {  	v47 =	vld [tilespmem:s5+$0x30];
	[tilespmem:s19+$0x150] =	vst v14;
	v46 =	vand.u32 $0xFFFF0000, v38;
	v16 =	vmul.f32 v45, v7  }
0x42d: {  	v48 =	vmul.f32 v46, v7;
	[tilespmem:s19+$0xFFFFFE50] =	vst v13;
	v49 =	vshll.u32 v41, $0x10  }
0x42e: {  	v51 =	vld [tilespmem:s5+$0x70];
	v50 =	vand.u32 $0xFFFF0000, v41;
	v14 =	vmul.f32 v49, v6;
	[tilespmem:s19+$0xFFFFFEE0] =	vst v16  }
0x42f: {  	v52 =	vmul.f32 v50, v6;
	v53 =	vshll.u32 v44, $0x10;
	[tilespmem:s19+$0xFFFFFEF0] =	vst v48  }
0x430: {  	v55 =	vld [tilespmem:s5+$0xB0];
	v54 =	vand.u32 $0xFFFF0000, v44;
	v13 =	vmul.f32 v53, v5;
	[tilespmem:s19+$0xFFFFFF60] =	vst v14  }
0x431: {  	v5 =	vmul.f32 v54, v5;
	v56 =	vshll.u32 v47, $0x10;
	[tilespmem:s19+$0xFFFFFF70] =	vst v52  }
0x432: {  	v58 =	vld [tilespmem:s5+$0xFFFFFF30];
	v57 =	vand.u32 $0xFFFF0000, v47;
	v7 =	vmul.f32 v56, v4;
	[tilespmem:s19+$0xFFFFFFE0] =	vst v13  }
0x433: {  	v4 =	vmul.f32 v57, v4;
	v59 =	vshll.u32 v51, $0x10;
	[tilespmem:s19+$0xFFFFFFF0] =	vst v5  }
0x434: {  	v5 =	vand.u32 $0xFFFF0000, v51;
	v6 =	vmul.f32 v59, v10;
	[tilespmem:s19+$0x60] =	vst v7  }
0x435: {  	v60 =	vshll.u32 v55, $0x10;
	v5 =	vmul.f32 v5, v10;
	[tilespmem:s19+$0x70] =	vst v4  }
0x436: {  	v4 =	vand.u32 $0xFFFF0000, v55;
	v7 =	vmul.f32 v60, v9;
	[tilespmem:s19+$0xE0] =	vst v6  }
0x437: {  	v62 =	vshll.u32 v58, $0x10;
	v4 =	vmul.f32 v4, v9;
	[tilespmem:s19+$0xF0] =	vst v5  }
0x438: {  	v61 =	vshll.u32 v12, $0x10;
	v6 =	vmul.f32 v62, v8;
	[tilespmem:s19+$0x160] =	vst v7  }
0x439: {  	v63 =	vand.u32 $0xFFFF0000, v58;
	v5 =	vmul.f32 v61, v11;
	[tilespmem:s19+$0x170] =	vst v4  }
0x43a: {  	v4 =	vmul.f32 v63, v8;
	[tilespmem:s2+$0xFFFFFE60] =	vst v6  }
0x43b: {  	[tilespmem:s19+$0x1E0] =	vst v5  }
0x43c: {  	s30 =	simm.s32 $0xF50;
	[tilespmem:s2+$0xFFFFFE70] =	vst v4  }
0x43d: {  	[spmem:s4] =	stream.indirect.scatter.add.f32 [tilespmem:s0], [sflag:$0x6], $0x80, s30, s11, $0xb8;
	[tilespmem:$0x1FBD0] =	vst v63  }
0x43e: {  	_ =	swait.ge [sflag:s31], $0x2800  }
0x43f: {  	[sflag:s31] =	ssyncset.done $0x0  }
0x440: {  	s25 =	sadd.s32 $0x1, s25;
	s2 =	simm.s32 @!p0 $0x5;
	[sflag:s31] =	ssyncadd.s32 $0xFFFFD800  }
0x441: {  	p2 =	sne.s32 s25, $0x5;
	_ =	swait.ge @!p0 [sflag:s2], $0x500  }
.Ltmp11:
0x442: {  	[sflag:s2] =	ssyncset.done @!p0 $0x0;
	(pc) =	sbr.rel @p2 .LBB2_8-.Ltmp11, $4  }
0x443: {  	[sflag:s2] =	ssyncadd.s32 @!p0 $0xFFFFFB00  }
0x444: {  	_ =	swait.ge [sflag:s21], $0x2800  }
0x445: {  	[sflag:s21] =	ssyncset.done $0x0  }
0x446: {  	[sflag:s21] =	ssyncadd.s32 $0xFFFFD800  }
0x447: {  	s2 =	stileid.u32;
	[bflag:$0x0] =	sbarrier.arrive $0xFFFF  }
0x448: {  	s2 =	sshll.u32 s2, $0x6;
	s8 =	rddreg [dreg:$0x13]  }
0x449: {  	s7 =	rddreg [dreg:$0xe];
	s2 =	sor.u32 $0x1C06, s2;
	s5 =	sshrl.u32 s8, $0x3  }
0x44a: {  	[hbm:s7], [sflag:s2] =	dma.local [spmem:s5], $0x2710  }
0x44b: {  	_ =	swait.ge [sflag:s31], $0x2710  }
0x44c: {  	[sflag:s31] =	ssyncset.done $0x0;
	s9 =	rddreg [dreg:$0x1c]  }
0x44d: {  	s28 =	rddreg [dreg:$0xf];
	[sflag:s31] =	ssyncadd.s32 $0xFFFFD8F0;
	s26 =	sshrl.u32 s9, $0x3  }
0x44e: {  	[hbm:s28], [sflag:s2] =	dma.local [spmem:s26], $0x4E2  }
0x44f: {  	_ =	swait.ge [sflag:s31], $0x4E2  }
0x450: {  	s29 =	rddreg [dreg:$0x6]  }
0x451: {  	s30 =	rddreg [dreg:$0x1b];
	s7 =	sadd.s32 $0x1, s29  }
0x452: {  	p2 =	sne.s32 s7, s30  }
.Ltmp12:
0x453: {  	_ = 	snop;
	(pc) =	sbr.rel @p2 .LBB2_1-.Ltmp12, $3  }
0x454: {  	_ =	sdelay $0x1  }
0x455: {  	[sflag:s31] =	ssyncset.done $0x0  }
0x456: {  	[sflag:s31] =	ssyncadd.s32 $0xFFFFFB1E  }
0x457: {  	_ =	sfence.sel $0x180000  }
0x458: {  	[bflag:$0x0] =	sbarrier.arrive $0xFFFF  }
0x459: {  	_ =	strace $0x90000047  }
0x45a: {  	s0 =	stileid.u32;
	[bflag:$0x2] =	sbarrier.arrive $0xFFFF  }
0x45b: {  	p0 =	sne.s32 s0, $0x0;
	s0 =	rddreg [dreg:$0x5]  }
0x45c: {  	s0 =	sadd.s32 @!p0 $0x100000, s0  }
0x45d: {  	[sflag:s0] =	ssyncadd.tile.s32 @!p0 $0x1;
	_ =	shalt  }
.Lfunc_end2:
_tile_overlayer_lowered:
.L_overlay_start_2:
0x45e: {  	(tag) =	ssettag $0x2  }
0x45f: {  	s0 =	rddreg [dreg:$0x0];
	s2 =	stileid.u32  }
0x460: {  	s1 =	rddreg [dreg:$0x1];
	p0 =	sne.s32 s2, $0x0  }
0x461: {  	s3 =	rddreg [dreg:$0x2];
	[bflag:$0x3] =	sbarrier.arrive $0xFFFF;
	s2 =	simm.s32 @!p0 $0x1C06  }
0x462: {  	[timem:s3], [sflag:s2] =	dma.local @!p0 [hbm:s0], s1  }
0x463: {  	s0 =	simm.s32 @!p0 $0x6  }
0x464: {  	_ =	swait.ge @!p0 [sflag:s0], s1  }
0x465: {  	s1 =	ssub.s32 @!p0 $0x0, s1;
	[sflag:s0] =	ssyncset.done @!p0 $0x0  }
0x466: {  	[sflag:s0] =	ssyncadd.s32 @!p0 s1  }
0x467: {  	[bflag:$0x3] =	sbarrier.arrive $0xFFFF  }
0x468: {  	_ =	shalt  }

</sc_bundles>
